<compile_context>
chip_gen: v7x
topology: tpu7x:2x2x1
jax: 0.10.2.dev20260603
libtpu: 0.0.44.dev20260713+nightly
codegen_flags: <defaults>
</compile_context>

<pallas_src>
import functools

import jax
import jax.numpy as jnp
from jax import lax
from jax.experimental import pallas as pl
from jax.experimental.pallas import tpu as pltpu
from jax.experimental.pallas import tpu_sc as plsc

N = 10000
E = 320000
D = 128
HH = 64
EDGE_DIM = 125
EMB = 124

NC, NS = 2, 16
NW = NC * NS
CH = 128
NCHUNK = E // CH
CPW = 80
PCH = NW * CPW
GRP = 2
NGRP = CPW // GRP
SGRP = 1
NGRP_S = CPW // SGRP
ROWS_PER_SUB = N // NS

EB = 2000
NB = 1000
ACC_W = 80




def _node_mm_body(x_ref, w_ref, xl_ref, xr_ref):
    o = jnp.dot(x_ref[...], w_ref[...], preferred_element_type=jnp.float32)
    xl_ref[...] = o[:, :HH]
    xr_ref[...] = o[:, HH:]


def _node_mm(x, w_node):
    return pl.pallas_call(
        _node_mm_body,
        grid=(N // NB,),
        in_specs=[
            pl.BlockSpec((NB, D), lambda i: (i, 0)),
            pl.BlockSpec((D, 2 * HH), lambda i: (0, 0)),
        ],
        out_specs=[pl.BlockSpec((NB, HH), lambda i: (i, 0))] * 2,
        out_shape=[jax.ShapeDtypeStruct((N, HH), jnp.float32)] * 2,
    )(x, w_node)


def _edge1_body(ea_ref, gs_ref, wcomb_ref, attm_ref, p32m_ref,
                p32_ref, qc_ref):
    mm = jnp.dot(ea_ref[...], wcomb_ref[...],
                 preferred_element_type=jnp.float32)
    m = gs_ref[...] + mm[:, :HH]
    m = jnp.where(m >= 0, m, 0.2 * m)
    p = jnp.exp(jnp.dot(m, attm_ref[...],
                        preferred_element_type=jnp.float32))
    p32_ref[...] = jnp.dot(p, p32m_ref[...],
                           preferred_element_type=jnp.float32)
    qc_ref[...] = mm[:, HH:]


def _edge1(edge_attr, gs, wcomb, attm, p32m):
    return pl.pallas_call(
        _edge1_body,
        grid=(E // EB,),
        in_specs=[
            pl.BlockSpec((EB, EDGE_DIM), lambda i: (i, 0)),
            pl.BlockSpec((EB, HH), lambda i: (i, 0)),
            pl.BlockSpec((EDGE_DIM, 2 * HH), lambda i: (0, 0)),
            pl.BlockSpec((HH, 2), lambda i: (0, 0)),
            pl.BlockSpec((2, 32), lambda i: (0, 0)),
        ],
        out_specs=[
            pl.BlockSpec((EB, 32), lambda i: (i, 0)),
            pl.BlockSpec((EB, HH), lambda i: (i, 0)),
        ],
        out_shape=[
            jax.ShapeDtypeStruct((E, 32), jnp.float32),
            jax.ShapeDtypeStruct((E, HH), jnp.float32),
        ],
    )(edge_attr, gs, wcomb, attm, p32m)


def _node2_body(a0_ref, a1_ref, bias_ref, w1ab_ref, g1_ref, g2_ref):
    s = a0_ref[...] + a1_ref[...]
    v = s[:, :HH]
    d0 = s[:, HH:HH + 1] + 1e-16
    d1 = s[:, HH + 1:HH + 2] + 1e-16
    h = jnp.concatenate([v[:, :32] / d0, v[:, 32:] / d1], axis=1)
    h = jnp.maximum(h + bias_ref[...], 0.0)
    o = jnp.dot(h, w1ab_ref[...], preferred_element_type=jnp.float32)
    g1_ref[...] = o[:, :HH]
    g2_ref[...] = o[:, HH:]


def _node2(acc0, acc1, bias_row, w1ab):
    return pl.pallas_call(
        _node2_body,
        grid=(N // NB,),
        in_specs=[
            pl.BlockSpec((NB, ACC_W), lambda i: (i, 0)),
            pl.BlockSpec((NB, ACC_W), lambda i: (i, 0)),
            pl.BlockSpec((1, HH), lambda i: (0, 0)),
            pl.BlockSpec((HH, 2 * HH), lambda i: (0, 0)),
        ],
        out_specs=[pl.BlockSpec((NB, HH), lambda i: (i, 0))] * 2,
        out_shape=[jax.ShapeDtypeStruct((N, HH), jnp.float32)] * 2,
    )(acc0, acc1, bias_row, w1ab)


def _edge2_body(gs_ref, qc_ref, b1_ref, w2_ref, b2_ref,
                wnum_ref, wden_ref, out_ref):
    hcls = jnp.maximum(gs_ref[...] + qc_ref[...] + b1_ref[...], 0.0)
    lg = jnp.dot(hcls, w2_ref[...],
                 preferred_element_type=jnp.float32) + b2_ref[...]
    e = jnp.exp(lg)
    num = jnp.dot(e, wnum_ref[...], preferred_element_type=jnp.float32)
    den = jnp.dot(e, wden_ref[...], preferred_element_type=jnp.float32)
    out_ref[...] = num / den


def _edge2(gs2, qc, b1_row, w2, b2_row, wnum, wden):
    return pl.pallas_call(
        _edge2_body,
        grid=(E // EB,),
        in_specs=[
            pl.BlockSpec((EB, HH), lambda i: (i, 0)),
            pl.BlockSpec((EB, HH), lambda i: (i, 0)),
            pl.BlockSpec((1, HH), lambda i: (0, 0)),
            pl.BlockSpec((HH, 3), lambda i: (0, 0)),
            pl.BlockSpec((1, 3), lambda i: (0, 0)),
            pl.BlockSpec((3, 1), lambda i: (0, 0)),
            pl.BlockSpec((3, 1), lambda i: (0, 0)),
        ],
        out_specs=pl.BlockSpec((EB, 1), lambda i: (i, 0)),
        out_shape=jax.ShapeDtypeStruct((E, 1), jnp.float32),
    )(gs2, qc, b1_row, w2, b2_row, wnum, wden)



def _sc_gather_sum_body(tab_a, idx_a, tab_b, idx_b, out, ia, ib, ra, rb,
                        sg, sw0, sw1):
    w = lax.axis_index("s") * NC + lax.axis_index("c")
    base = w * CPW
    pltpu.sync_copy(idx_a.at[pl.ds(base, CPW)], ia)
    pltpu.sync_copy(idx_b.at[pl.ds(base, CPW)], ib)
    sws = (sw0, sw1)

    def real(g, k):
        return base + g * GRP + k < NCHUNK

    def g_descs(par, j, k):
        da = pltpu.make_async_copy(tab_a.at[ia.at[j]],
                                   ra.at[par, pl.ds(k * CH, CH)], sg)
        db = pltpu.make_async_copy(tab_b.at[ib.at[j]],
                                   rb.at[par, pl.ds(k * CH, CH)], sg)
        return da, db

    def wb_desc(par, g, k):
        row0 = (base + g * GRP + k) * CH
        return pltpu.make_async_copy(ra.at[par, pl.ds(k * CH, CH)],
                                     out.at[pl.ds(row0, CH)], sws[par])

    def body(t, carry):
        for par in (0, 1):
            g = t * 2 + par
            for k in range(GRP):
                @pl.when((t > 0) & real(g - 2, k))
                def _(par=par, g=g, k=k):
                    wb_desc(par, g - 2, k).wait()

                @pl.when(real(g, k))
                def _(par=par, g=g, k=k):
                    da, db = g_descs(par, g * GRP + k, k)
                    da.start()
                    db.start()
        for par in (0, 1):
            g = t * 2 + par
            for k in range(GRP):
                @pl.when(real(g, k))
                def _(par=par, g=g, k=k):
                    da, db = g_descs(par, g * GRP + k, k)
                    da.wait()
                    db.wait()

            def addbody(r, carry2, par=par):
                for c in range(HH // 16):
                    sl = pl.ds(c * 16, 16)
                    ra[par, r, sl] = ra[par, r, sl] + rb[par, r, sl]
                return carry2

            lax.fori_loop(0, GRP * CH, addbody, 0)
            for k in range(GRP):
                @pl.when(real(g, k))
                def _(par=par, g=g, k=k):
                    wb_desc(par, g, k).start()
        return carry

    lax.fori_loop(0, NGRP // 2, body, 0)
    for par in (0, 1):
        g = NGRP - 2 + par
        for k in range(GRP):
            @pl.when(real(g, k))
            def _(par=par, g=g, k=k):
                wb_desc(par, g, k).wait()


def _sc_scatter_body(p32, xl, sidx2d, didx2d, zrows, acc_out,
                     acc_sh, is2, id2, pb, xb, rows, sl0, sl1, ss):
    c = lax.axis_index("c")
    s = lax.axis_index("s")
    w = s * NC + c
    base = w * CPW
    pltpu.sync_copy(sidx2d.at[pl.ds(base, CPW)], is2)
    pltpu.sync_copy(didx2d.at[pl.ds(base, CPW)], id2)
    pltpu.sync_copy(zrows.at[pl.ds(s * ROWS_PER_SUB, ROWS_PER_SUB)],
                    acc_sh.at[pl.ds(s * ROWS_PER_SUB, ROWS_PER_SUB)])
    plsc.subcore_barrier()
    sls = (sl0, sl1)
    lane = lax.iota(jnp.int32, 16)

    def real(g, k):
        return base + g * SGRP + k < NCHUNK

    def l_descs(par, g, k):
        row0 = (base + g * SGRP + k) * CH
        dp = pltpu.make_async_copy(p32.at[pl.ds(row0, CH)],
                                   pb.at[par, pl.ds(k * CH, CH)], sls[par])
        dx = pltpu.make_async_copy(xl.at[is2.at[g * SGRP + k]],
                                   xb.at[par, pl.ds(k * CH, CH)], sls[par])
        return dp, dx

    def s_desc(par, j, k):
        return pltpu.make_async_copy(rows.at[par, pl.ds(k * CH, CH)],
                                     acc_sh.at[id2.at[j]], ss)

    def body(t, carry):
        for par in (0, 1):
            g = t * 2 + par
            for k in range(SGRP):
                @pl.when(real(g, k))
                def _(par=par, g=g, k=k):
                    dp, dx = l_descs(par, g, k)
                    dp.start()
                    dx.start()
        for par in (0, 1):
            g = t * 2 + par
            for k in range(SGRP):
                @pl.when(real(g, k))
                def _(par=par, g=g, k=k):
                    dp, dx = l_descs(par, g, k)
                    dp.wait()
                    dx.wait()

                    def build(e, carry2, par=par, k=k):
                        r = k * CH + e
                        p0 = pb[par, r, pl.ds(0, 16)]
                        p1 = pb[par, r, pl.ds(16, 16)]
                        for q in range(2):
                            sl = pl.ds(q * 16, 16)
                            rows[par, r, sl] = xb[par, r, sl] * p0
                        for q in range(2, 4):
                            sl = pl.ds(q * 16, 16)
                            rows[par, r, sl] = xb[par, r, sl] * p1
                        rows[par, r, pl.ds(HH, 16)] = jnp.where(
                            lane == 0, p0, jnp.where(lane == 1, p1, 0.0))
                        return carry2

                    lax.fori_loop(0, CH, build, 0)
                    s_desc(par, g * SGRP + k, k).start(add=True)
            for k in range(SGRP):
                @pl.when(real(g, k))
                def _(par=par, g=g, k=k):
                    s_desc(par, g * SGRP + k, k).wait()
        return carry

    lax.fori_loop(0, NGRP_S // 2, body, 0)
    plsc.subcore_barrier()
    pltpu.sync_copy(acc_sh.at[pl.ds(s * ROWS_PER_SUB, ROWS_PER_SUB)],
                    acc_out.at[c, pl.ds(s * ROWS_PER_SUB, ROWS_PER_SUB)])


@functools.cache
def _sc_kernels():
    mesh = plsc.VectorSubcoreMesh(core_axis_name="c", subcore_axis_name="s",
                                  num_cores=NC, num_subcores=NS)
    params = pltpu.CompilerParams(use_tc_tiling_on_sc=False)
    gather_sum = pl.kernel(
        _sc_gather_sum_body,
        out_type=jax.ShapeDtypeStruct((E, HH), jnp.float32),
        mesh=mesh,
        compiler_params=params,
        scratch_types=[
            pltpu.VMEM((CPW, CH), jnp.int32),
            pltpu.VMEM((CPW, CH), jnp.int32),
            pltpu.VMEM((2, GRP * CH, HH), jnp.float32),
            pltpu.VMEM((2, GRP * CH, HH), jnp.float32),
            pltpu.SemaphoreType.DMA,
            pltpu.SemaphoreType.DMA,
            pltpu.SemaphoreType.DMA,
        ],
    )
    scatter = pl.kernel(
        _sc_scatter_body,
        out_type=jax.ShapeDtypeStruct((NC, N, ACC_W), jnp.float32),
        mesh=mesh,
        compiler_params=params,
        scratch_types=[
            pltpu.VMEM_SHARED((N, ACC_W), jnp.float32),
            pltpu.VMEM((CPW, CH), jnp.int32),
            pltpu.VMEM((CPW, CH), jnp.int32),
            pltpu.VMEM((2, SGRP * CH, 32), jnp.float32),
            pltpu.VMEM((2, SGRP * CH, HH), jnp.float32),
            pltpu.VMEM((2, SGRP * CH, ACC_W), jnp.float32),
            pltpu.SemaphoreType.DMA,
            pltpu.SemaphoreType.DMA,
            pltpu.SemaphoreType.DMA,
        ],
    )
    return gather_sum, scatter



def kernel(x, edge_index, edge_attributes, Wl, Wr, We, att, bias,
           W1, b1, W2, b2):
    pad = jnp.zeros(((PCH - NCHUNK) * CH,), jnp.int32)
    src2d = jnp.concatenate(
        [edge_index[0].astype(jnp.int32), pad]).reshape(PCH, CH)
    dst2d = jnp.concatenate(
        [edge_index[1].astype(jnp.int32), pad]).reshape(PCH, CH)
    w_node = jnp.concatenate([Wl, Wr], axis=1)
    heads = (jnp.arange(HH) // 32)[:, None] == jnp.arange(2)[None, :]
    attm = jnp.where(heads, att.reshape(HH, 1), 0.0)
    p32m = ((jnp.arange(32) // 16)[None, :]
            == jnp.arange(2)[:, None]).astype(jnp.float32)
    w1c_pad = jnp.concatenate(
        [W1[2 * HH:], jnp.zeros((1, HH), jnp.float32)], axis=0)
    wcomb = jnp.concatenate([We, w1c_pad], axis=1)
    w1ab = jnp.concatenate([W1[:HH], W1[HH:2 * HH]], axis=1)
    bias_row = bias.reshape(1, HH)
    b1_row = b1.reshape(1, HH)
    b2_row = b2.reshape(1, 3)
    wnum = jnp.array([[0.0], [0.5], [1.0]], jnp.float32)
    wden = jnp.ones((3, 1), jnp.float32)
    zrows = jnp.zeros((N, ACC_W), jnp.float32)

    sc_gather_sum, sc_scatter = _sc_kernels()
    xl, xr = _node_mm(x, w_node)
    gs1 = sc_gather_sum(xl, src2d, xr, dst2d)
    p32, qc = _edge1(edge_attributes, gs1, wcomb, attm, p32m)
    acc = sc_scatter(p32, xl, src2d, dst2d, zrows)
    g1, g2 = _node2(acc[0], acc[1], bias_row, w1ab)
    gs2 = sc_gather_sum(g1, src2d, g2, dst2d)
    trust = _edge2(gs2, qc, b1_row, W2, b2_row, wnum, wden)
    return trust.reshape(E)

# --- scband reference (transcript-rebuilt; emitter-appended) ---
"""Pipeline reference for scband-trust-gnn-86122684219560 (READ-ONLY COPY).

The authoritative reference and input builder live on the scoring server;
editing this copy changes nothing except your own understanding.
"""

import jax, jax.numpy as jnp
import numpy as np

N_NODES = 10000
N_EDGES = 320000
D_FEAT = 128
EMBEDDING_DIM = 124
EDGE_DIM = EMBEDDING_DIM + 1
HIDDEN = 32
HEADS = 2


def setup_inputs(seed: int = 0) -> dict:
    key = jax.random.key(seed)
    ks = jax.random.split(key, 12)
    x = jax.random.normal(ks[0], (N_NODES, D_FEAT), dtype=jnp.float32)
    edge_index = jax.random.randint(ks[1], (2, N_EDGES), 0, N_NODES, dtype=jnp.int64 if jax.config.jax_enable_x64 else jnp.int32)
    edge_attributes = jax.random.normal(ks[2], (N_EDGES, EDGE_DIM), dtype=jnp.float32)
    s = 0.1
    Wl = jax.random.normal(ks[3], (D_FEAT, HEADS * HIDDEN), dtype=jnp.float32) * s
    Wr = jax.random.normal(ks[4], (D_FEAT, HEADS * HIDDEN), dtype=jnp.float32) * s
    We = jax.random.normal(ks[5], (EDGE_DIM, HEADS * HIDDEN), dtype=jnp.float32) * s
    att = jax.random.normal(ks[6], (HEADS, HIDDEN), dtype=jnp.float32) * s
    bias = jnp.zeros((HEADS * HIDDEN,), dtype=jnp.float32)
    edge_input_dim = 2 * HIDDEN * HEADS + EMBEDDING_DIM  # 252
    W1 = jax.random.normal(ks[7], (edge_input_dim, 64), dtype=jnp.float32) * s
    b1 = jnp.zeros((64,), dtype=jnp.float32)
    W2 = jax.random.normal(ks[8], (64, 3), dtype=jnp.float32) * s
    b2 = jnp.zeros((3,), dtype=jnp.float32)
    return {"x": x, "edge_index": edge_index, "edge_attributes": edge_attributes,
            "Wl": Wl, "Wr": Wr, "We": We, "att": att, "bias": bias,
            "W1": W1, "b1": b1, "W2": W2, "b2": b2}


def _gatv2_conv(x, edge_index, edge_attr, Wl, Wr, We, att, bias):
    # Faithful GATv2Conv (heads=2, concat=True, edge_dim=EDGE_DIM), eval mode (dropout off)
    src = edge_index[0]
    dst = edge_index[1]
    N = x.shape[0]
    xl = (x @ Wl).reshape(N, HEADS, HIDDEN)  # source transform (values)
    xr = (x @ Wr).reshape(N, HEADS, HIDDEN)  # target transform
    ea = (edge_attr @ We).reshape(-1, HEADS, HIDDEN)
    m = xl[src] + xr[dst] + ea
    m = jax.nn.leaky_relu(m, 0.2)
    alpha = (m * att[None, :, :]).sum(-1)  # [E, H]
    amax = jax.ops.segment_max(alpha, dst, num_segments=N)
    amax = jnp.where(jnp.isfinite(amax), amax, 0.0)
    alpha = jnp.exp(alpha - amax[dst])
    denom = jax.ops.segment_sum(alpha, dst, num_segments=N)
    alpha = alpha / (denom[dst] + 1e-16)
    out = jax.ops.segment_sum(xl[src] * alpha[:, :, None], dst, num_segments=N)
    return out.reshape(N, HEADS * HIDDEN) + bias


def reference(x, edge_index, edge_attributes, Wl, Wr, We, att, bias, W1, b1, W2, b2):
    # TrustGNN.forward: GATv2 -> relu -> edge endpoint gather -> edge classifier -> softmax -> trust score
    h = jax.nn.relu(_gatv2_conv(x, edge_index, edge_attributes, Wl, Wr, We, att, bias))
    # dropout p=0.1 is identity in eval mode
    prediction_edge_index = edge_index  # data.prediction_edge_index = data.edge_index (from split())
    query_embeddings = edge_attributes[:, :-1]  # data.edge_query_embedding = edge_attributes[:, :-1]
    src_emb = h[prediction_edge_index[0]]
    dst_emb = h[prediction_edge_index[1]]
    edge_emb = jnp.concatenate([src_emb, dst_emb, query_embeddings], axis=1)
    hcls = jax.nn.relu(edge_emb @ W1 + b1)
    logits = hcls @ W2 + b2
    probs = jax.nn.softmax(logits, axis=1)
    trust_scores = 0.0 * probs[:, 0] + 0.5 * probs[:, 1] + 1.0 * probs[:, 2]
    return trust_scores

if __name__ == "__main__":
    import jax
    _d = setup_inputs()
    print(jax.jit(kernel)(*tuple(_d.values())))

</pallas_src>

<mosaic_0001>
#map = affine_map<(d0, d1) -> (0, 0)>
module attributes {stable_mosaic.version = 14 : i64} {
  func.func @_sc_gather_sum_body(%arg0: i32, %arg1: i32, %arg2: memref<10000x64xf32, #tpu.memory_space<hbm>>, %arg3: memref<2560x128xi32, #tpu.memory_space<hbm>>, %arg4: memref<10000x64xf32, #tpu.memory_space<hbm>>, %arg5: memref<2560x128xi32, #tpu.memory_space<hbm>>, %arg6: memref<320000x64xf32, #tpu.memory_space<hbm>>, %arg7: memref<80x128xi32, #tpu.memory_space<vmem>>, %arg8: memref<80x128xi32, #tpu.memory_space<vmem>>, %arg9: memref<2x256x64xf32, #tpu.memory_space<vmem>>, %arg10: memref<2x256x64xf32, #tpu.memory_space<vmem>>, %arg11: memref<!tpu.dma_semaphore, #tpu.memory_space<semaphore_mem>>, %arg12: memref<!tpu.dma_semaphore, #tpu.memory_space<semaphore_mem>>, %arg13: memref<!tpu.dma_semaphore, #tpu.memory_space<semaphore_mem>>) attributes {dimension_semantics = [#tpu.dimension_semantics<core_parallel>, #tpu.dimension_semantics<subcore_parallel>], iteration_bounds = array<i64: 2, 16>, scalar_prefetch = 0 : i64, scratch_operands = 7 : i64, tpu.core_type = #tpu.core_type<sc_vector_subcore>, window_params = [{transform_indices = #map}, {transform_indices = #map}, {transform_indices = #map}, {transform_indices = #map}, {transform_indices = #map}]} {
    %mul3A = arith.constant 2 : i32
    %mul3A_0 = arith.muli %arg1, %mul3A : i32
    %add3A = arith.addi %mul3A_0, %arg0 : i32
    %mul3A_1 = arith.constant 80 : i32
    %mul3A_2 = arith.muli %add3A, %mul3A_1 : i32
    "tpu.region"() ({
      %run_scoped3A = tpu.sem_alloc : memref<!tpu.dma_semaphore, #tpu.memory_space<semaphore_mem>>
      %dma_start3A = arith.constant 0 : i32
      %dma_start3A_41 = tpu.memref_slice %arg3[%mul3A_2, %dma_start3A] : memref<2560x128xi32, #tpu.memory_space<hbm>> -> memref<80x128xi32, #tpu.memory_space<hbm>>
      %dma_start3A_42 = arith.constant 0 : i32
      %dma_start3A_43 = tpu.memref_slice %arg3[%mul3A_2, %dma_start3A_42] : memref<2560x128xi32, #tpu.memory_space<hbm>> -> memref<80x128xi32, #tpu.memory_space<hbm>>
      tpu.enqueue_dma source(%dma_start3A_43 : memref<80x128xi32, #tpu.memory_space<hbm>>) target(%arg7 : memref<80x128xi32, #tpu.memory_space<vmem>>) target_semaphore(%run_scoped3A : memref<!tpu.dma_semaphore, #tpu.memory_space<semaphore_mem>>)
      %dma_wait3A = arith.constant 0 : i32
      %dma_wait3A_44 = tpu.memref_slice %arg3[%mul3A_2, %dma_wait3A] : memref<2560x128xi32, #tpu.memory_space<hbm>> -> memref<80x128xi32, #tpu.memory_space<hbm>>
      %dma_wait3A_45 = arith.constant 0 : i32
      %dma_wait3A_46 = tpu.memref_slice %arg3[%mul3A_2, %dma_wait3A_45] : memref<2560x128xi32, #tpu.memory_space<hbm>> -> memref<80x128xi32, #tpu.memory_space<hbm>>
      tpu.wait_dma2 semaphore(%run_scoped3A : memref<!tpu.dma_semaphore, #tpu.memory_space<semaphore_mem>>) src(%dma_wait3A_46 : memref<80x128xi32, #tpu.memory_space<hbm>>) dst(%arg7 : memref<80x128xi32, #tpu.memory_space<vmem>>)
      tpu.yield
    }) : () -> ()
    "tpu.region"() ({
      %run_scoped3A = tpu.sem_alloc : memref<!tpu.dma_semaphore, #tpu.memory_space<semaphore_mem>>
      %dma_start3A = arith.constant 0 : i32
      %dma_start3A_41 = tpu.memref_slice %arg5[%mul3A_2, %dma_start3A] : memref<2560x128xi32, #tpu.memory_space<hbm>> -> memref<80x128xi32, #tpu.memory_space<hbm>>
      %dma_start3A_42 = arith.constant 0 : i32
      %dma_start3A_43 = tpu.memref_slice %arg5[%mul3A_2, %dma_start3A_42] : memref<2560x128xi32, #tpu.memory_space<hbm>> -> memref<80x128xi32, #tpu.memory_space<hbm>>
      tpu.enqueue_dma source(%dma_start3A_43 : memref<80x128xi32, #tpu.memory_space<hbm>>) target(%arg8 : memref<80x128xi32, #tpu.memory_space<vmem>>) target_semaphore(%run_scoped3A : memref<!tpu.dma_semaphore, #tpu.memory_space<semaphore_mem>>)
      %dma_wait3A = arith.constant 0 : i32
      %dma_wait3A_44 = tpu.memref_slice %arg5[%mul3A_2, %dma_wait3A] : memref<2560x128xi32, #tpu.memory_space<hbm>> -> memref<80x128xi32, #tpu.memory_space<hbm>>
      %dma_wait3A_45 = arith.constant 0 : i32
      %dma_wait3A_46 = tpu.memref_slice %arg5[%mul3A_2, %dma_wait3A_45] : memref<2560x128xi32, #tpu.memory_space<hbm>> -> memref<80x128xi32, #tpu.memory_space<hbm>>
      tpu.wait_dma2 semaphore(%run_scoped3A : memref<!tpu.dma_semaphore, #tpu.memory_space<semaphore_mem>>) src(%dma_wait3A_46 : memref<80x128xi32, #tpu.memory_space<hbm>>) dst(%arg8 : memref<80x128xi32, #tpu.memory_space<vmem>>)
      tpu.yield
    }) : () -> ()
    %scan3A = arith.constant 0 : i32
    %scan3A_3 = arith.constant 0 : i32
    %scan3A_4 = arith.constant 20 : i32
    %scan3A_5 = arith.addi %scan3A_3, %scan3A_4 : i32
    %scan3A_6 = arith.constant 1 : i32
    scf.for %scan3A_41 = %scan3A_3 to %scan3A_5 step %scan3A_6  : i32 {
      %mul3A_42 = arith.constant 2 : i32
      %mul3A_43 = arith.muli %scan3A_41, %mul3A_42 : i32
      %add3A_44 = arith.constant 0 : i32
      %add3A_45 = arith.addi %mul3A_43, %add3A_44 : i32
      %gt3A = arith.constant 0 : i32
      %gt3A_46 = arith.cmpi sgt, %scan3A_41, %gt3A : i32
      %sub3A = arith.constant 2 : i32
      %sub3A_47 = arith.subi %add3A_45, %sub3A : i32
      %mul3A_48 = arith.constant 2 : i32
      %mul3A_49 = arith.muli %sub3A_47, %mul3A_48 : i32
      %add3A_50 = arith.addi %mul3A_2, %mul3A_49 : i32
      %add3A_51 = arith.constant 0 : i32
      %add3A_52 = arith.addi %add3A_50, %add3A_51 : i32
      %lt3A_53 = arith.constant 2500 : i32
      %lt3A_54 = arith.cmpi slt, %add3A_52, %lt3A_53 : i32
      %and3A = arith.andi %gt3A_46, %lt3A_54 : i1
      %convert_element_type3A_55 = arith.extui %and3A : i1 to i32
      %cond3A_56 = arith.constant 0 : i32
      %cond3A_57 = arith.cmpi ne, %convert_element_type3A_55, %cond3A_56 : i32
      scf.if %cond3A_57 {
        %sub3A_247 = arith.constant 2 : i32
        %sub3A_248 = arith.subi %add3A_45, %sub3A_247 : i32
        %mul3A_249 = arith.constant 2 : i32
        %mul3A_250 = arith.muli %sub3A_248, %mul3A_249 : i32
        %add3A_251 = arith.addi %mul3A_2, %mul3A_250 : i32
        %add3A_252 = arith.constant 0 : i32
        %add3A_253 = arith.addi %add3A_251, %add3A_252 : i32
        %mul3A_254 = arith.constant 128 : i32
        %mul3A_255 = arith.muli %add3A_253, %mul3A_254 : i32
        %dma_wait3A = arith.constant 0 : i32
        %dma_wait3A_256 = arith.constant 0 : i32
        %dma_wait3A_257 = arith.constant 0 : i32
        %dma_wait3A_258 = tpu.memref_slice %arg9[%dma_wait3A, %dma_wait3A_256, %dma_wait3A_257] : memref<2x256x64xf32, #tpu.memory_space<vmem>> -> memref<1x128x64xf32, #tpu.memory_space<vmem>>
        %dma_wait3A_259 = tpu.memref_squeeze %dma_wait3A_258 : memref<1x128x64xf32, #tpu.memory_space<vmem>> -> memref<128x64xf32, #tpu.memory_space<vmem>>
        %dma_wait3A_260 = arith.constant 0 : i32
        %dma_wait3A_261 = tpu.memref_slice %arg6[%mul3A_255, %dma_wait3A_260] : memref<320000x64xf32, #tpu.memory_space<hbm>> -> memref<128x64xf32, #tpu.memory_space<hbm>>
        %dma_wait3A_262 = arith.constant 0 : i32
        %dma_wait3A_263 = tpu.memref_slice %arg6[%mul3A_255, %dma_wait3A_262] : memref<320000x64xf32, #tpu.memory_space<hbm>> -> memref<128x64xf32, #tpu.memory_space<hbm>>
        %dma_wait3A_264 = arith.constant 0 : i32
        %dma_wait3A_265 = arith.constant 0 : i32
        %dma_wait3A_266 = tpu.memref_slice %arg9[%dma_wait3A, %dma_wait3A_264, %dma_wait3A_265] : memref<2x256x64xf32, #tpu.memory_space<vmem>> -> memref<1x128x64xf32, #tpu.memory_space<vmem>>
        %dma_wait3A_267 = tpu.memref_squeeze %dma_wait3A_266 : memref<1x128x64xf32, #tpu.memory_space<vmem>> -> memref<128x64xf32, #tpu.memory_space<vmem>>
        tpu.wait_dma2 semaphore(%arg12 : memref<!tpu.dma_semaphore, #tpu.memory_space<semaphore_mem>>) src(%dma_wait3A_267 : memref<128x64xf32, #tpu.memory_space<vmem>>) dst(%dma_wait3A_263 : memref<128x64xf32, #tpu.memory_space<hbm>>)
      } else {
      }
      %mul3A_58 = arith.constant 2 : i32
      %mul3A_59 = arith.muli %add3A_45, %mul3A_58 : i32
      %add3A_60 = arith.addi %mul3A_2, %mul3A_59 : i32
      %add3A_61 = arith.constant 0 : i32
      %add3A_62 = arith.addi %add3A_60, %add3A_61 : i32
      %lt3A_63 = arith.constant 2500 : i32
      %lt3A_64 = arith.cmpi slt, %add3A_62, %lt3A_63 : i32
      %convert_element_type3A_65 = arith.extui %lt3A_64 : i1 to i32
      %cond3A_66 = arith.constant 0 : i32
      %cond3A_67 = arith.cmpi ne, %convert_element_type3A_65, %cond3A_66 : i32
      scf.if %cond3A_67 {
        %mul3A_247 = arith.constant 2 : i32
        %mul3A_248 = arith.muli %add3A_45, %mul3A_247 : i32
        %add3A_249 = arith.constant 0 : i32
        %add3A_250 = arith.addi %mul3A_248, %add3A_249 : i32
        %dma_start3A = arith.constant 0 : i32
        %dma_start3A_251 = arith.constant 0 : i32
        %dma_start3A_252 = arith.constant 0 : i32
        %dma_start3A_253 = tpu.memref_slice %arg9[%dma_start3A, %dma_start3A_251, %dma_start3A_252] : memref<2x256x64xf32, #tpu.memory_space<vmem>> -> memref<1x128x64xf32, #tpu.memory_space<vmem>>
        %dma_start3A_254 = tpu.memref_squeeze %dma_start3A_253 : memref<1x128x64xf32, #tpu.memory_space<vmem>> -> memref<128x64xf32, #tpu.memory_space<vmem>>
        %dma_start3A_255 = arith.constant 0 : i32
        %dma_start3A_256 = tpu.memref_slice %arg7[%add3A_250, %dma_start3A_255] : memref<80x128xi32, #tpu.memory_space<vmem>> -> memref<1x128xi32, #tpu.memory_space<vmem>>
        %dma_start3A_257 = tpu.memref_squeeze %dma_start3A_256 : memref<1x128xi32, #tpu.memory_space<vmem>> -> memref<128xi32, #tpu.memory_space<vmem>>
        %dma_start3A_258 = arith.constant 0 : i32
        %dma_start3A_259 = arith.constant 0 : i32
        %dma_start3A_260 = tpu.memref_slice %arg2[%dma_start3A_258, %dma_start3A_259] : memref<10000x64xf32, #tpu.memory_space<hbm>> -> memref<10000x64xf32, #tpu.memory_space<hbm>>
        tpu.enqueue_indirect_dma source(%dma_start3A_260 : memref<10000x64xf32, #tpu.memory_space<hbm>>) target(%dma_start3A_254 : memref<128x64xf32, #tpu.memory_space<vmem>>) offsets(%dma_start3A_257 : memref<128xi32, #tpu.memory_space<vmem>>) semaphore(%arg11 : memref<!tpu.dma_semaphore, #tpu.memory_space<semaphore_mem>>)
        %dma_start3A_261 = arith.constant 0 : i32
        %dma_start3A_262 = arith.constant 0 : i32
        %dma_start3A_263 = arith.constant 0 : i32
        %dma_start3A_264 = tpu.memref_slice %arg10[%dma_start3A_261, %dma_start3A_262, %dma_start3A_263] : memref<2x256x64xf32, #tpu.memory_space<vmem>> -> memref<1x128x64xf32, #tpu.memory_space<vmem>>
        %dma_start3A_265 = tpu.memref_squeeze %dma_start3A_264 : memref<1x128x64xf32, #tpu.memory_space<vmem>> -> memref<128x64xf32, #tpu.memory_space<vmem>>
        %dma_start3A_266 = arith.constant 0 : i32
        %dma_start3A_267 = tpu.memref_slice %arg8[%add3A_250, %dma_start3A_266] : memref<80x128xi32, #tpu.memory_space<vmem>> -> memref<1x128xi32, #tpu.memory_space<vmem>>
        %dma_start3A_268 = tpu.memref_squeeze %dma_start3A_267 : memref<1x128xi32, #tpu.memory_space<vmem>> -> memref<128xi32, #tpu.memory_space<vmem>>
        %dma_start3A_269 = arith.constant 0 : i32
        %dma_start3A_270 = arith.constant 0 : i32
        %dma_start3A_271 = tpu.memref_slice %arg4[%dma_start3A_269, %dma_start3A_270] : memref<10000x64xf32, #tpu.memory_space<hbm>> -> memref<10000x64xf32, #tpu.memory_space<hbm>>
        tpu.enqueue_indirect_dma source(%dma_start3A_271 : memref<10000x64xf32, #tpu.memory_space<hbm>>) target(%dma_start3A_265 : memref<128x64xf32, #tpu.memory_space<vmem>>) offsets(%dma_start3A_268 : memref<128xi32, #tpu.memory_space<vmem>>) semaphore(%arg11 : memref<!tpu.dma_semaphore, #tpu.memory_space<semaphore_mem>>)
      } else {
      }
      %gt3A_68 = arith.constant 0 : i32
      %gt3A_69 = arith.cmpi sgt, %scan3A_41, %gt3A_68 : i32
      %sub3A_70 = arith.constant 2 : i32
      %sub3A_71 = arith.subi %add3A_45, %sub3A_70 : i32
      %mul3A_72 = arith.constant 2 : i32
      %mul3A_73 = arith.muli %sub3A_71, %mul3A_72 : i32
      %add3A_74 = arith.addi %mul3A_2, %mul3A_73 : i32
      %add3A_75 = arith.constant 1 : i32
      %add3A_76 = arith.addi %add3A_74, %add3A_75 : i32
      %lt3A_77 = arith.constant 2500 : i32
      %lt3A_78 = arith.cmpi slt, %add3A_76, %lt3A_77 : i32
      %and3A_79 = arith.andi %gt3A_69, %lt3A_78 : i1
      %convert_element_type3A_80 = arith.extui %and3A_79 : i1 to i32
      %cond3A_81 = arith.constant 0 : i32
      %cond3A_82 = arith.cmpi ne, %convert_element_type3A_80, %cond3A_81 : i32
      scf.if %cond3A_82 {
        %sub3A_247 = arith.constant 2 : i32
        %sub3A_248 = arith.subi %add3A_45, %sub3A_247 : i32
        %mul3A_249 = arith.constant 2 : i32
        %mul3A_250 = arith.muli %sub3A_248, %mul3A_249 : i32
        %add3A_251 = arith.addi %mul3A_2, %mul3A_250 : i32
        %add3A_252 = arith.constant 1 : i32
        %add3A_253 = arith.addi %add3A_251, %add3A_252 : i32
        %mul3A_254 = arith.constant 128 : i32
        %mul3A_255 = arith.muli %add3A_253, %mul3A_254 : i32
        %dma_wait3A = arith.constant 0 : i32
        %dma_wait3A_256 = arith.constant 128 : i32
        %dma_wait3A_257 = arith.constant 0 : i32
        %dma_wait3A_258 = tpu.memref_slice %arg9[%dma_wait3A, %dma_wait3A_256, %dma_wait3A_257] : memref<2x256x64xf32, #tpu.memory_space<vmem>> -> memref<1x128x64xf32, #tpu.memory_space<vmem>>
        %dma_wait3A_259 = tpu.memref_squeeze %dma_wait3A_258 : memref<1x128x64xf32, #tpu.memory_space<vmem>> -> memref<128x64xf32, #tpu.memory_space<vmem>>
        %dma_wait3A_260 = arith.constant 0 : i32
        %dma_wait3A_261 = tpu.memref_slice %arg6[%mul3A_255, %dma_wait3A_260] : memref<320000x64xf32, #tpu.memory_space<hbm>> -> memref<128x64xf32, #tpu.memory_space<hbm>>
        %dma_wait3A_262 = arith.constant 0 : i32
        %dma_wait3A_263 = tpu.memref_slice %arg6[%mul3A_255, %dma_wait3A_262] : memref<320000x64xf32, #tpu.memory_space<hbm>> -> memref<128x64xf32, #tpu.memory_space<hbm>>
        %dma_wait3A_264 = arith.constant 128 : i32
        %dma_wait3A_265 = arith.constant 0 : i32
        %dma_wait3A_266 = tpu.memref_slice %arg9[%dma_wait3A, %dma_wait3A_264, %dma_wait3A_265] : memref<2x256x64xf32, #tpu.memory_space<vmem>> -> memref<1x128x64xf32, #tpu.memory_space<vmem>>
        %dma_wait3A_267 = tpu.memref_squeeze %dma_wait3A_266 : memref<1x128x64xf32, #tpu.memory_space<vmem>> -> memref<128x64xf32, #tpu.memory_space<vmem>>
        tpu.wait_dma2 semaphore(%arg12 : memref<!tpu.dma_semaphore, #tpu.memory_space<semaphore_mem>>) src(%dma_wait3A_267 : memref<128x64xf32, #tpu.memory_space<vmem>>) dst(%dma_wait3A_263 : memref<128x64xf32, #tpu.memory_space<hbm>>)
      } else {
      }
      %mul3A_83 = arith.constant 2 : i32
      %mul3A_84 = arith.muli %add3A_45, %mul3A_83 : i32
      %add3A_85 = arith.addi %mul3A_2, %mul3A_84 : i32
      %add3A_86 = arith.constant 1 : i32
      %add3A_87 = arith.addi %add3A_85, %add3A_86 : i32
      %lt3A_88 = arith.constant 2500 : i32
      %lt3A_89 = arith.cmpi slt, %add3A_87, %lt3A_88 : i32
      %convert_element_type3A_90 = arith.extui %lt3A_89 : i1 to i32
      %cond3A_91 = arith.constant 0 : i32
      %cond3A_92 = arith.cmpi ne, %convert_element_type3A_90, %cond3A_91 : i32
      scf.if %cond3A_92 {
        %mul3A_247 = arith.constant 2 : i32
        %mul3A_248 = arith.muli %add3A_45, %mul3A_247 : i32
        %add3A_249 = arith.constant 1 : i32
        %add3A_250 = arith.addi %mul3A_248, %add3A_249 : i32
        %dma_start3A = arith.constant 0 : i32
        %dma_start3A_251 = arith.constant 128 : i32
        %dma_start3A_252 = arith.constant 0 : i32
        %dma_start3A_253 = tpu.memref_slice %arg9[%dma_start3A, %dma_start3A_251, %dma_start3A_252] : memref<2x256x64xf32, #tpu.memory_space<vmem>> -> memref<1x128x64xf32, #tpu.memory_space<vmem>>
        %dma_start3A_254 = tpu.memref_squeeze %dma_start3A_253 : memref<1x128x64xf32, #tpu.memory_space<vmem>> -> memref<128x64xf32, #tpu.memory_space<vmem>>
        %dma_start3A_255 = arith.constant 0 : i32
        %dma_start3A_256 = tpu.memref_slice %arg7[%add3A_250, %dma_start3A_255] : memref<80x128xi32, #tpu.memory_space<vmem>> -> memref<1x128xi32, #tpu.memory_space<vmem>>
        %dma_start3A_257 = tpu.memref_squeeze %dma_start3A_256 : memref<1x128xi32, #tpu.memory_space<vmem>> -> memref<128xi32, #tpu.memory_space<vmem>>
        %dma_start3A_258 = arith.constant 0 : i32
        %dma_start3A_259 = arith.constant 0 : i32
        %dma_start3A_260 = tpu.memref_slice %arg2[%dma_start3A_258, %dma_start3A_259] : memref<10000x64xf32, #tpu.memory_space<hbm>> -> memref<10000x64xf32, #tpu.memory_space<hbm>>
        tpu.enqueue_indirect_dma source(%dma_start3A_260 : memref<10000x64xf32, #tpu.memory_space<hbm>>) target(%dma_start3A_254 : memref<128x64xf32, #tpu.memory_space<vmem>>) offsets(%dma_start3A_257 : memref<128xi32, #tpu.memory_space<vmem>>) semaphore(%arg11 : memref<!tpu.dma_semaphore, #tpu.memory_space<semaphore_mem>>)
        %dma_start3A_261 = arith.constant 0 : i32
        %dma_start3A_262 = arith.constant 128 : i32
        %dma_start3A_263 = arith.constant 0 : i32
        %dma_start3A_264 = tpu.memref_slice %arg10[%dma_start3A_261, %dma_start3A_262, %dma_start3A_263] : memref<2x256x64xf32, #tpu.memory_space<vmem>> -> memref<1x128x64xf32, #tpu.memory_space<vmem>>
        %dma_start3A_265 = tpu.memref_squeeze %dma_start3A_264 : memref<1x128x64xf32, #tpu.memory_space<vmem>> -> memref<128x64xf32, #tpu.memory_space<vmem>>
        %dma_start3A_266 = arith.constant 0 : i32
        %dma_start3A_267 = tpu.memref_slice %arg8[%add3A_250, %dma_start3A_266] : memref<80x128xi32, #tpu.memory_space<vmem>> -> memref<1x128xi32, #tpu.memory_space<vmem>>
        %dma_start3A_268 = tpu.memref_squeeze %dma_start3A_267 : memref<1x128xi32, #tpu.memory_space<vmem>> -> memref<128xi32, #tpu.memory_space<vmem>>
        %dma_start3A_269 = arith.constant 0 : i32
        %dma_start3A_270 = arith.constant 0 : i32
        %dma_start3A_271 = tpu.memref_slice %arg4[%dma_start3A_269, %dma_start3A_270] : memref<10000x64xf32, #tpu.memory_space<hbm>> -> memref<10000x64xf32, #tpu.memory_space<hbm>>
        tpu.enqueue_indirect_dma source(%dma_start3A_271 : memref<10000x64xf32, #tpu.memory_space<hbm>>) target(%dma_start3A_265 : memref<128x64xf32, #tpu.memory_space<vmem>>) offsets(%dma_start3A_268 : memref<128xi32, #tpu.memory_space<vmem>>) semaphore(%arg11 : memref<!tpu.dma_semaphore, #tpu.memory_space<semaphore_mem>>)
      } else {
      }
      %mul3A_93 = arith.constant 2 : i32
      %mul3A_94 = arith.muli %scan3A_41, %mul3A_93 : i32
      %add3A_95 = arith.constant 1 : i32
      %add3A_96 = arith.addi %mul3A_94, %add3A_95 : i32
      %gt3A_97 = arith.constant 0 : i32
      %gt3A_98 = arith.cmpi sgt, %scan3A_41, %gt3A_97 : i32
      %sub3A_99 = arith.constant 2 : i32
      %sub3A_100 = arith.subi %add3A_96, %sub3A_99 : i32
      %mul3A_101 = arith.constant 2 : i32
      %mul3A_102 = arith.muli %sub3A_100, %mul3A_101 : i32
      %add3A_103 = arith.addi %mul3A_2, %mul3A_102 : i32
      %add3A_104 = arith.constant 0 : i32
      %add3A_105 = arith.addi %add3A_103, %add3A_104 : i32
      %lt3A_106 = arith.constant 2500 : i32
      %lt3A_107 = arith.cmpi slt, %add3A_105, %lt3A_106 : i32
      %and3A_108 = arith.andi %gt3A_98, %lt3A_107 : i1
      %convert_element_type3A_109 = arith.extui %and3A_108 : i1 to i32
      %cond3A_110 = arith.constant 0 : i32
      %cond3A_111 = arith.cmpi ne, %convert_element_type3A_109, %cond3A_110 : i32
      scf.if %cond3A_111 {
        %sub3A_247 = arith.constant 2 : i32
        %sub3A_248 = arith.subi %add3A_96, %sub3A_247 : i32
        %mul3A_249 = arith.constant 2 : i32
        %mul3A_250 = arith.muli %sub3A_248, %mul3A_249 : i32
        %add3A_251 = arith.addi %mul3A_2, %mul3A_250 : i32
        %add3A_252 = arith.constant 0 : i32
        %add3A_253 = arith.addi %add3A_251, %add3A_252 : i32
        %mul3A_254 = arith.constant 128 : i32
        %mul3A_255 = arith.muli %add3A_253, %mul3A_254 : i32
        %dma_wait3A = arith.constant 1 : i32
        %dma_wait3A_256 = arith.constant 0 : i32
        %dma_wait3A_257 = arith.constant 0 : i32
        %dma_wait3A_258 = tpu.memref_slice %arg9[%dma_wait3A, %dma_wait3A_256, %dma_wait3A_257] : memref<2x256x64xf32, #tpu.memory_space<vmem>> -> memref<1x128x64xf32, #tpu.memory_space<vmem>>
        %dma_wait3A_259 = tpu.memref_squeeze %dma_wait3A_258 : memref<1x128x64xf32, #tpu.memory_space<vmem>> -> memref<128x64xf32, #tpu.memory_space<vmem>>
        %dma_wait3A_260 = arith.constant 0 : i32
        %dma_wait3A_261 = tpu.memref_slice %arg6[%mul3A_255, %dma_wait3A_260] : memref<320000x64xf32, #tpu.memory_space<hbm>> -> memref<128x64xf32, #tpu.memory_space<hbm>>
        %dma_wait3A_262 = arith.constant 0 : i32
        %dma_wait3A_263 = tpu.memref_slice %arg6[%mul3A_255, %dma_wait3A_262] : memref<320000x64xf32, #tpu.memory_space<hbm>> -> memref<128x64xf32, #tpu.memory_space<hbm>>
        %dma_wait3A_264 = arith.constant 0 : i32
        %dma_wait3A_265 = arith.constant 0 : i32
        %dma_wait3A_266 = tpu.memref_slice %arg9[%dma_wait3A, %dma_wait3A_264, %dma_wait3A_265] : memref<2x256x64xf32, #tpu.memory_space<vmem>> -> memref<1x128x64xf32, #tpu.memory_space<vmem>>
        %dma_wait3A_267 = tpu.memref_squeeze %dma_wait3A_266 : memref<1x128x64xf32, #tpu.memory_space<vmem>> -> memref<128x64xf32, #tpu.memory_space<vmem>>
        tpu.wait_dma2 semaphore(%arg13 : memref<!tpu.dma_semaphore, #tpu.memory_space<semaphore_mem>>) src(%dma_wait3A_267 : memref<128x64xf32, #tpu.memory_space<vmem>>) dst(%dma_wait3A_263 : memref<128x64xf32, #tpu.memory_space<hbm>>)
      } else {
      }
      %mul3A_112 = arith.constant 2 : i32
      %mul3A_113 = arith.muli %add3A_96, %mul3A_112 : i32
      %add3A_114 = arith.addi %mul3A_2, %mul3A_113 : i32
      %add3A_115 = arith.constant 0 : i32
      %add3A_116 = arith.addi %add3A_114, %add3A_115 : i32
      %lt3A_117 = arith.constant 2500 : i32
      %lt3A_118 = arith.cmpi slt, %add3A_116, %lt3A_117 : i32
      %convert_element_type3A_119 = arith.extui %lt3A_118 : i1 to i32
      %cond3A_120 = arith.constant 0 : i32
      %cond3A_121 = arith.cmpi ne, %convert_element_type3A_119, %cond3A_120 : i32
      scf.if %cond3A_121 {
        %mul3A_247 = arith.constant 2 : i32
        %mul3A_248 = arith.muli %add3A_96, %mul3A_247 : i32
        %add3A_249 = arith.constant 0 : i32
        %add3A_250 = arith.addi %mul3A_248, %add3A_249 : i32
        %dma_start3A = arith.constant 1 : i32
        %dma_start3A_251 = arith.constant 0 : i32
        %dma_start3A_252 = arith.constant 0 : i32
        %dma_start3A_253 = tpu.memref_slice %arg9[%dma_start3A, %dma_start3A_251, %dma_start3A_252] : memref<2x256x64xf32, #tpu.memory_space<vmem>> -> memref<1x128x64xf32, #tpu.memory_space<vmem>>
        %dma_start3A_254 = tpu.memref_squeeze %dma_start3A_253 : memref<1x128x64xf32, #tpu.memory_space<vmem>> -> memref<128x64xf32, #tpu.memory_space<vmem>>
        %dma_start3A_255 = arith.constant 0 : i32
        %dma_start3A_256 = tpu.memref_slice %arg7[%add3A_250, %dma_start3A_255] : memref<80x128xi32, #tpu.memory_space<vmem>> -> memref<1x128xi32, #tpu.memory_space<vmem>>
        %dma_start3A_257 = tpu.memref_squeeze %dma_start3A_256 : memref<1x128xi32, #tpu.memory_space<vmem>> -> memref<128xi32, #tpu.memory_space<vmem>>
        %dma_start3A_258 = arith.constant 0 : i32
        %dma_start3A_259 = arith.constant 0 : i32
        %dma_start3A_260 = tpu.memref_slice %arg2[%dma_start3A_258, %dma_start3A_259] : memref<10000x64xf32, #tpu.memory_space<hbm>> -> memref<10000x64xf32, #tpu.memory_space<hbm>>
        tpu.enqueue_indirect_dma source(%dma_start3A_260 : memref<10000x64xf32, #tpu.memory_space<hbm>>) target(%dma_start3A_254 : memref<128x64xf32, #tpu.memory_space<vmem>>) offsets(%dma_start3A_257 : memref<128xi32, #tpu.memory_space<vmem>>) semaphore(%arg11 : memref<!tpu.dma_semaphore, #tpu.memory_space<semaphore_mem>>)
        %dma_start3A_261 = arith.constant 1 : i32
        %dma_start3A_262 = arith.constant 0 : i32
        %dma_start3A_263 = arith.constant 0 : i32
        %dma_start3A_264 = tpu.memref_slice %arg10[%dma_start3A_261, %dma_start3A_262, %dma_start3A_263] : memref<2x256x64xf32, #tpu.memory_space<vmem>> -> memref<1x128x64xf32, #tpu.memory_space<vmem>>
        %dma_start3A_265 = tpu.memref_squeeze %dma_start3A_264 : memref<1x128x64xf32, #tpu.memory_space<vmem>> -> memref<128x64xf32, #tpu.memory_space<vmem>>
        %dma_start3A_266 = arith.constant 0 : i32
        %dma_start3A_267 = tpu.memref_slice %arg8[%add3A_250, %dma_start3A_266] : memref<80x128xi32, #tpu.memory_space<vmem>> -> memref<1x128xi32, #tpu.memory_space<vmem>>
        %dma_start3A_268 = tpu.memref_squeeze %dma_start3A_267 : memref<1x128xi32, #tpu.memory_space<vmem>> -> memref<128xi32, #tpu.memory_space<vmem>>
        %dma_start3A_269 = arith.constant 0 : i32
        %dma_start3A_270 = arith.constant 0 : i32
        %dma_start3A_271 = tpu.memref_slice %arg4[%dma_start3A_269, %dma_start3A_270] : memref<10000x64xf32, #tpu.memory_space<hbm>> -> memref<10000x64xf32, #tpu.memory_space<hbm>>
        tpu.enqueue_indirect_dma source(%dma_start3A_271 : memref<10000x64xf32, #tpu.memory_space<hbm>>) target(%dma_start3A_265 : memref<128x64xf32, #tpu.memory_space<vmem>>) offsets(%dma_start3A_268 : memref<128xi32, #tpu.memory_space<vmem>>) semaphore(%arg11 : memref<!tpu.dma_semaphore, #tpu.memory_space<semaphore_mem>>)
      } else {
      }
      %gt3A_122 = arith.constant 0 : i32
      %gt3A_123 = arith.cmpi sgt, %scan3A_41, %gt3A_122 : i32
      %sub3A_124 = arith.constant 2 : i32
      %sub3A_125 = arith.subi %add3A_96, %sub3A_124 : i32
      %mul3A_126 = arith.constant 2 : i32
      %mul3A_127 = arith.muli %sub3A_125, %mul3A_126 : i32
      %add3A_128 = arith.addi %mul3A_2, %mul3A_127 : i32
      %add3A_129 = arith.constant 1 : i32
      %add3A_130 = arith.addi %add3A_128, %add3A_129 : i32
      %lt3A_131 = arith.constant 2500 : i32
      %lt3A_132 = arith.cmpi slt, %add3A_130, %lt3A_131 : i32
      %and3A_133 = arith.andi %gt3A_123, %lt3A_132 : i1
      %convert_element_type3A_134 = arith.extui %and3A_133 : i1 to i32
      %cond3A_135 = arith.constant 0 : i32
      %cond3A_136 = arith.cmpi ne, %convert_element_type3A_134, %cond3A_135 : i32
      scf.if %cond3A_136 {
        %sub3A_247 = arith.constant 2 : i32
        %sub3A_248 = arith.subi %add3A_96, %sub3A_247 : i32
        %mul3A_249 = arith.constant 2 : i32
        %mul3A_250 = arith.muli %sub3A_248, %mul3A_249 : i32
        %add3A_251 = arith.addi %mul3A_2, %mul3A_250 : i32
        %add3A_252 = arith.constant 1 : i32
        %add3A_253 = arith.addi %add3A_251, %add3A_252 : i32
        %mul3A_254 = arith.constant 128 : i32
        %mul3A_255 = arith.muli %add3A_253, %mul3A_254 : i32
        %dma_wait3A = arith.constant 1 : i32
        %dma_wait3A_256 = arith.constant 128 : i32
        %dma_wait3A_257 = arith.constant 0 : i32
        %dma_wait3A_258 = tpu.memref_slice %arg9[%dma_wait3A, %dma_wait3A_256, %dma_wait3A_257] : memref<2x256x64xf32, #tpu.memory_space<vmem>> -> memref<1x128x64xf32, #tpu.memory_space<vmem>>
        %dma_wait3A_259 = tpu.memref_squeeze %dma_wait3A_258 : memref<1x128x64xf32, #tpu.memory_space<vmem>> -> memref<128x64xf32, #tpu.memory_space<vmem>>
        %dma_wait3A_260 = arith.constant 0 : i32
        %dma_wait3A_261 = tpu.memref_slice %arg6[%mul3A_255, %dma_wait3A_260] : memref<320000x64xf32, #tpu.memory_space<hbm>> -> memref<128x64xf32, #tpu.memory_space<hbm>>
        %dma_wait3A_262 = arith.constant 0 : i32
        %dma_wait3A_263 = tpu.memref_slice %arg6[%mul3A_255, %dma_wait3A_262] : memref<320000x64xf32, #tpu.memory_space<hbm>> -> memref<128x64xf32, #tpu.memory_space<hbm>>
        %dma_wait3A_264 = arith.constant 128 : i32
        %dma_wait3A_265 = arith.constant 0 : i32
        %dma_wait3A_266 = tpu.memref_slice %arg9[%dma_wait3A, %dma_wait3A_264, %dma_wait3A_265] : memref<2x256x64xf32, #tpu.memory_space<vmem>> -> memref<1x128x64xf32, #tpu.memory_space<vmem>>
        %dma_wait3A_267 = tpu.memref_squeeze %dma_wait3A_266 : memref<1x128x64xf32, #tpu.memory_space<vmem>> -> memref<128x64xf32, #tpu.memory_space<vmem>>
        tpu.wait_dma2 semaphore(%arg13 : memref<!tpu.dma_semaphore, #tpu.memory_space<semaphore_mem>>) src(%dma_wait3A_267 : memref<128x64xf32, #tpu.memory_space<vmem>>) dst(%dma_wait3A_263 : memref<128x64xf32, #tpu.memory_space<hbm>>)
      } else {
      }
      %mul3A_137 = arith.constant 2 : i32
      %mul3A_138 = arith.muli %add3A_96, %mul3A_137 : i32
      %add3A_139 = arith.addi %mul3A_2, %mul3A_138 : i32
      %add3A_140 = arith.constant 1 : i32
      %add3A_141 = arith.addi %add3A_139, %add3A_140 : i32
      %lt3A_142 = arith.constant 2500 : i32
      %lt3A_143 = arith.cmpi slt, %add3A_141, %lt3A_142 : i32
      %convert_element_type3A_144 = arith.extui %lt3A_143 : i1 to i32
      %cond3A_145 = arith.constant 0 : i32
      %cond3A_146 = arith.cmpi ne, %convert_element_type3A_144, %cond3A_145 : i32
      scf.if %cond3A_146 {
        %mul3A_247 = arith.constant 2 : i32
        %mul3A_248 = arith.muli %add3A_96, %mul3A_247 : i32
        %add3A_249 = arith.constant 1 : i32
        %add3A_250 = arith.addi %mul3A_248, %add3A_249 : i32
        %dma_start3A = arith.constant 1 : i32
        %dma_start3A_251 = arith.constant 128 : i32
        %dma_start3A_252 = arith.constant 0 : i32
        %dma_start3A_253 = tpu.memref_slice %arg9[%dma_start3A, %dma_start3A_251, %dma_start3A_252] : memref<2x256x64xf32, #tpu.memory_space<vmem>> -> memref<1x128x64xf32, #tpu.memory_space<vmem>>
        %dma_start3A_254 = tpu.memref_squeeze %dma_start3A_253 : memref<1x128x64xf32, #tpu.memory_space<vmem>> -> memref<128x64xf32, #tpu.memory_space<vmem>>
        %dma_start3A_255 = arith.constant 0 : i32
        %dma_start3A_256 = tpu.memref_slice %arg7[%add3A_250, %dma_start3A_255] : memref<80x128xi32, #tpu.memory_space<vmem>> -> memref<1x128xi32, #tpu.memory_space<vmem>>
        %dma_start3A_257 = tpu.memref_squeeze %dma_start3A_256 : memref<1x128xi32, #tpu.memory_space<vmem>> -> memref<128xi32, #tpu.memory_space<vmem>>
        %dma_start3A_258 = arith.constant 0 : i32
        %dma_start3A_259 = arith.constant 0 : i32
        %dma_start3A_260 = tpu.memref_slice %arg2[%dma_start3A_258, %dma_start3A_259] : memref<10000x64xf32, #tpu.memory_space<hbm>> -> memref<10000x64xf32, #tpu.memory_space<hbm>>
        tpu.enqueue_indirect_dma source(%dma_start3A_260 : memref<10000x64xf32, #tpu.memory_space<hbm>>) target(%dma_start3A_254 : memref<128x64xf32, #tpu.memory_space<vmem>>) offsets(%dma_start3A_257 : memref<128xi32, #tpu.memory_space<vmem>>) semaphore(%arg11 : memref<!tpu.dma_semaphore, #tpu.memory_space<semaphore_mem>>)
        %dma_start3A_261 = arith.constant 1 : i32
        %dma_start3A_262 = arith.constant 128 : i32
        %dma_start3A_263 = arith.constant 0 : i32
        %dma_start3A_264 = tpu.memref_slice %arg10[%dma_start3A_261, %dma_start3A_262, %dma_start3A_263] : memref<2x256x64xf32, #tpu.memory_space<vmem>> -> memref<1x128x64xf32, #tpu.memory_space<vmem>>
        %dma_start3A_265 = tpu.memref_squeeze %dma_start3A_264 : memref<1x128x64xf32, #tpu.memory_space<vmem>> -> memref<128x64xf32, #tpu.memory_space<vmem>>
        %dma_start3A_266 = arith.constant 0 : i32
        %dma_start3A_267 = tpu.memref_slice %arg8[%add3A_250, %dma_start3A_266] : memref<80x128xi32, #tpu.memory_space<vmem>> -> memref<1x128xi32, #tpu.memory_space<vmem>>
        %dma_start3A_268 = tpu.memref_squeeze %dma_start3A_267 : memref<1x128xi32, #tpu.memory_space<vmem>> -> memref<128xi32, #tpu.memory_space<vmem>>
        %dma_start3A_269 = arith.constant 0 : i32
        %dma_start3A_270 = arith.constant 0 : i32
        %dma_start3A_271 = tpu.memref_slice %arg4[%dma_start3A_269, %dma_start3A_270] : memref<10000x64xf32, #tpu.memory_space<hbm>> -> memref<10000x64xf32, #tpu.memory_space<hbm>>
        tpu.enqueue_indirect_dma source(%dma_start3A_271 : memref<10000x64xf32, #tpu.memory_space<hbm>>) target(%dma_start3A_265 : memref<128x64xf32, #tpu.memory_space<vmem>>) offsets(%dma_start3A_268 : memref<128xi32, #tpu.memory_space<vmem>>) semaphore(%arg11 : memref<!tpu.dma_semaphore, #tpu.memory_space<semaphore_mem>>)
      } else {
      }
      %mul3A_147 = arith.constant 2 : i32
      %mul3A_148 = arith.muli %scan3A_41, %mul3A_147 : i32
      %add3A_149 = arith.constant 0 : i32
      %add3A_150 = arith.addi %mul3A_148, %add3A_149 : i32
      %mul3A_151 = arith.constant 2 : i32
      %mul3A_152 = arith.muli %add3A_150, %mul3A_151 : i32
      %add3A_153 = arith.addi %mul3A_2, %mul3A_152 : i32
      %add3A_154 = arith.constant 0 : i32
      %add3A_155 = arith.addi %add3A_153, %add3A_154 : i32
      %lt3A_156 = arith.constant 2500 : i32
      %lt3A_157 = arith.cmpi slt, %add3A_155, %lt3A_156 : i32
      %convert_element_type3A_158 = arith.extui %lt3A_157 : i1 to i32
      %cond3A_159 = arith.constant 0 : i32
      %cond3A_160 = arith.cmpi ne, %convert_element_type3A_158, %cond3A_159 : i32
      scf.if %cond3A_160 {
        %mul3A_247 = arith.constant 2 : i32
        %mul3A_248 = arith.muli %add3A_150, %mul3A_247 : i32
        %add3A_249 = arith.constant 0 : i32
        %add3A_250 = arith.addi %mul3A_248, %add3A_249 : i32
        %dma_wait3A = arith.constant 0 : i32
        %dma_wait3A_251 = arith.constant 0 : i32
        %dma_wait3A_252 = arith.constant 0 : i32
        %dma_wait3A_253 = tpu.memref_slice %arg9[%dma_wait3A, %dma_wait3A_251, %dma_wait3A_252] : memref<2x256x64xf32, #tpu.memory_space<vmem>> -> memref<1x128x64xf32, #tpu.memory_space<vmem>>
        %dma_wait3A_254 = tpu.memref_squeeze %dma_wait3A_253 : memref<1x128x64xf32, #tpu.memory_space<vmem>> -> memref<128x64xf32, #tpu.memory_space<vmem>>
        %dma_wait3A_255 = arith.constant 0 : i32
        %dma_wait3A_256 = tpu.memref_slice %arg7[%add3A_250, %dma_wait3A_255] : memref<80x128xi32, #tpu.memory_space<vmem>> -> memref<1x128xi32, #tpu.memory_space<vmem>>
        %dma_wait3A_257 = tpu.memref_squeeze %dma_wait3A_256 : memref<1x128xi32, #tpu.memory_space<vmem>> -> memref<128xi32, #tpu.memory_space<vmem>>
        %dma_wait3A_258 = arith.constant 0 : i32
        %dma_wait3A_259 = arith.constant 0 : i32
        %dma_wait3A_260 = tpu.memref_slice %arg2[%dma_wait3A_258, %dma_wait3A_259] : memref<10000x64xf32, #tpu.memory_space<hbm>> -> memref<10000x64xf32, #tpu.memory_space<hbm>>
        tpu.wait_indirect_dma semaphore(%arg11 : memref<!tpu.dma_semaphore, #tpu.memory_space<semaphore_mem>>) src(%dma_wait3A_260 : memref<10000x64xf32, #tpu.memory_space<hbm>>) dst(%dma_wait3A_254 : memref<128x64xf32, #tpu.memory_space<vmem>>)
        %dma_wait3A_261 = arith.constant 0 : i32
        %dma_wait3A_262 = arith.constant 0 : i32
        %dma_wait3A_263 = arith.constant 0 : i32
        %dma_wait3A_264 = tpu.memref_slice %arg10[%dma_wait3A_261, %dma_wait3A_262, %dma_wait3A_263] : memref<2x256x64xf32, #tpu.memory_space<vmem>> -> memref<1x128x64xf32, #tpu.memory_space<vmem>>
        %dma_wait3A_265 = tpu.memref_squeeze %dma_wait3A_264 : memref<1x128x64xf32, #tpu.memory_space<vmem>> -> memref<128x64xf32, #tpu.memory_space<vmem>>
        %dma_wait3A_266 = arith.constant 0 : i32
        %dma_wait3A_267 = tpu.memref_slice %arg8[%add3A_250, %dma_wait3A_266] : memref<80x128xi32, #tpu.memory_space<vmem>> -> memref<1x128xi32, #tpu.memory_space<vmem>>
        %dma_wait3A_268 = tpu.memref_squeeze %dma_wait3A_267 : memref<1x128xi32, #tpu.memory_space<vmem>> -> memref<128xi32, #tpu.memory_space<vmem>>
        %dma_wait3A_269 = arith.constant 0 : i32
        %dma_wait3A_270 = arith.constant 0 : i32
        %dma_wait3A_271 = tpu.memref_slice %arg4[%dma_wait3A_269, %dma_wait3A_270] : memref<10000x64xf32, #tpu.memory_space<hbm>> -> memref<10000x64xf32, #tpu.memory_space<hbm>>
        tpu.wait_indirect_dma semaphore(%arg11 : memref<!tpu.dma_semaphore, #tpu.memory_space<semaphore_mem>>) src(%dma_wait3A_271 : memref<10000x64xf32, #tpu.memory_space<hbm>>) dst(%dma_wait3A_265 : memref<128x64xf32, #tpu.memory_space<vmem>>)
      } else {
      }
      %mul3A_161 = arith.constant 2 : i32
      %mul3A_162 = arith.muli %add3A_150, %mul3A_161 : i32
      %add3A_163 = arith.addi %mul3A_2, %mul3A_162 : i32
      %add3A_164 = arith.constant 1 : i32
      %add3A_165 = arith.addi %add3A_163, %add3A_164 : i32
      %lt3A_166 = arith.constant 2500 : i32
      %lt3A_167 = arith.cmpi slt, %add3A_165, %lt3A_166 : i32
      %convert_element_type3A_168 = arith.extui %lt3A_167 : i1 to i32
      %cond3A_169 = arith.constant 0 : i32
      %cond3A_170 = arith.cmpi ne, %convert_element_type3A_168, %cond3A_169 : i32
      scf.if %cond3A_170 {
        %mul3A_247 = arith.constant 2 : i32
        %mul3A_248 = arith.muli %add3A_150, %mul3A_247 : i32
        %add3A_249 = arith.constant 1 : i32
        %add3A_250 = arith.addi %mul3A_248, %add3A_249 : i32
        %dma_wait3A = arith.constant 0 : i32
        %dma_wait3A_251 = arith.constant 128 : i32
        %dma_wait3A_252 = arith.constant 0 : i32
        %dma_wait3A_253 = tpu.memref_slice %arg9[%dma_wait3A, %dma_wait3A_251, %dma_wait3A_252] : memref<2x256x64xf32, #tpu.memory_space<vmem>> -> memref<1x128x64xf32, #tpu.memory_space<vmem>>
        %dma_wait3A_254 = tpu.memref_squeeze %dma_wait3A_253 : memref<1x128x64xf32, #tpu.memory_space<vmem>> -> memref<128x64xf32, #tpu.memory_space<vmem>>
        %dma_wait3A_255 = arith.constant 0 : i32
        %dma_wait3A_256 = tpu.memref_slice %arg7[%add3A_250, %dma_wait3A_255] : memref<80x128xi32, #tpu.memory_space<vmem>> -> memref<1x128xi32, #tpu.memory_space<vmem>>
        %dma_wait3A_257 = tpu.memref_squeeze %dma_wait3A_256 : memref<1x128xi32, #tpu.memory_space<vmem>> -> memref<128xi32, #tpu.memory_space<vmem>>
        %dma_wait3A_258 = arith.constant 0 : i32
        %dma_wait3A_259 = arith.constant 0 : i32
        %dma_wait3A_260 = tpu.memref_slice %arg2[%dma_wait3A_258, %dma_wait3A_259] : memref<10000x64xf32, #tpu.memory_space<hbm>> -> memref<10000x64xf32, #tpu.memory_space<hbm>>
        tpu.wait_indirect_dma semaphore(%arg11 : memref<!tpu.dma_semaphore, #tpu.memory_space<semaphore_mem>>) src(%dma_wait3A_260 : memref<10000x64xf32, #tpu.memory_space<hbm>>) dst(%dma_wait3A_254 : memref<128x64xf32, #tpu.memory_space<vmem>>)
        %dma_wait3A_261 = arith.constant 0 : i32
        %dma_wait3A_262 = arith.constant 128 : i32
        %dma_wait3A_263 = arith.constant 0 : i32
        %dma_wait3A_264 = tpu.memref_slice %arg10[%dma_wait3A_261, %dma_wait3A_262, %dma_wait3A_263] : memref<2x256x64xf32, #tpu.memory_space<vmem>> -> memref<1x128x64xf32, #tpu.memory_space<vmem>>
        %dma_wait3A_265 = tpu.memref_squeeze %dma_wait3A_264 : memref<1x128x64xf32, #tpu.memory_space<vmem>> -> memref<128x64xf32, #tpu.memory_space<vmem>>
        %dma_wait3A_266 = arith.constant 0 : i32
        %dma_wait3A_267 = tpu.memref_slice %arg8[%add3A_250, %dma_wait3A_266] : memref<80x128xi32, #tpu.memory_space<vmem>> -> memref<1x128xi32, #tpu.memory_space<vmem>>
        %dma_wait3A_268 = tpu.memref_squeeze %dma_wait3A_267 : memref<1x128xi32, #tpu.memory_space<vmem>> -> memref<128xi32, #tpu.memory_space<vmem>>
        %dma_wait3A_269 = arith.constant 0 : i32
        %dma_wait3A_270 = arith.constant 0 : i32
        %dma_wait3A_271 = tpu.memref_slice %arg4[%dma_wait3A_269, %dma_wait3A_270] : memref<10000x64xf32, #tpu.memory_space<hbm>> -> memref<10000x64xf32, #tpu.memory_space<hbm>>
        tpu.wait_indirect_dma semaphore(%arg11 : memref<!tpu.dma_semaphore, #tpu.memory_space<semaphore_mem>>) src(%dma_wait3A_271 : memref<10000x64xf32, #tpu.memory_space<hbm>>) dst(%dma_wait3A_265 : memref<128x64xf32, #tpu.memory_space<vmem>>)
      } else {
      }
      %scan3A_171 = arith.constant 0 : i32
      %scan3A_172 = arith.constant 0 : i32
      %scan3A_173 = arith.constant 256 : i32
      %scan3A_174 = arith.addi %scan3A_172, %scan3A_173 : i32
      %scan3A_175 = arith.constant 1 : i32
      scf.for %scan3A_247 = %scan3A_172 to %scan3A_174 step %scan3A_175  : i32 {
        %get3A = arith.constant 0 : i32
        %get3A_248 = arith.index_cast %get3A : i32 to index
        %get3A_249 = arith.index_cast %scan3A_247 : i32 to index
        %get3A_250 = arith.constant 0 : index
        %get3A_251 = tpu.vector_load %arg9[%get3A_248, %get3A_249, %get3A_250] {strides = array<i32>} : memref<2x256x64xf32, #tpu.memory_space<vmem>>, vector<1x1x16xf32>,
        %get3A_252 = vector.shape_cast %get3A_251 : vector<1x1x16xf32> to vector<16xf32>
        %get3A_253 = arith.constant 0 : i32
        %get3A_254 = arith.index_cast %get3A_253 : i32 to index
        %get3A_255 = arith.index_cast %scan3A_247 : i32 to index
        %get3A_256 = arith.constant 0 : index
        %get3A_257 = tpu.vector_load %arg10[%get3A_254, %get3A_255, %get3A_256] {strides = array<i32>} : memref<2x256x64xf32, #tpu.memory_space<vmem>>, vector<1x1x16xf32>,
        %get3A_258 = vector.shape_cast %get3A_257 : vector<1x1x16xf32> to vector<16xf32>
        %add3A_259 = arith.addf %get3A_252, %get3A_258 : vector<16xf32>
        %swap3A = arith.constant 0 : i32
        %swap3A_260 = arith.index_cast %swap3A : i32 to index
        %swap3A_261 = arith.index_cast %scan3A_247 : i32 to index
        %swap3A_262 = arith.constant 0 : index
        %swap3A_263 = tpu.vector_load %arg9[%swap3A_260, %swap3A_261, %swap3A_262] {strides = array<i32>} : memref<2x256x64xf32, #tpu.memory_space<vmem>>, vector<1x1x16xf32>,
        %swap3A_264 = vector.shape_cast %swap3A_263 : vector<1x1x16xf32> to vector<16xf32>
        %swap3A_265 = vector.shape_cast %add3A_259 : vector<16xf32> to vector<1x1x16xf32>
        tpu.vector_store %arg9[%swap3A_260, %swap3A_261, %swap3A_262], %swap3A_265 {strides = array<i32>} : memref<2x256x64xf32, #tpu.memory_space<vmem>>, vector<1x1x16xf32>,
        %get3A_266 = arith.constant 0 : i32
        %get3A_267 = arith.index_cast %get3A_266 : i32 to index
        %get3A_268 = arith.index_cast %scan3A_247 : i32 to index
        %get3A_269 = arith.constant 16 : index
        %get3A_270 = tpu.vector_load %arg9[%get3A_267, %get3A_268, %get3A_269] {strides = array<i32>} : memref<2x256x64xf32, #tpu.memory_space<vmem>>, vector<1x1x16xf32>,
        %get3A_271 = vector.shape_cast %get3A_270 : vector<1x1x16xf32> to vector<16xf32>
        %get3A_272 = arith.constant 0 : i32
        %get3A_273 = arith.index_cast %get3A_272 : i32 to index
        %get3A_274 = arith.index_cast %scan3A_247 : i32 to index
        %get3A_275 = arith.constant 16 : index
        %get3A_276 = tpu.vector_load %arg10[%get3A_273, %get3A_274, %get3A_275] {strides = array<i32>} : memref<2x256x64xf32, #tpu.memory_space<vmem>>, vector<1x1x16xf32>,
        %get3A_277 = vector.shape_cast %get3A_276 : vector<1x1x16xf32> to vector<16xf32>
        %add3A_278 = arith.addf %get3A_271, %get3A_277 : vector<16xf32>
        %swap3A_279 = arith.constant 0 : i32
        %swap3A_280 = arith.index_cast %swap3A_279 : i32 to index
        %swap3A_281 = arith.index_cast %scan3A_247 : i32 to index
        %swap3A_282 = arith.constant 16 : index
        %swap3A_283 = tpu.vector_load %arg9[%swap3A_280, %swap3A_281, %swap3A_282] {strides = array<i32>} : memref<2x256x64xf32, #tpu.memory_space<vmem>>, vector<1x1x16xf32>,
        %swap3A_284 = vector.shape_cast %swap3A_283 : vector<1x1x16xf32> to vector<16xf32>
        %swap3A_285 = vector.shape_cast %add3A_278 : vector<16xf32> to vector<1x1x16xf32>
        tpu.vector_store %arg9[%swap3A_280, %swap3A_281, %swap3A_282], %swap3A_285 {strides = array<i32>} : memref<2x256x64xf32, #tpu.memory_space<vmem>>, vector<1x1x16xf32>,
        %get3A_286 = arith.constant 0 : i32
        %get3A_287 = arith.index_cast %get3A_286 : i32 to index
        %get3A_288 = arith.index_cast %scan3A_247 : i32 to index
        %get3A_289 = arith.constant 32 : index
        %get3A_290 = tpu.vector_load %arg9[%get3A_287, %get3A_288, %get3A_289] {strides = array<i32>} : memref<2x256x64xf32, #tpu.memory_space<vmem>>, vector<1x1x16xf32>,
        %get3A_291 = vector.shape_cast %get3A_290 : vector<1x1x16xf32> to vector<16xf32>
        %get3A_292 = arith.constant 0 : i32
        %get3A_293 = arith.index_cast %get3A_292 : i32 to index
        %get3A_294 = arith.index_cast %scan3A_247 : i32 to index
        %get3A_295 = arith.constant 32 : index
        %get3A_296 = tpu.vector_load %arg10[%get3A_293, %get3A_294, %get3A_295] {strides = array<i32>} : memref<2x256x64xf32, #tpu.memory_space<vmem>>, vector<1x1x16xf32>,
        %get3A_297 = vector.shape_cast %get3A_296 : vector<1x1x16xf32> to vector<16xf32>
        %add3A_298 = arith.addf %get3A_291, %get3A_297 : vector<16xf32>
        %swap3A_299 = arith.constant 0 : i32
        %swap3A_300 = arith.index_cast %swap3A_299 : i32 to index
        %swap3A_301 = arith.index_cast %scan3A_247 : i32 to index
        %swap3A_302 = arith.constant 32 : index
        %swap3A_303 = tpu.vector_load %arg9[%swap3A_300, %swap3A_301, %swap3A_302] {strides = array<i32>} : memref<2x256x64xf32, #tpu.memory_space<vmem>>, vector<1x1x16xf32>,
        %swap3A_304 = vector.shape_cast %swap3A_303 : vector<1x1x16xf32> to vector<16xf32>
        %swap3A_305 = vector.shape_cast %add3A_298 : vector<16xf32> to vector<1x1x16xf32>
        tpu.vector_store %arg9[%swap3A_300, %swap3A_301, %swap3A_302], %swap3A_305 {strides = array<i32>} : memref<2x256x64xf32, #tpu.memory_space<vmem>>, vector<1x1x16xf32>,
        %get3A_306 = arith.constant 0 : i32
        %get3A_307 = arith.index_cast %get3A_306 : i32 to index
        %get3A_308 = arith.index_cast %scan3A_247 : i32 to index
        %get3A_309 = arith.constant 48 : index
        %get3A_310 = tpu.vector_load %arg9[%get3A_307, %get3A_308, %get3A_309] {strides = array<i32>} : memref<2x256x64xf32, #tpu.memory_space<vmem>>, vector<1x1x16xf32>,
        %get3A_311 = vector.shape_cast %get3A_310 : vector<1x1x16xf32> to vector<16xf32>
        %get3A_312 = arith.constant 0 : i32
        %get3A_313 = arith.index_cast %get3A_312 : i32 to index
        %get3A_314 = arith.index_cast %scan3A_247 : i32 to index
        %get3A_315 = arith.constant 48 : index
        %get3A_316 = tpu.vector_load %arg10[%get3A_313, %get3A_314, %get3A_315] {strides = array<i32>} : memref<2x256x64xf32, #tpu.memory_space<vmem>>, vector<1x1x16xf32>,
        %get3A_317 = vector.shape_cast %get3A_316 : vector<1x1x16xf32> to vector<16xf32>
        %add3A_318 = arith.addf %get3A_311, %get3A_317 : vector<16xf32>
        %swap3A_319 = arith.constant 0 : i32
        %swap3A_320 = arith.index_cast %swap3A_319 : i32 to index
        %swap3A_321 = arith.index_cast %scan3A_247 : i32 to index
        %swap3A_322 = arith.constant 48 : index
        %swap3A_323 = tpu.vector_load %arg9[%swap3A_320, %swap3A_321, %swap3A_322] {strides = array<i32>} : memref<2x256x64xf32, #tpu.memory_space<vmem>>, vector<1x1x16xf32>,
        %swap3A_324 = vector.shape_cast %swap3A_323 : vector<1x1x16xf32> to vector<16xf32>
        %swap3A_325 = vector.shape_cast %add3A_318 : vector<16xf32> to vector<1x1x16xf32>
        tpu.vector_store %arg9[%swap3A_320, %swap3A_321, %swap3A_322], %swap3A_325 {strides = array<i32>} : memref<2x256x64xf32, #tpu.memory_space<vmem>>, vector<1x1x16xf32>,
      }
      %scan3A_176 = arith.constant 256 : i32
      %mul3A_177 = arith.constant 2 : i32
      %mul3A_178 = arith.muli %add3A_150, %mul3A_177 : i32
      %add3A_179 = arith.addi %mul3A_2, %mul3A_178 : i32
      %add3A_180 = arith.constant 0 : i32
      %add3A_181 = arith.addi %add3A_179, %add3A_180 : i32
      %lt3A_182 = arith.constant 2500 : i32
      %lt3A_183 = arith.cmpi slt, %add3A_181, %lt3A_182 : i32
      %convert_element_type3A_184 = arith.extui %lt3A_183 : i1 to i32
      %cond3A_185 = arith.constant 0 : i32
      %cond3A_186 = arith.cmpi ne, %convert_element_type3A_184, %cond3A_185 : i32
      scf.if %cond3A_186 {
        %mul3A_247 = arith.constant 2 : i32
        %mul3A_248 = arith.muli %add3A_150, %mul3A_247 : i32
        %add3A_249 = arith.addi %mul3A_2, %mul3A_248 : i32
        %add3A_250 = arith.constant 0 : i32
        %add3A_251 = arith.addi %add3A_249, %add3A_250 : i32
        %mul3A_252 = arith.constant 128 : i32
        %mul3A_253 = arith.muli %add3A_251, %mul3A_252 : i32
        %dma_start3A = arith.constant 0 : i32
        %dma_start3A_254 = arith.constant 0 : i32
        %dma_start3A_255 = arith.constant 0 : i32
        %dma_start3A_256 = tpu.memref_slice %arg9[%dma_start3A, %dma_start3A_254, %dma_start3A_255] : memref<2x256x64xf32, #tpu.memory_space<vmem>> -> memref<1x128x64xf32, #tpu.memory_space<vmem>>
        %dma_start3A_257 = tpu.memref_squeeze %dma_start3A_256 : memref<1x128x64xf32, #tpu.memory_space<vmem>> -> memref<128x64xf32, #tpu.memory_space<vmem>>
        %dma_start3A_258 = arith.constant 0 : i32
        %dma_start3A_259 = tpu.memref_slice %arg6[%mul3A_253, %dma_start3A_258] : memref<320000x64xf32, #tpu.memory_space<hbm>> -> memref<128x64xf32, #tpu.memory_space<hbm>>
        %dma_start3A_260 = arith.constant 0 : i32
        %dma_start3A_261 = tpu.memref_slice %arg6[%mul3A_253, %dma_start3A_260] : memref<320000x64xf32, #tpu.memory_space<hbm>> -> memref<128x64xf32, #tpu.memory_space<hbm>>
        %dma_start3A_262 = arith.constant 0 : i32
        %dma_start3A_263 = arith.constant 0 : i32
        %dma_start3A_264 = tpu.memref_slice %arg9[%dma_start3A, %dma_start3A_262, %dma_start3A_263] : memref<2x256x64xf32, #tpu.memory_space<vmem>> -> memref<1x128x64xf32, #tpu.memory_space<vmem>>
        %dma_start3A_265 = tpu.memref_squeeze %dma_start3A_264 : memref<1x128x64xf32, #tpu.memory_space<vmem>> -> memref<128x64xf32, #tpu.memory_space<vmem>>
        tpu.enqueue_dma source(%dma_start3A_265 : memref<128x64xf32, #tpu.memory_space<vmem>>) target(%dma_start3A_261 : memref<128x64xf32, #tpu.memory_space<hbm>>) target_semaphore(%arg12 : memref<!tpu.dma_semaphore, #tpu.memory_space<semaphore_mem>>)
      } else {
      }
      %mul3A_187 = arith.constant 2 : i32
      %mul3A_188 = arith.muli %add3A_150, %mul3A_187 : i32
      %add3A_189 = arith.addi %mul3A_2, %mul3A_188 : i32
      %add3A_190 = arith.constant 1 : i32
      %add3A_191 = arith.addi %add3A_189, %add3A_190 : i32
      %lt3A_192 = arith.constant 2500 : i32
      %lt3A_193 = arith.cmpi slt, %add3A_191, %lt3A_192 : i32
      %convert_element_type3A_194 = arith.extui %lt3A_193 : i1 to i32
      %cond3A_195 = arith.constant 0 : i32
      %cond3A_196 = arith.cmpi ne, %convert_element_type3A_194, %cond3A_195 : i32
      scf.if %cond3A_196 {
        %mul3A_247 = arith.constant 2 : i32
        %mul3A_248 = arith.muli %add3A_150, %mul3A_247 : i32
        %add3A_249 = arith.addi %mul3A_2, %mul3A_248 : i32
        %add3A_250 = arith.constant 1 : i32
        %add3A_251 = arith.addi %add3A_249, %add3A_250 : i32
        %mul3A_252 = arith.constant 128 : i32
        %mul3A_253 = arith.muli %add3A_251, %mul3A_252 : i32
        %dma_start3A = arith.constant 0 : i32
        %dma_start3A_254 = arith.constant 128 : i32
        %dma_start3A_255 = arith.constant 0 : i32
        %dma_start3A_256 = tpu.memref_slice %arg9[%dma_start3A, %dma_start3A_254, %dma_start3A_255] : memref<2x256x64xf32, #tpu.memory_space<vmem>> -> memref<1x128x64xf32, #tpu.memory_space<vmem>>
        %dma_start3A_257 = tpu.memref_squeeze %dma_start3A_256 : memref<1x128x64xf32, #tpu.memory_space<vmem>> -> memref<128x64xf32, #tpu.memory_space<vmem>>
        %dma_start3A_258 = arith.constant 0 : i32
        %dma_start3A_259 = tpu.memref_slice %arg6[%mul3A_253, %dma_start3A_258] : memref<320000x64xf32, #tpu.memory_space<hbm>> -> memref<128x64xf32, #tpu.memory_space<hbm>>
        %dma_start3A_260 = arith.constant 0 : i32
        %dma_start3A_261 = tpu.memref_slice %arg6[%mul3A_253, %dma_start3A_260] : memref<320000x64xf32, #tpu.memory_space<hbm>> -> memref<128x64xf32, #tpu.memory_space<hbm>>
        %dma_start3A_262 = arith.constant 128 : i32
        %dma_start3A_263 = arith.constant 0 : i32
        %dma_start3A_264 = tpu.memref_slice %arg9[%dma_start3A, %dma_start3A_262, %dma_start3A_263] : memref<2x256x64xf32, #tpu.memory_space<vmem>> -> memref<1x128x64xf32, #tpu.memory_space<vmem>>
        %dma_start3A_265 = tpu.memref_squeeze %dma_start3A_264 : memref<1x128x64xf32, #tpu.memory_space<vmem>> -> memref<128x64xf32, #tpu.memory_space<vmem>>
        tpu.enqueue_dma source(%dma_start3A_265 : memref<128x64xf32, #tpu.memory_space<vmem>>) target(%dma_start3A_261 : memref<128x64xf32, #tpu.memory_space<hbm>>) target_semaphore(%arg12 : memref<!tpu.dma_semaphore, #tpu.memory_space<semaphore_mem>>)
      } else {
      }
      %mul3A_197 = arith.constant 2 : i32
      %mul3A_198 = arith.muli %scan3A_41, %mul3A_197 : i32
      %add3A_199 = arith.constant 1 : i32
      %add3A_200 = arith.addi %mul3A_198, %add3A_199 : i32
      %mul3A_201 = arith.constant 2 : i32
      %mul3A_202 = arith.muli %add3A_200, %mul3A_201 : i32
      %add3A_203 = arith.addi %mul3A_2, %mul3A_202 : i32
      %add3A_204 = arith.constant 0 : i32
      %add3A_205 = arith.addi %add3A_203, %add3A_204 : i32
      %lt3A_206 = arith.constant 2500 : i32
      %lt3A_207 = arith.cmpi slt, %add3A_205, %lt3A_206 : i32
      %convert_element_type3A_208 = arith.extui %lt3A_207 : i1 to i32
      %cond3A_209 = arith.constant 0 : i32
      %cond3A_210 = arith.cmpi ne, %convert_element_type3A_208, %cond3A_209 : i32
      scf.if %cond3A_210 {
        %mul3A_247 = arith.constant 2 : i32
        %mul3A_248 = arith.muli %add3A_200, %mul3A_247 : i32
        %add3A_249 = arith.constant 0 : i32
        %add3A_250 = arith.addi %mul3A_248, %add3A_249 : i32
        %dma_wait3A = arith.constant 1 : i32
        %dma_wait3A_251 = arith.constant 0 : i32
        %dma_wait3A_252 = arith.constant 0 : i32
        %dma_wait3A_253 = tpu.memref_slice %arg9[%dma_wait3A, %dma_wait3A_251, %dma_wait3A_252] : memref<2x256x64xf32, #tpu.memory_space<vmem>> -> memref<1x128x64xf32, #tpu.memory_space<vmem>>
        %dma_wait3A_254 = tpu.memref_squeeze %dma_wait3A_253 : memref<1x128x64xf32, #tpu.memory_space<vmem>> -> memref<128x64xf32, #tpu.memory_space<vmem>>
        %dma_wait3A_255 = arith.constant 0 : i32
        %dma_wait3A_256 = tpu.memref_slice %arg7[%add3A_250, %dma_wait3A_255] : memref<80x128xi32, #tpu.memory_space<vmem>> -> memref<1x128xi32, #tpu.memory_space<vmem>>
        %dma_wait3A_257 = tpu.memref_squeeze %dma_wait3A_256 : memref<1x128xi32, #tpu.memory_space<vmem>> -> memref<128xi32, #tpu.memory_space<vmem>>
        %dma_wait3A_258 = arith.constant 0 : i32
        %dma_wait3A_259 = arith.constant 0 : i32
        %dma_wait3A_260 = tpu.memref_slice %arg2[%dma_wait3A_258, %dma_wait3A_259] : memref<10000x64xf32, #tpu.memory_space<hbm>> -> memref<10000x64xf32, #tpu.memory_space<hbm>>
        tpu.wait_indirect_dma semaphore(%arg11 : memref<!tpu.dma_semaphore, #tpu.memory_space<semaphore_mem>>) src(%dma_wait3A_260 : memref<10000x64xf32, #tpu.memory_space<hbm>>) dst(%dma_wait3A_254 : memref<128x64xf32, #tpu.memory_space<vmem>>)
        %dma_wait3A_261 = arith.constant 1 : i32
        %dma_wait3A_262 = arith.constant 0 : i32
        %dma_wait3A_263 = arith.constant 0 : i32
        %dma_wait3A_264 = tpu.memref_slice %arg10[%dma_wait3A_261, %dma_wait3A_262, %dma_wait3A_263] : memref<2x256x64xf32, #tpu.memory_space<vmem>> -> memref<1x128x64xf32, #tpu.memory_space<vmem>>
        %dma_wait3A_265 = tpu.memref_squeeze %dma_wait3A_264 : memref<1x128x64xf32, #tpu.memory_space<vmem>> -> memref<128x64xf32, #tpu.memory_space<vmem>>
        %dma_wait3A_266 = arith.constant 0 : i32
        %dma_wait3A_267 = tpu.memref_slice %arg8[%add3A_250, %dma_wait3A_266] : memref<80x128xi32, #tpu.memory_space<vmem>> -> memref<1x128xi32, #tpu.memory_space<vmem>>
        %dma_wait3A_268 = tpu.memref_squeeze %dma_wait3A_267 : memref<1x128xi32, #tpu.memory_space<vmem>> -> memref<128xi32, #tpu.memory_space<vmem>>
        %dma_wait3A_269 = arith.constant 0 : i32
        %dma_wait3A_270 = arith.constant 0 : i32
        %dma_wait3A_271 = tpu.memref_slice %arg4[%dma_wait3A_269, %dma_wait3A_270] : memref<10000x64xf32, #tpu.memory_space<hbm>> -> memref<10000x64xf32, #tpu.memory_space<hbm>>
        tpu.wait_indirect_dma semaphore(%arg11 : memref<!tpu.dma_semaphore, #tpu.memory_space<semaphore_mem>>) src(%dma_wait3A_271 : memref<10000x64xf32, #tpu.memory_space<hbm>>) dst(%dma_wait3A_265 : memref<128x64xf32, #tpu.memory_space<vmem>>)
      } else {
      }
      %mul3A_211 = arith.constant 2 : i32
      %mul3A_212 = arith.muli %add3A_200, %mul3A_211 : i32
      %add3A_213 = arith.addi %mul3A_2, %mul3A_212 : i32
      %add3A_214 = arith.constant 1 : i32
      %add3A_215 = arith.addi %add3A_213, %add3A_214 : i32
      %lt3A_216 = arith.constant 2500 : i32
      %lt3A_217 = arith.cmpi slt, %add3A_215, %lt3A_216 : i32
      %convert_element_type3A_218 = arith.extui %lt3A_217 : i1 to i32
      %cond3A_219 = arith.constant 0 : i32
      %cond3A_220 = arith.cmpi ne, %convert_element_type3A_218, %cond3A_219 : i32
      scf.if %cond3A_220 {
        %mul3A_247 = arith.constant 2 : i32
        %mul3A_248 = arith.muli %add3A_200, %mul3A_247 : i32
        %add3A_249 = arith.constant 1 : i32
        %add3A_250 = arith.addi %mul3A_248, %add3A_249 : i32
        %dma_wait3A = arith.constant 1 : i32
        %dma_wait3A_251 = arith.constant 128 : i32
        %dma_wait3A_252 = arith.constant 0 : i32
        %dma_wait3A_253 = tpu.memref_slice %arg9[%dma_wait3A, %dma_wait3A_251, %dma_wait3A_252] : memref<2x256x64xf32, #tpu.memory_space<vmem>> -> memref<1x128x64xf32, #tpu.memory_space<vmem>>
        %dma_wait3A_254 = tpu.memref_squeeze %dma_wait3A_253 : memref<1x128x64xf32, #tpu.memory_space<vmem>> -> memref<128x64xf32, #tpu.memory_space<vmem>>
        %dma_wait3A_255 = arith.constant 0 : i32
        %dma_wait3A_256 = tpu.memref_slice %arg7[%add3A_250, %dma_wait3A_255] : memref<80x128xi32, #tpu.memory_space<vmem>> -> memref<1x128xi32, #tpu.memory_space<vmem>>
        %dma_wait3A_257 = tpu.memref_squeeze %dma_wait3A_256 : memref<1x128xi32, #tpu.memory_space<vmem>> -> memref<128xi32, #tpu.memory_space<vmem>>
        %dma_wait3A_258 = arith.constant 0 : i32
        %dma_wait3A_259 = arith.constant 0 : i32
        %dma_wait3A_260 = tpu.memref_slice %arg2[%dma_wait3A_258, %dma_wait3A_259] : memref<10000x64xf32, #tpu.memory_space<hbm>> -> memref<10000x64xf32, #tpu.memory_space<hbm>>
        tpu.wait_indirect_dma semaphore(%arg11 : memref<!tpu.dma_semaphore, #tpu.memory_space<semaphore_mem>>) src(%dma_wait3A_260 : memref<10000x64xf32, #tpu.memory_space<hbm>>) dst(%dma_wait3A_254 : memref<128x64xf32, #tpu.memory_space<vmem>>)
        %dma_wait3A_261 = arith.constant 1 : i32
        %dma_wait3A_262 = arith.constant 128 : i32
        %dma_wait3A_263 = arith.constant 0 : i32
        %dma_wait3A_264 = tpu.memref_slice %arg10[%dma_wait3A_261, %dma_wait3A_262, %dma_wait3A_263] : memref<2x256x64xf32, #tpu.memory_space<vmem>> -> memref<1x128x64xf32, #tpu.memory_space<vmem>>
        %dma_wait3A_265 = tpu.memref_squeeze %dma_wait3A_264 : memref<1x128x64xf32, #tpu.memory_space<vmem>> -> memref<128x64xf32, #tpu.memory_space<vmem>>
        %dma_wait3A_266 = arith.constant 0 : i32
        %dma_wait3A_267 = tpu.memref_slice %arg8[%add3A_250, %dma_wait3A_266] : memref<80x128xi32, #tpu.memory_space<vmem>> -> memref<1x128xi32, #tpu.memory_space<vmem>>
        %dma_wait3A_268 = tpu.memref_squeeze %dma_wait3A_267 : memref<1x128xi32, #tpu.memory_space<vmem>> -> memref<128xi32, #tpu.memory_space<vmem>>
        %dma_wait3A_269 = arith.constant 0 : i32
        %dma_wait3A_270 = arith.constant 0 : i32
        %dma_wait3A_271 = tpu.memref_slice %arg4[%dma_wait3A_269, %dma_wait3A_270] : memref<10000x64xf32, #tpu.memory_space<hbm>> -> memref<10000x64xf32, #tpu.memory_space<hbm>>
        tpu.wait_indirect_dma semaphore(%arg11 : memref<!tpu.dma_semaphore, #tpu.memory_space<semaphore_mem>>) src(%dma_wait3A_271 : memref<10000x64xf32, #tpu.memory_space<hbm>>) dst(%dma_wait3A_265 : memref<128x64xf32, #tpu.memory_space<vmem>>)
      } else {
      }
      %scan3A_221 = arith.constant 0 : i32
      %scan3A_222 = arith.constant 0 : i32
      %scan3A_223 = arith.constant 256 : i32
      %scan3A_224 = arith.addi %scan3A_222, %scan3A_223 : i32
      %scan3A_225 = arith.constant 1 : i32
      scf.for %scan3A_247 = %scan3A_222 to %scan3A_224 step %scan3A_225  : i32 {
        %get3A = arith.constant 1 : i32
        %get3A_248 = arith.index_cast %get3A : i32 to index
        %get3A_249 = arith.index_cast %scan3A_247 : i32 to index
        %get3A_250 = arith.constant 0 : index
        %get3A_251 = tpu.vector_load %arg9[%get3A_248, %get3A_249, %get3A_250] {strides = array<i32>} : memref<2x256x64xf32, #tpu.memory_space<vmem>>, vector<1x1x16xf32>,
        %get3A_252 = vector.shape_cast %get3A_251 : vector<1x1x16xf32> to vector<16xf32>
        %get3A_253 = arith.constant 1 : i32
        %get3A_254 = arith.index_cast %get3A_253 : i32 to index
        %get3A_255 = arith.index_cast %scan3A_247 : i32 to index
        %get3A_256 = arith.constant 0 : index
        %get3A_257 = tpu.vector_load %arg10[%get3A_254, %get3A_255, %get3A_256] {strides = array<i32>} : memref<2x256x64xf32, #tpu.memory_space<vmem>>, vector<1x1x16xf32>,
        %get3A_258 = vector.shape_cast %get3A_257 : vector<1x1x16xf32> to vector<16xf32>
        %add3A_259 = arith.addf %get3A_252, %get3A_258 : vector<16xf32>
        %swap3A = arith.constant 1 : i32
        %swap3A_260 = arith.index_cast %swap3A : i32 to index
        %swap3A_261 = arith.index_cast %scan3A_247 : i32 to index
        %swap3A_262 = arith.constant 0 : index
        %swap3A_263 = tpu.vector_load %arg9[%swap3A_260, %swap3A_261, %swap3A_262] {strides = array<i32>} : memref<2x256x64xf32, #tpu.memory_space<vmem>>, vector<1x1x16xf32>,
        %swap3A_264 = vector.shape_cast %swap3A_263 : vector<1x1x16xf32> to vector<16xf32>
        %swap3A_265 = vector.shape_cast %add3A_259 : vector<16xf32> to vector<1x1x16xf32>
        tpu.vector_store %arg9[%swap3A_260, %swap3A_261, %swap3A_262], %swap3A_265 {strides = array<i32>} : memref<2x256x64xf32, #tpu.memory_space<vmem>>, vector<1x1x16xf32>,
        %get3A_266 = arith.constant 1 : i32
        %get3A_267 = arith.index_cast %get3A_266 : i32 to index
        %get3A_268 = arith.index_cast %scan3A_247 : i32 to index
        %get3A_269 = arith.constant 16 : index
        %get3A_270 = tpu.vector_load %arg9[%get3A_267, %get3A_268, %get3A_269] {strides = array<i32>} : memref<2x256x64xf32, #tpu.memory_space<vmem>>, vector<1x1x16xf32>,
        %get3A_271 = vector.shape_cast %get3A_270 : vector<1x1x16xf32> to vector<16xf32>
        %get3A_272 = arith.constant 1 : i32
        %get3A_273 = arith.index_cast %get3A_272 : i32 to index
        %get3A_274 = arith.index_cast %scan3A_247 : i32 to index
        %get3A_275 = arith.constant 16 : index
        %get3A_276 = tpu.vector_load %arg10[%get3A_273, %get3A_274, %get3A_275] {strides = array<i32>} : memref<2x256x64xf32, #tpu.memory_space<vmem>>, vector<1x1x16xf32>,
        %get3A_277 = vector.shape_cast %get3A_276 : vector<1x1x16xf32> to vector<16xf32>
        %add3A_278 = arith.addf %get3A_271, %get3A_277 : vector<16xf32>
        %swap3A_279 = arith.constant 1 : i32
        %swap3A_280 = arith.index_cast %swap3A_279 : i32 to index
        %swap3A_281 = arith.index_cast %scan3A_247 : i32 to index
        %swap3A_282 = arith.constant 16 : index
        %swap3A_283 = tpu.vector_load %arg9[%swap3A_280, %swap3A_281, %swap3A_282] {strides = array<i32>} : memref<2x256x64xf32, #tpu.memory_space<vmem>>, vector<1x1x16xf32>,
        %swap3A_284 = vector.shape_cast %swap3A_283 : vector<1x1x16xf32> to vector<16xf32>
        %swap3A_285 = vector.shape_cast %add3A_278 : vector<16xf32> to vector<1x1x16xf32>
        tpu.vector_store %arg9[%swap3A_280, %swap3A_281, %swap3A_282], %swap3A_285 {strides = array<i32>} : memref<2x256x64xf32, #tpu.memory_space<vmem>>, vector<1x1x16xf32>,
        %get3A_286 = arith.constant 1 : i32
        %get3A_287 = arith.index_cast %get3A_286 : i32 to index
        %get3A_288 = arith.index_cast %scan3A_247 : i32 to index
        %get3A_289 = arith.constant 32 : index
        %get3A_290 = tpu.vector_load %arg9[%get3A_287, %get3A_288, %get3A_289] {strides = array<i32>} : memref<2x256x64xf32, #tpu.memory_space<vmem>>, vector<1x1x16xf32>,
        %get3A_291 = vector.shape_cast %get3A_290 : vector<1x1x16xf32> to vector<16xf32>
        %get3A_292 = arith.constant 1 : i32
        %get3A_293 = arith.index_cast %get3A_292 : i32 to index
        %get3A_294 = arith.index_cast %scan3A_247 : i32 to index
        %get3A_295 = arith.constant 32 : index
        %get3A_296 = tpu.vector_load %arg10[%get3A_293, %get3A_294, %get3A_295] {strides = array<i32>} : memref<2x256x64xf32, #tpu.memory_space<vmem>>, vector<1x1x16xf32>,
        %get3A_297 = vector.shape_cast %get3A_296 : vector<1x1x16xf32> to vector<16xf32>
        %add3A_298 = arith.addf %get3A_291, %get3A_297 : vector<16xf32>
        %swap3A_299 = arith.constant 1 : i32
        %swap3A_300 = arith.index_cast %swap3A_299 : i32 to index
        %swap3A_301 = arith.index_cast %scan3A_247 : i32 to index
        %swap3A_302 = arith.constant 32 : index
        %swap3A_303 = tpu.vector_load %arg9[%swap3A_300, %swap3A_301, %swap3A_302] {strides = array<i32>} : memref<2x256x64xf32, #tpu.memory_space<vmem>>, vector<1x1x16xf32>,
        %swap3A_304 = vector.shape_cast %swap3A_303 : vector<1x1x16xf32> to vector<16xf32>
        %swap3A_305 = vector.shape_cast %add3A_298 : vector<16xf32> to vector<1x1x16xf32>
        tpu.vector_store %arg9[%swap3A_300, %swap3A_301, %swap3A_302], %swap3A_305 {strides = array<i32>} : memref<2x256x64xf32, #tpu.memory_space<vmem>>, vector<1x1x16xf32>,
        %get3A_306 = arith.constant 1 : i32
        %get3A_307 = arith.index_cast %get3A_306 : i32 to index
        %get3A_308 = arith.index_cast %scan3A_247 : i32 to index
        %get3A_309 = arith.constant 48 : index
        %get3A_310 = tpu.vector_load %arg9[%get3A_307, %get3A_308, %get3A_309] {strides = array<i32>} : memref<2x256x64xf32, #tpu.memory_space<vmem>>, vector<1x1x16xf32>,
        %get3A_311 = vector.shape_cast %get3A_310 : vector<1x1x16xf32> to vector<16xf32>
        %get3A_312 = arith.constant 1 : i32
        %get3A_313 = arith.index_cast %get3A_312 : i32 to index
        %get3A_314 = arith.index_cast %scan3A_247 : i32 to index
        %get3A_315 = arith.constant 48 : index
        %get3A_316 = tpu.vector_load %arg10[%get3A_313, %get3A_314, %get3A_315] {strides = array<i32>} : memref<2x256x64xf32, #tpu.memory_space<vmem>>, vector<1x1x16xf32>,
        %get3A_317 = vector.shape_cast %get3A_316 : vector<1x1x16xf32> to vector<16xf32>
        %add3A_318 = arith.addf %get3A_311, %get3A_317 : vector<16xf32>
        %swap3A_319 = arith.constant 1 : i32
        %swap3A_320 = arith.index_cast %swap3A_319 : i32 to index
        %swap3A_321 = arith.index_cast %scan3A_247 : i32 to index
        %swap3A_322 = arith.constant 48 : index
        %swap3A_323 = tpu.vector_load %arg9[%swap3A_320, %swap3A_321, %swap3A_322] {strides = array<i32>} : memref<2x256x64xf32, #tpu.memory_space<vmem>>, vector<1x1x16xf32>,
        %swap3A_324 = vector.shape_cast %swap3A_323 : vector<1x1x16xf32> to vector<16xf32>
        %swap3A_325 = vector.shape_cast %add3A_318 : vector<16xf32> to vector<1x1x16xf32>
        tpu.vector_store %arg9[%swap3A_320, %swap3A_321, %swap3A_322], %swap3A_325 {strides = array<i32>} : memref<2x256x64xf32, #tpu.memory_space<vmem>>, vector<1x1x16xf32>,
      }
      %scan3A_226 = arith.constant 256 : i32
      %mul3A_227 = arith.constant 2 : i32
      %mul3A_228 = arith.muli %add3A_200, %mul3A_227 : i32
      %add3A_229 = arith.addi %mul3A_2, %mul3A_228 : i32
      %add3A_230 = arith.constant 0 : i32
      %add3A_231 = arith.addi %add3A_229, %add3A_230 : i32
      %lt3A_232 = arith.constant 2500 : i32
      %lt3A_233 = arith.cmpi slt, %add3A_231, %lt3A_232 : i32
      %convert_element_type3A_234 = arith.extui %lt3A_233 : i1 to i32
      %cond3A_235 = arith.constant 0 : i32
      %cond3A_236 = arith.cmpi ne, %convert_element_type3A_234, %cond3A_235 : i32
      scf.if %cond3A_236 {
        %mul3A_247 = arith.constant 2 : i32
        %mul3A_248 = arith.muli %add3A_200, %mul3A_247 : i32
        %add3A_249 = arith.addi %mul3A_2, %mul3A_248 : i32
        %add3A_250 = arith.constant 0 : i32
        %add3A_251 = arith.addi %add3A_249, %add3A_250 : i32
        %mul3A_252 = arith.constant 128 : i32
        %mul3A_253 = arith.muli %add3A_251, %mul3A_252 : i32
        %dma_start3A = arith.constant 1 : i32
        %dma_start3A_254 = arith.constant 0 : i32
        %dma_start3A_255 = arith.constant 0 : i32
        %dma_start3A_256 = tpu.memref_slice %arg9[%dma_start3A, %dma_start3A_254, %dma_start3A_255] : memref<2x256x64xf32, #tpu.memory_space<vmem>> -> memref<1x128x64xf32, #tpu.memory_space<vmem>>
        %dma_start3A_257 = tpu.memref_squeeze %dma_start3A_256 : memref<1x128x64xf32, #tpu.memory_space<vmem>> -> memref<128x64xf32, #tpu.memory_space<vmem>>
        %dma_start3A_258 = arith.constant 0 : i32
        %dma_start3A_259 = tpu.memref_slice %arg6[%mul3A_253, %dma_start3A_258] : memref<320000x64xf32, #tpu.memory_space<hbm>> -> memref<128x64xf32, #tpu.memory_space<hbm>>
        %dma_start3A_260 = arith.constant 0 : i32
        %dma_start3A_261 = tpu.memref_slice %arg6[%mul3A_253, %dma_start3A_260] : memref<320000x64xf32, #tpu.memory_space<hbm>> -> memref<128x64xf32, #tpu.memory_space<hbm>>
        %dma_start3A_262 = arith.constant 0 : i32
        %dma_start3A_263 = arith.constant 0 : i32
        %dma_start3A_264 = tpu.memref_slice %arg9[%dma_start3A, %dma_start3A_262, %dma_start3A_263] : memref<2x256x64xf32, #tpu.memory_space<vmem>> -> memref<1x128x64xf32, #tpu.memory_space<vmem>>
        %dma_start3A_265 = tpu.memref_squeeze %dma_start3A_264 : memref<1x128x64xf32, #tpu.memory_space<vmem>> -> memref<128x64xf32, #tpu.memory_space<vmem>>
        tpu.enqueue_dma source(%dma_start3A_265 : memref<128x64xf32, #tpu.memory_space<vmem>>) target(%dma_start3A_261 : memref<128x64xf32, #tpu.memory_space<hbm>>) target_semaphore(%arg13 : memref<!tpu.dma_semaphore, #tpu.memory_space<semaphore_mem>>)
      } else {
      }
      %mul3A_237 = arith.constant 2 : i32
      %mul3A_238 = arith.muli %add3A_200, %mul3A_237 : i32
      %add3A_239 = arith.addi %mul3A_2, %mul3A_238 : i32
      %add3A_240 = arith.constant 1 : i32
      %add3A_241 = arith.addi %add3A_239, %add3A_240 : i32
      %lt3A_242 = arith.constant 2500 : i32
      %lt3A_243 = arith.cmpi slt, %add3A_241, %lt3A_242 : i32
      %convert_element_type3A_244 = arith.extui %lt3A_243 : i1 to i32
      %cond3A_245 = arith.constant 0 : i32
      %cond3A_246 = arith.cmpi ne, %convert_element_type3A_244, %cond3A_245 : i32
      scf.if %cond3A_246 {
        %mul3A_247 = arith.constant 2 : i32
        %mul3A_248 = arith.muli %add3A_200, %mul3A_247 : i32
        %add3A_249 = arith.addi %mul3A_2, %mul3A_248 : i32
        %add3A_250 = arith.constant 1 : i32
        %add3A_251 = arith.addi %add3A_249, %add3A_250 : i32
        %mul3A_252 = arith.constant 128 : i32
        %mul3A_253 = arith.muli %add3A_251, %mul3A_252 : i32
        %dma_start3A = arith.constant 1 : i32
        %dma_start3A_254 = arith.constant 128 : i32
        %dma_start3A_255 = arith.constant 0 : i32
        %dma_start3A_256 = tpu.memref_slice %arg9[%dma_start3A, %dma_start3A_254, %dma_start3A_255] : memref<2x256x64xf32, #tpu.memory_space<vmem>> -> memref<1x128x64xf32, #tpu.memory_space<vmem>>
        %dma_start3A_257 = tpu.memref_squeeze %dma_start3A_256 : memref<1x128x64xf32, #tpu.memory_space<vmem>> -> memref<128x64xf32, #tpu.memory_space<vmem>>
        %dma_start3A_258 = arith.constant 0 : i32
        %dma_start3A_259 = tpu.memref_slice %arg6[%mul3A_253, %dma_start3A_258] : memref<320000x64xf32, #tpu.memory_space<hbm>> -> memref<128x64xf32, #tpu.memory_space<hbm>>
        %dma_start3A_260 = arith.constant 0 : i32
        %dma_start3A_261 = tpu.memref_slice %arg6[%mul3A_253, %dma_start3A_260] : memref<320000x64xf32, #tpu.memory_space<hbm>> -> memref<128x64xf32, #tpu.memory_space<hbm>>
        %dma_start3A_262 = arith.constant 128 : i32
        %dma_start3A_263 = arith.constant 0 : i32
        %dma_start3A_264 = tpu.memref_slice %arg9[%dma_start3A, %dma_start3A_262, %dma_start3A_263] : memref<2x256x64xf32, #tpu.memory_space<vmem>> -> memref<1x128x64xf32, #tpu.memory_space<vmem>>
        %dma_start3A_265 = tpu.memref_squeeze %dma_start3A_264 : memref<1x128x64xf32, #tpu.memory_space<vmem>> -> memref<128x64xf32, #tpu.memory_space<vmem>>
        tpu.enqueue_dma source(%dma_start3A_265 : memref<128x64xf32, #tpu.memory_space<vmem>>) target(%dma_start3A_261 : memref<128x64xf32, #tpu.memory_space<hbm>>) target_semaphore(%arg13 : memref<!tpu.dma_semaphore, #tpu.memory_space<semaphore_mem>>)
      } else {
      }
    }
    %scan3A_7 = arith.constant 20 : i32
    %add3A_8 = arith.constant 76 : i32
    %add3A_9 = arith.addi %mul3A_2, %add3A_8 : i32
    %add3A_10 = arith.constant 0 : i32
    %add3A_11 = arith.addi %add3A_9, %add3A_10 : i32
    %lt3A = arith.constant 2500 : i32
    %lt3A_12 = arith.cmpi slt, %add3A_11, %lt3A : i32
    %convert_element_type3A = arith.extui %lt3A_12 : i1 to i32
    %cond3A = arith.constant 0 : i32
    %cond3A_13 = arith.cmpi ne, %convert_element_type3A, %cond3A : i32
    scf.if %cond3A_13 {
      %add3A_41 = arith.constant 76 : i32
      %add3A_42 = arith.addi %mul3A_2, %add3A_41 : i32
      %add3A_43 = arith.constant 0 : i32
      %add3A_44 = arith.addi %add3A_42, %add3A_43 : i32
      %mul3A_45 = arith.constant 128 : i32
      %mul3A_46 = arith.muli %add3A_44, %mul3A_45 : i32
      %dma_wait3A = arith.constant 0 : i32
      %dma_wait3A_47 = arith.constant 0 : i32
      %dma_wait3A_48 = arith.constant 0 : i32
      %dma_wait3A_49 = tpu.memref_slice %arg9[%dma_wait3A, %dma_wait3A_47, %dma_wait3A_48] : memref<2x256x64xf32, #tpu.memory_space<vmem>> -> memref<1x128x64xf32, #tpu.memory_space<vmem>>
      %dma_wait3A_50 = tpu.memref_squeeze %dma_wait3A_49 : memref<1x128x64xf32, #tpu.memory_space<vmem>> -> memref<128x64xf32, #tpu.memory_space<vmem>>
      %dma_wait3A_51 = arith.constant 0 : i32
      %dma_wait3A_52 = tpu.memref_slice %arg6[%mul3A_46, %dma_wait3A_51] : memref<320000x64xf32, #tpu.memory_space<hbm>> -> memref<128x64xf32, #tpu.memory_space<hbm>>
      %dma_wait3A_53 = arith.constant 0 : i32
      %dma_wait3A_54 = tpu.memref_slice %arg6[%mul3A_46, %dma_wait3A_53] : memref<320000x64xf32, #tpu.memory_space<hbm>> -> memref<128x64xf32, #tpu.memory_space<hbm>>
      %dma_wait3A_55 = arith.constant 0 : i32
      %dma_wait3A_56 = arith.constant 0 : i32
      %dma_wait3A_57 = tpu.memref_slice %arg9[%dma_wait3A, %dma_wait3A_55, %dma_wait3A_56] : memref<2x256x64xf32, #tpu.memory_space<vmem>> -> memref<1x128x64xf32, #tpu.memory_space<vmem>>
      %dma_wait3A_58 = tpu.memref_squeeze %dma_wait3A_57 : memref<1x128x64xf32, #tpu.memory_space<vmem>> -> memref<128x64xf32, #tpu.memory_space<vmem>>
      tpu.wait_dma2 semaphore(%arg12 : memref<!tpu.dma_semaphore, #tpu.memory_space<semaphore_mem>>) src(%dma_wait3A_58 : memref<128x64xf32, #tpu.memory_space<vmem>>) dst(%dma_wait3A_54 : memref<128x64xf32, #tpu.memory_space<hbm>>)
    } else {
    }
    %add3A_14 = arith.constant 76 : i32
    %add3A_15 = arith.addi %mul3A_2, %add3A_14 : i32
    %add3A_16 = arith.constant 1 : i32
    %add3A_17 = arith.addi %add3A_15, %add3A_16 : i32
    %lt3A_18 = arith.constant 2500 : i32
    %lt3A_19 = arith.cmpi slt, %add3A_17, %lt3A_18 : i32
    %convert_element_type3A_20 = arith.extui %lt3A_19 : i1 to i32
    %cond3A_21 = arith.constant 0 : i32
    %cond3A_22 = arith.cmpi ne, %convert_element_type3A_20, %cond3A_21 : i32
    scf.if %cond3A_22 {
      %add3A_41 = arith.constant 76 : i32
      %add3A_42 = arith.addi %mul3A_2, %add3A_41 : i32
      %add3A_43 = arith.constant 1 : i32
      %add3A_44 = arith.addi %add3A_42, %add3A_43 : i32
      %mul3A_45 = arith.constant 128 : i32
      %mul3A_46 = arith.muli %add3A_44, %mul3A_45 : i32
      %dma_wait3A = arith.constant 0 : i32
      %dma_wait3A_47 = arith.constant 128 : i32
      %dma_wait3A_48 = arith.constant 0 : i32
      %dma_wait3A_49 = tpu.memref_slice %arg9[%dma_wait3A, %dma_wait3A_47, %dma_wait3A_48] : memref<2x256x64xf32, #tpu.memory_space<vmem>> -> memref<1x128x64xf32, #tpu.memory_space<vmem>>
      %dma_wait3A_50 = tpu.memref_squeeze %dma_wait3A_49 : memref<1x128x64xf32, #tpu.memory_space<vmem>> -> memref<128x64xf32, #tpu.memory_space<vmem>>
      %dma_wait3A_51 = arith.constant 0 : i32
      %dma_wait3A_52 = tpu.memref_slice %arg6[%mul3A_46, %dma_wait3A_51] : memref<320000x64xf32, #tpu.memory_space<hbm>> -> memref<128x64xf32, #tpu.memory_space<hbm>>
      %dma_wait3A_53 = arith.constant 0 : i32
      %dma_wait3A_54 = tpu.memref_slice %arg6[%mul3A_46, %dma_wait3A_53] : memref<320000x64xf32, #tpu.memory_space<hbm>> -> memref<128x64xf32, #tpu.memory_space<hbm>>
      %dma_wait3A_55 = arith.constant 128 : i32
      %dma_wait3A_56 = arith.constant 0 : i32
      %dma_wait3A_57 = tpu.memref_slice %arg9[%dma_wait3A, %dma_wait3A_55, %dma_wait3A_56] : memref<2x256x64xf32, #tpu.memory_space<vmem>> -> memref<1x128x64xf32, #tpu.memory_space<vmem>>
      %dma_wait3A_58 = tpu.memref_squeeze %dma_wait3A_57 : memref<1x128x64xf32, #tpu.memory_space<vmem>> -> memref<128x64xf32, #tpu.memory_space<vmem>>
      tpu.wait_dma2 semaphore(%arg12 : memref<!tpu.dma_semaphore, #tpu.memory_space<semaphore_mem>>) src(%dma_wait3A_58 : memref<128x64xf32, #tpu.memory_space<vmem>>) dst(%dma_wait3A_54 : memref<128x64xf32, #tpu.memory_space<hbm>>)
    } else {
    }
    %add3A_23 = arith.constant 78 : i32
    %add3A_24 = arith.addi %mul3A_2, %add3A_23 : i32
    %add3A_25 = arith.constant 0 : i32
    %add3A_26 = arith.addi %add3A_24, %add3A_25 : i32
    %lt3A_27 = arith.constant 2500 : i32
    %lt3A_28 = arith.cmpi slt, %add3A_26, %lt3A_27 : i32
    %convert_element_type3A_29 = arith.extui %lt3A_28 : i1 to i32
    %cond3A_30 = arith.constant 0 : i32
    %cond3A_31 = arith.cmpi ne, %convert_element_type3A_29, %cond3A_30 : i32
    scf.if %cond3A_31 {
      %add3A_41 = arith.constant 78 : i32
      %add3A_42 = arith.addi %mul3A_2, %add3A_41 : i32
      %add3A_43 = arith.constant 0 : i32
      %add3A_44 = arith.addi %add3A_42, %add3A_43 : i32
      %mul3A_45 = arith.constant 128 : i32
      %mul3A_46 = arith.muli %add3A_44, %mul3A_45 : i32
      %dma_wait3A = arith.constant 1 : i32
      %dma_wait3A_47 = arith.constant 0 : i32
      %dma_wait3A_48 = arith.constant 0 : i32
      %dma_wait3A_49 = tpu.memref_slice %arg9[%dma_wait3A, %dma_wait3A_47, %dma_wait3A_48] : memref<2x256x64xf32, #tpu.memory_space<vmem>> -> memref<1x128x64xf32, #tpu.memory_space<vmem>>
      %dma_wait3A_50 = tpu.memref_squeeze %dma_wait3A_49 : memref<1x128x64xf32, #tpu.memory_space<vmem>> -> memref<128x64xf32, #tpu.memory_space<vmem>>
      %dma_wait3A_51 = arith.constant 0 : i32
      %dma_wait3A_52 = tpu.memref_slice %arg6[%mul3A_46, %dma_wait3A_51] : memref<320000x64xf32, #tpu.memory_space<hbm>> -> memref<128x64xf32, #tpu.memory_space<hbm>>
      %dma_wait3A_53 = arith.constant 0 : i32
      %dma_wait3A_54 = tpu.memref_slice %arg6[%mul3A_46, %dma_wait3A_53] : memref<320000x64xf32, #tpu.memory_space<hbm>> -> memref<128x64xf32, #tpu.memory_space<hbm>>
      %dma_wait3A_55 = arith.constant 0 : i32
      %dma_wait3A_56 = arith.constant 0 : i32
      %dma_wait3A_57 = tpu.memref_slice %arg9[%dma_wait3A, %dma_wait3A_55, %dma_wait3A_56] : memref<2x256x64xf32, #tpu.memory_space<vmem>> -> memref<1x128x64xf32, #tpu.memory_space<vmem>>
      %dma_wait3A_58 = tpu.memref_squeeze %dma_wait3A_57 : memref<1x128x64xf32, #tpu.memory_space<vmem>> -> memref<128x64xf32, #tpu.memory_space<vmem>>
      tpu.wait_dma2 semaphore(%arg13 : memref<!tpu.dma_semaphore, #tpu.memory_space<semaphore_mem>>) src(%dma_wait3A_58 : memref<128x64xf32, #tpu.memory_space<vmem>>) dst(%dma_wait3A_54 : memref<128x64xf32, #tpu.memory_space<hbm>>)
    } else {
    }
    %add3A_32 = arith.constant 78 : i32
    %add3A_33 = arith.addi %mul3A_2, %add3A_32 : i32
    %add3A_34 = arith.constant 1 : i32
    %add3A_35 = arith.addi %add3A_33, %add3A_34 : i32
    %lt3A_36 = arith.constant 2500 : i32
    %lt3A_37 = arith.cmpi slt, %add3A_35, %lt3A_36 : i32
    %convert_element_type3A_38 = arith.extui %lt3A_37 : i1 to i32
    %cond3A_39 = arith.constant 0 : i32
    %cond3A_40 = arith.cmpi ne, %convert_element_type3A_38, %cond3A_39 : i32
    scf.if %cond3A_40 {
      %add3A_41 = arith.constant 78 : i32
      %add3A_42 = arith.addi %mul3A_2, %add3A_41 : i32
      %add3A_43 = arith.constant 1 : i32
      %add3A_44 = arith.addi %add3A_42, %add3A_43 : i32
      %mul3A_45 = arith.constant 128 : i32
      %mul3A_46 = arith.muli %add3A_44, %mul3A_45 : i32
      %dma_wait3A = arith.constant 1 : i32
      %dma_wait3A_47 = arith.constant 128 : i32
      %dma_wait3A_48 = arith.constant 0 : i32
      %dma_wait3A_49 = tpu.memref_slice %arg9[%dma_wait3A, %dma_wait3A_47, %dma_wait3A_48] : memref<2x256x64xf32, #tpu.memory_space<vmem>> -> memref<1x128x64xf32, #tpu.memory_space<vmem>>
      %dma_wait3A_50 = tpu.memref_squeeze %dma_wait3A_49 : memref<1x128x64xf32, #tpu.memory_space<vmem>> -> memref<128x64xf32, #tpu.memory_space<vmem>>
      %dma_wait3A_51 = arith.constant 0 : i32
      %dma_wait3A_52 = tpu.memref_slice %arg6[%mul3A_46, %dma_wait3A_51] : memref<320000x64xf32, #tpu.memory_space<hbm>> -> memref<128x64xf32, #tpu.memory_space<hbm>>
      %dma_wait3A_53 = arith.constant 0 : i32
      %dma_wait3A_54 = tpu.memref_slice %arg6[%mul3A_46, %dma_wait3A_53] : memref<320000x64xf32, #tpu.memory_space<hbm>> -> memref<128x64xf32, #tpu.memory_space<hbm>>
      %dma_wait3A_55 = arith.constant 128 : i32
      %dma_wait3A_56 = arith.constant 0 : i32
      %dma_wait3A_57 = tpu.memref_slice %arg9[%dma_wait3A, %dma_wait3A_55, %dma_wait3A_56] : memref<2x256x64xf32, #tpu.memory_space<vmem>> -> memref<1x128x64xf32, #tpu.memory_space<vmem>>
      %dma_wait3A_58 = tpu.memref_squeeze %dma_wait3A_57 : memref<1x128x64xf32, #tpu.memory_space<vmem>> -> memref<128x64xf32, #tpu.memory_space<vmem>>
      tpu.wait_dma2 semaphore(%arg13 : memref<!tpu.dma_semaphore, #tpu.memory_space<semaphore_mem>>) src(%dma_wait3A_58 : memref<128x64xf32, #tpu.memory_space<vmem>>) dst(%dma_wait3A_54 : memref<128x64xf32, #tpu.memory_space<hbm>>)
    } else {
    }
    return
  }
}

#map = affine_map<(d0, d1) -> (0, 0)>
#map1 = affine_map<(d0, d1) -> (0, 0, 0)>
module attributes {stable_mosaic.version = 14 : i64} {
  func.func @_sc_scatter_body(%arg0: i32, %arg1: i32, %arg2: memref<320000x32xf32, #tpu.memory_space<hbm>>, %arg3: memref<10000x64xf32, #tpu.memory_space<hbm>>, %arg4: memref<2560x128xi32, #tpu.memory_space<hbm>>, %arg5: memref<2560x128xi32, #tpu.memory_space<hbm>>, %arg6: memref<10000x80xf32, #tpu.memory_space<hbm>>, %arg7: memref<2x10000x80xf32, #tpu.memory_space<hbm>>, %arg8: memref<10000x80xf32, #tpu.memory_space<vmem_shared>>, %arg9: memref<80x128xi32, #tpu.memory_space<vmem>>, %arg10: memref<80x128xi32, #tpu.memory_space<vmem>>, %arg11: memref<2x128x32xf32, #tpu.memory_space<vmem>>, %arg12: memref<2x128x64xf32, #tpu.memory_space<vmem>>, %arg13: memref<2x128x80xf32, #tpu.memory_space<vmem>>, %arg14: memref<!tpu.dma_semaphore, #tpu.memory_space<semaphore_mem>>, %arg15: memref<!tpu.dma_semaphore, #tpu.memory_space<semaphore_mem>>, %arg16: memref<!tpu.dma_semaphore, #tpu.memory_space<semaphore_mem>>) attributes {dimension_semantics = [#tpu.dimension_semantics<core_parallel>, #tpu.dimension_semantics<subcore_parallel>], iteration_bounds = array<i64: 2, 16>, scalar_prefetch = 0 : i64, scratch_operands = 9 : i64, tpu.core_type = #tpu.core_type<sc_vector_subcore>, window_params = [{transform_indices = #map}, {transform_indices = #map}, {transform_indices = #map}, {transform_indices = #map}, {transform_indices = #map}, {transform_indices = #map1}]} {
    %mul3A = arith.constant 2 : i32
    %mul3A_0 = arith.muli %arg1, %mul3A : i32
    %add3A = arith.addi %mul3A_0, %arg0 : i32
    %mul3A_1 = arith.constant 80 : i32
    %mul3A_2 = arith.muli %add3A, %mul3A_1 : i32
    "tpu.region"() ({
      %run_scoped3A = tpu.sem_alloc : memref<!tpu.dma_semaphore, #tpu.memory_space<semaphore_mem>>
      %dma_start3A = arith.constant 0 : i32
      %dma_start3A_17 = tpu.memref_slice %arg4[%mul3A_2, %dma_start3A] : memref<2560x128xi32, #tpu.memory_space<hbm>> -> memref<80x128xi32, #tpu.memory_space<hbm>>
      %dma_start3A_18 = arith.constant 0 : i32
      %dma_start3A_19 = tpu.memref_slice %arg4[%mul3A_2, %dma_start3A_18] : memref<2560x128xi32, #tpu.memory_space<hbm>> -> memref<80x128xi32, #tpu.memory_space<hbm>>
      tpu.enqueue_dma source(%dma_start3A_19 : memref<80x128xi32, #tpu.memory_space<hbm>>) target(%arg9 : memref<80x128xi32, #tpu.memory_space<vmem>>) target_semaphore(%run_scoped3A : memref<!tpu.dma_semaphore, #tpu.memory_space<semaphore_mem>>)
      %dma_wait3A = arith.constant 0 : i32
      %dma_wait3A_20 = tpu.memref_slice %arg4[%mul3A_2, %dma_wait3A] : memref<2560x128xi32, #tpu.memory_space<hbm>> -> memref<80x128xi32, #tpu.memory_space<hbm>>
      %dma_wait3A_21 = arith.constant 0 : i32
      %dma_wait3A_22 = tpu.memref_slice %arg4[%mul3A_2, %dma_wait3A_21] : memref<2560x128xi32, #tpu.memory_space<hbm>> -> memref<80x128xi32, #tpu.memory_space<hbm>>
      tpu.wait_dma2 semaphore(%run_scoped3A : memref<!tpu.dma_semaphore, #tpu.memory_space<semaphore_mem>>) src(%dma_wait3A_22 : memref<80x128xi32, #tpu.memory_space<hbm>>) dst(%arg9 : memref<80x128xi32, #tpu.memory_space<vmem>>)
      tpu.yield
    }) : () -> ()
    "tpu.region"() ({
      %run_scoped3A = tpu.sem_alloc : memref<!tpu.dma_semaphore, #tpu.memory_space<semaphore_mem>>
      %dma_start3A = arith.constant 0 : i32
      %dma_start3A_17 = tpu.memref_slice %arg5[%mul3A_2, %dma_start3A] : memref<2560x128xi32, #tpu.memory_space<hbm>> -> memref<80x128xi32, #tpu.memory_space<hbm>>
      %dma_start3A_18 = arith.constant 0 : i32
      %dma_start3A_19 = tpu.memref_slice %arg5[%mul3A_2, %dma_start3A_18] : memref<2560x128xi32, #tpu.memory_space<hbm>> -> memref<80x128xi32, #tpu.memory_space<hbm>>
      tpu.enqueue_dma source(%dma_start3A_19 : memref<80x128xi32, #tpu.memory_space<hbm>>) target(%arg10 : memref<80x128xi32, #tpu.memory_space<vmem>>) target_semaphore(%run_scoped3A : memref<!tpu.dma_semaphore, #tpu.memory_space<semaphore_mem>>)
      %dma_wait3A = arith.constant 0 : i32
      %dma_wait3A_20 = tpu.memref_slice %arg5[%mul3A_2, %dma_wait3A] : memref<2560x128xi32, #tpu.memory_space<hbm>> -> memref<80x128xi32, #tpu.memory_space<hbm>>
      %dma_wait3A_21 = arith.constant 0 : i32
      %dma_wait3A_22 = tpu.memref_slice %arg5[%mul3A_2, %dma_wait3A_21] : memref<2560x128xi32, #tpu.memory_space<hbm>> -> memref<80x128xi32, #tpu.memory_space<hbm>>
      tpu.wait_dma2 semaphore(%run_scoped3A : memref<!tpu.dma_semaphore, #tpu.memory_space<semaphore_mem>>) src(%dma_wait3A_22 : memref<80x128xi32, #tpu.memory_space<hbm>>) dst(%arg10 : memref<80x128xi32, #tpu.memory_space<vmem>>)
      tpu.yield
    }) : () -> ()
    %mul3A_3 = arith.constant 625 : i32
    %mul3A_4 = arith.muli %arg1, %mul3A_3 : i32
    %mul3A_5 = arith.constant 625 : i32
    %mul3A_6 = arith.muli %arg1, %mul3A_5 : i32
    "tpu.region"() ({
      %run_scoped3A = tpu.sem_alloc : memref<!tpu.dma_semaphore, #tpu.memory_space<semaphore_mem>>
      %dma_start3A = arith.constant 0 : i32
      %dma_start3A_17 = tpu.memref_slice %arg8[%mul3A_6, %dma_start3A] : memref<10000x80xf32, #tpu.memory_space<vmem_shared>> -> memref<625x80xf32, #tpu.memory_space<vmem_shared>>
      %dma_start3A_18 = arith.constant 0 : i32
      %dma_start3A_19 = tpu.memref_slice %arg6[%mul3A_4, %dma_start3A_18] : memref<10000x80xf32, #tpu.memory_space<hbm>> -> memref<625x80xf32, #tpu.memory_space<hbm>>
      tpu.enqueue_dma source(%dma_start3A_19 : memref<625x80xf32, #tpu.memory_space<hbm>>) target(%dma_start3A_17 : memref<625x80xf32, #tpu.memory_space<vmem_shared>>) target_semaphore(%run_scoped3A : memref<!tpu.dma_semaphore, #tpu.memory_space<semaphore_mem>>)
      %dma_wait3A = arith.constant 0 : i32
      %dma_wait3A_20 = tpu.memref_slice %arg8[%mul3A_6, %dma_wait3A] : memref<10000x80xf32, #tpu.memory_space<vmem_shared>> -> memref<625x80xf32, #tpu.memory_space<vmem_shared>>
      %dma_wait3A_21 = arith.constant 0 : i32
      %dma_wait3A_22 = tpu.memref_slice %arg6[%mul3A_4, %dma_wait3A_21] : memref<10000x80xf32, #tpu.memory_space<hbm>> -> memref<625x80xf32, #tpu.memory_space<hbm>>
      tpu.wait_dma2 semaphore(%run_scoped3A : memref<!tpu.dma_semaphore, #tpu.memory_space<semaphore_mem>>) src(%dma_wait3A_22 : memref<625x80xf32, #tpu.memory_space<hbm>>) dst(%dma_wait3A_20 : memref<625x80xf32, #tpu.memory_space<vmem_shared>>)
      tpu.yield
    }) : () -> ()
    %barrier3A = arith.constant 0 : index
    tpu.barrier barrier_id(%barrier3A)
    %iota3A = tpu.iota {dimensions = array<i32: 0>} : vector<16xi32>
    %scan3A = arith.constant 0 : i32
    %scan3A_7 = arith.constant 0 : i32
    %scan3A_8 = arith.constant 40 : i32
    %scan3A_9 = arith.addi %scan3A_7, %scan3A_8 : i32
    %scan3A_10 = arith.constant 1 : i32
    scf.for %scan3A_17 = %scan3A_7 to %scan3A_9 step %scan3A_10  : i32 {
      %mul3A_18 = arith.constant 2 : i32
      %mul3A_19 = arith.muli %scan3A_17, %mul3A_18 : i32
      %add3A_20 = arith.constant 0 : i32
      %add3A_21 = arith.addi %mul3A_19, %add3A_20 : i32
      %mul3A_22 = arith.constant 1 : i32
      %mul3A_23 = arith.muli %add3A_21, %mul3A_22 : i32
      %add3A_24 = arith.addi %mul3A_2, %mul3A_23 : i32
      %add3A_25 = arith.constant 0 : i32
      %add3A_26 = arith.addi %add3A_24, %add3A_25 : i32
      %lt3A = arith.constant 2500 : i32
      %lt3A_27 = arith.cmpi slt, %add3A_26, %lt3A : i32
      %convert_element_type3A = arith.extui %lt3A_27 : i1 to i32
      %cond3A = arith.constant 0 : i32
      %cond3A_28 = arith.cmpi ne, %convert_element_type3A, %cond3A : i32
      scf.if %cond3A_28 {
        %mul3A_91 = arith.constant 1 : i32
        %mul3A_92 = arith.muli %add3A_21, %mul3A_91 : i32
        %add3A_93 = arith.addi %mul3A_2, %mul3A_92 : i32
        %add3A_94 = arith.constant 0 : i32
        %add3A_95 = arith.addi %add3A_93, %add3A_94 : i32
        %mul3A_96 = arith.constant 128 : i32
        %mul3A_97 = arith.muli %add3A_95, %mul3A_96 : i32
        %mul3A_98 = arith.constant 1 : i32
        %mul3A_99 = arith.muli %add3A_21, %mul3A_98 : i32
        %add3A_100 = arith.constant 0 : i32
        %add3A_101 = arith.addi %mul3A_99, %add3A_100 : i32
        %dma_start3A = arith.constant 0 : i32
        %dma_start3A_102 = arith.constant 0 : i32
        %dma_start3A_103 = arith.constant 0 : i32
        %dma_start3A_104 = tpu.memref_slice %arg11[%dma_start3A, %dma_start3A_102, %dma_start3A_103] : memref<2x128x32xf32, #tpu.memory_space<vmem>> -> memref<1x128x32xf32, #tpu.memory_space<vmem>>
        %dma_start3A_105 = tpu.memref_squeeze %dma_start3A_104 : memref<1x128x32xf32, #tpu.memory_space<vmem>> -> memref<128x32xf32, #tpu.memory_space<vmem>>
        %dma_start3A_106 = arith.constant 0 : i32
        %dma_start3A_107 = tpu.memref_slice %arg2[%mul3A_97, %dma_start3A_106] : memref<320000x32xf32, #tpu.memory_space<hbm>> -> memref<128x32xf32, #tpu.memory_space<hbm>>
        %dma_start3A_108 = arith.constant 0 : i32
        %dma_start3A_109 = arith.constant 0 : i32
        %dma_start3A_110 = tpu.memref_slice %arg11[%dma_start3A, %dma_start3A_108, %dma_start3A_109] : memref<2x128x32xf32, #tpu.memory_space<vmem>> -> memref<1x128x32xf32, #tpu.memory_space<vmem>>
        %dma_start3A_111 = tpu.memref_squeeze %dma_start3A_110 : memref<1x128x32xf32, #tpu.memory_space<vmem>> -> memref<128x32xf32, #tpu.memory_space<vmem>>
        %dma_start3A_112 = arith.constant 0 : i32
        %dma_start3A_113 = tpu.memref_slice %arg2[%mul3A_97, %dma_start3A_112] : memref<320000x32xf32, #tpu.memory_space<hbm>> -> memref<128x32xf32, #tpu.memory_space<hbm>>
        tpu.enqueue_dma source(%dma_start3A_113 : memref<128x32xf32, #tpu.memory_space<hbm>>) target(%dma_start3A_111 : memref<128x32xf32, #tpu.memory_space<vmem>>) target_semaphore(%arg14 : memref<!tpu.dma_semaphore, #tpu.memory_space<semaphore_mem>>)
        %dma_start3A_114 = arith.constant 0 : i32
        %dma_start3A_115 = arith.constant 0 : i32
        %dma_start3A_116 = arith.constant 0 : i32
        %dma_start3A_117 = tpu.memref_slice %arg12[%dma_start3A_114, %dma_start3A_115, %dma_start3A_116] : memref<2x128x64xf32, #tpu.memory_space<vmem>> -> memref<1x128x64xf32, #tpu.memory_space<vmem>>
        %dma_start3A_118 = tpu.memref_squeeze %dma_start3A_117 : memref<1x128x64xf32, #tpu.memory_space<vmem>> -> memref<128x64xf32, #tpu.memory_space<vmem>>
        %dma_start3A_119 = arith.constant 0 : i32
        %dma_start3A_120 = tpu.memref_slice %arg9[%add3A_101, %dma_start3A_119] : memref<80x128xi32, #tpu.memory_space<vmem>> -> memref<1x128xi32, #tpu.memory_space<vmem>>
        %dma_start3A_121 = tpu.memref_squeeze %dma_start3A_120 : memref<1x128xi32, #tpu.memory_space<vmem>> -> memref<128xi32, #tpu.memory_space<vmem>>
        %dma_start3A_122 = arith.constant 0 : i32
        %dma_start3A_123 = arith.constant 0 : i32
        %dma_start3A_124 = tpu.memref_slice %arg3[%dma_start3A_122, %dma_start3A_123] : memref<10000x64xf32, #tpu.memory_space<hbm>> -> memref<10000x64xf32, #tpu.memory_space<hbm>>
        tpu.enqueue_indirect_dma source(%dma_start3A_124 : memref<10000x64xf32, #tpu.memory_space<hbm>>) target(%dma_start3A_118 : memref<128x64xf32, #tpu.memory_space<vmem>>) offsets(%dma_start3A_121 : memref<128xi32, #tpu.memory_space<vmem>>) semaphore(%arg14 : memref<!tpu.dma_semaphore, #tpu.memory_space<semaphore_mem>>)
      } else {
      }
      %mul3A_29 = arith.constant 2 : i32
      %mul3A_30 = arith.muli %scan3A_17, %mul3A_29 : i32
      %add3A_31 = arith.constant 1 : i32
      %add3A_32 = arith.addi %mul3A_30, %add3A_31 : i32
      %mul3A_33 = arith.constant 1 : i32
      %mul3A_34 = arith.muli %add3A_32, %mul3A_33 : i32
      %add3A_35 = arith.addi %mul3A_2, %mul3A_34 : i32
      %add3A_36 = arith.constant 0 : i32
      %add3A_37 = arith.addi %add3A_35, %add3A_36 : i32
      %lt3A_38 = arith.constant 2500 : i32
      %lt3A_39 = arith.cmpi slt, %add3A_37, %lt3A_38 : i32
      %convert_element_type3A_40 = arith.extui %lt3A_39 : i1 to i32
      %cond3A_41 = arith.constant 0 : i32
      %cond3A_42 = arith.cmpi ne, %convert_element_type3A_40, %cond3A_41 : i32
      scf.if %cond3A_42 {
        %mul3A_91 = arith.constant 1 : i32
        %mul3A_92 = arith.muli %add3A_32, %mul3A_91 : i32
        %add3A_93 = arith.addi %mul3A_2, %mul3A_92 : i32
        %add3A_94 = arith.constant 0 : i32
        %add3A_95 = arith.addi %add3A_93, %add3A_94 : i32
        %mul3A_96 = arith.constant 128 : i32
        %mul3A_97 = arith.muli %add3A_95, %mul3A_96 : i32
        %mul3A_98 = arith.constant 1 : i32
        %mul3A_99 = arith.muli %add3A_32, %mul3A_98 : i32
        %add3A_100 = arith.constant 0 : i32
        %add3A_101 = arith.addi %mul3A_99, %add3A_100 : i32
        %dma_start3A = arith.constant 1 : i32
        %dma_start3A_102 = arith.constant 0 : i32
        %dma_start3A_103 = arith.constant 0 : i32
        %dma_start3A_104 = tpu.memref_slice %arg11[%dma_start3A, %dma_start3A_102, %dma_start3A_103] : memref<2x128x32xf32, #tpu.memory_space<vmem>> -> memref<1x128x32xf32, #tpu.memory_space<vmem>>
        %dma_start3A_105 = tpu.memref_squeeze %dma_start3A_104 : memref<1x128x32xf32, #tpu.memory_space<vmem>> -> memref<128x32xf32, #tpu.memory_space<vmem>>
        %dma_start3A_106 = arith.constant 0 : i32
        %dma_start3A_107 = tpu.memref_slice %arg2[%mul3A_97, %dma_start3A_106] : memref<320000x32xf32, #tpu.memory_space<hbm>> -> memref<128x32xf32, #tpu.memory_space<hbm>>
        %dma_start3A_108 = arith.constant 0 : i32
        %dma_start3A_109 = arith.constant 0 : i32
        %dma_start3A_110 = tpu.memref_slice %arg11[%dma_start3A, %dma_start3A_108, %dma_start3A_109] : memref<2x128x32xf32, #tpu.memory_space<vmem>> -> memref<1x128x32xf32, #tpu.memory_space<vmem>>
        %dma_start3A_111 = tpu.memref_squeeze %dma_start3A_110 : memref<1x128x32xf32, #tpu.memory_space<vmem>> -> memref<128x32xf32, #tpu.memory_space<vmem>>
        %dma_start3A_112 = arith.constant 0 : i32
        %dma_start3A_113 = tpu.memref_slice %arg2[%mul3A_97, %dma_start3A_112] : memref<320000x32xf32, #tpu.memory_space<hbm>> -> memref<128x32xf32, #tpu.memory_space<hbm>>
        tpu.enqueue_dma source(%dma_start3A_113 : memref<128x32xf32, #tpu.memory_space<hbm>>) target(%dma_start3A_111 : memref<128x32xf32, #tpu.memory_space<vmem>>) target_semaphore(%arg15 : memref<!tpu.dma_semaphore, #tpu.memory_space<semaphore_mem>>)
        %dma_start3A_114 = arith.constant 1 : i32
        %dma_start3A_115 = arith.constant 0 : i32
        %dma_start3A_116 = arith.constant 0 : i32
        %dma_start3A_117 = tpu.memref_slice %arg12[%dma_start3A_114, %dma_start3A_115, %dma_start3A_116] : memref<2x128x64xf32, #tpu.memory_space<vmem>> -> memref<1x128x64xf32, #tpu.memory_space<vmem>>
        %dma_start3A_118 = tpu.memref_squeeze %dma_start3A_117 : memref<1x128x64xf32, #tpu.memory_space<vmem>> -> memref<128x64xf32, #tpu.memory_space<vmem>>
        %dma_start3A_119 = arith.constant 0 : i32
        %dma_start3A_120 = tpu.memref_slice %arg9[%add3A_101, %dma_start3A_119] : memref<80x128xi32, #tpu.memory_space<vmem>> -> memref<1x128xi32, #tpu.memory_space<vmem>>
        %dma_start3A_121 = tpu.memref_squeeze %dma_start3A_120 : memref<1x128xi32, #tpu.memory_space<vmem>> -> memref<128xi32, #tpu.memory_space<vmem>>
        %dma_start3A_122 = arith.constant 0 : i32
        %dma_start3A_123 = arith.constant 0 : i32
        %dma_start3A_124 = tpu.memref_slice %arg3[%dma_start3A_122, %dma_start3A_123] : memref<10000x64xf32, #tpu.memory_space<hbm>> -> memref<10000x64xf32, #tpu.memory_space<hbm>>
        tpu.enqueue_indirect_dma source(%dma_start3A_124 : memref<10000x64xf32, #tpu.memory_space<hbm>>) target(%dma_start3A_118 : memref<128x64xf32, #tpu.memory_space<vmem>>) offsets(%dma_start3A_121 : memref<128xi32, #tpu.memory_space<vmem>>) semaphore(%arg15 : memref<!tpu.dma_semaphore, #tpu.memory_space<semaphore_mem>>)
      } else {
      }
      %mul3A_43 = arith.constant 2 : i32
      %mul3A_44 = arith.muli %scan3A_17, %mul3A_43 : i32
      %add3A_45 = arith.constant 0 : i32
      %add3A_46 = arith.addi %mul3A_44, %add3A_45 : i32
      %mul3A_47 = arith.constant 1 : i32
      %mul3A_48 = arith.muli %add3A_46, %mul3A_47 : i32
      %add3A_49 = arith.addi %mul3A_2, %mul3A_48 : i32
      %add3A_50 = arith.constant 0 : i32
      %add3A_51 = arith.addi %add3A_49, %add3A_50 : i32
      %lt3A_52 = arith.constant 2500 : i32
      %lt3A_53 = arith.cmpi slt, %add3A_51, %lt3A_52 : i32
      %convert_element_type3A_54 = arith.extui %lt3A_53 : i1 to i32
      %cond3A_55 = arith.constant 0 : i32
      %cond3A_56 = arith.cmpi ne, %convert_element_type3A_54, %cond3A_55 : i32
      scf.if %cond3A_56 {
        %mul3A_91 = arith.constant 1 : i32
        %mul3A_92 = arith.muli %add3A_46, %mul3A_91 : i32
        %add3A_93 = arith.addi %mul3A_2, %mul3A_92 : i32
        %add3A_94 = arith.constant 0 : i32
        %add3A_95 = arith.addi %add3A_93, %add3A_94 : i32
        %mul3A_96 = arith.constant 128 : i32
        %mul3A_97 = arith.muli %add3A_95, %mul3A_96 : i32
        %mul3A_98 = arith.constant 1 : i32
        %mul3A_99 = arith.muli %add3A_46, %mul3A_98 : i32
        %add3A_100 = arith.constant 0 : i32
        %add3A_101 = arith.addi %mul3A_99, %add3A_100 : i32
        %dma_wait3A = arith.constant 0 : i32
        %dma_wait3A_102 = arith.constant 0 : i32
        %dma_wait3A_103 = arith.constant 0 : i32
        %dma_wait3A_104 = tpu.memref_slice %arg11[%dma_wait3A, %dma_wait3A_102, %dma_wait3A_103] : memref<2x128x32xf32, #tpu.memory_space<vmem>> -> memref<1x128x32xf32, #tpu.memory_space<vmem>>
        %dma_wait3A_105 = tpu.memref_squeeze %dma_wait3A_104 : memref<1x128x32xf32, #tpu.memory_space<vmem>> -> memref<128x32xf32, #tpu.memory_space<vmem>>
        %dma_wait3A_106 = arith.constant 0 : i32
        %dma_wait3A_107 = tpu.memref_slice %arg2[%mul3A_97, %dma_wait3A_106] : memref<320000x32xf32, #tpu.memory_space<hbm>> -> memref<128x32xf32, #tpu.memory_space<hbm>>
        %dma_wait3A_108 = arith.constant 0 : i32
        %dma_wait3A_109 = arith.constant 0 : i32
        %dma_wait3A_110 = tpu.memref_slice %arg11[%dma_wait3A, %dma_wait3A_108, %dma_wait3A_109] : memref<2x128x32xf32, #tpu.memory_space<vmem>> -> memref<1x128x32xf32, #tpu.memory_space<vmem>>
        %dma_wait3A_111 = tpu.memref_squeeze %dma_wait3A_110 : memref<1x128x32xf32, #tpu.memory_space<vmem>> -> memref<128x32xf32, #tpu.memory_space<vmem>>
        %dma_wait3A_112 = arith.constant 0 : i32
        %dma_wait3A_113 = tpu.memref_slice %arg2[%mul3A_97, %dma_wait3A_112] : memref<320000x32xf32, #tpu.memory_space<hbm>> -> memref<128x32xf32, #tpu.memory_space<hbm>>
        tpu.wait_dma2 semaphore(%arg14 : memref<!tpu.dma_semaphore, #tpu.memory_space<semaphore_mem>>) src(%dma_wait3A_113 : memref<128x32xf32, #tpu.memory_space<hbm>>) dst(%dma_wait3A_111 : memref<128x32xf32, #tpu.memory_space<vmem>>)
        %dma_wait3A_114 = arith.constant 0 : i32
        %dma_wait3A_115 = arith.constant 0 : i32
        %dma_wait3A_116 = arith.constant 0 : i32
        %dma_wait3A_117 = tpu.memref_slice %arg12[%dma_wait3A_114, %dma_wait3A_115, %dma_wait3A_116] : memref<2x128x64xf32, #tpu.memory_space<vmem>> -> memref<1x128x64xf32, #tpu.memory_space<vmem>>
        %dma_wait3A_118 = tpu.memref_squeeze %dma_wait3A_117 : memref<1x128x64xf32, #tpu.memory_space<vmem>> -> memref<128x64xf32, #tpu.memory_space<vmem>>
        %dma_wait3A_119 = arith.constant 0 : i32
        %dma_wait3A_120 = tpu.memref_slice %arg9[%add3A_101, %dma_wait3A_119] : memref<80x128xi32, #tpu.memory_space<vmem>> -> memref<1x128xi32, #tpu.memory_space<vmem>>
        %dma_wait3A_121 = tpu.memref_squeeze %dma_wait3A_120 : memref<1x128xi32, #tpu.memory_space<vmem>> -> memref<128xi32, #tpu.memory_space<vmem>>
        %dma_wait3A_122 = arith.constant 0 : i32
        %dma_wait3A_123 = arith.constant 0 : i32
        %dma_wait3A_124 = tpu.memref_slice %arg3[%dma_wait3A_122, %dma_wait3A_123] : memref<10000x64xf32, #tpu.memory_space<hbm>> -> memref<10000x64xf32, #tpu.memory_space<hbm>>
        tpu.wait_indirect_dma semaphore(%arg14 : memref<!tpu.dma_semaphore, #tpu.memory_space<semaphore_mem>>) src(%dma_wait3A_124 : memref<10000x64xf32, #tpu.memory_space<hbm>>) dst(%dma_wait3A_118 : memref<128x64xf32, #tpu.memory_space<vmem>>)
        %scan3A_125 = arith.constant 0 : i32
        %scan3A_126 = arith.constant 0 : i32
        %scan3A_127 = arith.constant 128 : i32
        %scan3A_128 = arith.addi %scan3A_126, %scan3A_127 : i32
        %scan3A_129 = arith.constant 1 : i32
        scf.for %scan3A_145 = %scan3A_126 to %scan3A_128 step %scan3A_129  : i32 {
          %add3A_146 = arith.constant 0 : i32
          %add3A_147 = arith.addi %add3A_146, %scan3A_145 : i32
          %get3A = arith.constant 0 : i32
          %get3A_148 = arith.index_cast %get3A : i32 to index
          %get3A_149 = arith.index_cast %add3A_147 : i32 to index
          %get3A_150 = arith.constant 0 : index
          %get3A_151 = tpu.vector_load %arg11[%get3A_148, %get3A_149, %get3A_150] {strides = array<i32>} : memref<2x128x32xf32, #tpu.memory_space<vmem>>, vector<1x1x16xf32>,
          %get3A_152 = vector.shape_cast %get3A_151 : vector<1x1x16xf32> to vector<16xf32>
          %get3A_153 = arith.constant 0 : i32
          %get3A_154 = arith.index_cast %get3A_153 : i32 to index
          %get3A_155 = arith.index_cast %add3A_147 : i32 to index
          %get3A_156 = arith.constant 16 : index
          %get3A_157 = tpu.vector_load %arg11[%get3A_154, %get3A_155, %get3A_156] {strides = array<i32>} : memref<2x128x32xf32, #tpu.memory_space<vmem>>, vector<1x1x16xf32>,
          %get3A_158 = vector.shape_cast %get3A_157 : vector<1x1x16xf32> to vector<16xf32>
          %get3A_159 = arith.constant 0 : i32
          %get3A_160 = arith.index_cast %get3A_159 : i32 to index
          %get3A_161 = arith.index_cast %add3A_147 : i32 to index
          %get3A_162 = arith.constant 0 : index
          %get3A_163 = tpu.vector_load %arg12[%get3A_160, %get3A_161, %get3A_162] {strides = array<i32>} : memref<2x128x64xf32, #tpu.memory_space<vmem>>, vector<1x1x16xf32>,
          %get3A_164 = vector.shape_cast %get3A_163 : vector<1x1x16xf32> to vector<16xf32>
          %mul3A_165 = arith.mulf %get3A_164, %get3A_152 : vector<16xf32>
          %swap3A = arith.constant 0 : i32
          %swap3A_166 = arith.index_cast %swap3A : i32 to index
          %swap3A_167 = arith.index_cast %add3A_147 : i32 to index
          %swap3A_168 = arith.constant 0 : index
          %swap3A_169 = tpu.vector_load %arg13[%swap3A_166, %swap3A_167, %swap3A_168] {strides = array<i32>} : memref<2x128x80xf32, #tpu.memory_space<vmem>>, vector<1x1x16xf32>,
          %swap3A_170 = vector.shape_cast %swap3A_169 : vector<1x1x16xf32> to vector<16xf32>
          %swap3A_171 = vector.shape_cast %mul3A_165 : vector<16xf32> to vector<1x1x16xf32>
          tpu.vector_store %arg13[%swap3A_166, %swap3A_167, %swap3A_168], %swap3A_171 {strides = array<i32>} : memref<2x128x80xf32, #tpu.memory_space<vmem>>, vector<1x1x16xf32>,
          %get3A_172 = arith.constant 0 : i32
          %get3A_173 = arith.index_cast %get3A_172 : i32 to index
          %get3A_174 = arith.index_cast %add3A_147 : i32 to index
          %get3A_175 = arith.constant 16 : index
          %get3A_176 = tpu.vector_load %arg12[%get3A_173, %get3A_174, %get3A_175] {strides = array<i32>} : memref<2x128x64xf32, #tpu.memory_space<vmem>>, vector<1x1x16xf32>,
          %get3A_177 = vector.shape_cast %get3A_176 : vector<1x1x16xf32> to vector<16xf32>
          %mul3A_178 = arith.mulf %get3A_177, %get3A_152 : vector<16xf32>
          %swap3A_179 = arith.constant 0 : i32
          %swap3A_180 = arith.index_cast %swap3A_179 : i32 to index
          %swap3A_181 = arith.index_cast %add3A_147 : i32 to index
          %swap3A_182 = arith.constant 16 : index
          %swap3A_183 = tpu.vector_load %arg13[%swap3A_180, %swap3A_181, %swap3A_182] {strides = array<i32>} : memref<2x128x80xf32, #tpu.memory_space<vmem>>, vector<1x1x16xf32>,
          %swap3A_184 = vector.shape_cast %swap3A_183 : vector<1x1x16xf32> to vector<16xf32>
          %swap3A_185 = vector.shape_cast %mul3A_178 : vector<16xf32> to vector<1x1x16xf32>
          tpu.vector_store %arg13[%swap3A_180, %swap3A_181, %swap3A_182], %swap3A_185 {strides = array<i32>} : memref<2x128x80xf32, #tpu.memory_space<vmem>>, vector<1x1x16xf32>,
          %get3A_186 = arith.constant 0 : i32
          %get3A_187 = arith.index_cast %get3A_186 : i32 to index
          %get3A_188 = arith.index_cast %add3A_147 : i32 to index
          %get3A_189 = arith.constant 32 : index
          %get3A_190 = tpu.vector_load %arg12[%get3A_187, %get3A_188, %get3A_189] {strides = array<i32>} : memref<2x128x64xf32, #tpu.memory_space<vmem>>, vector<1x1x16xf32>,
          %get3A_191 = vector.shape_cast %get3A_190 : vector<1x1x16xf32> to vector<16xf32>
          %mul3A_192 = arith.mulf %get3A_191, %get3A_158 : vector<16xf32>
          %swap3A_193 = arith.constant 0 : i32
          %swap3A_194 = arith.index_cast %swap3A_193 : i32 to index
          %swap3A_195 = arith.index_cast %add3A_147 : i32 to index
          %swap3A_196 = arith.constant 32 : index
          %swap3A_197 = tpu.vector_load %arg13[%swap3A_194, %swap3A_195, %swap3A_196] {strides = array<i32>} : memref<2x128x80xf32, #tpu.memory_space<vmem>>, vector<1x1x16xf32>,
          %swap3A_198 = vector.shape_cast %swap3A_197 : vector<1x1x16xf32> to vector<16xf32>
          %swap3A_199 = vector.shape_cast %mul3A_192 : vector<16xf32> to vector<1x1x16xf32>
          tpu.vector_store %arg13[%swap3A_194, %swap3A_195, %swap3A_196], %swap3A_199 {strides = array<i32>} : memref<2x128x80xf32, #tpu.memory_space<vmem>>, vector<1x1x16xf32>,
          %get3A_200 = arith.constant 0 : i32
          %get3A_201 = arith.index_cast %get3A_200 : i32 to index
          %get3A_202 = arith.index_cast %add3A_147 : i32 to index
          %get3A_203 = arith.constant 48 : index
          %get3A_204 = tpu.vector_load %arg12[%get3A_201, %get3A_202, %get3A_203] {strides = array<i32>} : memref<2x128x64xf32, #tpu.memory_space<vmem>>, vector<1x1x16xf32>,
          %get3A_205 = vector.shape_cast %get3A_204 : vector<1x1x16xf32> to vector<16xf32>
          %mul3A_206 = arith.mulf %get3A_205, %get3A_158 : vector<16xf32>
          %swap3A_207 = arith.constant 0 : i32
          %swap3A_208 = arith.index_cast %swap3A_207 : i32 to index
          %swap3A_209 = arith.index_cast %add3A_147 : i32 to index
          %swap3A_210 = arith.constant 48 : index
          %swap3A_211 = tpu.vector_load %arg13[%swap3A_208, %swap3A_209, %swap3A_210] {strides = array<i32>} : memref<2x128x80xf32, #tpu.memory_space<vmem>>, vector<1x1x16xf32>,
          %swap3A_212 = vector.shape_cast %swap3A_211 : vector<1x1x16xf32> to vector<16xf32>
          %swap3A_213 = vector.shape_cast %mul3A_206 : vector<16xf32> to vector<1x1x16xf32>
          tpu.vector_store %arg13[%swap3A_208, %swap3A_209, %swap3A_210], %swap3A_213 {strides = array<i32>} : memref<2x128x80xf32, #tpu.memory_space<vmem>>, vector<1x1x16xf32>,
          %eq3A = arith.constant 0 : i32
          %eq3A_214 = vector.broadcast %eq3A : i32 to vector<16xi32>
          %eq3A_215 = arith.cmpi eq, %iota3A, %eq3A_214 : vector<16xi32>
          %eq3A_216 = arith.constant 1 : i32
          %eq3A_217 = vector.broadcast %eq3A_216 : i32 to vector<16xi32>
          %eq3A_218 = arith.cmpi eq, %iota3A, %eq3A_217 : vector<16xi32>
          %jit3A = arith.constant 0.000000e+00 : f32
          %broadcast_in_dim3A = vector.broadcast %jit3A : f32 to vector<16xf32>
          %select_n3A = arith.select %eq3A_218, %get3A_158, %broadcast_in_dim3A : vector<16xi1>, vector<16xf32>
          %select_n3A_219 = arith.select %eq3A_215, %get3A_152, %select_n3A : vector<16xi1>, vector<16xf32>
          %swap3A_220 = arith.constant 0 : i32
          %swap3A_221 = arith.index_cast %swap3A_220 : i32 to index
          %swap3A_222 = arith.index_cast %add3A_147 : i32 to index
          %swap3A_223 = arith.constant 64 : index
          %swap3A_224 = tpu.vector_load %arg13[%swap3A_221, %swap3A_222, %swap3A_223] {strides = array<i32>} : memref<2x128x80xf32, #tpu.memory_space<vmem>>, vector<1x1x16xf32>,
          %swap3A_225 = vector.shape_cast %swap3A_224 : vector<1x1x16xf32> to vector<16xf32>
          %swap3A_226 = vector.shape_cast %select_n3A_219 : vector<16xf32> to vector<1x1x16xf32>
          tpu.vector_store %arg13[%swap3A_221, %swap3A_222, %swap3A_223], %swap3A_226 {strides = array<i32>} : memref<2x128x80xf32, #tpu.memory_space<vmem>>, vector<1x1x16xf32>,
        }
        %scan3A_130 = arith.constant 128 : i32
        %mul3A_131 = arith.constant 1 : i32
        %mul3A_132 = arith.muli %add3A_46, %mul3A_131 : i32
        %add3A_133 = arith.constant 0 : i32
        %add3A_134 = arith.addi %mul3A_132, %add3A_133 : i32
        %dma_start3A = arith.constant 0 : i32
        %dma_start3A_135 = arith.constant 0 : i32
        %dma_start3A_136 = arith.constant 0 : i32
        %dma_start3A_137 = tpu.memref_slice %arg13[%dma_start3A, %dma_start3A_135, %dma_start3A_136] : memref<2x128x80xf32, #tpu.memory_space<vmem>> -> memref<1x128x80xf32, #tpu.memory_space<vmem>>
        %dma_start3A_138 = tpu.memref_squeeze %dma_start3A_137 : memref<1x128x80xf32, #tpu.memory_space<vmem>> -> memref<128x80xf32, #tpu.memory_space<vmem>>
        %dma_start3A_139 = arith.constant 0 : i32
        %dma_start3A_140 = tpu.memref_slice %arg10[%add3A_134, %dma_start3A_139] : memref<80x128xi32, #tpu.memory_space<vmem>> -> memref<1x128xi32, #tpu.memory_space<vmem>>
        %dma_start3A_141 = tpu.memref_squeeze %dma_start3A_140 : memref<1x128xi32, #tpu.memory_space<vmem>> -> memref<128xi32, #tpu.memory_space<vmem>>
        %dma_start3A_142 = arith.constant 0 : i32
        %dma_start3A_143 = arith.constant 0 : i32
        %dma_start3A_144 = tpu.memref_slice %arg8[%dma_start3A_142, %dma_start3A_143] : memref<10000x80xf32, #tpu.memory_space<vmem_shared>> -> memref<10000x80xf32, #tpu.memory_space<vmem_shared>>
        tpu.enqueue_indirect_dma source(%dma_start3A_138 : memref<128x80xf32, #tpu.memory_space<vmem>>) target(%dma_start3A_144 : memref<10000x80xf32, #tpu.memory_space<vmem_shared>>) offsets(%dma_start3A_141 : memref<128xi32, #tpu.memory_space<vmem>>) semaphore(%arg16 : memref<!tpu.dma_semaphore, #tpu.memory_space<semaphore_mem>>) {add = true}
      } else {
      }
      %mul3A_57 = arith.constant 1 : i32
      %mul3A_58 = arith.muli %add3A_46, %mul3A_57 : i32
      %add3A_59 = arith.addi %mul3A_2, %mul3A_58 : i32
      %add3A_60 = arith.constant 0 : i32
      %add3A_61 = arith.addi %add3A_59, %add3A_60 : i32
      %lt3A_62 = arith.constant 2500 : i32
      %lt3A_63 = arith.cmpi slt, %add3A_61, %lt3A_62 : i32
      %convert_element_type3A_64 = arith.extui %lt3A_63 : i1 to i32
      %cond3A_65 = arith.constant 0 : i32
      %cond3A_66 = arith.cmpi ne, %convert_element_type3A_64, %cond3A_65 : i32
      scf.if %cond3A_66 {
        %mul3A_91 = arith.constant 1 : i32
        %mul3A_92 = arith.muli %add3A_46, %mul3A_91 : i32
        %add3A_93 = arith.constant 0 : i32
        %add3A_94 = arith.addi %mul3A_92, %add3A_93 : i32
        %dma_wait3A = arith.constant 0 : i32
        %dma_wait3A_95 = arith.constant 0 : i32
        %dma_wait3A_96 = arith.constant 0 : i32
        %dma_wait3A_97 = tpu.memref_slice %arg13[%dma_wait3A, %dma_wait3A_95, %dma_wait3A_96] : memref<2x128x80xf32, #tpu.memory_space<vmem>> -> memref<1x128x80xf32, #tpu.memory_space<vmem>>
        %dma_wait3A_98 = tpu.memref_squeeze %dma_wait3A_97 : memref<1x128x80xf32, #tpu.memory_space<vmem>> -> memref<128x80xf32, #tpu.memory_space<vmem>>
        %dma_wait3A_99 = arith.constant 0 : i32
        %dma_wait3A_100 = tpu.memref_slice %arg10[%add3A_94, %dma_wait3A_99] : memref<80x128xi32, #tpu.memory_space<vmem>> -> memref<1x128xi32, #tpu.memory_space<vmem>>
        %dma_wait3A_101 = tpu.memref_squeeze %dma_wait3A_100 : memref<1x128xi32, #tpu.memory_space<vmem>> -> memref<128xi32, #tpu.memory_space<vmem>>
        %dma_wait3A_102 = arith.constant 0 : i32
        %dma_wait3A_103 = arith.constant 0 : i32
        %dma_wait3A_104 = tpu.memref_slice %arg8[%dma_wait3A_102, %dma_wait3A_103] : memref<10000x80xf32, #tpu.memory_space<vmem_shared>> -> memref<10000x80xf32, #tpu.memory_space<vmem_shared>>
        tpu.wait_indirect_dma semaphore(%arg16 : memref<!tpu.dma_semaphore, #tpu.memory_space<semaphore_mem>>) src(%dma_wait3A_98 : memref<128x80xf32, #tpu.memory_space<vmem>>) dst(%dma_wait3A_104 : memref<10000x80xf32, #tpu.memory_space<vmem_shared>>)
      } else {
      }
      %mul3A_67 = arith.constant 2 : i32
      %mul3A_68 = arith.muli %scan3A_17, %mul3A_67 : i32
      %add3A_69 = arith.constant 1 : i32
      %add3A_70 = arith.addi %mul3A_68, %add3A_69 : i32
      %mul3A_71 = arith.constant 1 : i32
      %mul3A_72 = arith.muli %add3A_70, %mul3A_71 : i32
      %add3A_73 = arith.addi %mul3A_2, %mul3A_72 : i32
      %add3A_74 = arith.constant 0 : i32
      %add3A_75 = arith.addi %add3A_73, %add3A_74 : i32
      %lt3A_76 = arith.constant 2500 : i32
      %lt3A_77 = arith.cmpi slt, %add3A_75, %lt3A_76 : i32
      %convert_element_type3A_78 = arith.extui %lt3A_77 : i1 to i32
      %cond3A_79 = arith.constant 0 : i32
      %cond3A_80 = arith.cmpi ne, %convert_element_type3A_78, %cond3A_79 : i32
      scf.if %cond3A_80 {
        %mul3A_91 = arith.constant 1 : i32
        %mul3A_92 = arith.muli %add3A_70, %mul3A_91 : i32
        %add3A_93 = arith.addi %mul3A_2, %mul3A_92 : i32
        %add3A_94 = arith.constant 0 : i32
        %add3A_95 = arith.addi %add3A_93, %add3A_94 : i32
        %mul3A_96 = arith.constant 128 : i32
        %mul3A_97 = arith.muli %add3A_95, %mul3A_96 : i32
        %mul3A_98 = arith.constant 1 : i32
        %mul3A_99 = arith.muli %add3A_70, %mul3A_98 : i32
        %add3A_100 = arith.constant 0 : i32
        %add3A_101 = arith.addi %mul3A_99, %add3A_100 : i32
        %dma_wait3A = arith.constant 1 : i32
        %dma_wait3A_102 = arith.constant 0 : i32
        %dma_wait3A_103 = arith.constant 0 : i32
        %dma_wait3A_104 = tpu.memref_slice %arg11[%dma_wait3A, %dma_wait3A_102, %dma_wait3A_103] : memref<2x128x32xf32, #tpu.memory_space<vmem>> -> memref<1x128x32xf32, #tpu.memory_space<vmem>>
        %dma_wait3A_105 = tpu.memref_squeeze %dma_wait3A_104 : memref<1x128x32xf32, #tpu.memory_space<vmem>> -> memref<128x32xf32, #tpu.memory_space<vmem>>
        %dma_wait3A_106 = arith.constant 0 : i32
        %dma_wait3A_107 = tpu.memref_slice %arg2[%mul3A_97, %dma_wait3A_106] : memref<320000x32xf32, #tpu.memory_space<hbm>> -> memref<128x32xf32, #tpu.memory_space<hbm>>
        %dma_wait3A_108 = arith.constant 0 : i32
        %dma_wait3A_109 = arith.constant 0 : i32
        %dma_wait3A_110 = tpu.memref_slice %arg11[%dma_wait3A, %dma_wait3A_108, %dma_wait3A_109] : memref<2x128x32xf32, #tpu.memory_space<vmem>> -> memref<1x128x32xf32, #tpu.memory_space<vmem>>
        %dma_wait3A_111 = tpu.memref_squeeze %dma_wait3A_110 : memref<1x128x32xf32, #tpu.memory_space<vmem>> -> memref<128x32xf32, #tpu.memory_space<vmem>>
        %dma_wait3A_112 = arith.constant 0 : i32
        %dma_wait3A_113 = tpu.memref_slice %arg2[%mul3A_97, %dma_wait3A_112] : memref<320000x32xf32, #tpu.memory_space<hbm>> -> memref<128x32xf32, #tpu.memory_space<hbm>>
        tpu.wait_dma2 semaphore(%arg15 : memref<!tpu.dma_semaphore, #tpu.memory_space<semaphore_mem>>) src(%dma_wait3A_113 : memref<128x32xf32, #tpu.memory_space<hbm>>) dst(%dma_wait3A_111 : memref<128x32xf32, #tpu.memory_space<vmem>>)
        %dma_wait3A_114 = arith.constant 1 : i32
        %dma_wait3A_115 = arith.constant 0 : i32
        %dma_wait3A_116 = arith.constant 0 : i32
        %dma_wait3A_117 = tpu.memref_slice %arg12[%dma_wait3A_114, %dma_wait3A_115, %dma_wait3A_116] : memref<2x128x64xf32, #tpu.memory_space<vmem>> -> memref<1x128x64xf32, #tpu.memory_space<vmem>>
        %dma_wait3A_118 = tpu.memref_squeeze %dma_wait3A_117 : memref<1x128x64xf32, #tpu.memory_space<vmem>> -> memref<128x64xf32, #tpu.memory_space<vmem>>
        %dma_wait3A_119 = arith.constant 0 : i32
        %dma_wait3A_120 = tpu.memref_slice %arg9[%add3A_101, %dma_wait3A_119] : memref<80x128xi32, #tpu.memory_space<vmem>> -> memref<1x128xi32, #tpu.memory_space<vmem>>
        %dma_wait3A_121 = tpu.memref_squeeze %dma_wait3A_120 : memref<1x128xi32, #tpu.memory_space<vmem>> -> memref<128xi32, #tpu.memory_space<vmem>>
        %dma_wait3A_122 = arith.constant 0 : i32
        %dma_wait3A_123 = arith.constant 0 : i32
        %dma_wait3A_124 = tpu.memref_slice %arg3[%dma_wait3A_122, %dma_wait3A_123] : memref<10000x64xf32, #tpu.memory_space<hbm>> -> memref<10000x64xf32, #tpu.memory_space<hbm>>
        tpu.wait_indirect_dma semaphore(%arg15 : memref<!tpu.dma_semaphore, #tpu.memory_space<semaphore_mem>>) src(%dma_wait3A_124 : memref<10000x64xf32, #tpu.memory_space<hbm>>) dst(%dma_wait3A_118 : memref<128x64xf32, #tpu.memory_space<vmem>>)
        %scan3A_125 = arith.constant 0 : i32
        %scan3A_126 = arith.constant 0 : i32
        %scan3A_127 = arith.constant 128 : i32
        %scan3A_128 = arith.addi %scan3A_126, %scan3A_127 : i32
        %scan3A_129 = arith.constant 1 : i32
        scf.for %scan3A_145 = %scan3A_126 to %scan3A_128 step %scan3A_129  : i32 {
          %add3A_146 = arith.constant 0 : i32
          %add3A_147 = arith.addi %add3A_146, %scan3A_145 : i32
          %get3A = arith.constant 1 : i32
          %get3A_148 = arith.index_cast %get3A : i32 to index
          %get3A_149 = arith.index_cast %add3A_147 : i32 to index
          %get3A_150 = arith.constant 0 : index
          %get3A_151 = tpu.vector_load %arg11[%get3A_148, %get3A_149, %get3A_150] {strides = array<i32>} : memref<2x128x32xf32, #tpu.memory_space<vmem>>, vector<1x1x16xf32>,
          %get3A_152 = vector.shape_cast %get3A_151 : vector<1x1x16xf32> to vector<16xf32>
          %get3A_153 = arith.constant 1 : i32
          %get3A_154 = arith.index_cast %get3A_153 : i32 to index
          %get3A_155 = arith.index_cast %add3A_147 : i32 to index
          %get3A_156 = arith.constant 16 : index
          %get3A_157 = tpu.vector_load %arg11[%get3A_154, %get3A_155, %get3A_156] {strides = array<i32>} : memref<2x128x32xf32, #tpu.memory_space<vmem>>, vector<1x1x16xf32>,
          %get3A_158 = vector.shape_cast %get3A_157 : vector<1x1x16xf32> to vector<16xf32>
          %get3A_159 = arith.constant 1 : i32
          %get3A_160 = arith.index_cast %get3A_159 : i32 to index
          %get3A_161 = arith.index_cast %add3A_147 : i32 to index
          %get3A_162 = arith.constant 0 : index
          %get3A_163 = tpu.vector_load %arg12[%get3A_160, %get3A_161, %get3A_162] {strides = array<i32>} : memref<2x128x64xf32, #tpu.memory_space<vmem>>, vector<1x1x16xf32>,
          %get3A_164 = vector.shape_cast %get3A_163 : vector<1x1x16xf32> to vector<16xf32>
          %mul3A_165 = arith.mulf %get3A_164, %get3A_152 : vector<16xf32>
          %swap3A = arith.constant 1 : i32
          %swap3A_166 = arith.index_cast %swap3A : i32 to index
          %swap3A_167 = arith.index_cast %add3A_147 : i32 to index
          %swap3A_168 = arith.constant 0 : index
          %swap3A_169 = tpu.vector_load %arg13[%swap3A_166, %swap3A_167, %swap3A_168] {strides = array<i32>} : memref<2x128x80xf32, #tpu.memory_space<vmem>>, vector<1x1x16xf32>,
          %swap3A_170 = vector.shape_cast %swap3A_169 : vector<1x1x16xf32> to vector<16xf32>
          %swap3A_171 = vector.shape_cast %mul3A_165 : vector<16xf32> to vector<1x1x16xf32>
          tpu.vector_store %arg13[%swap3A_166, %swap3A_167, %swap3A_168], %swap3A_171 {strides = array<i32>} : memref<2x128x80xf32, #tpu.memory_space<vmem>>, vector<1x1x16xf32>,
          %get3A_172 = arith.constant 1 : i32
          %get3A_173 = arith.index_cast %get3A_172 : i32 to index
          %get3A_174 = arith.index_cast %add3A_147 : i32 to index
          %get3A_175 = arith.constant 16 : index
          %get3A_176 = tpu.vector_load %arg12[%get3A_173, %get3A_174, %get3A_175] {strides = array<i32>} : memref<2x128x64xf32, #tpu.memory_space<vmem>>, vector<1x1x16xf32>,
          %get3A_177 = vector.shape_cast %get3A_176 : vector<1x1x16xf32> to vector<16xf32>
          %mul3A_178 = arith.mulf %get3A_177, %get3A_152 : vector<16xf32>
          %swap3A_179 = arith.constant 1 : i32
          %swap3A_180 = arith.index_cast %swap3A_179 : i32 to index
          %swap3A_181 = arith.index_cast %add3A_147 : i32 to index
          %swap3A_182 = arith.constant 16 : index
          %swap3A_183 = tpu.vector_load %arg13[%swap3A_180, %swap3A_181, %swap3A_182] {strides = array<i32>} : memref<2x128x80xf32, #tpu.memory_space<vmem>>, vector<1x1x16xf32>,
          %swap3A_184 = vector.shape_cast %swap3A_183 : vector<1x1x16xf32> to vector<16xf32>
          %swap3A_185 = vector.shape_cast %mul3A_178 : vector<16xf32> to vector<1x1x16xf32>
          tpu.vector_store %arg13[%swap3A_180, %swap3A_181, %swap3A_182], %swap3A_185 {strides = array<i32>} : memref<2x128x80xf32, #tpu.memory_space<vmem>>, vector<1x1x16xf32>,
          %get3A_186 = arith.constant 1 : i32
          %get3A_187 = arith.index_cast %get3A_186 : i32 to index
          %get3A_188 = arith.index_cast %add3A_147 : i32 to index
          %get3A_189 = arith.constant 32 : index
          %get3A_190 = tpu.vector_load %arg12[%get3A_187, %get3A_188, %get3A_189] {strides = array<i32>} : memref<2x128x64xf32, #tpu.memory_space<vmem>>, vector<1x1x16xf32>,
          %get3A_191 = vector.shape_cast %get3A_190 : vector<1x1x16xf32> to vector<16xf32>
          %mul3A_192 = arith.mulf %get3A_191, %get3A_158 : vector<16xf32>
          %swap3A_193 = arith.constant 1 : i32
          %swap3A_194 = arith.index_cast %swap3A_193 : i32 to index
          %swap3A_195 = arith.index_cast %add3A_147 : i32 to index
          %swap3A_196 = arith.constant 32 : index
          %swap3A_197 = tpu.vector_load %arg13[%swap3A_194, %swap3A_195, %swap3A_196] {strides = array<i32>} : memref<2x128x80xf32, #tpu.memory_space<vmem>>, vector<1x1x16xf32>,
          %swap3A_198 = vector.shape_cast %swap3A_197 : vector<1x1x16xf32> to vector<16xf32>
          %swap3A_199 = vector.shape_cast %mul3A_192 : vector<16xf32> to vector<1x1x16xf32>
          tpu.vector_store %arg13[%swap3A_194, %swap3A_195, %swap3A_196], %swap3A_199 {strides = array<i32>} : memref<2x128x80xf32, #tpu.memory_space<vmem>>, vector<1x1x16xf32>,
          %get3A_200 = arith.constant 1 : i32
          %get3A_201 = arith.index_cast %get3A_200 : i32 to index
          %get3A_202 = arith.index_cast %add3A_147 : i32 to index
          %get3A_203 = arith.constant 48 : index
          %get3A_204 = tpu.vector_load %arg12[%get3A_201, %get3A_202, %get3A_203] {strides = array<i32>} : memref<2x128x64xf32, #tpu.memory_space<vmem>>, vector<1x1x16xf32>,
          %get3A_205 = vector.shape_cast %get3A_204 : vector<1x1x16xf32> to vector<16xf32>
          %mul3A_206 = arith.mulf %get3A_205, %get3A_158 : vector<16xf32>
          %swap3A_207 = arith.constant 1 : i32
          %swap3A_208 = arith.index_cast %swap3A_207 : i32 to index
          %swap3A_209 = arith.index_cast %add3A_147 : i32 to index
          %swap3A_210 = arith.constant 48 : index
          %swap3A_211 = tpu.vector_load %arg13[%swap3A_208, %swap3A_209, %swap3A_210] {strides = array<i32>} : memref<2x128x80xf32, #tpu.memory_space<vmem>>, vector<1x1x16xf32>,
          %swap3A_212 = vector.shape_cast %swap3A_211 : vector<1x1x16xf32> to vector<16xf32>
          %swap3A_213 = vector.shape_cast %mul3A_206 : vector<16xf32> to vector<1x1x16xf32>
          tpu.vector_store %arg13[%swap3A_208, %swap3A_209, %swap3A_210], %swap3A_213 {strides = array<i32>} : memref<2x128x80xf32, #tpu.memory_space<vmem>>, vector<1x1x16xf32>,
          %eq3A = arith.constant 0 : i32
          %eq3A_214 = vector.broadcast %eq3A : i32 to vector<16xi32>
          %eq3A_215 = arith.cmpi eq, %iota3A, %eq3A_214 : vector<16xi32>
          %eq3A_216 = arith.constant 1 : i32
          %eq3A_217 = vector.broadcast %eq3A_216 : i32 to vector<16xi32>
          %eq3A_218 = arith.cmpi eq, %iota3A, %eq3A_217 : vector<16xi32>
          %jit3A = arith.constant 0.000000e+00 : f32
          %broadcast_in_dim3A = vector.broadcast %jit3A : f32 to vector<16xf32>
          %select_n3A = arith.select %eq3A_218, %get3A_158, %broadcast_in_dim3A : vector<16xi1>, vector<16xf32>
          %select_n3A_219 = arith.select %eq3A_215, %get3A_152, %select_n3A : vector<16xi1>, vector<16xf32>
          %swap3A_220 = arith.constant 1 : i32
          %swap3A_221 = arith.index_cast %swap3A_220 : i32 to index
          %swap3A_222 = arith.index_cast %add3A_147 : i32 to index
          %swap3A_223 = arith.constant 64 : index
          %swap3A_224 = tpu.vector_load %arg13[%swap3A_221, %swap3A_222, %swap3A_223] {strides = array<i32>} : memref<2x128x80xf32, #tpu.memory_space<vmem>>, vector<1x1x16xf32>,
          %swap3A_225 = vector.shape_cast %swap3A_224 : vector<1x1x16xf32> to vector<16xf32>
          %swap3A_226 = vector.shape_cast %select_n3A_219 : vector<16xf32> to vector<1x1x16xf32>
          tpu.vector_store %arg13[%swap3A_221, %swap3A_222, %swap3A_223], %swap3A_226 {strides = array<i32>} : memref<2x128x80xf32, #tpu.memory_space<vmem>>, vector<1x1x16xf32>,
        }
        %scan3A_130 = arith.constant 128 : i32
        %mul3A_131 = arith.constant 1 : i32
        %mul3A_132 = arith.muli %add3A_70, %mul3A_131 : i32
        %add3A_133 = arith.constant 0 : i32
        %add3A_134 = arith.addi %mul3A_132, %add3A_133 : i32
        %dma_start3A = arith.constant 1 : i32
        %dma_start3A_135 = arith.constant 0 : i32
        %dma_start3A_136 = arith.constant 0 : i32
        %dma_start3A_137 = tpu.memref_slice %arg13[%dma_start3A, %dma_start3A_135, %dma_start3A_136] : memref<2x128x80xf32, #tpu.memory_space<vmem>> -> memref<1x128x80xf32, #tpu.memory_space<vmem>>
        %dma_start3A_138 = tpu.memref_squeeze %dma_start3A_137 : memref<1x128x80xf32, #tpu.memory_space<vmem>> -> memref<128x80xf32, #tpu.memory_space<vmem>>
        %dma_start3A_139 = arith.constant 0 : i32
        %dma_start3A_140 = tpu.memref_slice %arg10[%add3A_134, %dma_start3A_139] : memref<80x128xi32, #tpu.memory_space<vmem>> -> memref<1x128xi32, #tpu.memory_space<vmem>>
        %dma_start3A_141 = tpu.memref_squeeze %dma_start3A_140 : memref<1x128xi32, #tpu.memory_space<vmem>> -> memref<128xi32, #tpu.memory_space<vmem>>
        %dma_start3A_142 = arith.constant 0 : i32
        %dma_start3A_143 = arith.constant 0 : i32
        %dma_start3A_144 = tpu.memref_slice %arg8[%dma_start3A_142, %dma_start3A_143] : memref<10000x80xf32, #tpu.memory_space<vmem_shared>> -> memref<10000x80xf32, #tpu.memory_space<vmem_shared>>
        tpu.enqueue_indirect_dma source(%dma_start3A_138 : memref<128x80xf32, #tpu.memory_space<vmem>>) target(%dma_start3A_144 : memref<10000x80xf32, #tpu.memory_space<vmem_shared>>) offsets(%dma_start3A_141 : memref<128xi32, #tpu.memory_space<vmem>>) semaphore(%arg16 : memref<!tpu.dma_semaphore, #tpu.memory_space<semaphore_mem>>) {add = true}
      } else {
      }
      %mul3A_81 = arith.constant 1 : i32
      %mul3A_82 = arith.muli %add3A_70, %mul3A_81 : i32
      %add3A_83 = arith.addi %mul3A_2, %mul3A_82 : i32
      %add3A_84 = arith.constant 0 : i32
      %add3A_85 = arith.addi %add3A_83, %add3A_84 : i32
      %lt3A_86 = arith.constant 2500 : i32
      %lt3A_87 = arith.cmpi slt, %add3A_85, %lt3A_86 : i32
      %convert_element_type3A_88 = arith.extui %lt3A_87 : i1 to i32
      %cond3A_89 = arith.constant 0 : i32
      %cond3A_90 = arith.cmpi ne, %convert_element_type3A_88, %cond3A_89 : i32
      scf.if %cond3A_90 {
        %mul3A_91 = arith.constant 1 : i32
        %mul3A_92 = arith.muli %add3A_70, %mul3A_91 : i32
        %add3A_93 = arith.constant 0 : i32
        %add3A_94 = arith.addi %mul3A_92, %add3A_93 : i32
        %dma_wait3A = arith.constant 1 : i32
        %dma_wait3A_95 = arith.constant 0 : i32
        %dma_wait3A_96 = arith.constant 0 : i32
        %dma_wait3A_97 = tpu.memref_slice %arg13[%dma_wait3A, %dma_wait3A_95, %dma_wait3A_96] : memref<2x128x80xf32, #tpu.memory_space<vmem>> -> memref<1x128x80xf32, #tpu.memory_space<vmem>>
        %dma_wait3A_98 = tpu.memref_squeeze %dma_wait3A_97 : memref<1x128x80xf32, #tpu.memory_space<vmem>> -> memref<128x80xf32, #tpu.memory_space<vmem>>
        %dma_wait3A_99 = arith.constant 0 : i32
        %dma_wait3A_100 = tpu.memref_slice %arg10[%add3A_94, %dma_wait3A_99] : memref<80x128xi32, #tpu.memory_space<vmem>> -> memref<1x128xi32, #tpu.memory_space<vmem>>
        %dma_wait3A_101 = tpu.memref_squeeze %dma_wait3A_100 : memref<1x128xi32, #tpu.memory_space<vmem>> -> memref<128xi32, #tpu.memory_space<vmem>>
        %dma_wait3A_102 = arith.constant 0 : i32
        %dma_wait3A_103 = arith.constant 0 : i32
        %dma_wait3A_104 = tpu.memref_slice %arg8[%dma_wait3A_102, %dma_wait3A_103] : memref<10000x80xf32, #tpu.memory_space<vmem_shared>> -> memref<10000x80xf32, #tpu.memory_space<vmem_shared>>
        tpu.wait_indirect_dma semaphore(%arg16 : memref<!tpu.dma_semaphore, #tpu.memory_space<semaphore_mem>>) src(%dma_wait3A_98 : memref<128x80xf32, #tpu.memory_space<vmem>>) dst(%dma_wait3A_104 : memref<10000x80xf32, #tpu.memory_space<vmem_shared>>)
      } else {
      }
    }
    %scan3A_11 = arith.constant 40 : i32
    %barrier3A_12 = arith.constant 0 : index
    tpu.barrier barrier_id(%barrier3A_12)
    %mul3A_13 = arith.constant 625 : i32
    %mul3A_14 = arith.muli %arg1, %mul3A_13 : i32
    %mul3A_15 = arith.constant 625 : i32
    %mul3A_16 = arith.muli %arg1, %mul3A_15 : i32
    "tpu.region"() ({
      %run_scoped3A = tpu.sem_alloc : memref<!tpu.dma_semaphore, #tpu.memory_space<semaphore_mem>>
      %dma_start3A = arith.constant 0 : i32
      %dma_start3A_17 = tpu.memref_slice %arg7[%arg0, %mul3A_16, %dma_start3A] : memref<2x10000x80xf32, #tpu.memory_space<hbm>> -> memref<1x625x80xf32, #tpu.memory_space<hbm>>
      %dma_start3A_18 = tpu.memref_squeeze %dma_start3A_17 : memref<1x625x80xf32, #tpu.memory_space<hbm>> -> memref<625x80xf32, #tpu.memory_space<hbm>>
      %dma_start3A_19 = arith.constant 0 : i32
      %dma_start3A_20 = tpu.memref_slice %arg8[%mul3A_14, %dma_start3A_19] : memref<10000x80xf32, #tpu.memory_space<vmem_shared>> -> memref<625x80xf32, #tpu.memory_space<vmem_shared>>
      tpu.enqueue_dma source(%dma_start3A_20 : memref<625x80xf32, #tpu.memory_space<vmem_shared>>) target(%dma_start3A_18 : memref<625x80xf32, #tpu.memory_space<hbm>>) target_semaphore(%run_scoped3A : memref<!tpu.dma_semaphore, #tpu.memory_space<semaphore_mem>>)
      %dma_wait3A = arith.constant 0 : i32
      %dma_wait3A_21 = tpu.memref_slice %arg7[%arg0, %mul3A_16, %dma_wait3A] : memref<2x10000x80xf32, #tpu.memory_space<hbm>> -> memref<1x625x80xf32, #tpu.memory_space<hbm>>
      %dma_wait3A_22 = tpu.memref_squeeze %dma_wait3A_21 : memref<1x625x80xf32, #tpu.memory_space<hbm>> -> memref<625x80xf32, #tpu.memory_space<hbm>>
      %dma_wait3A_23 = arith.constant 0 : i32
      %dma_wait3A_24 = tpu.memref_slice %arg8[%mul3A_14, %dma_wait3A_23] : memref<10000x80xf32, #tpu.memory_space<vmem_shared>> -> memref<625x80xf32, #tpu.memory_space<vmem_shared>>
      tpu.wait_dma2 semaphore(%run_scoped3A : memref<!tpu.dma_semaphore, #tpu.memory_space<semaphore_mem>>) src(%dma_wait3A_24 : memref<625x80xf32, #tpu.memory_space<vmem_shared>>) dst(%dma_wait3A_22 : memref<625x80xf32, #tpu.memory_space<hbm>>)
      tpu.yield
    }) : () -> ()
    return
  }
}

#map = affine_map<(d0, d1) -> (0, 0)>
module attributes {stable_mosaic.version = 14 : i64} {
  func.func @_sc_gather_sum_body(%arg0: i32, %arg1: i32, %arg2: memref<10000x64xf32, #tpu.memory_space<hbm>>, %arg3: memref<2560x128xi32, #tpu.memory_space<hbm>>, %arg4: memref<10000x64xf32, #tpu.memory_space<hbm>>, %arg5: memref<2560x128xi32, #tpu.memory_space<hbm>>, %arg6: memref<320000x64xf32, #tpu.memory_space<hbm>>, %arg7: memref<80x128xi32, #tpu.memory_space<vmem>>, %arg8: memref<80x128xi32, #tpu.memory_space<vmem>>, %arg9: memref<2x256x64xf32, #tpu.memory_space<vmem>>, %arg10: memref<2x256x64xf32, #tpu.memory_space<vmem>>, %arg11: memref<!tpu.dma_semaphore, #tpu.memory_space<semaphore_mem>>, %arg12: memref<!tpu.dma_semaphore, #tpu.memory_space<semaphore_mem>>, %arg13: memref<!tpu.dma_semaphore, #tpu.memory_space<semaphore_mem>>) attributes {dimension_semantics = [#tpu.dimension_semantics<core_parallel>, #tpu.dimension_semantics<subcore_parallel>], iteration_bounds = array<i64: 2, 16>, scalar_prefetch = 0 : i64, scratch_operands = 7 : i64, tpu.core_type = #tpu.core_type<sc_vector_subcore>, window_params = [{transform_indices = #map}, {transform_indices = #map}, {transform_indices = #map}, {transform_indices = #map}, {transform_indices = #map}]} {
    %mul3A = arith.constant 2 : i32
    %mul3A_0 = arith.muli %arg1, %mul3A : i32
    %add3A = arith.addi %mul3A_0, %arg0 : i32
    %mul3A_1 = arith.constant 80 : i32
    %mul3A_2 = arith.muli %add3A, %mul3A_1 : i32
    "tpu.region"() ({
      %run_scoped3A = tpu.sem_alloc : memref<!tpu.dma_semaphore, #tpu.memory_space<semaphore_mem>>
      %dma_start3A = arith.constant 0 : i32
      %dma_start3A_41 = tpu.memref_slice %arg3[%mul3A_2, %dma_start3A] : memref<2560x128xi32, #tpu.memory_space<hbm>> -> memref<80x128xi32, #tpu.memory_space<hbm>>
      %dma_start3A_42 = arith.constant 0 : i32
      %dma_start3A_43 = tpu.memref_slice %arg3[%mul3A_2, %dma_start3A_42] : memref<2560x128xi32, #tpu.memory_space<hbm>> -> memref<80x128xi32, #tpu.memory_space<hbm>>
      tpu.enqueue_dma source(%dma_start3A_43 : memref<80x128xi32, #tpu.memory_space<hbm>>) target(%arg7 : memref<80x128xi32, #tpu.memory_space<vmem>>) target_semaphore(%run_scoped3A : memref<!tpu.dma_semaphore, #tpu.memory_space<semaphore_mem>>)
      %dma_wait3A = arith.constant 0 : i32
      %dma_wait3A_44 = tpu.memref_slice %arg3[%mul3A_2, %dma_wait3A] : memref<2560x128xi32, #tpu.memory_space<hbm>> -> memref<80x128xi32, #tpu.memory_space<hbm>>
      %dma_wait3A_45 = arith.constant 0 : i32
      %dma_wait3A_46 = tpu.memref_slice %arg3[%mul3A_2, %dma_wait3A_45] : memref<2560x128xi32, #tpu.memory_space<hbm>> -> memref<80x128xi32, #tpu.memory_space<hbm>>
      tpu.wait_dma2 semaphore(%run_scoped3A : memref<!tpu.dma_semaphore, #tpu.memory_space<semaphore_mem>>) src(%dma_wait3A_46 : memref<80x128xi32, #tpu.memory_space<hbm>>) dst(%arg7 : memref<80x128xi32, #tpu.memory_space<vmem>>)
      tpu.yield
    }) : () -> ()
    "tpu.region"() ({
      %run_scoped3A = tpu.sem_alloc : memref<!tpu.dma_semaphore, #tpu.memory_space<semaphore_mem>>
      %dma_start3A = arith.constant 0 : i32
      %dma_start3A_41 = tpu.memref_slice %arg5[%mul3A_2, %dma_start3A] : memref<2560x128xi32, #tpu.memory_space<hbm>> -> memref<80x128xi32, #tpu.memory_space<hbm>>
      %dma_start3A_42 = arith.constant 0 : i32
      %dma_start3A_43 = tpu.memref_slice %arg5[%mul3A_2, %dma_start3A_42] : memref<2560x128xi32, #tpu.memory_space<hbm>> -> memref<80x128xi32, #tpu.memory_space<hbm>>
      tpu.enqueue_dma source(%dma_start3A_43 : memref<80x128xi32, #tpu.memory_space<hbm>>) target(%arg8 : memref<80x128xi32, #tpu.memory_space<vmem>>) target_semaphore(%run_scoped3A : memref<!tpu.dma_semaphore, #tpu.memory_space<semaphore_mem>>)
      %dma_wait3A = arith.constant 0 : i32
      %dma_wait3A_44 = tpu.memref_slice %arg5[%mul3A_2, %dma_wait3A] : memref<2560x128xi32, #tpu.memory_space<hbm>> -> memref<80x128xi32, #tpu.memory_space<hbm>>
      %dma_wait3A_45 = arith.constant 0 : i32
      %dma_wait3A_46 = tpu.memref_slice %arg5[%mul3A_2, %dma_wait3A_45] : memref<2560x128xi32, #tpu.memory_space<hbm>> -> memref<80x128xi32, #tpu.memory_space<hbm>>
      tpu.wait_dma2 semaphore(%run_scoped3A : memref<!tpu.dma_semaphore, #tpu.memory_space<semaphore_mem>>) src(%dma_wait3A_46 : memref<80x128xi32, #tpu.memory_space<hbm>>) dst(%arg8 : memref<80x128xi32, #tpu.memory_space<vmem>>)
      tpu.yield
    }) : () -> ()
    %scan3A = arith.constant 0 : i32
    %scan3A_3 = arith.constant 0 : i32
    %scan3A_4 = arith.constant 20 : i32
    %scan3A_5 = arith.addi %scan3A_3, %scan3A_4 : i32
    %scan3A_6 = arith.constant 1 : i32
    scf.for %scan3A_41 = %scan3A_3 to %scan3A_5 step %scan3A_6  : i32 {
      %mul3A_42 = arith.constant 2 : i32
      %mul3A_43 = arith.muli %scan3A_41, %mul3A_42 : i32
      %add3A_44 = arith.constant 0 : i32
      %add3A_45 = arith.addi %mul3A_43, %add3A_44 : i32
      %gt3A = arith.constant 0 : i32
      %gt3A_46 = arith.cmpi sgt, %scan3A_41, %gt3A : i32
      %sub3A = arith.constant 2 : i32
      %sub3A_47 = arith.subi %add3A_45, %sub3A : i32
      %mul3A_48 = arith.constant 2 : i32
      %mul3A_49 = arith.muli %sub3A_47, %mul3A_48 : i32
      %add3A_50 = arith.addi %mul3A_2, %mul3A_49 : i32
      %add3A_51 = arith.constant 0 : i32
      %add3A_52 = arith.addi %add3A_50, %add3A_51 : i32
      %lt3A_53 = arith.constant 2500 : i32
      %lt3A_54 = arith.cmpi slt, %add3A_52, %lt3A_53 : i32
      %and3A = arith.andi %gt3A_46, %lt3A_54 : i1
      %convert_element_type3A_55 = arith.extui %and3A : i1 to i32
      %cond3A_56 = arith.constant 0 : i32
      %cond3A_57 = arith.cmpi ne, %convert_element_type3A_55, %cond3A_56 : i32
      scf.if %cond3A_57 {
        %sub3A_247 = arith.constant 2 : i32
        %sub3A_248 = arith.subi %add3A_45, %sub3A_247 : i32
        %mul3A_249 = arith.constant 2 : i32
        %mul3A_250 = arith.muli %sub3A_248, %mul3A_249 : i32
        %add3A_251 = arith.addi %mul3A_2, %mul3A_250 : i32
        %add3A_252 = arith.constant 0 : i32
        %add3A_253 = arith.addi %add3A_251, %add3A_252 : i32
        %mul3A_254 = arith.constant 128 : i32
        %mul3A_255 = arith.muli %add3A_253, %mul3A_254 : i32
        %dma_wait3A = arith.constant 0 : i32
        %dma_wait3A_256 = arith.constant 0 : i32
        %dma_wait3A_257 = arith.constant 0 : i32
        %dma_wait3A_258 = tpu.memref_slice %arg9[%dma_wait3A, %dma_wait3A_256, %dma_wait3A_257] : memref<2x256x64xf32, #tpu.memory_space<vmem>> -> memref<1x128x64xf32, #tpu.memory_space<vmem>>
        %dma_wait3A_259 = tpu.memref_squeeze %dma_wait3A_258 : memref<1x128x64xf32, #tpu.memory_space<vmem>> -> memref<128x64xf32, #tpu.memory_space<vmem>>
        %dma_wait3A_260 = arith.constant 0 : i32
        %dma_wait3A_261 = tpu.memref_slice %arg6[%mul3A_255, %dma_wait3A_260] : memref<320000x64xf32, #tpu.memory_space<hbm>> -> memref<128x64xf32, #tpu.memory_space<hbm>>
        %dma_wait3A_262 = arith.constant 0 : i32
        %dma_wait3A_263 = tpu.memref_slice %arg6[%mul3A_255, %dma_wait3A_262] : memref<320000x64xf32, #tpu.memory_space<hbm>> -> memref<128x64xf32, #tpu.memory_space<hbm>>
        %dma_wait3A_264 = arith.constant 0 : i32
        %dma_wait3A_265 = arith.constant 0 : i32
        %dma_wait3A_266 = tpu.memref_slice %arg9[%dma_wait3A, %dma_wait3A_264, %dma_wait3A_265] : memref<2x256x64xf32, #tpu.memory_space<vmem>> -> memref<1x128x64xf32, #tpu.memory_space<vmem>>
        %dma_wait3A_267 = tpu.memref_squeeze %dma_wait3A_266 : memref<1x128x64xf32, #tpu.memory_space<vmem>> -> memref<128x64xf32, #tpu.memory_space<vmem>>
        tpu.wait_dma2 semaphore(%arg12 : memref<!tpu.dma_semaphore, #tpu.memory_space<semaphore_mem>>) src(%dma_wait3A_267 : memref<128x64xf32, #tpu.memory_space<vmem>>) dst(%dma_wait3A_263 : memref<128x64xf32, #tpu.memory_space<hbm>>)
      } else {
      }
      %mul3A_58 = arith.constant 2 : i32
      %mul3A_59 = arith.muli %add3A_45, %mul3A_58 : i32
      %add3A_60 = arith.addi %mul3A_2, %mul3A_59 : i32
      %add3A_61 = arith.constant 0 : i32
      %add3A_62 = arith.addi %add3A_60, %add3A_61 : i32
      %lt3A_63 = arith.constant 2500 : i32
      %lt3A_64 = arith.cmpi slt, %add3A_62, %lt3A_63 : i32
      %convert_element_type3A_65 = arith.extui %lt3A_64 : i1 to i32
      %cond3A_66 = arith.constant 0 : i32
      %cond3A_67 = arith.cmpi ne, %convert_element_type3A_65, %cond3A_66 : i32
      scf.if %cond3A_67 {
        %mul3A_247 = arith.constant 2 : i32
        %mul3A_248 = arith.muli %add3A_45, %mul3A_247 : i32
        %add3A_249 = arith.constant 0 : i32
        %add3A_250 = arith.addi %mul3A_248, %add3A_249 : i32
        %dma_start3A = arith.constant 0 : i32
        %dma_start3A_251 = arith.constant 0 : i32
        %dma_start3A_252 = arith.constant 0 : i32
        %dma_start3A_253 = tpu.memref_slice %arg9[%dma_start3A, %dma_start3A_251, %dma_start3A_252] : memref<2x256x64xf32, #tpu.memory_space<vmem>> -> memref<1x128x64xf32, #tpu.memory_space<vmem>>
        %dma_start3A_254 = tpu.memref_squeeze %dma_start3A_253 : memref<1x128x64xf32, #tpu.memory_space<vmem>> -> memref<128x64xf32, #tpu.memory_space<vmem>>
        %dma_start3A_255 = arith.constant 0 : i32
        %dma_start3A_256 = tpu.memref_slice %arg7[%add3A_250, %dma_start3A_255] : memref<80x128xi32, #tpu.memory_space<vmem>> -> memref<1x128xi32, #tpu.memory_space<vmem>>
        %dma_start3A_257 = tpu.memref_squeeze %dma_start3A_256 : memref<1x128xi32, #tpu.memory_space<vmem>> -> memref<128xi32, #tpu.memory_space<vmem>>
        %dma_start3A_258 = arith.constant 0 : i32
        %dma_start3A_259 = arith.constant 0 : i32
        %dma_start3A_260 = tpu.memref_slice %arg2[%dma_start3A_258, %dma_start3A_259] : memref<10000x64xf32, #tpu.memory_space<hbm>> -> memref<10000x64xf32, #tpu.memory_space<hbm>>
        tpu.enqueue_indirect_dma source(%dma_start3A_260 : memref<10000x64xf32, #tpu.memory_space<hbm>>) target(%dma_start3A_254 : memref<128x64xf32, #tpu.memory_space<vmem>>) offsets(%dma_start3A_257 : memref<128xi32, #tpu.memory_space<vmem>>) semaphore(%arg11 : memref<!tpu.dma_semaphore, #tpu.memory_space<semaphore_mem>>)
        %dma_start3A_261 = arith.constant 0 : i32
        %dma_start3A_262 = arith.constant 0 : i32
        %dma_start3A_263 = arith.constant 0 : i32
        %dma_start3A_264 = tpu.memref_slice %arg10[%dma_start3A_261, %dma_start3A_262, %dma_start3A_263] : memref<2x256x64xf32, #tpu.memory_space<vmem>> -> memref<1x128x64xf32, #tpu.memory_space<vmem>>
        %dma_start3A_265 = tpu.memref_squeeze %dma_start3A_264 : memref<1x128x64xf32, #tpu.memory_space<vmem>> -> memref<128x64xf32, #tpu.memory_space<vmem>>
        %dma_start3A_266 = arith.constant 0 : i32
        %dma_start3A_267 = tpu.memref_slice %arg8[%add3A_250, %dma_start3A_266] : memref<80x128xi32, #tpu.memory_space<vmem>> -> memref<1x128xi32, #tpu.memory_space<vmem>>
        %dma_start3A_268 = tpu.memref_squeeze %dma_start3A_267 : memref<1x128xi32, #tpu.memory_space<vmem>> -> memref<128xi32, #tpu.memory_space<vmem>>
        %dma_start3A_269 = arith.constant 0 : i32
        %dma_start3A_270 = arith.constant 0 : i32
        %dma_start3A_271 = tpu.memref_slice %arg4[%dma_start3A_269, %dma_start3A_270] : memref<10000x64xf32, #tpu.memory_space<hbm>> -> memref<10000x64xf32, #tpu.memory_space<hbm>>
        tpu.enqueue_indirect_dma source(%dma_start3A_271 : memref<10000x64xf32, #tpu.memory_space<hbm>>) target(%dma_start3A_265 : memref<128x64xf32, #tpu.memory_space<vmem>>) offsets(%dma_start3A_268 : memref<128xi32, #tpu.memory_space<vmem>>) semaphore(%arg11 : memref<!tpu.dma_semaphore, #tpu.memory_space<semaphore_mem>>)
      } else {
      }
      %gt3A_68 = arith.constant 0 : i32
      %gt3A_69 = arith.cmpi sgt, %scan3A_41, %gt3A_68 : i32
      %sub3A_70 = arith.constant 2 : i32
      %sub3A_71 = arith.subi %add3A_45, %sub3A_70 : i32
      %mul3A_72 = arith.constant 2 : i32
      %mul3A_73 = arith.muli %sub3A_71, %mul3A_72 : i32
      %add3A_74 = arith.addi %mul3A_2, %mul3A_73 : i32
      %add3A_75 = arith.constant 1 : i32
      %add3A_76 = arith.addi %add3A_74, %add3A_75 : i32
      %lt3A_77 = arith.constant 2500 : i32
      %lt3A_78 = arith.cmpi slt, %add3A_76, %lt3A_77 : i32
      %and3A_79 = arith.andi %gt3A_69, %lt3A_78 : i1
      %convert_element_type3A_80 = arith.extui %and3A_79 : i1 to i32
      %cond3A_81 = arith.constant 0 : i32
      %cond3A_82 = arith.cmpi ne, %convert_element_type3A_80, %cond3A_81 : i32
      scf.if %cond3A_82 {
        %sub3A_247 = arith.constant 2 : i32
        %sub3A_248 = arith.subi %add3A_45, %sub3A_247 : i32
        %mul3A_249 = arith.constant 2 : i32
        %mul3A_250 = arith.muli %sub3A_248, %mul3A_249 : i32
        %add3A_251 = arith.addi %mul3A_2, %mul3A_250 : i32
        %add3A_252 = arith.constant 1 : i32
        %add3A_253 = arith.addi %add3A_251, %add3A_252 : i32
        %mul3A_254 = arith.constant 128 : i32
        %mul3A_255 = arith.muli %add3A_253, %mul3A_254 : i32
        %dma_wait3A = arith.constant 0 : i32
        %dma_wait3A_256 = arith.constant 128 : i32
        %dma_wait3A_257 = arith.constant 0 : i32
        %dma_wait3A_258 = tpu.memref_slice %arg9[%dma_wait3A, %dma_wait3A_256, %dma_wait3A_257] : memref<2x256x64xf32, #tpu.memory_space<vmem>> -> memref<1x128x64xf32, #tpu.memory_space<vmem>>
        %dma_wait3A_259 = tpu.memref_squeeze %dma_wait3A_258 : memref<1x128x64xf32, #tpu.memory_space<vmem>> -> memref<128x64xf32, #tpu.memory_space<vmem>>
        %dma_wait3A_260 = arith.constant 0 : i32
        %dma_wait3A_261 = tpu.memref_slice %arg6[%mul3A_255, %dma_wait3A_260] : memref<320000x64xf32, #tpu.memory_space<hbm>> -> memref<128x64xf32, #tpu.memory_space<hbm>>
        %dma_wait3A_262 = arith.constant 0 : i32
        %dma_wait3A_263 = tpu.memref_slice %arg6[%mul3A_255, %dma_wait3A_262] : memref<320000x64xf32, #tpu.memory_space<hbm>> -> memref<128x64xf32, #tpu.memory_space<hbm>>
        %dma_wait3A_264 = arith.constant 128 : i32
        %dma_wait3A_265 = arith.constant 0 : i32
        %dma_wait3A_266 = tpu.memref_slice %arg9[%dma_wait3A, %dma_wait3A_264, %dma_wait3A_265] : memref<2x256x64xf32, #tpu.memory_space<vmem>> -> memref<1x128x64xf32, #tpu.memory_space<vmem>>
        %dma_wait3A_267 = tpu.memref_squeeze %dma_wait3A_266 : memref<1x128x64xf32, #tpu.memory_space<vmem>> -> memref<128x64xf32, #tpu.memory_space<vmem>>
        tpu.wait_dma2 semaphore(%arg12 : memref<!tpu.dma_semaphore, #tpu.memory_space<semaphore_mem>>) src(%dma_wait3A_267 : memref<128x64xf32, #tpu.memory_space<vmem>>) dst(%dma_wait3A_263 : memref<128x64xf32, #tpu.memory_space<hbm>>)
      } else {
      }
      %mul3A_83 = arith.constant 2 : i32
      %mul3A_84 = arith.muli %add3A_45, %mul3A_83 : i32
      %add3A_85 = arith.addi %mul3A_2, %mul3A_84 : i32
      %add3A_86 = arith.constant 1 : i32
      %add3A_87 = arith.addi %add3A_85, %add3A_86 : i32
      %lt3A_88 = arith.constant 2500 : i32
      %lt3A_89 = arith.cmpi slt, %add3A_87, %lt3A_88 : i32
      %convert_element_type3A_90 = arith.extui %lt3A_89 : i1 to i32
      %cond3A_91 = arith.constant 0 : i32
      %cond3A_92 = arith.cmpi ne, %convert_element_type3A_90, %cond3A_91 : i32
      scf.if %cond3A_92 {
        %mul3A_247 = arith.constant 2 : i32
        %mul3A_248 = arith.muli %add3A_45, %mul3A_247 : i32
        %add3A_249 = arith.constant 1 : i32
        %add3A_250 = arith.addi %mul3A_248, %add3A_249 : i32
        %dma_start3A = arith.constant 0 : i32
        %dma_start3A_251 = arith.constant 128 : i32
        %dma_start3A_252 = arith.constant 0 : i32
        %dma_start3A_253 = tpu.memref_slice %arg9[%dma_start3A, %dma_start3A_251, %dma_start3A_252] : memref<2x256x64xf32, #tpu.memory_space<vmem>> -> memref<1x128x64xf32, #tpu.memory_space<vmem>>
        %dma_start3A_254 = tpu.memref_squeeze %dma_start3A_253 : memref<1x128x64xf32, #tpu.memory_space<vmem>> -> memref<128x64xf32, #tpu.memory_space<vmem>>
        %dma_start3A_255 = arith.constant 0 : i32
        %dma_start3A_256 = tpu.memref_slice %arg7[%add3A_250, %dma_start3A_255] : memref<80x128xi32, #tpu.memory_space<vmem>> -> memref<1x128xi32, #tpu.memory_space<vmem>>
        %dma_start3A_257 = tpu.memref_squeeze %dma_start3A_256 : memref<1x128xi32, #tpu.memory_space<vmem>> -> memref<128xi32, #tpu.memory_space<vmem>>
        %dma_start3A_258 = arith.constant 0 : i32
        %dma_start3A_259 = arith.constant 0 : i32
        %dma_start3A_260 = tpu.memref_slice %arg2[%dma_start3A_258, %dma_start3A_259] : memref<10000x64xf32, #tpu.memory_space<hbm>> -> memref<10000x64xf32, #tpu.memory_space<hbm>>
        tpu.enqueue_indirect_dma source(%dma_start3A_260 : memref<10000x64xf32, #tpu.memory_space<hbm>>) target(%dma_start3A_254 : memref<128x64xf32, #tpu.memory_space<vmem>>) offsets(%dma_start3A_257 : memref<128xi32, #tpu.memory_space<vmem>>) semaphore(%arg11 : memref<!tpu.dma_semaphore, #tpu.memory_space<semaphore_mem>>)
        %dma_start3A_261 = arith.constant 0 : i32
        %dma_start3A_262 = arith.constant 128 : i32
        %dma_start3A_263 = arith.constant 0 : i32
        %dma_start3A_264 = tpu.memref_slice %arg10[%dma_start3A_261, %dma_start3A_262, %dma_start3A_263] : memref<2x256x64xf32, #tpu.memory_space<vmem>> -> memref<1x128x64xf32, #tpu.memory_space<vmem>>
        %dma_start3A_265 = tpu.memref_squeeze %dma_start3A_264 : memref<1x128x64xf32, #tpu.memory_space<vmem>> -> memref<128x64xf32, #tpu.memory_space<vmem>>
        %dma_start3A_266 = arith.constant 0 : i32
        %dma_start3A_267 = tpu.memref_slice %arg8[%add3A_250, %dma_start3A_266] : memref<80x128xi32, #tpu.memory_space<vmem>> -> memref<1x128xi32, #tpu.memory_space<vmem>>
        %dma_start3A_268 = tpu.memref_squeeze %dma_start3A_267 : memref<1x128xi32, #tpu.memory_space<vmem>> -> memref<128xi32, #tpu.memory_space<vmem>>
        %dma_start3A_269 = arith.constant 0 : i32
        %dma_start3A_270 = arith.constant 0 : i32
        %dma_start3A_271 = tpu.memref_slice %arg4[%dma_start3A_269, %dma_start3A_270] : memref<10000x64xf32, #tpu.memory_space<hbm>> -> memref<10000x64xf32, #tpu.memory_space<hbm>>
        tpu.enqueue_indirect_dma source(%dma_start3A_271 : memref<10000x64xf32, #tpu.memory_space<hbm>>) target(%dma_start3A_265 : memref<128x64xf32, #tpu.memory_space<vmem>>) offsets(%dma_start3A_268 : memref<128xi32, #tpu.memory_space<vmem>>) semaphore(%arg11 : memref<!tpu.dma_semaphore, #tpu.memory_space<semaphore_mem>>)
      } else {
      }
      %mul3A_93 = arith.constant 2 : i32
      %mul3A_94 = arith.muli %scan3A_41, %mul3A_93 : i32
      %add3A_95 = arith.constant 1 : i32
      %add3A_96 = arith.addi %mul3A_94, %add3A_95 : i32
      %gt3A_97 = arith.constant 0 : i32
      %gt3A_98 = arith.cmpi sgt, %scan3A_41, %gt3A_97 : i32
      %sub3A_99 = arith.constant 2 : i32
      %sub3A_100 = arith.subi %add3A_96, %sub3A_99 : i32
      %mul3A_101 = arith.constant 2 : i32
      %mul3A_102 = arith.muli %sub3A_100, %mul3A_101 : i32
      %add3A_103 = arith.addi %mul3A_2, %mul3A_102 : i32
      %add3A_104 = arith.constant 0 : i32
      %add3A_105 = arith.addi %add3A_103, %add3A_104 : i32
      %lt3A_106 = arith.constant 2500 : i32
      %lt3A_107 = arith.cmpi slt, %add3A_105, %lt3A_106 : i32
      %and3A_108 = arith.andi %gt3A_98, %lt3A_107 : i1
      %convert_element_type3A_109 = arith.extui %and3A_108 : i1 to i32
      %cond3A_110 = arith.constant 0 : i32
      %cond3A_111 = arith.cmpi ne, %convert_element_type3A_109, %cond3A_110 : i32
      scf.if %cond3A_111 {
        %sub3A_247 = arith.constant 2 : i32
        %sub3A_248 = arith.subi %add3A_96, %sub3A_247 : i32
        %mul3A_249 = arith.constant 2 : i32
        %mul3A_250 = arith.muli %sub3A_248, %mul3A_249 : i32
        %add3A_251 = arith.addi %mul3A_2, %mul3A_250 : i32
        %add3A_252 = arith.constant 0 : i32
        %add3A_253 = arith.addi %add3A_251, %add3A_252 : i32
        %mul3A_254 = arith.constant 128 : i32
        %mul3A_255 = arith.muli %add3A_253, %mul3A_254 : i32
        %dma_wait3A = arith.constant 1 : i32
        %dma_wait3A_256 = arith.constant 0 : i32
        %dma_wait3A_257 = arith.constant 0 : i32
        %dma_wait3A_258 = tpu.memref_slice %arg9[%dma_wait3A, %dma_wait3A_256, %dma_wait3A_257] : memref<2x256x64xf32, #tpu.memory_space<vmem>> -> memref<1x128x64xf32, #tpu.memory_space<vmem>>
        %dma_wait3A_259 = tpu.memref_squeeze %dma_wait3A_258 : memref<1x128x64xf32, #tpu.memory_space<vmem>> -> memref<128x64xf32, #tpu.memory_space<vmem>>
        %dma_wait3A_260 = arith.constant 0 : i32
        %dma_wait3A_261 = tpu.memref_slice %arg6[%mul3A_255, %dma_wait3A_260] : memref<320000x64xf32, #tpu.memory_space<hbm>> -> memref<128x64xf32, #tpu.memory_space<hbm>>
        %dma_wait3A_262 = arith.constant 0 : i32
        %dma_wait3A_263 = tpu.memref_slice %arg6[%mul3A_255, %dma_wait3A_262] : memref<320000x64xf32, #tpu.memory_space<hbm>> -> memref<128x64xf32, #tpu.memory_space<hbm>>
        %dma_wait3A_264 = arith.constant 0 : i32
        %dma_wait3A_265 = arith.constant 0 : i32
        %dma_wait3A_266 = tpu.memref_slice %arg9[%dma_wait3A, %dma_wait3A_264, %dma_wait3A_265] : memref<2x256x64xf32, #tpu.memory_space<vmem>> -> memref<1x128x64xf32, #tpu.memory_space<vmem>>
        %dma_wait3A_267 = tpu.memref_squeeze %dma_wait3A_266 : memref<1x128x64xf32, #tpu.memory_space<vmem>> -> memref<128x64xf32, #tpu.memory_space<vmem>>
        tpu.wait_dma2 semaphore(%arg13 : memref<!tpu.dma_semaphore, #tpu.memory_space<semaphore_mem>>) src(%dma_wait3A_267 : memref<128x64xf32, #tpu.memory_space<vmem>>) dst(%dma_wait3A_263 : memref<128x64xf32, #tpu.memory_space<hbm>>)
      } else {
      }
      %mul3A_112 = arith.constant 2 : i32
      %mul3A_113 = arith.muli %add3A_96, %mul3A_112 : i32
      %add3A_114 = arith.addi %mul3A_2, %mul3A_113 : i32
      %add3A_115 = arith.constant 0 : i32
      %add3A_116 = arith.addi %add3A_114, %add3A_115 : i32
      %lt3A_117 = arith.constant 2500 : i32
      %lt3A_118 = arith.cmpi slt, %add3A_116, %lt3A_117 : i32
      %convert_element_type3A_119 = arith.extui %lt3A_118 : i1 to i32
      %cond3A_120 = arith.constant 0 : i32
      %cond3A_121 = arith.cmpi ne, %convert_element_type3A_119, %cond3A_120 : i32
      scf.if %cond3A_121 {
        %mul3A_247 = arith.constant 2 : i32
        %mul3A_248 = arith.muli %add3A_96, %mul3A_247 : i32
        %add3A_249 = arith.constant 0 : i32
        %add3A_250 = arith.addi %mul3A_248, %add3A_249 : i32
        %dma_start3A = arith.constant 1 : i32
        %dma_start3A_251 = arith.constant 0 : i32
        %dma_start3A_252 = arith.constant 0 : i32
        %dma_start3A_253 = tpu.memref_slice %arg9[%dma_start3A, %dma_start3A_251, %dma_start3A_252] : memref<2x256x64xf32, #tpu.memory_space<vmem>> -> memref<1x128x64xf32, #tpu.memory_space<vmem>>
        %dma_start3A_254 = tpu.memref_squeeze %dma_start3A_253 : memref<1x128x64xf32, #tpu.memory_space<vmem>> -> memref<128x64xf32, #tpu.memory_space<vmem>>
        %dma_start3A_255 = arith.constant 0 : i32
        %dma_start3A_256 = tpu.memref_slice %arg7[%add3A_250, %dma_start3A_255] : memref<80x128xi32, #tpu.memory_space<vmem>> -> memref<1x128xi32, #tpu.memory_space<vmem>>
        %dma_start3A_257 = tpu.memref_squeeze %dma_start3A_256 : memref<1x128xi32, #tpu.memory_space<vmem>> -> memref<128xi32, #tpu.memory_space<vmem>>
        %dma_start3A_258 = arith.constant 0 : i32
        %dma_start3A_259 = arith.constant 0 : i32
        %dma_start3A_260 = tpu.memref_slice %arg2[%dma_start3A_258, %dma_start3A_259] : memref<10000x64xf32, #tpu.memory_space<hbm>> -> memref<10000x64xf32, #tpu.memory_space<hbm>>
        tpu.enqueue_indirect_dma source(%dma_start3A_260 : memref<10000x64xf32, #tpu.memory_space<hbm>>) target(%dma_start3A_254 : memref<128x64xf32, #tpu.memory_space<vmem>>) offsets(%dma_start3A_257 : memref<128xi32, #tpu.memory_space<vmem>>) semaphore(%arg11 : memref<!tpu.dma_semaphore, #tpu.memory_space<semaphore_mem>>)
        %dma_start3A_261 = arith.constant 1 : i32
        %dma_start3A_262 = arith.constant 0 : i32
        %dma_start3A_263 = arith.constant 0 : i32
        %dma_start3A_264 = tpu.memref_slice %arg10[%dma_start3A_261, %dma_start3A_262, %dma_start3A_263] : memref<2x256x64xf32, #tpu.memory_space<vmem>> -> memref<1x128x64xf32, #tpu.memory_space<vmem>>
        %dma_start3A_265 = tpu.memref_squeeze %dma_start3A_264 : memref<1x128x64xf32, #tpu.memory_space<vmem>> -> memref<128x64xf32, #tpu.memory_space<vmem>>
        %dma_start3A_266 = arith.constant 0 : i32
        %dma_start3A_267 = tpu.memref_slice %arg8[%add3A_250, %dma_start3A_266] : memref<80x128xi32, #tpu.memory_space<vmem>> -> memref<1x128xi32, #tpu.memory_space<vmem>>
        %dma_start3A_268 = tpu.memref_squeeze %dma_start3A_267 : memref<1x128xi32, #tpu.memory_space<vmem>> -> memref<128xi32, #tpu.memory_space<vmem>>
        %dma_start3A_269 = arith.constant 0 : i32
        %dma_start3A_270 = arith.constant 0 : i32
        %dma_start3A_271 = tpu.memref_slice %arg4[%dma_start3A_269, %dma_start3A_270] : memref<10000x64xf32, #tpu.memory_space<hbm>> -> memref<10000x64xf32, #tpu.memory_space<hbm>>
        tpu.enqueue_indirect_dma source(%dma_start3A_271 : memref<10000x64xf32, #tpu.memory_space<hbm>>) target(%dma_start3A_265 : memref<128x64xf32, #tpu.memory_space<vmem>>) offsets(%dma_start3A_268 : memref<128xi32, #tpu.memory_space<vmem>>) semaphore(%arg11 : memref<!tpu.dma_semaphore, #tpu.memory_space<semaphore_mem>>)
      } else {
      }
      %gt3A_122 = arith.constant 0 : i32
      %gt3A_123 = arith.cmpi sgt, %scan3A_41, %gt3A_122 : i32
      %sub3A_124 = arith.constant 2 : i32
      %sub3A_125 = arith.subi %add3A_96, %sub3A_124 : i32
      %mul3A_126 = arith.constant 2 : i32
      %mul3A_127 = arith.muli %sub3A_125, %mul3A_126 : i32
      %add3A_128 = arith.addi %mul3A_2, %mul3A_127 : i32
      %add3A_129 = arith.constant 1 : i32
      %add3A_130 = arith.addi %add3A_128, %add3A_129 : i32
      %lt3A_131 = arith.constant 2500 : i32
      %lt3A_132 = arith.cmpi slt, %add3A_130, %lt3A_131 : i32
      %and3A_133 = arith.andi %gt3A_123, %lt3A_132 : i1
      %convert_element_type3A_134 = arith.extui %and3A_133 : i1 to i32
      %cond3A_135 = arith.constant 0 : i32
      %cond3A_136 = arith.cmpi ne, %convert_element_type3A_134, %cond3A_135 : i32
      scf.if %cond3A_136 {
        %sub3A_247 = arith.constant 2 : i32
        %sub3A_248 = arith.subi %add3A_96, %sub3A_247 : i32
        %mul3A_249 = arith.constant 2 : i32
        %mul3A_250 = arith.muli %sub3A_248, %mul3A_249 : i32
        %add3A_251 = arith.addi %mul3A_2, %mul3A_250 : i32
        %add3A_252 = arith.constant 1 : i32
        %add3A_253 = arith.addi %add3A_251, %add3A_252 : i32
        %mul3A_254 = arith.constant 128 : i32
        %mul3A_255 = arith.muli %add3A_253, %mul3A_254 : i32
        %dma_wait3A = arith.constant 1 : i32
        %dma_wait3A_256 = arith.constant 128 : i32
        %dma_wait3A_257 = arith.constant 0 : i32
        %dma_wait3A_258 = tpu.memref_slice %arg9[%dma_wait3A, %dma_wait3A_256, %dma_wait3A_257] : memref<2x256x64xf32, #tpu.memory_space<vmem>> -> memref<1x128x64xf32, #tpu.memory_space<vmem>>
        %dma_wait3A_259 = tpu.memref_squeeze %dma_wait3A_258 : memref<1x128x64xf32, #tpu.memory_space<vmem>> -> memref<128x64xf32, #tpu.memory_space<vmem>>
        %dma_wait3A_260 = arith.constant 0 : i32
        %dma_wait3A_261 = tpu.memref_slice %arg6[%mul3A_255, %dma_wait3A_260] : memref<320000x64xf32, #tpu.memory_space<hbm>> -> memref<128x64xf32, #tpu.memory_space<hbm>>
        %dma_wait3A_262 = arith.constant 0 : i32
        %dma_wait3A_263 = tpu.memref_slice %arg6[%mul3A_255, %dma_wait3A_262] : memref<320000x64xf32, #tpu.memory_space<hbm>> -> memref<128x64xf32, #tpu.memory_space<hbm>>
        %dma_wait3A_264 = arith.constant 128 : i32
        %dma_wait3A_265 = arith.constant 0 : i32
        %dma_wait3A_266 = tpu.memref_slice %arg9[%dma_wait3A, %dma_wait3A_264, %dma_wait3A_265] : memref<2x256x64xf32, #tpu.memory_space<vmem>> -> memref<1x128x64xf32, #tpu.memory_space<vmem>>
        %dma_wait3A_267 = tpu.memref_squeeze %dma_wait3A_266 : memref<1x128x64xf32, #tpu.memory_space<vmem>> -> memref<128x64xf32, #tpu.memory_space<vmem>>
        tpu.wait_dma2 semaphore(%arg13 : memref<!tpu.dma_semaphore, #tpu.memory_space<semaphore_mem>>) src(%dma_wait3A_267 : memref<128x64xf32, #tpu.memory_space<vmem>>) dst(%dma_wait3A_263 : memref<128x64xf32, #tpu.memory_space<hbm>>)
      } else {
      }
      %mul3A_137 = arith.constant 2 : i32
      %mul3A_138 = arith.muli %add3A_96, %mul3A_137 : i32
      %add3A_139 = arith.addi %mul3A_2, %mul3A_138 : i32
      %add3A_140 = arith.constant 1 : i32
      %add3A_141 = arith.addi %add3A_139, %add3A_140 : i32
      %lt3A_142 = arith.constant 2500 : i32
      %lt3A_143 = arith.cmpi slt, %add3A_141, %lt3A_142 : i32
      %convert_element_type3A_144 = arith.extui %lt3A_143 : i1 to i32
      %cond3A_145 = arith.constant 0 : i32
      %cond3A_146 = arith.cmpi ne, %convert_element_type3A_144, %cond3A_145 : i32
      scf.if %cond3A_146 {
        %mul3A_247 = arith.constant 2 : i32
        %mul3A_248 = arith.muli %add3A_96, %mul3A_247 : i32
        %add3A_249 = arith.constant 1 : i32
        %add3A_250 = arith.addi %mul3A_248, %add3A_249 : i32
        %dma_start3A = arith.constant 1 : i32
        %dma_start3A_251 = arith.constant 128 : i32
        %dma_start3A_252 = arith.constant 0 : i32
        %dma_start3A_253 = tpu.memref_slice %arg9[%dma_start3A, %dma_start3A_251, %dma_start3A_252] : memref<2x256x64xf32, #tpu.memory_space<vmem>> -> memref<1x128x64xf32, #tpu.memory_space<vmem>>
        %dma_start3A_254 = tpu.memref_squeeze %dma_start3A_253 : memref<1x128x64xf32, #tpu.memory_space<vmem>> -> memref<128x64xf32, #tpu.memory_space<vmem>>
        %dma_start3A_255 = arith.constant 0 : i32
        %dma_start3A_256 = tpu.memref_slice %arg7[%add3A_250, %dma_start3A_255] : memref<80x128xi32, #tpu.memory_space<vmem>> -> memref<1x128xi32, #tpu.memory_space<vmem>>
        %dma_start3A_257 = tpu.memref_squeeze %dma_start3A_256 : memref<1x128xi32, #tpu.memory_space<vmem>> -> memref<128xi32, #tpu.memory_space<vmem>>
        %dma_start3A_258 = arith.constant 0 : i32
        %dma_start3A_259 = arith.constant 0 : i32
        %dma_start3A_260 = tpu.memref_slice %arg2[%dma_start3A_258, %dma_start3A_259] : memref<10000x64xf32, #tpu.memory_space<hbm>> -> memref<10000x64xf32, #tpu.memory_space<hbm>>
        tpu.enqueue_indirect_dma source(%dma_start3A_260 : memref<10000x64xf32, #tpu.memory_space<hbm>>) target(%dma_start3A_254 : memref<128x64xf32, #tpu.memory_space<vmem>>) offsets(%dma_start3A_257 : memref<128xi32, #tpu.memory_space<vmem>>) semaphore(%arg11 : memref<!tpu.dma_semaphore, #tpu.memory_space<semaphore_mem>>)
        %dma_start3A_261 = arith.constant 1 : i32
        %dma_start3A_262 = arith.constant 128 : i32
        %dma_start3A_263 = arith.constant 0 : i32
        %dma_start3A_264 = tpu.memref_slice %arg10[%dma_start3A_261, %dma_start3A_262, %dma_start3A_263] : memref<2x256x64xf32, #tpu.memory_space<vmem>> -> memref<1x128x64xf32, #tpu.memory_space<vmem>>
        %dma_start3A_265 = tpu.memref_squeeze %dma_start3A_264 : memref<1x128x64xf32, #tpu.memory_space<vmem>> -> memref<128x64xf32, #tpu.memory_space<vmem>>
        %dma_start3A_266 = arith.constant 0 : i32
        %dma_start3A_267 = tpu.memref_slice %arg8[%add3A_250, %dma_start3A_266] : memref<80x128xi32, #tpu.memory_space<vmem>> -> memref<1x128xi32, #tpu.memory_space<vmem>>
        %dma_start3A_268 = tpu.memref_squeeze %dma_start3A_267 : memref<1x128xi32, #tpu.memory_space<vmem>> -> memref<128xi32, #tpu.memory_space<vmem>>
        %dma_start3A_269 = arith.constant 0 : i32
        %dma_start3A_270 = arith.constant 0 : i32
        %dma_start3A_271 = tpu.memref_slice %arg4[%dma_start3A_269, %dma_start3A_270] : memref<10000x64xf32, #tpu.memory_space<hbm>> -> memref<10000x64xf32, #tpu.memory_space<hbm>>
        tpu.enqueue_indirect_dma source(%dma_start3A_271 : memref<10000x64xf32, #tpu.memory_space<hbm>>) target(%dma_start3A_265 : memref<128x64xf32, #tpu.memory_space<vmem>>) offsets(%dma_start3A_268 : memref<128xi32, #tpu.memory_space<vmem>>) semaphore(%arg11 : memref<!tpu.dma_semaphore, #tpu.memory_space<semaphore_mem>>)
      } else {
      }
      %mul3A_147 = arith.constant 2 : i32
      %mul3A_148 = arith.muli %scan3A_41, %mul3A_147 : i32
      %add3A_149 = arith.constant 0 : i32
      %add3A_150 = arith.addi %mul3A_148, %add3A_149 : i32
      %mul3A_151 = arith.constant 2 : i32
      %mul3A_152 = arith.muli %add3A_150, %mul3A_151 : i32
      %add3A_153 = arith.addi %mul3A_2, %mul3A_152 : i32
      %add3A_154 = arith.constant 0 : i32
      %add3A_155 = arith.addi %add3A_153, %add3A_154 : i32
      %lt3A_156 = arith.constant 2500 : i32
      %lt3A_157 = arith.cmpi slt, %add3A_155, %lt3A_156 : i32
      %convert_element_type3A_158 = arith.extui %lt3A_157 : i1 to i32
      %cond3A_159 = arith.constant 0 : i32
      %cond3A_160 = arith.cmpi ne, %convert_element_type3A_158, %cond3A_159 : i32
      scf.if %cond3A_160 {
        %mul3A_247 = arith.constant 2 : i32
        %mul3A_248 = arith.muli %add3A_150, %mul3A_247 : i32
        %add3A_249 = arith.constant 0 : i32
        %add3A_250 = arith.addi %mul3A_248, %add3A_249 : i32
        %dma_wait3A = arith.constant 0 : i32
        %dma_wait3A_251 = arith.constant 0 : i32
        %dma_wait3A_252 = arith.constant 0 : i32
        %dma_wait3A_253 = tpu.memref_slice %arg9[%dma_wait3A, %dma_wait3A_251, %dma_wait3A_252] : memref<2x256x64xf32, #tpu.memory_space<vmem>> -> memref<1x128x64xf32, #tpu.memory_space<vmem>>
        %dma_wait3A_254 = tpu.memref_squeeze %dma_wait3A_253 : memref<1x128x64xf32, #tpu.memory_space<vmem>> -> memref<128x64xf32, #tpu.memory_space<vmem>>
        %dma_wait3A_255 = arith.constant 0 : i32
        %dma_wait3A_256 = tpu.memref_slice %arg7[%add3A_250, %dma_wait3A_255] : memref<80x128xi32, #tpu.memory_space<vmem>> -> memref<1x128xi32, #tpu.memory_space<vmem>>
        %dma_wait3A_257 = tpu.memref_squeeze %dma_wait3A_256 : memref<1x128xi32, #tpu.memory_space<vmem>> -> memref<128xi32, #tpu.memory_space<vmem>>
        %dma_wait3A_258 = arith.constant 0 : i32
        %dma_wait3A_259 = arith.constant 0 : i32
        %dma_wait3A_260 = tpu.memref_slice %arg2[%dma_wait3A_258, %dma_wait3A_259] : memref<10000x64xf32, #tpu.memory_space<hbm>> -> memref<10000x64xf32, #tpu.memory_space<hbm>>
        tpu.wait_indirect_dma semaphore(%arg11 : memref<!tpu.dma_semaphore, #tpu.memory_space<semaphore_mem>>) src(%dma_wait3A_260 : memref<10000x64xf32, #tpu.memory_space<hbm>>) dst(%dma_wait3A_254 : memref<128x64xf32, #tpu.memory_space<vmem>>)
        %dma_wait3A_261 = arith.constant 0 : i32
        %dma_wait3A_262 = arith.constant 0 : i32
        %dma_wait3A_263 = arith.constant 0 : i32
        %dma_wait3A_264 = tpu.memref_slice %arg10[%dma_wait3A_261, %dma_wait3A_262, %dma_wait3A_263] : memref<2x256x64xf32, #tpu.memory_space<vmem>> -> memref<1x128x64xf32, #tpu.memory_space<vmem>>
        %dma_wait3A_265 = tpu.memref_squeeze %dma_wait3A_264 : memref<1x128x64xf32, #tpu.memory_space<vmem>> -> memref<128x64xf32, #tpu.memory_space<vmem>>
        %dma_wait3A_266 = arith.constant 0 : i32
        %dma_wait3A_267 = tpu.memref_slice %arg8[%add3A_250, %dma_wait3A_266] : memref<80x128xi32, #tpu.memory_space<vmem>> -> memref<1x128xi32, #tpu.memory_space<vmem>>
        %dma_wait3A_268 = tpu.memref_squeeze %dma_wait3A_267 : memref<1x128xi32, #tpu.memory_space<vmem>> -> memref<128xi32, #tpu.memory_space<vmem>>
        %dma_wait3A_269 = arith.constant 0 : i32
        %dma_wait3A_270 = arith.constant 0 : i32
        %dma_wait3A_271 = tpu.memref_slice %arg4[%dma_wait3A_269, %dma_wait3A_270] : memref<10000x64xf32, #tpu.memory_space<hbm>> -> memref<10000x64xf32, #tpu.memory_space<hbm>>
        tpu.wait_indirect_dma semaphore(%arg11 : memref<!tpu.dma_semaphore, #tpu.memory_space<semaphore_mem>>) src(%dma_wait3A_271 : memref<10000x64xf32, #tpu.memory_space<hbm>>) dst(%dma_wait3A_265 : memref<128x64xf32, #tpu.memory_space<vmem>>)
      } else {
      }
      %mul3A_161 = arith.constant 2 : i32
      %mul3A_162 = arith.muli %add3A_150, %mul3A_161 : i32
      %add3A_163 = arith.addi %mul3A_2, %mul3A_162 : i32
      %add3A_164 = arith.constant 1 : i32
      %add3A_165 = arith.addi %add3A_163, %add3A_164 : i32
      %lt3A_166 = arith.constant 2500 : i32
      %lt3A_167 = arith.cmpi slt, %add3A_165, %lt3A_166 : i32
      %convert_element_type3A_168 = arith.extui %lt3A_167 : i1 to i32
      %cond3A_169 = arith.constant 0 : i32
      %cond3A_170 = arith.cmpi ne, %convert_element_type3A_168, %cond3A_169 : i32
      scf.if %cond3A_170 {
        %mul3A_247 = arith.constant 2 : i32
        %mul3A_248 = arith.muli %add3A_150, %mul3A_247 : i32
        %add3A_249 = arith.constant 1 : i32
        %add3A_250 = arith.addi %mul3A_248, %add3A_249 : i32
        %dma_wait3A = arith.constant 0 : i32
        %dma_wait3A_251 = arith.constant 128 : i32
        %dma_wait3A_252 = arith.constant 0 : i32
        %dma_wait3A_253 = tpu.memref_slice %arg9[%dma_wait3A, %dma_wait3A_251, %dma_wait3A_252] : memref<2x256x64xf32, #tpu.memory_space<vmem>> -> memref<1x128x64xf32, #tpu.memory_space<vmem>>
        %dma_wait3A_254 = tpu.memref_squeeze %dma_wait3A_253 : memref<1x128x64xf32, #tpu.memory_space<vmem>> -> memref<128x64xf32, #tpu.memory_space<vmem>>
        %dma_wait3A_255 = arith.constant 0 : i32
        %dma_wait3A_256 = tpu.memref_slice %arg7[%add3A_250, %dma_wait3A_255] : memref<80x128xi32, #tpu.memory_space<vmem>> -> memref<1x128xi32, #tpu.memory_space<vmem>>
        %dma_wait3A_257 = tpu.memref_squeeze %dma_wait3A_256 : memref<1x128xi32, #tpu.memory_space<vmem>> -> memref<128xi32, #tpu.memory_space<vmem>>
        %dma_wait3A_258 = arith.constant 0 : i32
        %dma_wait3A_259 = arith.constant 0 : i32
        %dma_wait3A_260 = tpu.memref_slice %arg2[%dma_wait3A_258, %dma_wait3A_259] : memref<10000x64xf32, #tpu.memory_space<hbm>> -> memref<10000x64xf32, #tpu.memory_space<hbm>>
        tpu.wait_indirect_dma semaphore(%arg11 : memref<!tpu.dma_semaphore, #tpu.memory_space<semaphore_mem>>) src(%dma_wait3A_260 : memref<10000x64xf32, #tpu.memory_space<hbm>>) dst(%dma_wait3A_254 : memref<128x64xf32, #tpu.memory_space<vmem>>)
        %dma_wait3A_261 = arith.constant 0 : i32
        %dma_wait3A_262 = arith.constant 128 : i32
        %dma_wait3A_263 = arith.constant 0 : i32
        %dma_wait3A_264 = tpu.memref_slice %arg10[%dma_wait3A_261, %dma_wait3A_262, %dma_wait3A_263] : memref<2x256x64xf32, #tpu.memory_space<vmem>> -> memref<1x128x64xf32, #tpu.memory_space<vmem>>
        %dma_wait3A_265 = tpu.memref_squeeze %dma_wait3A_264 : memref<1x128x64xf32, #tpu.memory_space<vmem>> -> memref<128x64xf32, #tpu.memory_space<vmem>>
        %dma_wait3A_266 = arith.constant 0 : i32
        %dma_wait3A_267 = tpu.memref_slice %arg8[%add3A_250, %dma_wait3A_266] : memref<80x128xi32, #tpu.memory_space<vmem>> -> memref<1x128xi32, #tpu.memory_space<vmem>>
        %dma_wait3A_268 = tpu.memref_squeeze %dma_wait3A_267 : memref<1x128xi32, #tpu.memory_space<vmem>> -> memref<128xi32, #tpu.memory_space<vmem>>
        %dma_wait3A_269 = arith.constant 0 : i32
        %dma_wait3A_270 = arith.constant 0 : i32
        %dma_wait3A_271 = tpu.memref_slice %arg4[%dma_wait3A_269, %dma_wait3A_270] : memref<10000x64xf32, #tpu.memory_space<hbm>> -> memref<10000x64xf32, #tpu.memory_space<hbm>>
        tpu.wait_indirect_dma semaphore(%arg11 : memref<!tpu.dma_semaphore, #tpu.memory_space<semaphore_mem>>) src(%dma_wait3A_271 : memref<10000x64xf32, #tpu.memory_space<hbm>>) dst(%dma_wait3A_265 : memref<128x64xf32, #tpu.memory_space<vmem>>)
      } else {
      }
      %scan3A_171 = arith.constant 0 : i32
      %scan3A_172 = arith.constant 0 : i32
      %scan3A_173 = arith.constant 256 : i32
      %scan3A_174 = arith.addi %scan3A_172, %scan3A_173 : i32
      %scan3A_175 = arith.constant 1 : i32
      scf.for %scan3A_247 = %scan3A_172 to %scan3A_174 step %scan3A_175  : i32 {
        %get3A = arith.constant 0 : i32
        %get3A_248 = arith.index_cast %get3A : i32 to index
        %get3A_249 = arith.index_cast %scan3A_247 : i32 to index
        %get3A_250 = arith.constant 0 : index
        %get3A_251 = tpu.vector_load %arg9[%get3A_248, %get3A_249, %get3A_250] {strides = array<i32>} : memref<2x256x64xf32, #tpu.memory_space<vmem>>, vector<1x1x16xf32>,
        %get3A_252 = vector.shape_cast %get3A_251 : vector<1x1x16xf32> to vector<16xf32>
        %get3A_253 = arith.constant 0 : i32
        %get3A_254 = arith.index_cast %get3A_253 : i32 to index
        %get3A_255 = arith.index_cast %scan3A_247 : i32 to index
        %get3A_256 = arith.constant 0 : index
        %get3A_257 = tpu.vector_load %arg10[%get3A_254, %get3A_255, %get3A_256] {strides = array<i32>} : memref<2x256x64xf32, #tpu.memory_space<vmem>>, vector<1x1x16xf32>,
        %get3A_258 = vector.shape_cast %get3A_257 : vector<1x1x16xf32> to vector<16xf32>
        %add3A_259 = arith.addf %get3A_252, %get3A_258 : vector<16xf32>
        %swap3A = arith.constant 0 : i32
        %swap3A_260 = arith.index_cast %swap3A : i32 to index
        %swap3A_261 = arith.index_cast %scan3A_247 : i32 to index
        %swap3A_262 = arith.constant 0 : index
        %swap3A_263 = tpu.vector_load %arg9[%swap3A_260, %swap3A_261, %swap3A_262] {strides = array<i32>} : memref<2x256x64xf32, #tpu.memory_space<vmem>>, vector<1x1x16xf32>,
        %swap3A_264 = vector.shape_cast %swap3A_263 : vector<1x1x16xf32> to vector<16xf32>
        %swap3A_265 = vector.shape_cast %add3A_259 : vector<16xf32> to vector<1x1x16xf32>
        tpu.vector_store %arg9[%swap3A_260, %swap3A_261, %swap3A_262], %swap3A_265 {strides = array<i32>} : memref<2x256x64xf32, #tpu.memory_space<vmem>>, vector<1x1x16xf32>,
        %get3A_266 = arith.constant 0 : i32
        %get3A_267 = arith.index_cast %get3A_266 : i32 to index
        %get3A_268 = arith.index_cast %scan3A_247 : i32 to index
        %get3A_269 = arith.constant 16 : index
        %get3A_270 = tpu.vector_load %arg9[%get3A_267, %get3A_268, %get3A_269] {strides = array<i32>} : memref<2x256x64xf32, #tpu.memory_space<vmem>>, vector<1x1x16xf32>,
        %get3A_271 = vector.shape_cast %get3A_270 : vector<1x1x16xf32> to vector<16xf32>
        %get3A_272 = arith.constant 0 : i32
        %get3A_273 = arith.index_cast %get3A_272 : i32 to index
        %get3A_274 = arith.index_cast %scan3A_247 : i32 to index
        %get3A_275 = arith.constant 16 : index
        %get3A_276 = tpu.vector_load %arg10[%get3A_273, %get3A_274, %get3A_275] {strides = array<i32>} : memref<2x256x64xf32, #tpu.memory_space<vmem>>, vector<1x1x16xf32>,
        %get3A_277 = vector.shape_cast %get3A_276 : vector<1x1x16xf32> to vector<16xf32>
        %add3A_278 = arith.addf %get3A_271, %get3A_277 : vector<16xf32>
        %swap3A_279 = arith.constant 0 : i32
        %swap3A_280 = arith.index_cast %swap3A_279 : i32 to index
        %swap3A_281 = arith.index_cast %scan3A_247 : i32 to index
        %swap3A_282 = arith.constant 16 : index
        %swap3A_283 = tpu.vector_load %arg9[%swap3A_280, %swap3A_281, %swap3A_282] {strides = array<i32>} : memref<2x256x64xf32, #tpu.memory_space<vmem>>, vector<1x1x16xf32>,
        %swap3A_284 = vector.shape_cast %swap3A_283 : vector<1x1x16xf32> to vector<16xf32>
        %swap3A_285 = vector.shape_cast %add3A_278 : vector<16xf32> to vector<1x1x16xf32>
        tpu.vector_store %arg9[%swap3A_280, %swap3A_281, %swap3A_282], %swap3A_285 {strides = array<i32>} : memref<2x256x64xf32, #tpu.memory_space<vmem>>, vector<1x1x16xf32>,
        %get3A_286 = arith.constant 0 : i32
        %get3A_287 = arith.index_cast %get3A_286 : i32 to index
        %get3A_288 = arith.index_cast %scan3A_247 : i32 to index
        %get3A_289 = arith.constant 32 : index
        %get3A_290 = tpu.vector_load %arg9[%get3A_287, %get3A_288, %get3A_289] {strides = array<i32>} : memref<2x256x64xf32, #tpu.memory_space<vmem>>, vector<1x1x16xf32>,
        %get3A_291 = vector.shape_cast %get3A_290 : vector<1x1x16xf32> to vector<16xf32>
        %get3A_292 = arith.constant 0 : i32
        %get3A_293 = arith.index_cast %get3A_292 : i32 to index
        %get3A_294 = arith.index_cast %scan3A_247 : i32 to index
        %get3A_295 = arith.constant 32 : index
        %get3A_296 = tpu.vector_load %arg10[%get3A_293, %get3A_294, %get3A_295] {strides = array<i32>} : memref<2x256x64xf32, #tpu.memory_space<vmem>>, vector<1x1x16xf32>,
        %get3A_297 = vector.shape_cast %get3A_296 : vector<1x1x16xf32> to vector<16xf32>
        %add3A_298 = arith.addf %get3A_291, %get3A_297 : vector<16xf32>
        %swap3A_299 = arith.constant 0 : i32
        %swap3A_300 = arith.index_cast %swap3A_299 : i32 to index
        %swap3A_301 = arith.index_cast %scan3A_247 : i32 to index
        %swap3A_302 = arith.constant 32 : index
        %swap3A_303 = tpu.vector_load %arg9[%swap3A_300, %swap3A_301, %swap3A_302] {strides = array<i32>} : memref<2x256x64xf32, #tpu.memory_space<vmem>>, vector<1x1x16xf32>,
        %swap3A_304 = vector.shape_cast %swap3A_303 : vector<1x1x16xf32> to vector<16xf32>
        %swap3A_305 = vector.shape_cast %add3A_298 : vector<16xf32> to vector<1x1x16xf32>
        tpu.vector_store %arg9[%swap3A_300, %swap3A_301, %swap3A_302], %swap3A_305 {strides = array<i32>} : memref<2x256x64xf32, #tpu.memory_space<vmem>>, vector<1x1x16xf32>,
        %get3A_306 = arith.constant 0 : i32
        %get3A_307 = arith.index_cast %get3A_306 : i32 to index
        %get3A_308 = arith.index_cast %scan3A_247 : i32 to index
        %get3A_309 = arith.constant 48 : index
        %get3A_310 = tpu.vector_load %arg9[%get3A_307, %get3A_308, %get3A_309] {strides = array<i32>} : memref<2x256x64xf32, #tpu.memory_space<vmem>>, vector<1x1x16xf32>,
        %get3A_311 = vector.shape_cast %get3A_310 : vector<1x1x16xf32> to vector<16xf32>
        %get3A_312 = arith.constant 0 : i32
        %get3A_313 = arith.index_cast %get3A_312 : i32 to index
        %get3A_314 = arith.index_cast %scan3A_247 : i32 to index
        %get3A_315 = arith.constant 48 : index
        %get3A_316 = tpu.vector_load %arg10[%get3A_313, %get3A_314, %get3A_315] {strides = array<i32>} : memref<2x256x64xf32, #tpu.memory_space<vmem>>, vector<1x1x16xf32>,
        %get3A_317 = vector.shape_cast %get3A_316 : vector<1x1x16xf32> to vector<16xf32>
        %add3A_318 = arith.addf %get3A_311, %get3A_317 : vector<16xf32>
        %swap3A_319 = arith.constant 0 : i32
        %swap3A_320 = arith.index_cast %swap3A_319 : i32 to index
        %swap3A_321 = arith.index_cast %scan3A_247 : i32 to index
        %swap3A_322 = arith.constant 48 : index
        %swap3A_323 = tpu.vector_load %arg9[%swap3A_320, %swap3A_321, %swap3A_322] {strides = array<i32>} : memref<2x256x64xf32, #tpu.memory_space<vmem>>, vector<1x1x16xf32>,
        %swap3A_324 = vector.shape_cast %swap3A_323 : vector<1x1x16xf32> to vector<16xf32>
        %swap3A_325 = vector.shape_cast %add3A_318 : vector<16xf32> to vector<1x1x16xf32>
        tpu.vector_store %arg9[%swap3A_320, %swap3A_321, %swap3A_322], %swap3A_325 {strides = array<i32>} : memref<2x256x64xf32, #tpu.memory_space<vmem>>, vector<1x1x16xf32>,
      }
      %scan3A_176 = arith.constant 256 : i32
      %mul3A_177 = arith.constant 2 : i32
      %mul3A_178 = arith.muli %add3A_150, %mul3A_177 : i32
      %add3A_179 = arith.addi %mul3A_2, %mul3A_178 : i32
      %add3A_180 = arith.constant 0 : i32
      %add3A_181 = arith.addi %add3A_179, %add3A_180 : i32
      %lt3A_182 = arith.constant 2500 : i32
      %lt3A_183 = arith.cmpi slt, %add3A_181, %lt3A_182 : i32
      %convert_element_type3A_184 = arith.extui %lt3A_183 : i1 to i32
      %cond3A_185 = arith.constant 0 : i32
      %cond3A_186 = arith.cmpi ne, %convert_element_type3A_184, %cond3A_185 : i32
      scf.if %cond3A_186 {
        %mul3A_247 = arith.constant 2 : i32
        %mul3A_248 = arith.muli %add3A_150, %mul3A_247 : i32
        %add3A_249 = arith.addi %mul3A_2, %mul3A_248 : i32
        %add3A_250 = arith.constant 0 : i32
        %add3A_251 = arith.addi %add3A_249, %add3A_250 : i32
        %mul3A_252 = arith.constant 128 : i32
        %mul3A_253 = arith.muli %add3A_251, %mul3A_252 : i32
        %dma_start3A = arith.constant 0 : i32
        %dma_start3A_254 = arith.constant 0 : i32
        %dma_start3A_255 = arith.constant 0 : i32
        %dma_start3A_256 = tpu.memref_slice %arg9[%dma_start3A, %dma_start3A_254, %dma_start3A_255] : memref<2x256x64xf32, #tpu.memory_space<vmem>> -> memref<1x128x64xf32, #tpu.memory_space<vmem>>
        %dma_start3A_257 = tpu.memref_squeeze %dma_start3A_256 : memref<1x128x64xf32, #tpu.memory_space<vmem>> -> memref<128x64xf32, #tpu.memory_space<vmem>>
        %dma_start3A_258 = arith.constant 0 : i32
        %dma_start3A_259 = tpu.memref_slice %arg6[%mul3A_253, %dma_start3A_258] : memref<320000x64xf32, #tpu.memory_space<hbm>> -> memref<128x64xf32, #tpu.memory_space<hbm>>
        %dma_start3A_260 = arith.constant 0 : i32
        %dma_start3A_261 = tpu.memref_slice %arg6[%mul3A_253, %dma_start3A_260] : memref<320000x64xf32, #tpu.memory_space<hbm>> -> memref<128x64xf32, #tpu.memory_space<hbm>>
        %dma_start3A_262 = arith.constant 0 : i32
        %dma_start3A_263 = arith.constant 0 : i32
        %dma_start3A_264 = tpu.memref_slice %arg9[%dma_start3A, %dma_start3A_262, %dma_start3A_263] : memref<2x256x64xf32, #tpu.memory_space<vmem>> -> memref<1x128x64xf32, #tpu.memory_space<vmem>>
        %dma_start3A_265 = tpu.memref_squeeze %dma_start3A_264 : memref<1x128x64xf32, #tpu.memory_space<vmem>> -> memref<128x64xf32, #tpu.memory_space<vmem>>
        tpu.enqueue_dma source(%dma_start3A_265 : memref<128x64xf32, #tpu.memory_space<vmem>>) target(%dma_start3A_261 : memref<128x64xf32, #tpu.memory_space<hbm>>) target_semaphore(%arg12 : memref<!tpu.dma_semaphore, #tpu.memory_space<semaphore_mem>>)
      } else {
      }
      %mul3A_187 = arith.constant 2 : i32
      %mul3A_188 = arith.muli %add3A_150, %mul3A_187 : i32
      %add3A_189 = arith.addi %mul3A_2, %mul3A_188 : i32
      %add3A_190 = arith.constant 1 : i32
      %add3A_191 = arith.addi %add3A_189, %add3A_190 : i32
      %lt3A_192 = arith.constant 2500 : i32
      %lt3A_193 = arith.cmpi slt, %add3A_191, %lt3A_192 : i32
      %convert_element_type3A_194 = arith.extui %lt3A_193 : i1 to i32
      %cond3A_195 = arith.constant 0 : i32
      %cond3A_196 = arith.cmpi ne, %convert_element_type3A_194, %cond3A_195 : i32
      scf.if %cond3A_196 {
        %mul3A_247 = arith.constant 2 : i32
        %mul3A_248 = arith.muli %add3A_150, %mul3A_247 : i32
        %add3A_249 = arith.addi %mul3A_2, %mul3A_248 : i32
        %add3A_250 = arith.constant 1 : i32
        %add3A_251 = arith.addi %add3A_249, %add3A_250 : i32
        %mul3A_252 = arith.constant 128 : i32
        %mul3A_253 = arith.muli %add3A_251, %mul3A_252 : i32
        %dma_start3A = arith.constant 0 : i32
        %dma_start3A_254 = arith.constant 128 : i32
        %dma_start3A_255 = arith.constant 0 : i32
        %dma_start3A_256 = tpu.memref_slice %arg9[%dma_start3A, %dma_start3A_254, %dma_start3A_255] : memref<2x256x64xf32, #tpu.memory_space<vmem>> -> memref<1x128x64xf32, #tpu.memory_space<vmem>>
        %dma_start3A_257 = tpu.memref_squeeze %dma_start3A_256 : memref<1x128x64xf32, #tpu.memory_space<vmem>> -> memref<128x64xf32, #tpu.memory_space<vmem>>
        %dma_start3A_258 = arith.constant 0 : i32
        %dma_start3A_259 = tpu.memref_slice %arg6[%mul3A_253, %dma_start3A_258] : memref<320000x64xf32, #tpu.memory_space<hbm>> -> memref<128x64xf32, #tpu.memory_space<hbm>>
        %dma_start3A_260 = arith.constant 0 : i32
        %dma_start3A_261 = tpu.memref_slice %arg6[%mul3A_253, %dma_start3A_260] : memref<320000x64xf32, #tpu.memory_space<hbm>> -> memref<128x64xf32, #tpu.memory_space<hbm>>
        %dma_start3A_262 = arith.constant 128 : i32
        %dma_start3A_263 = arith.constant 0 : i32
        %dma_start3A_264 = tpu.memref_slice %arg9[%dma_start3A, %dma_start3A_262, %dma_start3A_263] : memref<2x256x64xf32, #tpu.memory_space<vmem>> -> memref<1x128x64xf32, #tpu.memory_space<vmem>>
        %dma_start3A_265 = tpu.memref_squeeze %dma_start3A_264 : memref<1x128x64xf32, #tpu.memory_space<vmem>> -> memref<128x64xf32, #tpu.memory_space<vmem>>
        tpu.enqueue_dma source(%dma_start3A_265 : memref<128x64xf32, #tpu.memory_space<vmem>>) target(%dma_start3A_261 : memref<128x64xf32, #tpu.memory_space<hbm>>) target_semaphore(%arg12 : memref<!tpu.dma_semaphore, #tpu.memory_space<semaphore_mem>>)
      } else {
      }
      %mul3A_197 = arith.constant 2 : i32
      %mul3A_198 = arith.muli %scan3A_41, %mul3A_197 : i32
      %add3A_199 = arith.constant 1 : i32
      %add3A_200 = arith.addi %mul3A_198, %add3A_199 : i32
      %mul3A_201 = arith.constant 2 : i32
      %mul3A_202 = arith.muli %add3A_200, %mul3A_201 : i32
      %add3A_203 = arith.addi %mul3A_2, %mul3A_202 : i32
      %add3A_204 = arith.constant 0 : i32
      %add3A_205 = arith.addi %add3A_203, %add3A_204 : i32
      %lt3A_206 = arith.constant 2500 : i32
      %lt3A_207 = arith.cmpi slt, %add3A_205, %lt3A_206 : i32
      %convert_element_type3A_208 = arith.extui %lt3A_207 : i1 to i32
      %cond3A_209 = arith.constant 0 : i32
      %cond3A_210 = arith.cmpi ne, %convert_element_type3A_208, %cond3A_209 : i32
      scf.if %cond3A_210 {
        %mul3A_247 = arith.constant 2 : i32
        %mul3A_248 = arith.muli %add3A_200, %mul3A_247 : i32
        %add3A_249 = arith.constant 0 : i32
        %add3A_250 = arith.addi %mul3A_248, %add3A_249 : i32
        %dma_wait3A = arith.constant 1 : i32
        %dma_wait3A_251 = arith.constant 0 : i32
        %dma_wait3A_252 = arith.constant 0 : i32
        %dma_wait3A_253 = tpu.memref_slice %arg9[%dma_wait3A, %dma_wait3A_251, %dma_wait3A_252] : memref<2x256x64xf32, #tpu.memory_space<vmem>> -> memref<1x128x64xf32, #tpu.memory_space<vmem>>
        %dma_wait3A_254 = tpu.memref_squeeze %dma_wait3A_253 : memref<1x128x64xf32, #tpu.memory_space<vmem>> -> memref<128x64xf32, #tpu.memory_space<vmem>>
        %dma_wait3A_255 = arith.constant 0 : i32
        %dma_wait3A_256 = tpu.memref_slice %arg7[%add3A_250, %dma_wait3A_255] : memref<80x128xi32, #tpu.memory_space<vmem>> -> memref<1x128xi32, #tpu.memory_space<vmem>>
        %dma_wait3A_257 = tpu.memref_squeeze %dma_wait3A_256 : memref<1x128xi32, #tpu.memory_space<vmem>> -> memref<128xi32, #tpu.memory_space<vmem>>
        %dma_wait3A_258 = arith.constant 0 : i32
        %dma_wait3A_259 = arith.constant 0 : i32
        %dma_wait3A_260 = tpu.memref_slice %arg2[%dma_wait3A_258, %dma_wait3A_259] : memref<10000x64xf32, #tpu.memory_space<hbm>> -> memref<10000x64xf32, #tpu.memory_space<hbm>>
        tpu.wait_indirect_dma semaphore(%arg11 : memref<!tpu.dma_semaphore, #tpu.memory_space<semaphore_mem>>) src(%dma_wait3A_260 : memref<10000x64xf32, #tpu.memory_space<hbm>>) dst(%dma_wait3A_254 : memref<128x64xf32, #tpu.memory_space<vmem>>)
        %dma_wait3A_261 = arith.constant 1 : i32
        %dma_wait3A_262 = arith.constant 0 : i32
        %dma_wait3A_263 = arith.constant 0 : i32
        %dma_wait3A_264 = tpu.memref_slice %arg10[%dma_wait3A_261, %dma_wait3A_262, %dma_wait3A_263] : memref<2x256x64xf32, #tpu.memory_space<vmem>> -> memref<1x128x64xf32, #tpu.memory_space<vmem>>
        %dma_wait3A_265 = tpu.memref_squeeze %dma_wait3A_264 : memref<1x128x64xf32, #tpu.memory_space<vmem>> -> memref<128x64xf32, #tpu.memory_space<vmem>>
        %dma_wait3A_266 = arith.constant 0 : i32
        %dma_wait3A_267 = tpu.memref_slice %arg8[%add3A_250, %dma_wait3A_266] : memref<80x128xi32, #tpu.memory_space<vmem>> -> memref<1x128xi32, #tpu.memory_space<vmem>>
        %dma_wait3A_268 = tpu.memref_squeeze %dma_wait3A_267 : memref<1x128xi32, #tpu.memory_space<vmem>> -> memref<128xi32, #tpu.memory_space<vmem>>
        %dma_wait3A_269 = arith.constant 0 : i32
        %dma_wait3A_270 = arith.constant 0 : i32
        %dma_wait3A_271 = tpu.memref_slice %arg4[%dma_wait3A_269, %dma_wait3A_270] : memref<10000x64xf32, #tpu.memory_space<hbm>> -> memref<10000x64xf32, #tpu.memory_space<hbm>>
        tpu.wait_indirect_dma semaphore(%arg11 : memref<!tpu.dma_semaphore, #tpu.memory_space<semaphore_mem>>) src(%dma_wait3A_271 : memref<10000x64xf32, #tpu.memory_space<hbm>>) dst(%dma_wait3A_265 : memref<128x64xf32, #tpu.memory_space<vmem>>)
      } else {
      }
      %mul3A_211 = arith.constant 2 : i32
      %mul3A_212 = arith.muli %add3A_200, %mul3A_211 : i32
      %add3A_213 = arith.addi %mul3A_2, %mul3A_212 : i32
      %add3A_214 = arith.constant 1 : i32
      %add3A_215 = arith.addi %add3A_213, %add3A_214 : i32
      %lt3A_216 = arith.constant 2500 : i32
      %lt3A_217 = arith.cmpi slt, %add3A_215, %lt3A_216 : i32
      %convert_element_type3A_218 = arith.extui %lt3A_217 : i1 to i32
      %cond3A_219 = arith.constant 0 : i32
      %cond3A_220 = arith.cmpi ne, %convert_element_type3A_218, %cond3A_219 : i32
      scf.if %cond3A_220 {
        %mul3A_247 = arith.constant 2 : i32
        %mul3A_248 = arith.muli %add3A_200, %mul3A_247 : i32
        %add3A_249 = arith.constant 1 : i32
        %add3A_250 = arith.addi %mul3A_248, %add3A_249 : i32
        %dma_wait3A = arith.constant 1 : i32
        %dma_wait3A_251 = arith.constant 128 : i32
        %dma_wait3A_252 = arith.constant 0 : i32
        %dma_wait3A_253 = tpu.memref_slice %arg9[%dma_wait3A, %dma_wait3A_251, %dma_wait3A_252] : memref<2x256x64xf32, #tpu.memory_space<vmem>> -> memref<1x128x64xf32, #tpu.memory_space<vmem>>
        %dma_wait3A_254 = tpu.memref_squeeze %dma_wait3A_253 : memref<1x128x64xf32, #tpu.memory_space<vmem>> -> memref<128x64xf32, #tpu.memory_space<vmem>>
        %dma_wait3A_255 = arith.constant 0 : i32
        %dma_wait3A_256 = tpu.memref_slice %arg7[%add3A_250, %dma_wait3A_255] : memref<80x128xi32, #tpu.memory_space<vmem>> -> memref<1x128xi32, #tpu.memory_space<vmem>>
        %dma_wait3A_257 = tpu.memref_squeeze %dma_wait3A_256 : memref<1x128xi32, #tpu.memory_space<vmem>> -> memref<128xi32, #tpu.memory_space<vmem>>
        %dma_wait3A_258 = arith.constant 0 : i32
        %dma_wait3A_259 = arith.constant 0 : i32
        %dma_wait3A_260 = tpu.memref_slice %arg2[%dma_wait3A_258, %dma_wait3A_259] : memref<10000x64xf32, #tpu.memory_space<hbm>> -> memref<10000x64xf32, #tpu.memory_space<hbm>>
        tpu.wait_indirect_dma semaphore(%arg11 : memref<!tpu.dma_semaphore, #tpu.memory_space<semaphore_mem>>) src(%dma_wait3A_260 : memref<10000x64xf32, #tpu.memory_space<hbm>>) dst(%dma_wait3A_254 : memref<128x64xf32, #tpu.memory_space<vmem>>)
        %dma_wait3A_261 = arith.constant 1 : i32
        %dma_wait3A_262 = arith.constant 128 : i32
        %dma_wait3A_263 = arith.constant 0 : i32
        %dma_wait3A_264 = tpu.memref_slice %arg10[%dma_wait3A_261, %dma_wait3A_262, %dma_wait3A_263] : memref<2x256x64xf32, #tpu.memory_space<vmem>> -> memref<1x128x64xf32, #tpu.memory_space<vmem>>
        %dma_wait3A_265 = tpu.memref_squeeze %dma_wait3A_264 : memref<1x128x64xf32, #tpu.memory_space<vmem>> -> memref<128x64xf32, #tpu.memory_space<vmem>>
        %dma_wait3A_266 = arith.constant 0 : i32
        %dma_wait3A_267 = tpu.memref_slice %arg8[%add3A_250, %dma_wait3A_266] : memref<80x128xi32, #tpu.memory_space<vmem>> -> memref<1x128xi32, #tpu.memory_space<vmem>>
        %dma_wait3A_268 = tpu.memref_squeeze %dma_wait3A_267 : memref<1x128xi32, #tpu.memory_space<vmem>> -> memref<128xi32, #tpu.memory_space<vmem>>
        %dma_wait3A_269 = arith.constant 0 : i32
        %dma_wait3A_270 = arith.constant 0 : i32
        %dma_wait3A_271 = tpu.memref_slice %arg4[%dma_wait3A_269, %dma_wait3A_270] : memref<10000x64xf32, #tpu.memory_space<hbm>> -> memref<10000x64xf32, #tpu.memory_space<hbm>>
        tpu.wait_indirect_dma semaphore(%arg11 : memref<!tpu.dma_semaphore, #tpu.memory_space<semaphore_mem>>) src(%dma_wait3A_271 : memref<10000x64xf32, #tpu.memory_space<hbm>>) dst(%dma_wait3A_265 : memref<128x64xf32, #tpu.memory_space<vmem>>)
      } else {
      }
      %scan3A_221 = arith.constant 0 : i32
      %scan3A_222 = arith.constant 0 : i32
      %scan3A_223 = arith.constant 256 : i32
      %scan3A_224 = arith.addi %scan3A_222, %scan3A_223 : i32
      %scan3A_225 = arith.constant 1 : i32
      scf.for %scan3A_247 = %scan3A_222 to %scan3A_224 step %scan3A_225  : i32 {
        %get3A = arith.constant 1 : i32
        %get3A_248 = arith.index_cast %get3A : i32 to index
        %get3A_249 = arith.index_cast %scan3A_247 : i32 to index
        %get3A_250 = arith.constant 0 : index
        %get3A_251 = tpu.vector_load %arg9[%get3A_248, %get3A_249, %get3A_250] {strides = array<i32>} : memref<2x256x64xf32, #tpu.memory_space<vmem>>, vector<1x1x16xf32>,
        %get3A_252 = vector.shape_cast %get3A_251 : vector<1x1x16xf32> to vector<16xf32>
        %get3A_253 = arith.constant 1 : i32
        %get3A_254 = arith.index_cast %get3A_253 : i32 to index
        %get3A_255 = arith.index_cast %scan3A_247 : i32 to index
        %get3A_256 = arith.constant 0 : index
        %get3A_257 = tpu.vector_load %arg10[%get3A_254, %get3A_255, %get3A_256] {strides = array<i32>} : memref<2x256x64xf32, #tpu.memory_space<vmem>>, vector<1x1x16xf32>,
        %get3A_258 = vector.shape_cast %get3A_257 : vector<1x1x16xf32> to vector<16xf32>
        %add3A_259 = arith.addf %get3A_252, %get3A_258 : vector<16xf32>
        %swap3A = arith.constant 1 : i32
        %swap3A_260 = arith.index_cast %swap3A : i32 to index
        %swap3A_261 = arith.index_cast %scan3A_247 : i32 to index
        %swap3A_262 = arith.constant 0 : index
        %swap3A_263 = tpu.vector_load %arg9[%swap3A_260, %swap3A_261, %swap3A_262] {strides = array<i32>} : memref<2x256x64xf32, #tpu.memory_space<vmem>>, vector<1x1x16xf32>,
        %swap3A_264 = vector.shape_cast %swap3A_263 : vector<1x1x16xf32> to vector<16xf32>
        %swap3A_265 = vector.shape_cast %add3A_259 : vector<16xf32> to vector<1x1x16xf32>
        tpu.vector_store %arg9[%swap3A_260, %swap3A_261, %swap3A_262], %swap3A_265 {strides = array<i32>} : memref<2x256x64xf32, #tpu.memory_space<vmem>>, vector<1x1x16xf32>,
        %get3A_266 = arith.constant 1 : i32
        %get3A_267 = arith.index_cast %get3A_266 : i32 to index
        %get3A_268 = arith.index_cast %scan3A_247 : i32 to index
        %get3A_269 = arith.constant 16 : index
        %get3A_270 = tpu.vector_load %arg9[%get3A_267, %get3A_268, %get3A_269] {strides = array<i32>} : memref<2x256x64xf32, #tpu.memory_space<vmem>>, vector<1x1x16xf32>,
        %get3A_271 = vector.shape_cast %get3A_270 : vector<1x1x16xf32> to vector<16xf32>
        %get3A_272 = arith.constant 1 : i32
        %get3A_273 = arith.index_cast %get3A_272 : i32 to index
        %get3A_274 = arith.index_cast %scan3A_247 : i32 to index
        %get3A_275 = arith.constant 16 : index
        %get3A_276 = tpu.vector_load %arg10[%get3A_273, %get3A_274, %get3A_275] {strides = array<i32>} : memref<2x256x64xf32, #tpu.memory_space<vmem>>, vector<1x1x16xf32>,
        %get3A_277 = vector.shape_cast %get3A_276 : vector<1x1x16xf32> to vector<16xf32>
        %add3A_278 = arith.addf %get3A_271, %get3A_277 : vector<16xf32>
        %swap3A_279 = arith.constant 1 : i32
        %swap3A_280 = arith.index_cast %swap3A_279 : i32 to index
        %swap3A_281 = arith.index_cast %scan3A_247 : i32 to index
        %swap3A_282 = arith.constant 16 : index
        %swap3A_283 = tpu.vector_load %arg9[%swap3A_280, %swap3A_281, %swap3A_282] {strides = array<i32>} : memref<2x256x64xf32, #tpu.memory_space<vmem>>, vector<1x1x16xf32>,
        %swap3A_284 = vector.shape_cast %swap3A_283 : vector<1x1x16xf32> to vector<16xf32>
        %swap3A_285 = vector.shape_cast %add3A_278 : vector<16xf32> to vector<1x1x16xf32>
        tpu.vector_store %arg9[%swap3A_280, %swap3A_281, %swap3A_282], %swap3A_285 {strides = array<i32>} : memref<2x256x64xf32, #tpu.memory_space<vmem>>, vector<1x1x16xf32>,
        %get3A_286 = arith.constant 1 : i32
        %get3A_287 = arith.index_cast %get3A_286 : i32 to index
        %get3A_288 = arith.index_cast %scan3A_247 : i32 to index
        %get3A_289 = arith.constant 32 : index
        %get3A_290 = tpu.vector_load %arg9[%get3A_287, %get3A_288, %get3A_289] {strides = array<i32>} : memref<2x256x64xf32, #tpu.memory_space<vmem>>, vector<1x1x16xf32>,
        %get3A_291 = vector.shape_cast %get3A_290 : vector<1x1x16xf32> to vector<16xf32>
        %get3A_292 = arith.constant 1 : i32
        %get3A_293 = arith.index_cast %get3A_292 : i32 to index
        %get3A_294 = arith.index_cast %scan3A_247 : i32 to index
        %get3A_295 = arith.constant 32 : index
        %get3A_296 = tpu.vector_load %arg10[%get3A_293, %get3A_294, %get3A_295] {strides = array<i32>} : memref<2x256x64xf32, #tpu.memory_space<vmem>>, vector<1x1x16xf32>,
        %get3A_297 = vector.shape_cast %get3A_296 : vector<1x1x16xf32> to vector<16xf32>
        %add3A_298 = arith.addf %get3A_291, %get3A_297 : vector<16xf32>
        %swap3A_299 = arith.constant 1 : i32
        %swap3A_300 = arith.index_cast %swap3A_299 : i32 to index
        %swap3A_301 = arith.index_cast %scan3A_247 : i32 to index
        %swap3A_302 = arith.constant 32 : index
        %swap3A_303 = tpu.vector_load %arg9[%swap3A_300, %swap3A_301, %swap3A_302] {strides = array<i32>} : memref<2x256x64xf32, #tpu.memory_space<vmem>>, vector<1x1x16xf32>,
        %swap3A_304 = vector.shape_cast %swap3A_303 : vector<1x1x16xf32> to vector<16xf32>
        %swap3A_305 = vector.shape_cast %add3A_298 : vector<16xf32> to vector<1x1x16xf32>
        tpu.vector_store %arg9[%swap3A_300, %swap3A_301, %swap3A_302], %swap3A_305 {strides = array<i32>} : memref<2x256x64xf32, #tpu.memory_space<vmem>>, vector<1x1x16xf32>,
        %get3A_306 = arith.constant 1 : i32
        %get3A_307 = arith.index_cast %get3A_306 : i32 to index
        %get3A_308 = arith.index_cast %scan3A_247 : i32 to index
        %get3A_309 = arith.constant 48 : index
        %get3A_310 = tpu.vector_load %arg9[%get3A_307, %get3A_308, %get3A_309] {strides = array<i32>} : memref<2x256x64xf32, #tpu.memory_space<vmem>>, vector<1x1x16xf32>,
        %get3A_311 = vector.shape_cast %get3A_310 : vector<1x1x16xf32> to vector<16xf32>
        %get3A_312 = arith.constant 1 : i32
        %get3A_313 = arith.index_cast %get3A_312 : i32 to index
        %get3A_314 = arith.index_cast %scan3A_247 : i32 to index
        %get3A_315 = arith.constant 48 : index
        %get3A_316 = tpu.vector_load %arg10[%get3A_313, %get3A_314, %get3A_315] {strides = array<i32>} : memref<2x256x64xf32, #tpu.memory_space<vmem>>, vector<1x1x16xf32>,
        %get3A_317 = vector.shape_cast %get3A_316 : vector<1x1x16xf32> to vector<16xf32>
        %add3A_318 = arith.addf %get3A_311, %get3A_317 : vector<16xf32>
        %swap3A_319 = arith.constant 1 : i32
        %swap3A_320 = arith.index_cast %swap3A_319 : i32 to index
        %swap3A_321 = arith.index_cast %scan3A_247 : i32 to index
        %swap3A_322 = arith.constant 48 : index
        %swap3A_323 = tpu.vector_load %arg9[%swap3A_320, %swap3A_321, %swap3A_322] {strides = array<i32>} : memref<2x256x64xf32, #tpu.memory_space<vmem>>, vector<1x1x16xf32>,
        %swap3A_324 = vector.shape_cast %swap3A_323 : vector<1x1x16xf32> to vector<16xf32>
        %swap3A_325 = vector.shape_cast %add3A_318 : vector<16xf32> to vector<1x1x16xf32>
        tpu.vector_store %arg9[%swap3A_320, %swap3A_321, %swap3A_322], %swap3A_325 {strides = array<i32>} : memref<2x256x64xf32, #tpu.memory_space<vmem>>, vector<1x1x16xf32>,
      }
      %scan3A_226 = arith.constant 256 : i32
      %mul3A_227 = arith.constant 2 : i32
      %mul3A_228 = arith.muli %add3A_200, %mul3A_227 : i32
      %add3A_229 = arith.addi %mul3A_2, %mul3A_228 : i32
      %add3A_230 = arith.constant 0 : i32
      %add3A_231 = arith.addi %add3A_229, %add3A_230 : i32
      %lt3A_232 = arith.constant 2500 : i32
      %lt3A_233 = arith.cmpi slt, %add3A_231, %lt3A_232 : i32
      %convert_element_type3A_234 = arith.extui %lt3A_233 : i1 to i32
      %cond3A_235 = arith.constant 0 : i32
      %cond3A_236 = arith.cmpi ne, %convert_element_type3A_234, %cond3A_235 : i32
      scf.if %cond3A_236 {
        %mul3A_247 = arith.constant 2 : i32
        %mul3A_248 = arith.muli %add3A_200, %mul3A_247 : i32
        %add3A_249 = arith.addi %mul3A_2, %mul3A_248 : i32
        %add3A_250 = arith.constant 0 : i32
        %add3A_251 = arith.addi %add3A_249, %add3A_250 : i32
        %mul3A_252 = arith.constant 128 : i32
        %mul3A_253 = arith.muli %add3A_251, %mul3A_252 : i32
        %dma_start3A = arith.constant 1 : i32
        %dma_start3A_254 = arith.constant 0 : i32
        %dma_start3A_255 = arith.constant 0 : i32
        %dma_start3A_256 = tpu.memref_slice %arg9[%dma_start3A, %dma_start3A_254, %dma_start3A_255] : memref<2x256x64xf32, #tpu.memory_space<vmem>> -> memref<1x128x64xf32, #tpu.memory_space<vmem>>
        %dma_start3A_257 = tpu.memref_squeeze %dma_start3A_256 : memref<1x128x64xf32, #tpu.memory_space<vmem>> -> memref<128x64xf32, #tpu.memory_space<vmem>>
        %dma_start3A_258 = arith.constant 0 : i32
        %dma_start3A_259 = tpu.memref_slice %arg6[%mul3A_253, %dma_start3A_258] : memref<320000x64xf32, #tpu.memory_space<hbm>> -> memref<128x64xf32, #tpu.memory_space<hbm>>
        %dma_start3A_260 = arith.constant 0 : i32
        %dma_start3A_261 = tpu.memref_slice %arg6[%mul3A_253, %dma_start3A_260] : memref<320000x64xf32, #tpu.memory_space<hbm>> -> memref<128x64xf32, #tpu.memory_space<hbm>>
        %dma_start3A_262 = arith.constant 0 : i32
        %dma_start3A_263 = arith.constant 0 : i32
        %dma_start3A_264 = tpu.memref_slice %arg9[%dma_start3A, %dma_start3A_262, %dma_start3A_263] : memref<2x256x64xf32, #tpu.memory_space<vmem>> -> memref<1x128x64xf32, #tpu.memory_space<vmem>>
        %dma_start3A_265 = tpu.memref_squeeze %dma_start3A_264 : memref<1x128x64xf32, #tpu.memory_space<vmem>> -> memref<128x64xf32, #tpu.memory_space<vmem>>
        tpu.enqueue_dma source(%dma_start3A_265 : memref<128x64xf32, #tpu.memory_space<vmem>>) target(%dma_start3A_261 : memref<128x64xf32, #tpu.memory_space<hbm>>) target_semaphore(%arg13 : memref<!tpu.dma_semaphore, #tpu.memory_space<semaphore_mem>>)
      } else {
      }
      %mul3A_237 = arith.constant 2 : i32
      %mul3A_238 = arith.muli %add3A_200, %mul3A_237 : i32
      %add3A_239 = arith.addi %mul3A_2, %mul3A_238 : i32
      %add3A_240 = arith.constant 1 : i32
      %add3A_241 = arith.addi %add3A_239, %add3A_240 : i32
      %lt3A_242 = arith.constant 2500 : i32
      %lt3A_243 = arith.cmpi slt, %add3A_241, %lt3A_242 : i32
      %convert_element_type3A_244 = arith.extui %lt3A_243 : i1 to i32
      %cond3A_245 = arith.constant 0 : i32
      %cond3A_246 = arith.cmpi ne, %convert_element_type3A_244, %cond3A_245 : i32
      scf.if %cond3A_246 {
        %mul3A_247 = arith.constant 2 : i32
        %mul3A_248 = arith.muli %add3A_200, %mul3A_247 : i32
        %add3A_249 = arith.addi %mul3A_2, %mul3A_248 : i32
        %add3A_250 = arith.constant 1 : i32
        %add3A_251 = arith.addi %add3A_249, %add3A_250 : i32
        %mul3A_252 = arith.constant 128 : i32
        %mul3A_253 = arith.muli %add3A_251, %mul3A_252 : i32
        %dma_start3A = arith.constant 1 : i32
        %dma_start3A_254 = arith.constant 128 : i32
        %dma_start3A_255 = arith.constant 0 : i32
        %dma_start3A_256 = tpu.memref_slice %arg9[%dma_start3A, %dma_start3A_254, %dma_start3A_255] : memref<2x256x64xf32, #tpu.memory_space<vmem>> -> memref<1x128x64xf32, #tpu.memory_space<vmem>>
        %dma_start3A_257 = tpu.memref_squeeze %dma_start3A_256 : memref<1x128x64xf32, #tpu.memory_space<vmem>> -> memref<128x64xf32, #tpu.memory_space<vmem>>
        %dma_start3A_258 = arith.constant 0 : i32
        %dma_start3A_259 = tpu.memref_slice %arg6[%mul3A_253, %dma_start3A_258] : memref<320000x64xf32, #tpu.memory_space<hbm>> -> memref<128x64xf32, #tpu.memory_space<hbm>>
        %dma_start3A_260 = arith.constant 0 : i32
        %dma_start3A_261 = tpu.memref_slice %arg6[%mul3A_253, %dma_start3A_260] : memref<320000x64xf32, #tpu.memory_space<hbm>> -> memref<128x64xf32, #tpu.memory_space<hbm>>
        %dma_start3A_262 = arith.constant 128 : i32
        %dma_start3A_263 = arith.constant 0 : i32
        %dma_start3A_264 = tpu.memref_slice %arg9[%dma_start3A, %dma_start3A_262, %dma_start3A_263] : memref<2x256x64xf32, #tpu.memory_space<vmem>> -> memref<1x128x64xf32, #tpu.memory_space<vmem>>
        %dma_start3A_265 = tpu.memref_squeeze %dma_start3A_264 : memref<1x128x64xf32, #tpu.memory_space<vmem>> -> memref<128x64xf32, #tpu.memory_space<vmem>>
        tpu.enqueue_dma source(%dma_start3A_265 : memref<128x64xf32, #tpu.memory_space<vmem>>) target(%dma_start3A_261 : memref<128x64xf32, #tpu.memory_space<hbm>>) target_semaphore(%arg13 : memref<!tpu.dma_semaphore, #tpu.memory_space<semaphore_mem>>)
      } else {
      }
    }
    %scan3A_7 = arith.constant 20 : i32
    %add3A_8 = arith.constant 76 : i32
    %add3A_9 = arith.addi %mul3A_2, %add3A_8 : i32
    %add3A_10 = arith.constant 0 : i32
    %add3A_11 = arith.addi %add3A_9, %add3A_10 : i32
    %lt3A = arith.constant 2500 : i32
    %lt3A_12 = arith.cmpi slt, %add3A_11, %lt3A : i32
    %convert_element_type3A = arith.extui %lt3A_12 : i1 to i32
    %cond3A = arith.constant 0 : i32
    %cond3A_13 = arith.cmpi ne, %convert_element_type3A, %cond3A : i32
    scf.if %cond3A_13 {
      %add3A_41 = arith.constant 76 : i32
      %add3A_42 = arith.addi %mul3A_2, %add3A_41 : i32
      %add3A_43 = arith.constant 0 : i32
      %add3A_44 = arith.addi %add3A_42, %add3A_43 : i32
      %mul3A_45 = arith.constant 128 : i32
      %mul3A_46 = arith.muli %add3A_44, %mul3A_45 : i32
      %dma_wait3A = arith.constant 0 : i32
      %dma_wait3A_47 = arith.constant 0 : i32
      %dma_wait3A_48 = arith.constant 0 : i32
      %dma_wait3A_49 = tpu.memref_slice %arg9[%dma_wait3A, %dma_wait3A_47, %dma_wait3A_48] : memref<2x256x64xf32, #tpu.memory_space<vmem>> -> memref<1x128x64xf32, #tpu.memory_space<vmem>>
      %dma_wait3A_50 = tpu.memref_squeeze %dma_wait3A_49 : memref<1x128x64xf32, #tpu.memory_space<vmem>> -> memref<128x64xf32, #tpu.memory_space<vmem>>
      %dma_wait3A_51 = arith.constant 0 : i32
      %dma_wait3A_52 = tpu.memref_slice %arg6[%mul3A_46, %dma_wait3A_51] : memref<320000x64xf32, #tpu.memory_space<hbm>> -> memref<128x64xf32, #tpu.memory_space<hbm>>
      %dma_wait3A_53 = arith.constant 0 : i32
      %dma_wait3A_54 = tpu.memref_slice %arg6[%mul3A_46, %dma_wait3A_53] : memref<320000x64xf32, #tpu.memory_space<hbm>> -> memref<128x64xf32, #tpu.memory_space<hbm>>
      %dma_wait3A_55 = arith.constant 0 : i32
      %dma_wait3A_56 = arith.constant 0 : i32
      %dma_wait3A_57 = tpu.memref_slice %arg9[%dma_wait3A, %dma_wait3A_55, %dma_wait3A_56] : memref<2x256x64xf32, #tpu.memory_space<vmem>> -> memref<1x128x64xf32, #tpu.memory_space<vmem>>
      %dma_wait3A_58 = tpu.memref_squeeze %dma_wait3A_57 : memref<1x128x64xf32, #tpu.memory_space<vmem>> -> memref<128x64xf32, #tpu.memory_space<vmem>>
      tpu.wait_dma2 semaphore(%arg12 : memref<!tpu.dma_semaphore, #tpu.memory_space<semaphore_mem>>) src(%dma_wait3A_58 : memref<128x64xf32, #tpu.memory_space<vmem>>) dst(%dma_wait3A_54 : memref<128x64xf32, #tpu.memory_space<hbm>>)
    } else {
    }
    %add3A_14 = arith.constant 76 : i32
    %add3A_15 = arith.addi %mul3A_2, %add3A_14 : i32
    %add3A_16 = arith.constant 1 : i32
    %add3A_17 = arith.addi %add3A_15, %add3A_16 : i32
    %lt3A_18 = arith.constant 2500 : i32
    %lt3A_19 = arith.cmpi slt, %add3A_17, %lt3A_18 : i32
    %convert_element_type3A_20 = arith.extui %lt3A_19 : i1 to i32
    %cond3A_21 = arith.constant 0 : i32
    %cond3A_22 = arith.cmpi ne, %convert_element_type3A_20, %cond3A_21 : i32
    scf.if %cond3A_22 {
      %add3A_41 = arith.constant 76 : i32
      %add3A_42 = arith.addi %mul3A_2, %add3A_41 : i32
      %add3A_43 = arith.constant 1 : i32
      %add3A_44 = arith.addi %add3A_42, %add3A_43 : i32
      %mul3A_45 = arith.constant 128 : i32
      %mul3A_46 = arith.muli %add3A_44, %mul3A_45 : i32
      %dma_wait3A = arith.constant 0 : i32
      %dma_wait3A_47 = arith.constant 128 : i32
      %dma_wait3A_48 = arith.constant 0 : i32
      %dma_wait3A_49 = tpu.memref_slice %arg9[%dma_wait3A, %dma_wait3A_47, %dma_wait3A_48] : memref<2x256x64xf32, #tpu.memory_space<vmem>> -> memref<1x128x64xf32, #tpu.memory_space<vmem>>
      %dma_wait3A_50 = tpu.memref_squeeze %dma_wait3A_49 : memref<1x128x64xf32, #tpu.memory_space<vmem>> -> memref<128x64xf32, #tpu.memory_space<vmem>>
      %dma_wait3A_51 = arith.constant 0 : i32
      %dma_wait3A_52 = tpu.memref_slice %arg6[%mul3A_46, %dma_wait3A_51] : memref<320000x64xf32, #tpu.memory_space<hbm>> -> memref<128x64xf32, #tpu.memory_space<hbm>>
      %dma_wait3A_53 = arith.constant 0 : i32
      %dma_wait3A_54 = tpu.memref_slice %arg6[%mul3A_46, %dma_wait3A_53] : memref<320000x64xf32, #tpu.memory_space<hbm>> -> memref<128x64xf32, #tpu.memory_space<hbm>>
      %dma_wait3A_55 = arith.constant 128 : i32
      %dma_wait3A_56 = arith.constant 0 : i32
      %dma_wait3A_57 = tpu.memref_slice %arg9[%dma_wait3A, %dma_wait3A_55, %dma_wait3A_56] : memref<2x256x64xf32, #tpu.memory_space<vmem>> -> memref<1x128x64xf32, #tpu.memory_space<vmem>>
      %dma_wait3A_58 = tpu.memref_squeeze %dma_wait3A_57 : memref<1x128x64xf32, #tpu.memory_space<vmem>> -> memref<128x64xf32, #tpu.memory_space<vmem>>
      tpu.wait_dma2 semaphore(%arg12 : memref<!tpu.dma_semaphore, #tpu.memory_space<semaphore_mem>>) src(%dma_wait3A_58 : memref<128x64xf32, #tpu.memory_space<vmem>>) dst(%dma_wait3A_54 : memref<128x64xf32, #tpu.memory_space<hbm>>)
    } else {
    }
    %add3A_23 = arith.constant 78 : i32
    %add3A_24 = arith.addi %mul3A_2, %add3A_23 : i32
    %add3A_25 = arith.constant 0 : i32
    %add3A_26 = arith.addi %add3A_24, %add3A_25 : i32
    %lt3A_27 = arith.constant 2500 : i32
    %lt3A_28 = arith.cmpi slt, %add3A_26, %lt3A_27 : i32
    %convert_element_type3A_29 = arith.extui %lt3A_28 : i1 to i32
    %cond3A_30 = arith.constant 0 : i32
    %cond3A_31 = arith.cmpi ne, %convert_element_type3A_29, %cond3A_30 : i32
    scf.if %cond3A_31 {
      %add3A_41 = arith.constant 78 : i32
      %add3A_42 = arith.addi %mul3A_2, %add3A_41 : i32
      %add3A_43 = arith.constant 0 : i32
      %add3A_44 = arith.addi %add3A_42, %add3A_43 : i32
      %mul3A_45 = arith.constant 128 : i32
      %mul3A_46 = arith.muli %add3A_44, %mul3A_45 : i32
      %dma_wait3A = arith.constant 1 : i32
      %dma_wait3A_47 = arith.constant 0 : i32
      %dma_wait3A_48 = arith.constant 0 : i32
      %dma_wait3A_49 = tpu.memref_slice %arg9[%dma_wait3A, %dma_wait3A_47, %dma_wait3A_48] : memref<2x256x64xf32, #tpu.memory_space<vmem>> -> memref<1x128x64xf32, #tpu.memory_space<vmem>>
      %dma_wait3A_50 = tpu.memref_squeeze %dma_wait3A_49 : memref<1x128x64xf32, #tpu.memory_space<vmem>> -> memref<128x64xf32, #tpu.memory_space<vmem>>
      %dma_wait3A_51 = arith.constant 0 : i32
      %dma_wait3A_52 = tpu.memref_slice %arg6[%mul3A_46, %dma_wait3A_51] : memref<320000x64xf32, #tpu.memory_space<hbm>> -> memref<128x64xf32, #tpu.memory_space<hbm>>
      %dma_wait3A_53 = arith.constant 0 : i32
      %dma_wait3A_54 = tpu.memref_slice %arg6[%mul3A_46, %dma_wait3A_53] : memref<320000x64xf32, #tpu.memory_space<hbm>> -> memref<128x64xf32, #tpu.memory_space<hbm>>
      %dma_wait3A_55 = arith.constant 0 : i32
      %dma_wait3A_56 = arith.constant 0 : i32
      %dma_wait3A_57 = tpu.memref_slice %arg9[%dma_wait3A, %dma_wait3A_55, %dma_wait3A_56] : memref<2x256x64xf32, #tpu.memory_space<vmem>> -> memref<1x128x64xf32, #tpu.memory_space<vmem>>
      %dma_wait3A_58 = tpu.memref_squeeze %dma_wait3A_57 : memref<1x128x64xf32, #tpu.memory_space<vmem>> -> memref<128x64xf32, #tpu.memory_space<vmem>>
      tpu.wait_dma2 semaphore(%arg13 : memref<!tpu.dma_semaphore, #tpu.memory_space<semaphore_mem>>) src(%dma_wait3A_58 : memref<128x64xf32, #tpu.memory_space<vmem>>) dst(%dma_wait3A_54 : memref<128x64xf32, #tpu.memory_space<hbm>>)
    } else {
    }
    %add3A_32 = arith.constant 78 : i32
    %add3A_33 = arith.addi %mul3A_2, %add3A_32 : i32
    %add3A_34 = arith.constant 1 : i32
    %add3A_35 = arith.addi %add3A_33, %add3A_34 : i32
    %lt3A_36 = arith.constant 2500 : i32
    %lt3A_37 = arith.cmpi slt, %add3A_35, %lt3A_36 : i32
    %convert_element_type3A_38 = arith.extui %lt3A_37 : i1 to i32
    %cond3A_39 = arith.constant 0 : i32
    %cond3A_40 = arith.cmpi ne, %convert_element_type3A_38, %cond3A_39 : i32
    scf.if %cond3A_40 {
      %add3A_41 = arith.constant 78 : i32
      %add3A_42 = arith.addi %mul3A_2, %add3A_41 : i32
      %add3A_43 = arith.constant 1 : i32
      %add3A_44 = arith.addi %add3A_42, %add3A_43 : i32
      %mul3A_45 = arith.constant 128 : i32
      %mul3A_46 = arith.muli %add3A_44, %mul3A_45 : i32
      %dma_wait3A = arith.constant 1 : i32
      %dma_wait3A_47 = arith.constant 128 : i32
      %dma_wait3A_48 = arith.constant 0 : i32
      %dma_wait3A_49 = tpu.memref_slice %arg9[%dma_wait3A, %dma_wait3A_47, %dma_wait3A_48] : memref<2x256x64xf32, #tpu.memory_space<vmem>> -> memref<1x128x64xf32, #tpu.memory_space<vmem>>
      %dma_wait3A_50 = tpu.memref_squeeze %dma_wait3A_49 : memref<1x128x64xf32, #tpu.memory_space<vmem>> -> memref<128x64xf32, #tpu.memory_space<vmem>>
      %dma_wait3A_51 = arith.constant 0 : i32
      %dma_wait3A_52 = tpu.memref_slice %arg6[%mul3A_46, %dma_wait3A_51] : memref<320000x64xf32, #tpu.memory_space<hbm>> -> memref<128x64xf32, #tpu.memory_space<hbm>>
      %dma_wait3A_53 = arith.constant 0 : i32
      %dma_wait3A_54 = tpu.memref_slice %arg6[%mul3A_46, %dma_wait3A_53] : memref<320000x64xf32, #tpu.memory_space<hbm>> -> memref<128x64xf32, #tpu.memory_space<hbm>>
      %dma_wait3A_55 = arith.constant 128 : i32
      %dma_wait3A_56 = arith.constant 0 : i32
      %dma_wait3A_57 = tpu.memref_slice %arg9[%dma_wait3A, %dma_wait3A_55, %dma_wait3A_56] : memref<2x256x64xf32, #tpu.memory_space<vmem>> -> memref<1x128x64xf32, #tpu.memory_space<vmem>>
      %dma_wait3A_58 = tpu.memref_squeeze %dma_wait3A_57 : memref<1x128x64xf32, #tpu.memory_space<vmem>> -> memref<128x64xf32, #tpu.memory_space<vmem>>
      tpu.wait_dma2 semaphore(%arg13 : memref<!tpu.dma_semaphore, #tpu.memory_space<semaphore_mem>>) src(%dma_wait3A_58 : memref<128x64xf32, #tpu.memory_space<vmem>>) dst(%dma_wait3A_54 : memref<128x64xf32, #tpu.memory_space<hbm>>)
    } else {
    }
    return
  }
}

module attributes {stable_mosaic.version = 14 : i64} {
  func.func @_node_mm_body(%arg0: i32, %arg1: memref<1000x128xf32, #tpu.memory_space<vmem>>, %arg2: memref<128x128xf32, #tpu.memory_space<vmem>>, %arg3: memref<1000x64xf32, #tpu.memory_space<vmem>>, %arg4: memref<1000x64xf32, #tpu.memory_space<vmem>>) attributes {dimension_semantics = [#tpu.dimension_semantics<arbitrary>], iteration_bounds = array<i64: 10>, scalar_prefetch = 0 : i64, scratch_operands = 0 : i64, tpu.core_type = #tpu.core_type<tc>, window_params = [{transform_indices = @transform_0, window_bounds = array<i64: 1000, 128>}, {pipeline_mode = #tpu.pipeline_mode<synchronous>, transform_indices = @transform_1, window_bounds = array<i64: 128, 128>}, {transform_indices = @transform_2, window_bounds = array<i64: 1000, 64>}, {transform_indices = @transform_3, window_bounds = array<i64: 1000, 64>}]} {
    %get3A = arith.constant 0 : index
    %get3A_0 = arith.constant 0 : index
    %get3A_1 = vector.load %arg1[%get3A, %get3A_0] : memref<1000x128xf32, #tpu.memory_space<vmem>>, vector<1000x128xf32>
    %get3A_2 = arith.constant 0 : index
    %get3A_3 = arith.constant 0 : index
    %get3A_4 = vector.load %arg2[%get3A_2, %get3A_3] : memref<128x128xf32, #tpu.memory_space<vmem>>, vector<128x128xf32>
    %dot_general3A = arith.constant dense<0.000000e+00> : vector<1000x128xf32>
    %dot_general3A_5 = tpu.matmul %get3A_1, %get3A_4, %dot_general3A {dimension_numbers = #tpu.dot_dimension_numbers<[1], [0], [0], [1], [0, 0, 1, 1], [], []>, transpose_lhs_hint = false} : vector<1000x128xf32>, vector<128x128xf32>, vector<1000x128xf32> -> vector<1000x128xf32>
    %slice3A = vector.extract_strided_slice %dot_general3A_5 {offsets = [0, 0], sizes = [1000, 64], strides = [1, 1]} : vector<1000x128xf32> to vector<1000x64xf32>
    %swap3A = arith.constant 0 : index
    %swap3A_6 = arith.constant 0 : index
    %swap3A_7 = vector.load %arg3[%swap3A, %swap3A_6] : memref<1000x64xf32, #tpu.memory_space<vmem>>, vector<1000x64xf32>
    tpu.vector_store %arg3[%swap3A, %swap3A_6], %slice3A {strides = array<i32>} : memref<1000x64xf32, #tpu.memory_space<vmem>>, vector<1000x64xf32>,
    %slice3A_8 = vector.extract_strided_slice %dot_general3A_5 {offsets = [0, 64], sizes = [1000, 64], strides = [1, 1]} : vector<1000x128xf32> to vector<1000x64xf32>
    %swap3A_9 = arith.constant 0 : index
    %swap3A_10 = arith.constant 0 : index
    %swap3A_11 = vector.load %arg4[%swap3A_9, %swap3A_10] : memref<1000x64xf32, #tpu.memory_space<vmem>>, vector<1000x64xf32>
    tpu.vector_store %arg4[%swap3A_9, %swap3A_10], %slice3A_8 {strides = array<i32>} : memref<1000x64xf32, #tpu.memory_space<vmem>>, vector<1000x64xf32>,
    return
  }
  func.func @transform_0(%arg0: i32) -> (i32, i32) {
    %c0_i32 = arith.constant 0 : i32
    %c0_i32_0 = arith.constant 0 : i32
    return %arg0, %c0_i32 : i32, i32
  }
  func.func @transform_1(%arg0: i32) -> (i32, i32) {
    %c0_i32 = arith.constant 0 : i32
    %c0_i32_0 = arith.constant 0 : i32
    %c0_i32_1 = arith.constant 0 : i32
    return %c0_i32, %c0_i32_0 : i32, i32
  }
  func.func @transform_2(%arg0: i32) -> (i32, i32) {
    %c0_i32 = arith.constant 0 : i32
    %c0_i32_0 = arith.constant 0 : i32
    return %arg0, %c0_i32 : i32, i32
  }
  func.func @transform_3(%arg0: i32) -> (i32, i32) {
    %c0_i32 = arith.constant 0 : i32
    %c0_i32_0 = arith.constant 0 : i32
    return %arg0, %c0_i32 : i32, i32
  }
}

module attributes {stable_mosaic.version = 14 : i64} {
  func.func @_edge1_body(%arg0: i32, %arg1: memref<2000x125xf32, #tpu.memory_space<vmem>>, %arg2: memref<2000x64xf32, #tpu.memory_space<vmem>>, %arg3: memref<125x128xf32, #tpu.memory_space<vmem>>, %arg4: memref<64x2xf32, #tpu.memory_space<vmem>>, %arg5: memref<2x32xf32, #tpu.memory_space<vmem>>, %arg6: memref<2000x32xf32, #tpu.memory_space<vmem>>, %arg7: memref<2000x64xf32, #tpu.memory_space<vmem>>) attributes {dimension_semantics = [#tpu.dimension_semantics<arbitrary>], iteration_bounds = array<i64: 160>, scalar_prefetch = 0 : i64, scratch_operands = 0 : i64, tpu.core_type = #tpu.core_type<tc>, window_params = [{transform_indices = @transform_0, window_bounds = array<i64: 2000, 125>}, {transform_indices = @transform_1, window_bounds = array<i64: 2000, 64>}, {pipeline_mode = #tpu.pipeline_mode<synchronous>, transform_indices = @transform_2, window_bounds = array<i64: 125, 128>}, {pipeline_mode = #tpu.pipeline_mode<synchronous>, transform_indices = @transform_3, window_bounds = array<i64: 64, 2>}, {pipeline_mode = #tpu.pipeline_mode<synchronous>, transform_indices = @transform_4, window_bounds = array<i64: 2, 32>}, {transform_indices = @transform_5, window_bounds = array<i64: 2000, 32>}, {transform_indices = @transform_6, window_bounds = array<i64: 2000, 64>}]} {
    %get3A = arith.constant 0 : index
    %get3A_0 = arith.constant 0 : index
    %get3A_1 = vector.load %arg1[%get3A, %get3A_0] : memref<2000x125xf32, #tpu.memory_space<vmem>>, vector<2000x125xf32>
    %get3A_2 = arith.constant 0 : index
    %get3A_3 = arith.constant 0 : index
    %get3A_4 = vector.load %arg3[%get3A_2, %get3A_3] : memref<125x128xf32, #tpu.memory_space<vmem>>, vector<125x128xf32>
    %dot_general3A = arith.constant dense<0.000000e+00> : vector<2000x128xf32>
    %dot_general3A_5 = tpu.matmul %get3A_1, %get3A_4, %dot_general3A {dimension_numbers = #tpu.dot_dimension_numbers<[1], [0], [0], [1], [0, 0, 1, 1], [], []>, transpose_lhs_hint = false} : vector<2000x125xf32>, vector<125x128xf32>, vector<2000x128xf32> -> vector<2000x128xf32>
    %get3A_6 = arith.constant 0 : index
    %get3A_7 = arith.constant 0 : index
    %get3A_8 = vector.load %arg2[%get3A_6, %get3A_7] : memref<2000x64xf32, #tpu.memory_space<vmem>>, vector<2000x64xf32>
    %slice3A = vector.extract_strided_slice %dot_general3A_5 {offsets = [0, 0], sizes = [2000, 64], strides = [1, 1]} : vector<2000x128xf32> to vector<2000x64xf32>
    %add3A = arith.addf %get3A_8, %slice3A : vector<2000x64xf32>
    %ge3A = arith.constant 0.000000e+00 : f32
    %ge3A_9 = vector.broadcast %ge3A : f32 to vector<2000x64xf32>
    %ge3A_10 = arith.cmpf oge, %add3A, %ge3A_9 : vector<2000x64xf32>
    %mul3A = arith.constant 2.000000e-01 : f32
    %mul3A_11 = vector.broadcast %mul3A : f32 to vector<2000x64xf32>
    %mul3A_12 = arith.mulf %mul3A_11, %add3A : vector<2000x64xf32>
    %select_n3A = arith.select %ge3A_10, %add3A, %mul3A_12 : vector<2000x64xi1>, vector<2000x64xf32>
    %get3A_13 = arith.constant 0 : index
    %get3A_14 = arith.constant 0 : index
    %get3A_15 = vector.load %arg4[%get3A_13, %get3A_14] : memref<64x2xf32, #tpu.memory_space<vmem>>, vector<64x2xf32>
    %dot_general3A_16 = arith.constant dense<0.000000e+00> : vector<2000x2xf32>
    %dot_general3A_17 = tpu.matmul %select_n3A, %get3A_15, %dot_general3A_16 {dimension_numbers = #tpu.dot_dimension_numbers<[1], [0], [0], [1], [0, 0, 1, 1], [], []>, transpose_lhs_hint = false} : vector<2000x64xf32>, vector<64x2xf32>, vector<2000x2xf32> -> vector<2000x2xf32>
    %exp3A = math.exp %dot_general3A_17 : vector<2000x2xf32>
    %get3A_18 = arith.constant 0 : index
    %get3A_19 = arith.constant 0 : index
    %get3A_20 = vector.load %arg5[%get3A_18, %get3A_19] : memref<2x32xf32, #tpu.memory_space<vmem>>, vector<2x32xf32>
    %dot_general3A_21 = arith.constant dense<0.000000e+00> : vector<2000x32xf32>
    %dot_general3A_22 = tpu.matmul %exp3A, %get3A_20, %dot_general3A_21 {dimension_numbers = #tpu.dot_dimension_numbers<[1], [0], [0], [1], [0, 0, 1, 1], [], []>, transpose_lhs_hint = false} : vector<2000x2xf32>, vector<2x32xf32>, vector<2000x32xf32> -> vector<2000x32xf32>
    %swap3A = arith.constant 0 : index
    %swap3A_23 = arith.constant 0 : index
    %swap3A_24 = vector.load %arg6[%swap3A, %swap3A_23] : memref<2000x32xf32, #tpu.memory_space<vmem>>, vector<2000x32xf32>
    tpu.vector_store %arg6[%swap3A, %swap3A_23], %dot_general3A_22 {strides = array<i32>} : memref<2000x32xf32, #tpu.memory_space<vmem>>, vector<2000x32xf32>,
    %slice3A_25 = vector.extract_strided_slice %dot_general3A_5 {offsets = [0, 64], sizes = [2000, 64], strides = [1, 1]} : vector<2000x128xf32> to vector<2000x64xf32>
    %swap3A_26 = arith.constant 0 : index
    %swap3A_27 = arith.constant 0 : index
    %swap3A_28 = vector.load %arg7[%swap3A_26, %swap3A_27] : memref<2000x64xf32, #tpu.memory_space<vmem>>, vector<2000x64xf32>
    tpu.vector_store %arg7[%swap3A_26, %swap3A_27], %slice3A_25 {strides = array<i32>} : memref<2000x64xf32, #tpu.memory_space<vmem>>, vector<2000x64xf32>,
    return
  }
  func.func @transform_0(%arg0: i32) -> (i32, i32) {
    %c0_i32 = arith.constant 0 : i32
    %c0_i32_0 = arith.constant 0 : i32
    return %arg0, %c0_i32 : i32, i32
  }
  func.func @transform_1(%arg0: i32) -> (i32, i32) {
    %c0_i32 = arith.constant 0 : i32
    %c0_i32_0 = arith.constant 0 : i32
    return %arg0, %c0_i32 : i32, i32
  }
  func.func @transform_2(%arg0: i32) -> (i32, i32) {
    %c0_i32 = arith.constant 0 : i32
    %c0_i32_0 = arith.constant 0 : i32
    %c0_i32_1 = arith.constant 0 : i32
    return %c0_i32, %c0_i32_0 : i32, i32
  }
  func.func @transform_3(%arg0: i32) -> (i32, i32) {
    %c0_i32 = arith.constant 0 : i32
    %c0_i32_0 = arith.constant 0 : i32
    %c0_i32_1 = arith.constant 0 : i32
    return %c0_i32, %c0_i32_0 : i32, i32
  }
  func.func @transform_4(%arg0: i32) -> (i32, i32) {
    %c0_i32 = arith.constant 0 : i32
    %c0_i32_0 = arith.constant 0 : i32
    %c0_i32_1 = arith.constant 0 : i32
    return %c0_i32, %c0_i32_0 : i32, i32
  }
  func.func @transform_5(%arg0: i32) -> (i32, i32) {
    %c0_i32 = arith.constant 0 : i32
    %c0_i32_0 = arith.constant 0 : i32
    return %arg0, %c0_i32 : i32, i32
  }
  func.func @transform_6(%arg0: i32) -> (i32, i32) {
    %c0_i32 = arith.constant 0 : i32
    %c0_i32_0 = arith.constant 0 : i32
    return %arg0, %c0_i32 : i32, i32
  }
}

module attributes {stable_mosaic.version = 14 : i64} {
  func.func @_node2_body(%arg0: i32, %arg1: memref<1000x80xf32, #tpu.memory_space<vmem>>, %arg2: memref<1000x80xf32, #tpu.memory_space<vmem>>, %arg3: memref<1x64xf32, #tpu.memory_space<vmem>>, %arg4: memref<64x128xf32, #tpu.memory_space<vmem>>, %arg5: memref<1000x64xf32, #tpu.memory_space<vmem>>, %arg6: memref<1000x64xf32, #tpu.memory_space<vmem>>) attributes {dimension_semantics = [#tpu.dimension_semantics<arbitrary>], iteration_bounds = array<i64: 10>, scalar_prefetch = 0 : i64, scratch_operands = 0 : i64, tpu.core_type = #tpu.core_type<tc>, window_params = [{transform_indices = @transform_0, window_bounds = array<i64: 1000, 80>}, {transform_indices = @transform_1, window_bounds = array<i64: 1000, 80>}, {pipeline_mode = #tpu.pipeline_mode<synchronous>, transform_indices = @transform_2, window_bounds = array<i64: 1, 64>}, {pipeline_mode = #tpu.pipeline_mode<synchronous>, transform_indices = @transform_3, window_bounds = array<i64: 64, 128>}, {transform_indices = @transform_4, window_bounds = array<i64: 1000, 64>}, {transform_indices = @transform_5, window_bounds = array<i64: 1000, 64>}]} {
    %get3A = arith.constant 0 : index
    %get3A_0 = arith.constant 0 : index
    %get3A_1 = vector.load %arg1[%get3A, %get3A_0] : memref<1000x80xf32, #tpu.memory_space<vmem>>, vector<1000x80xf32>
    %get3A_2 = arith.constant 0 : index
    %get3A_3 = arith.constant 0 : index
    %get3A_4 = vector.load %arg2[%get3A_2, %get3A_3] : memref<1000x80xf32, #tpu.memory_space<vmem>>, vector<1000x80xf32>
    %add3A = arith.addf %get3A_1, %get3A_4 : vector<1000x80xf32>
    %slice3A = vector.extract_strided_slice %add3A {offsets = [0, 0], sizes = [1000, 64], strides = [1, 1]} : vector<1000x80xf32> to vector<1000x64xf32>
    %slice3A_5 = vector.extract_strided_slice %add3A {offsets = [0, 64], sizes = [1000, 1], strides = [1, 1]} : vector<1000x80xf32> to vector<1000x1xf32>
    %add3A_6 = arith.constant 1.000000e-16 : f32
    %add3A_7 = vector.broadcast %add3A_6 : f32 to vector<1000x1xf32>
    %add3A_8 = arith.addf %slice3A_5, %add3A_7 : vector<1000x1xf32>
    %slice3A_9 = vector.extract_strided_slice %add3A {offsets = [0, 65], sizes = [1000, 1], strides = [1, 1]} : vector<1000x80xf32> to vector<1000x1xf32>
    %add3A_10 = arith.constant 1.000000e-16 : f32
    %add3A_11 = vector.broadcast %add3A_10 : f32 to vector<1000x1xf32>
    %add3A_12 = arith.addf %slice3A_9, %add3A_11 : vector<1000x1xf32>
    %slice3A_13 = vector.extract_strided_slice %slice3A {offsets = [0, 0], sizes = [1000, 32], strides = [1, 1]} : vector<1000x64xf32> to vector<1000x32xf32>
    %div3A = vector.broadcast %add3A_8 : vector<1000x1xf32> to vector<1000x32xf32>
    %div3A_14 = arith.divf %slice3A_13, %div3A : vector<1000x32xf32>
    %slice3A_15 = vector.extract_strided_slice %slice3A {offsets = [0, 32], sizes = [1000, 32], strides = [1, 1]} : vector<1000x64xf32> to vector<1000x32xf32>
    %div3A_16 = vector.broadcast %add3A_12 : vector<1000x1xf32> to vector<1000x32xf32>
    %div3A_17 = arith.divf %slice3A_15, %div3A_16 : vector<1000x32xf32>
    %concatenate3A = tpu.concatenate %div3A_14, %div3A_17 in 1 : vector<1000x32xf32>, vector<1000x32xf32> -> vector<1000x64xf32>
    %get3A_18 = arith.constant 0 : index
    %get3A_19 = arith.constant 0 : index
    %get3A_20 = vector.load %arg3[%get3A_18, %get3A_19] : memref<1x64xf32, #tpu.memory_space<vmem>>, vector<1x64xf32>
    %add3A_21 = vector.broadcast %get3A_20 : vector<1x64xf32> to vector<1000x64xf32>
    %add3A_22 = arith.addf %concatenate3A, %add3A_21 : vector<1000x64xf32>
    %max3A = arith.constant 0.000000e+00 : f32
    %max3A_23 = vector.broadcast %max3A : f32 to vector<1000x64xf32>
    %max3A_24 = arith.maximumf %add3A_22, %max3A_23 : vector<1000x64xf32>
    %get3A_25 = arith.constant 0 : index
    %get3A_26 = arith.constant 0 : index
    %get3A_27 = vector.load %arg4[%get3A_25, %get3A_26] : memref<64x128xf32, #tpu.memory_space<vmem>>, vector<64x128xf32>
    %dot_general3A = arith.constant dense<0.000000e+00> : vector<1000x128xf32>
    %dot_general3A_28 = tpu.matmul %max3A_24, %get3A_27, %dot_general3A {dimension_numbers = #tpu.dot_dimension_numbers<[1], [0], [0], [1], [0, 0, 1, 1], [], []>, transpose_lhs_hint = false} : vector<1000x64xf32>, vector<64x128xf32>, vector<1000x128xf32> -> vector<1000x128xf32>
    %slice3A_29 = vector.extract_strided_slice %dot_general3A_28 {offsets = [0, 0], sizes = [1000, 64], strides = [1, 1]} : vector<1000x128xf32> to vector<1000x64xf32>
    %swap3A = arith.constant 0 : index
    %swap3A_30 = arith.constant 0 : index
    %swap3A_31 = vector.load %arg5[%swap3A, %swap3A_30] : memref<1000x64xf32, #tpu.memory_space<vmem>>, vector<1000x64xf32>
    tpu.vector_store %arg5[%swap3A, %swap3A_30], %slice3A_29 {strides = array<i32>} : memref<1000x64xf32, #tpu.memory_space<vmem>>, vector<1000x64xf32>,
    %slice3A_32 = vector.extract_strided_slice %dot_general3A_28 {offsets = [0, 64], sizes = [1000, 64], strides = [1, 1]} : vector<1000x128xf32> to vector<1000x64xf32>
    %swap3A_33 = arith.constant 0 : index
    %swap3A_34 = arith.constant 0 : index
    %swap3A_35 = vector.load %arg6[%swap3A_33, %swap3A_34] : memref<1000x64xf32, #tpu.memory_space<vmem>>, vector<1000x64xf32>
    tpu.vector_store %arg6[%swap3A_33, %swap3A_34], %slice3A_32 {strides = array<i32>} : memref<1000x64xf32, #tpu.memory_space<vmem>>, vector<1000x64xf32>,
    return
  }
  func.func @transform_0(%arg0: i32) -> (i32, i32) {
    %c0_i32 = arith.constant 0 : i32
    %c0_i32_0 = arith.constant 0 : i32
    return %arg0, %c0_i32 : i32, i32
  }
  func.func @transform_1(%arg0: i32) -> (i32, i32) {
    %c0_i32 = arith.constant 0 : i32
    %c0_i32_0 = arith.constant 0 : i32
    return %arg0, %c0_i32 : i32, i32
  }
  func.func @transform_2(%arg0: i32) -> (i32, i32) {
    %c0_i32 = arith.constant 0 : i32
    %c0_i32_0 = arith.constant 0 : i32
    %c0_i32_1 = arith.constant 0 : i32
    return %c0_i32, %c0_i32_0 : i32, i32
  }
  func.func @transform_3(%arg0: i32) -> (i32, i32) {
    %c0_i32 = arith.constant 0 : i32
    %c0_i32_0 = arith.constant 0 : i32
    %c0_i32_1 = arith.constant 0 : i32
    return %c0_i32, %c0_i32_0 : i32, i32
  }
  func.func @transform_4(%arg0: i32) -> (i32, i32) {
    %c0_i32 = arith.constant 0 : i32
    %c0_i32_0 = arith.constant 0 : i32
    return %arg0, %c0_i32 : i32, i32
  }
  func.func @transform_5(%arg0: i32) -> (i32, i32) {
    %c0_i32 = arith.constant 0 : i32
    %c0_i32_0 = arith.constant 0 : i32
    return %arg0, %c0_i32 : i32, i32
  }
}

module attributes {stable_mosaic.version = 14 : i64} {
  func.func @_edge2_body(%arg0: i32, %arg1: memref<2000x64xf32, #tpu.memory_space<vmem>>, %arg2: memref<2000x64xf32, #tpu.memory_space<vmem>>, %arg3: memref<1x64xf32, #tpu.memory_space<vmem>>, %arg4: memref<64x3xf32, #tpu.memory_space<vmem>>, %arg5: memref<1x3xf32, #tpu.memory_space<vmem>>, %arg6: memref<3x1xf32, #tpu.memory_space<vmem>>, %arg7: memref<3x1xf32, #tpu.memory_space<vmem>>, %arg8: memref<2000x1xf32, #tpu.memory_space<vmem>>) attributes {dimension_semantics = [#tpu.dimension_semantics<arbitrary>], iteration_bounds = array<i64: 160>, scalar_prefetch = 0 : i64, scratch_operands = 0 : i64, tpu.core_type = #tpu.core_type<tc>, window_params = [{transform_indices = @transform_0, window_bounds = array<i64: 2000, 64>}, {transform_indices = @transform_1, window_bounds = array<i64: 2000, 64>}, {pipeline_mode = #tpu.pipeline_mode<synchronous>, transform_indices = @transform_2, window_bounds = array<i64: 1, 64>}, {pipeline_mode = #tpu.pipeline_mode<synchronous>, transform_indices = @transform_3, window_bounds = array<i64: 64, 3>}, {pipeline_mode = #tpu.pipeline_mode<synchronous>, transform_indices = @transform_4, window_bounds = array<i64: 1, 3>}, {pipeline_mode = #tpu.pipeline_mode<synchronous>, transform_indices = @transform_5, window_bounds = array<i64: 3, 1>}, {pipeline_mode = #tpu.pipeline_mode<synchronous>, transform_indices = @transform_6, window_bounds = array<i64: 3, 1>}, {transform_indices = @transform_7, window_bounds = array<i64: 2000, 1>}]} {
    %get3A = arith.constant 0 : index
    %get3A_0 = arith.constant 0 : index
    %get3A_1 = vector.load %arg1[%get3A, %get3A_0] : memref<2000x64xf32, #tpu.memory_space<vmem>>, vector<2000x64xf32>
    %get3A_2 = arith.constant 0 : index
    %get3A_3 = arith.constant 0 : index
    %get3A_4 = vector.load %arg2[%get3A_2, %get3A_3] : memref<2000x64xf32, #tpu.memory_space<vmem>>, vector<2000x64xf32>
    %add3A = arith.addf %get3A_1, %get3A_4 : vector<2000x64xf32>
    %get3A_5 = arith.constant 0 : index
    %get3A_6 = arith.constant 0 : index
    %get3A_7 = vector.load %arg3[%get3A_5, %get3A_6] : memref<1x64xf32, #tpu.memory_space<vmem>>, vector<1x64xf32>
    %add3A_8 = vector.broadcast %get3A_7 : vector<1x64xf32> to vector<2000x64xf32>
    %add3A_9 = arith.addf %add3A, %add3A_8 : vector<2000x64xf32>
    %max3A = arith.constant 0.000000e+00 : f32
    %max3A_10 = vector.broadcast %max3A : f32 to vector<2000x64xf32>
    %max3A_11 = arith.maximumf %add3A_9, %max3A_10 : vector<2000x64xf32>
    %get3A_12 = arith.constant 0 : index
    %get3A_13 = arith.constant 0 : index
    %get3A_14 = vector.load %arg4[%get3A_12, %get3A_13] : memref<64x3xf32, #tpu.memory_space<vmem>>, vector<64x3xf32>
    %dot_general3A = arith.constant dense<0.000000e+00> : vector<2000x3xf32>
    %dot_general3A_15 = tpu.matmul %max3A_11, %get3A_14, %dot_general3A {dimension_numbers = #tpu.dot_dimension_numbers<[1], [0], [0], [1], [0, 0, 1, 1], [], []>, transpose_lhs_hint = false} : vector<2000x64xf32>, vector<64x3xf32>, vector<2000x3xf32> -> vector<2000x3xf32>
    %get3A_16 = arith.constant 0 : index
    %get3A_17 = arith.constant 0 : index
    %get3A_18 = vector.load %arg5[%get3A_16, %get3A_17] : memref<1x3xf32, #tpu.memory_space<vmem>>, vector<1x3xf32>
    %add3A_19 = vector.broadcast %get3A_18 : vector<1x3xf32> to vector<2000x3xf32>
    %add3A_20 = arith.addf %dot_general3A_15, %add3A_19 : vector<2000x3xf32>
    %exp3A = math.exp %add3A_20 : vector<2000x3xf32>
    %get3A_21 = arith.constant 0 : index
    %get3A_22 = arith.constant 0 : index
    %get3A_23 = vector.load %arg6[%get3A_21, %get3A_22] : memref<3x1xf32, #tpu.memory_space<vmem>>, vector<3x1xf32>
    %dot_general3A_24 = arith.constant dense<0.000000e+00> : vector<2000x1xf32>
    %dot_general3A_25 = tpu.matmul %exp3A, %get3A_23, %dot_general3A_24 {dimension_numbers = #tpu.dot_dimension_numbers<[1], [0], [0], [1], [0, 0, 1, 1], [], []>, transpose_lhs_hint = false} : vector<2000x3xf32>, vector<3x1xf32>, vector<2000x1xf32> -> vector<2000x1xf32>
    %get3A_26 = arith.constant 0 : index
    %get3A_27 = arith.constant 0 : index
    %get3A_28 = vector.load %arg7[%get3A_26, %get3A_27] : memref<3x1xf32, #tpu.memory_space<vmem>>, vector<3x1xf32>
    %dot_general3A_29 = arith.constant dense<0.000000e+00> : vector<2000x1xf32>
    %dot_general3A_30 = tpu.matmul %exp3A, %get3A_28, %dot_general3A_29 {dimension_numbers = #tpu.dot_dimension_numbers<[1], [0], [0], [1], [0, 0, 1, 1], [], []>, transpose_lhs_hint = false} : vector<2000x3xf32>, vector<3x1xf32>, vector<2000x1xf32> -> vector<2000x1xf32>
    %div3A = arith.divf %dot_general3A_25, %dot_general3A_30 : vector<2000x1xf32>
    %swap3A = arith.constant 0 : index
    %swap3A_31 = arith.constant 0 : index
    %swap3A_32 = vector.load %arg8[%swap3A, %swap3A_31] : memref<2000x1xf32, #tpu.memory_space<vmem>>, vector<2000x1xf32>
    tpu.vector_store %arg8[%swap3A, %swap3A_31], %div3A {strides = array<i32>} : memref<2000x1xf32, #tpu.memory_space<vmem>>, vector<2000x1xf32>,
    return
  }
  func.func @transform_0(%arg0: i32) -> (i32, i32) {
    %c0_i32 = arith.constant 0 : i32
    %c0_i32_0 = arith.constant 0 : i32
    return %arg0, %c0_i32 : i32, i32
  }
  func.func @transform_1(%arg0: i32) -> (i32, i32) {
    %c0_i32 = arith.constant 0 : i32
    %c0_i32_0 = arith.constant 0 : i32
    return %arg0, %c0_i32 : i32, i32
  }
  func.func @transform_2(%arg0: i32) -> (i32, i32) {
    %c0_i32 = arith.constant 0 : i32
    %c0_i32_0 = arith.constant 0 : i32
    %c0_i32_1 = arith.constant 0 : i32
    return %c0_i32, %c0_i32_0 : i32, i32
  }
  func.func @transform_3(%arg0: i32) -> (i32, i32) {
    %c0_i32 = arith.constant 0 : i32
    %c0_i32_0 = arith.constant 0 : i32
    %c0_i32_1 = arith.constant 0 : i32
    return %c0_i32, %c0_i32_0 : i32, i32
  }
  func.func @transform_4(%arg0: i32) -> (i32, i32) {
    %c0_i32 = arith.constant 0 : i32
    %c0_i32_0 = arith.constant 0 : i32
    %c0_i32_1 = arith.constant 0 : i32
    return %c0_i32, %c0_i32_0 : i32, i32
  }
  func.func @transform_5(%arg0: i32) -> (i32, i32) {
    %c0_i32 = arith.constant 0 : i32
    %c0_i32_0 = arith.constant 0 : i32
    %c0_i32_1 = arith.constant 0 : i32
    return %c0_i32, %c0_i32_0 : i32, i32
  }
  func.func @transform_6(%arg0: i32) -> (i32, i32) {
    %c0_i32 = arith.constant 0 : i32
    %c0_i32_0 = arith.constant 0 : i32
    %c0_i32_1 = arith.constant 0 : i32
    return %c0_i32, %c0_i32_0 : i32, i32
  }
  func.func @transform_7(%arg0: i32) -> (i32, i32) {
    %c0_i32 = arith.constant 0 : i32
    %c0_i32_0 = arith.constant 0 : i32
    return %arg0, %c0_i32 : i32, i32
  }
}

</mosaic_0001>

<sc_bundles>
// kernel: kernel.12.cloned.1.call-start
scs
__scs_entry_jumppad:
0x0: {  	(pc) =	sbr.rel $0x88, $3  }
0x1: {  	(tag) =	ssettag $0x0;
	lr =	simm.s32 $0x1  }
0x2: {  	[smem:$0x3F95] =	sst lr;
	_ =	strace $0xD0000000  }
0x3: {  	_ = 	snop  }
0x4: {  	_ = 	snop  }
0x5: {  	_ = 	snop  }
0x6: {  	_ = 	snop  }
0x7: {  	_ = 	snop  }
__scs_overlays_trampoline_lowered:
0x8: {  	[smem:$0x3FA4] =	sst s0  }
0x9: {  	[smem:$0x3FA5] =	sst s1  }
0xa: {  	[smem:$0x3FA6] =	sst s2  }
0xb: {  	[smem:$0x3FA7] =	sst s3  }
0xc: {  	[smem:$0x3FA8] =	sst s4  }
0xd: {  	[smem:$0x3FA9] =	sst s5  }
0xe: {  	[smem:$0x3FAA] =	sst s6  }
0xf: {  	[smem:$0x3FAB] =	sst s7  }
0x10: {  	[smem:$0x3FAC] =	sst s8  }
0x11: {  	[smem:$0x3FAD] =	sst s9;
	s0 =	simm.s32 @!p0 $0x0  }
0x12: {  	s1 =	sld [smem:$0x3F93];
	s0 =	simm.s32 @p0 $0x1  }
0x13: {  	[smem:$0x3FAE] =	sst s0;
	s0 =	simm.s32 @!p1 $0x0  }
0x14: {  	s2 =	sld [smem:$0x3F92];
	s0 =	simm.s32 @p1 $0x1  }
0x15: {  	[smem:$0x3FAF] =	sst s0;
	s0 =	simm.s32 @!p2 $0x0  }
0x16: {  	s3 =	sld [smem:$0x3FDB];
	s0 =	simm.s32 @p2 $0x1  }
0x17: {  	s4 =	simm.s32 $0x1BF5;
	[smem:$0x3FB1] =	sst s0  }
0x18: {  	s0 =	sld [smem:$0x3F94];
	_ =	swait.ge [sflag:s4], $0x0  }
0x19: {  	s7 =	sld [smem:$0x3F95]  }
0x1a: {  	s8 =	sadd.s32 $0xFFFFE003, lr  }
0x1b: {  	s9 =	sadd.s32 $0xFFFFFEF7, lr;
	s5 =	simm.s32 $0xFFFFFFFF;
	p2 =	slt.u32 s8, $0xFFFFF086  }
0x1c: {  	p1 =	slt.u32 s9, $0xF7A;
	s5 =	simm.s32 @!p2 $0x0  }
0x1d: {  	s5 =	simm.s32 @p1 $0x1;
	p0 =	seq.s32 s7, s2  }
0x1e: {  	s7 =	smul.u32 @!p0 $0xF7A, s2;
	p2 =	seq.s32 @!p0 s5, $0x0  }
0x1f: {  	s9 =	smul.u32 $0xF7A, s1;
	s8 =	simm.s32 @!p0 $0x1BF5;
	p2 =	por !p2, p0  }
0x20: {  	[sflag:s8] =	ssyncset.s32 @!p0 $0xFFFFF086;
	s6 =	sadd.s32 @!p0 s3, s7;
	s7 =	simm.s32 @!p0 $0x108  }
0x21: {  	s3 =	sadd.s32 s3, s9;
	s6 =	sadd.s32 @!p0 $0x88, s6;
	s7 =	simm.s32 @p2 $0x1082  }
0x22: {  	[simem:s7], [sflag:s8] =	dma.local @!p0 [hbm:s6], $0xF7A  }
0x23: {  	s9 =	sor.u32 $0xD0000000, s2;
	s6 =	simm.s32 $0x108;
	_ =	swait.ge @!p0 [sflag:s8], $0x0  }
0x24: {  	s3 =	sadd.s32 $0x88, s3;
	s6 =	simm.s32 @!p1 $0x1082;
	[sflag:s4] =	ssyncset.s32 $0xFFFFF086  }
0x25: {  	[simem:s6], [sflag:s4] =	dma.local [hbm:s3], $0xF7A  }
0x26: {  	[smem:$0x3F95] =	sst s1;
	(tag) =	ssettag s2;
	_ =	strace s9  }
0x27: {  	s1 =	sld [smem:$0x3FA5]  }
0x28: {  	s2 =	sld [smem:$0x3FA6]  }
0x29: {  	s4 =	sld [smem:$0x3FA8]  }
0x2a: {  	p0 =	seq.s32 s5, $0x0;
	s5 =	sld [smem:$0x3FA9]  }
0x2b: {  	s6 =	sld [smem:$0x3FAA]  }
0x2c: {  	s7 =	sld [smem:$0x3FAB]  }
0x2d: {  	s3 =	simm.s32 $0x108;
	s8 =	sld [smem:$0x3FAC]  }
0x2e: {  	s3 =	simm.s32 @!p0 $0x1082;
	s9 =	sld [smem:$0x3FAD]  }
0x2f: {  	lr =	sadd.s32 s0, s3;
	s0 =	sld [smem:$0x3FA4]  }
0x30: {  	s3 =	sld [smem:$0x3FA7]  }
0x31: {  	[smem:$0x3FB0] =	sst s10  }
0x32: {  	s10 =	sld [smem:$0x3FAE];
	_ =	sdelay $0x3  }
0x33: {  	p0 =	seq.s32 s10, $0x1;
	s10 =	sld [smem:$0x3FB0];
	_ =	sdelay $0x3  }
0x34: {  	[smem:$0x3FB0] =	sst s10  }
0x35: {  	s10 =	sld [smem:$0x3FAF];
	_ =	sdelay $0x3  }
0x36: {  	p1 =	seq.s32 s10, $0x1;
	s10 =	sld [smem:$0x3FB0];
	_ =	sdelay $0x3  }
0x37: {  	[smem:$0x3FB0] =	sst s10  }
0x38: {  	s10 =	sld [smem:$0x3FB1]  }
0x39: {  	_ = 	snop;
	(pc) =	sbr.ind lr, $3  }
0x3a: {  	_ = 	snop  }
0x3b: {  	_ = 	snop  }
0x3c: {  	p2 =	seq.s32 s10, $0x1;
	s10 =	sld [smem:$0x3FB0]  }
0x3d: {  	_ =	shalt  }
0x3e: {  	_ =	shalt  }
0x3f: {  	_ =	shalt  }
0x40: {  	_ =	shalt  }
0x41: {  	_ =	shalt  }
0x42: {  	_ =	shalt  }
0x43: {  	_ =	shalt  }
0x44: {  	_ =	shalt  }
0x45: {  	_ =	shalt  }
0x46: {  	_ =	shalt  }
0x47: {  	_ =	shalt  }
0x48: {  	_ =	shalt  }
0x49: {  	_ =	shalt  }
0x4a: {  	_ =	shalt  }
0x4b: {  	_ =	shalt  }
0x4c: {  	_ =	shalt  }
0x4d: {  	_ =	shalt  }
0x4e: {  	_ =	shalt  }
0x4f: {  	_ =	shalt  }
0x50: {  	_ =	shalt  }
0x51: {  	_ =	shalt  }
0x52: {  	_ =	shalt  }
0x53: {  	_ =	shalt  }
0x54: {  	_ =	shalt  }
0x55: {  	_ =	shalt  }
0x56: {  	_ =	shalt  }
0x57: {  	_ =	shalt  }
0x58: {  	_ =	shalt  }
0x59: {  	_ =	shalt  }
0x5a: {  	_ =	shalt  }
0x5b: {  	_ =	shalt  }
0x5c: {  	_ =	shalt  }
0x5d: {  	_ =	shalt  }
0x5e: {  	_ =	shalt  }
0x5f: {  	_ =	shalt  }
0x60: {  	_ =	shalt  }
0x61: {  	_ =	shalt  }
0x62: {  	_ =	shalt  }
0x63: {  	_ =	shalt  }
0x64: {  	_ =	shalt  }
0x65: {  	_ =	shalt  }
0x66: {  	_ =	shalt  }
0x67: {  	_ =	shalt  }
0x68: {  	_ =	shalt  }
0x69: {  	_ =	shalt  }
0x6a: {  	_ =	shalt  }
0x6b: {  	_ =	shalt  }
0x6c: {  	_ =	shalt  }
0x6d: {  	_ =	shalt  }
0x6e: {  	_ =	shalt  }
0x6f: {  	_ =	shalt  }
0x70: {  	_ =	shalt  }
0x71: {  	_ =	shalt  }
0x72: {  	_ =	shalt  }
0x73: {  	_ =	shalt  }
0x74: {  	_ =	shalt  }
0x75: {  	_ =	shalt  }
0x76: {  	_ =	shalt  }
0x77: {  	_ =	shalt  }
0x78: {  	_ =	shalt  }
0x79: {  	_ =	shalt  }
0x7a: {  	_ =	shalt  }
0x7b: {  	_ =	shalt  }
0x7c: {  	_ =	shalt  }
0x7d: {  	_ =	shalt  }
0x7e: {  	_ =	shalt  }
0x7f: {  	_ =	shalt  }
0x80: {  	_ =	shalt  }
0x81: {  	_ =	shalt  }
0x82: {  	_ =	shalt  }
0x83: {  	_ =	shalt  }
0x84: {  	_ =	shalt  }
0x85: {  	_ =	shalt  }
0x86: {  	_ =	shalt  }
0x87: {  	_ =	shalt  }
.Lfunc_end0:
.L_simem_size_0:
called_computation.1_lowered:
.L_overlay_start_0:
0x88: {  	s2 =	sld [smem:$0x3FD9]  }
0x89: {  	s3 =	sld [smem:$0x3FFE];
	_ =	sdelay $0x1  }
0x8a: {  	s1 =	srdreg.scid  }
0x8b: {  	s0 =	sand.u32 $0x1, s1  }
0x8c: {  	s16 =	sshll.u32 s0, $0xA;
	s2 =	sadd.s32 s3, s2  }
0x8d: {  	s2 =	sadd.s32 s2, s16  }
0x8e: {  	[smem:$0x3FBC] =	sst s2  }
0x8f: {  	_ = 	snop  }
0x90: {  	(tm) =	ssettm $0x1  }
0x91: {  	s17 =	sld [smem:$0x3FFB];
	_ =	sdelay $0x3  }
0x92: {  	_ =	strace s17  }
0x93: {  	s2 =	sld [smem:$0x3FFC];
	_ =	sdelay $0x3  }
0x94: {  	_ =	strace s2  }
0x95: {  	s2 =	sld [smem:$0x3FFD];
	_ =	sdelay $0x3  }
0x96: {  	_ =	strace s2  }
0x97: {  	_ =	strace $0x8FFFFFFF  }
0x98: {  	s18 =	sld [smem:$0x3FDB];
	_ =	sdelay $0x1  }
0x99: {  	s19 =	simm.s32 $_scs_section_size  }
0x9a: {  	s4 =	simm.s32 $_size__tile_overlayer_lowered;
	s5 =	simm.s32 $_tile_overlayer_lowered  }
0x9b: {  	s22 =	simm.s32 $0x1BFF;
	s21 =	sshll.u32 s5, $0x1;
	s2 =	sadd.s32 s19, s18  }
0x9c: {  	s6 =	simm.s32 $0x0;
	s20 =	sshll.u32 s4, $0x1;
	s4 =	sadd.s32 s21, s2  }
0x9d: {  	[timem:s6], [sflag:s22] =	dma.local [hbm:s4], s20  }
0x9e: {  	_ =	swait.ge [sflag:s22], s20  }
0x9f: {  	s3 =	ssub.s32 $0x0, s20;
	[sflag:s22] =	ssyncset.done $0x0  }
0xa0: {  	[sflag:s22] =	ssyncadd.s32 s3;
	_ =	sdelay $0x1  }
0xa1: {  	s23 =	simm.s32 $0x1B8B  }
0xa2: {  	_ =	swait.ge [sflag:s23], $0x1  }
0xa3: {  	[sflag:s23] =	ssyncset.done $0x0  }
0xa4: {  	s25 =	simm.s32 $0x1B8E;
	s24 =	sld [smem:$0x3FFE];
	[sflag:s23] =	ssyncadd.s32 $0xFFFFFFFF  }
0xa5: {  	s26 =	simm.s32 $execute0_lowered;
	[smem:$0x3FD2] =	sst s25  }
0xa6: {  	s4 =	sshll.u32 s26, $0x1;
	_ =	strace $0x80000049;
	[dreg:$0x1] =	wrdreg $0xFFFFFFFF  }
0xa7: {  	s28 =	simm.s32 $_size_execute0_lowered;
	s2 =	sadd.s32 s2, s4;
	[dreg:$0x0] =	wrdreg $0x0  }
0xa8: {  	s4 =	sshll.u32 s28, $0x1;
	[dreg:$0x2] =	wrdreg s2  }
0xa9: {  	[dreg:$0x3] =	wrdreg s4  }
0xaa: {  	[dreg:$0x4] =	wrdreg $0xC0  }
0xab: {  	_ =	task [dreg:s6], $0x5FFFF  }
0xac: {  	[dreg:$0x1] =	wrdreg $0xFFFFFFFF  }
0xad: {  	[dreg:$0x0] =	wrdreg $0x60  }
0xae: {  	[dreg:$0x2] =	wrdreg s24  }
0xaf: {  	[dreg:$0x3] =	wrdreg $0x0  }
0xb0: {  	[dreg:$0x4] =	wrdreg $0x9  }
0xb1: {  	_ =	task.clear_ibuf [dreg:s6], $0x5FFFF;
	_ =	strace $0x90000049  }
0xb2: {  	s29 =	simm.s32 $0x9;
	_ =	strace $0x8000004B  }
0xb3: {  	_ =	swait.ge [sflag:s29], $0x1  }
0xb4: {  	[sflag:s29] =	ssyncadd.s32 $0xFFFFFFFF  }
0xb5: {  	_ =	strace $0x9000004B  }
0xb6: {  	_ =	sfence  }
0xb7: {  	s30 =	sld [smem:$0x0];
	_ =	sdelay $0x2  }
0xb8: {  	s31 =	sshll.u32 s1, $0xD;
	s1 =	sshrl.u32 s1, $0x2  }
0xb9: {  	s3 =	sand.u32 $0x4000, s31;
	s1 =	sadd.s32 s1, s30  }
0xba: {  	s0 =	sor.u32 s3, s0;
	s1 =	sshll.u32 s1, $0x11  }
0xbb: {  	s0 =	sor.u32 s1, s0  }
0xbc: {  	s0 =	sadd.s32 $0x8F2B, s0  }
0xbd: {  	[sflag:s0] =	ssyncadd.remote.s32 $0x1  }
0xbe: {  	_ =	sfence.sel $0xFFFF  }
0xbf: {  	[dreg:$0x0] =	wrdreg $0xFFFFFFFF;
	(pc) =	sbr.abs _section_cstart, $3  }
0xc0: {  	[dreg:$0x1] =	wrdreg $0xFFFFFFFF  }
0xc1: {  	_ =	task.clear_ibuf [dreg:s6], $0x2FFFF;
	_ =	strace $0x9FFFFFFF  }
0xc2: {  	(tm) =	ssettm $0x7FFFFFFF  }
0xc3: {  	_ =	shalt  }
tec
execute0_lowered:
.L_overlay_start_1:
0x0: {  	(tag) =	ssettag $0x1  }
0x1: {  	s1 =	srdreg.scid;
	s7 =	rddreg [dreg:$0x0]  }
0x2: {  	s0 =	stileid.u32;
	s2 =	rddreg [dreg:$0x1]  }
0x3: {  	s3 =	simm.s32 $0x0;
	s14 =	simm.s32 $0xEB50;
	s17 =	simm.s32 $0x1  }
0x4: {  	s18 =	simm.s32 $0x80;
	s19 =	simm.s32 $0x17350;
	s20 =	simm.s32 $0x3  }
0x5: {  	s21 =	simm.s32 $0x2;
	s22 =	simm.s32 $0x19B50;
	s23 =	simm.s32 $0x0  }
0x6: {  	s6 =	sand.u32 $0x1, s1;
	s30 =	sshll.u32 s0, $0x1;
	s1 =	rddreg [dreg:$0x2]  }
0x7: {  	s10 =	smul.u32 $0xC350, s0;
	[smem:$0x7FF] =	sst s3;
	s4 =	sadd.s32 $0x29C00, s7  }
0x8: {  	s5 =	sadd.s32 $0x16200, s7;
	s15 =	sshll.u32 s0, $0x6;
	s8 =	sor.u32 s6, s30  }
0x9: {  	s11 =	smul.u32 $0xC3500, s6;
	_ =	strace $0x8000004A;
	s6 =	ssub.s32 $0x2, s6  }
0xa: {  	s15 =	sor.u32 $0x1C04, s15;
	s9 =	smul.u32 $0x500, s8;
	s12 =	sshrl.u32 s10, $0x3  }
0xb: {  	s31 =	sshrl.u32 s6, $0x1;
	s16 =	sadd.s32 s10, s2;
	s11 =	sadd.s32 s10, s11  }
.Ltmp0:
0xc: {  	s12 =	sadd.s32 s12, s7;
	s13 =	ssub.s32 s6, s31;
	(pc) =	sbr.rel .LBB2_1-.Ltmp0, $4  }
0xd: {  	s6 =	smul.u32 $0x50, s8;
	s9 =	sadd.s32 s9, s7;
	s11 =	sshrl.u32 s11, $0x3  }
0xe: {  	s16 =	sshrl.u32 s16, $0x3;
	s11 =	sadd.s32 s11, s7;
	s7 =	sadd.s32 $0xC200, s9  }
0xf: {  	s8 =	sadd.s32 $0x2200, s9;
	s9 =	sadd.s32 $0x162400, s12;
	s12 =	simm.s32 $0xC350  }
0x10: {  	vm0 =	vcmask $0x3F08;
	vm1 =	vmmov $0x1;
	s10 =	sadd.s32 $0x17AC00, s11;
	s11 =	smax.u32 s13, $0x1;
	s13 =	simm.s32 $0x4  }
.LBB2_11:
0x11: {  	s23 =	sadd.s32 $0x1, s23  }
0x12: {  	p0 =	sne.s32 s23, s11  }
.Ltmp1:
0x13: {  	[bflag:$0x0] =	sbarrier.arrive $0xFFFF;
	(pc) =	sbr.rel @!p0 .LBB2_12-.Ltmp1, $4  }
0x14: {  	[hbm:s10], [sflag:s15] =	dma.local [spmem:s16], $0x186A  }
0x15: {  	_ =	swait.ge [sflag:s13], $0x186A  }
0x16: {  	[sflag:s13] =	ssyncset.done $0x0  }
0x17: {  	[sflag:s13] =	ssyncadd.s32 $0xFFFFE796  }
.LBB2_1:
0x18: {  	[tilespmem:s12], [sflag:$0x4] =	stream.linear.gather [hbm4b:s7+s3], $0x2800, $0x38;
	[tilespmem:$0x1C350] =	vst v63  }
0x19: {  	_ =	swait.ge [sflag:s13], $0x2800  }
0x1a: {  	[sflag:s13] =	ssyncset.done $0x0  }
0x1b: {  	[sflag:s13] =	ssyncadd.s32 $0xFFFFD800  }
0x1c: {  	[tilespmem:s14], [sflag:$0x4] =	stream.linear.gather [hbm4b:s8+s3], $0x2800, $0x38;
	[tilespmem:$0x1C350] =	vst v63  }
0x1d: {  	_ =	swait.ge [sflag:s13], $0x2800  }
0x1e: {  	[sflag:s13] =	ssyncset.done $0x0  }
0x1f: {  	[sflag:s13] =	ssyncadd.s32 $0xFFFFD800  }
0x20: {  	[spmem:s16], [sflag:s15] =	dma.local [hbm:s9], $0x186A  }
.Ltmp2:
0x21: {  	_ =	swait.ge [sflag:s13], $0x186A;
	(pc) =	sbr.rel .LBB2_2-.Ltmp2, $4  }
0x22: {  	[sflag:s13] =	ssyncset.done $0x0  }
0x23: {  	[sflag:s13] =	ssyncadd.s32 $0xFFFFE796  }
0x24: {  	[bflag:$0x0] =	sbarrier.arrive $0xFFFF  }
0x25: {  	s24 =	simm.s32 $0x0  }
.LBB2_10:
0x26: {  	s24 =	sadd.s32 $0x1, s24  }
0x27: {  	p0 =	sne.s32 s24, $0x28  }
.Ltmp3:
0x28: {  	_ = 	snop;
	(pc) =	sbr.rel @!p0 .LBB2_11-.Ltmp3, $1  }
0x29: {  	_ =	sdelay $0x3  }
.LBB2_2:
0x2a: {  	s25 =	sshll.u32 s24, $0x1  }
0x2b: {  	s26 =	sadd.s32 s6, s25  }
0x2c: {  	p1 =	sgt.u32 s26, $0x9C3  }
0x2d: {  	s26 =	sshll.u32 @!p1 s26, $0x9  }
0x2e: {  	s28 =	simm.s32 @!p1 $0x0;
	s29 =	simm.s32 @!p1 $0x11350;
	s26 =	sadd.s32 @!p1 s4, s26  }
0x2f: {  	[tilespmem:s29], [sflag:$0x1] =	stream.linear.gather @!p1 [hbm4b:s26+s28], $0x1000, $0x38;
	[tilespmem:$0x1C350] =	vst v63  }
0x30: {  	s26 =	sshll.u32 @!p1 s24, $0x8  }
0x31: {  	s25 =	sor.u32 $0x1, s25;
	s26 =	sand.u32 @!p1 $0x3FFFFF00, s26  }
0x32: {  	s28 =	simm.s32 @!p1 $0x80;
	s29 =	simm.s32 @!p1 $0x13350;
	s26 =	sadd.s32 @!p1 $0xC350, s26  }
0x33: {  	[tilespmem:s29], [sflag:$0x1] =	stream.indirect.gather @!p1 [hbm4b:s5+s28], $0x40, s26, s28, $0xb8;
	[tilespmem:$0x1C350] =	vst v63  }
0x34: {  	s26 =	sadd.s32 s6, s25  }
0x35: {  	p0 =	sgt.u32 s26, $0x9C3  }
0x36: {  	s26 =	sshll.u32 @!p0 s26, $0x9  }
0x37: {  	s28 =	simm.s32 @!p0 $0x0;
	s29 =	simm.s32 @!p0 $0x12350;
	s26 =	sadd.s32 @!p0 s4, s26  }
0x38: {  	[tilespmem:s29], [sflag:$0x2] =	stream.linear.gather @!p0 [hbm4b:s26+s28], $0x1000, $0x38;
	[tilespmem:$0x1C350] =	vst v63  }
.Ltmp4:
0x39: {  	_ = 	snop;
	(pc) =	sbr.rel @p1 .LBB2_6-.Ltmp4, $4  }
0x3a: {  	s26 =	sshll.u32 @!p0 s25, $0x7  }
0x3b: {  	s26 =	sand.u32 @!p0 $0x3FFFFF80, s26  }
0x3c: {  	s28 =	simm.s32 @!p0 $0x80;
	s29 =	simm.s32 @!p0 $0x15350;
	s26 =	sadd.s32 @!p0 $0xC350, s26  }
0x3d: {  	[tilespmem:s29], [sflag:$0x2] =	stream.indirect.gather @!p0 [hbm4b:s5+s28], $0x40, s26, s28, $0xb8;
	[tilespmem:$0x1C350] =	vst v63  }
0x3e: {  	_ =	swait.ge [sflag:s17], $0x1000  }
0x3f: {  	[sflag:s17] =	ssyncset.done $0x0  }
0x40: {  	[sflag:s17] =	ssyncadd.s32 $0xFFFFF000  }
0x41: {  	_ =	swait.ge [sflag:s17], $0x2000  }
0x42: {  	[sflag:s17] =	ssyncset.done $0x0  }
0x43: {  	s28 =	simm.s32 $0x13370;
	[sflag:s17] =	ssyncadd.s32 $0xFFFFE000  }
0x44: {  	s29 =	simm.s32 $0x0;
	v0 =	vld [tilespmem:s28+$0xFFFFFFE0]  }
0x45: {  	v1 =	vld [tilespmem:s29+$0x11350];
	_ =	sdelay $0x4  }
0x46: {  	v0 =	vmul.f32 v0, v1  }
0x47: {  	s26 =	simm.s32 $0x17370  }
0x48: {  	v2 =	vld [tilespmem:s29+$0x11360];
	[tilespmem:s26+$0xFFFFFFE0] =	vst v0  }
0x49: {  	v0 =	vld [tilespmem:s28+$0xFFFFFFF0];
	_ =	sdelay $0x4  }
0x4a: {  	v0 =	vmul.f32 v0, v1;
	_ =	sdelay $0x1  }
0x4b: {  	[tilespmem:s26+$0xFFFFFFF0] =	vst v0  }
0x4c: {  	v0 =	vld [tilespmem:s28+$0x0];
	_ =	sdelay $0x4  }
0x4d: {  	v0 =	vmul.f32 v0, v2;
	_ =	sdelay $0x1  }
0x4e: {  	[tilespmem:s26+$0x0] =	vst v0  }
0x4f: {  	v0 =	vld [tilespmem:s28+$0x10];
	_ =	sdelay $0x3  }
0x50: {  	v3 =	vsel vm0, $0x0, v2  }
0x51: {  	v1 =	vsel vm1, v1, v3;
	v0 =	vmul.f32 v0, v2  }
0x52: {  	[tilespmem:s26+$0x20] =	vst v1  }
0x53: {  	s28 =	simm.s32 $0x133B0;
	[tilespmem:s26+$0x10] =	vst v0  }
0x54: {  	s30 =	simm.s32 $0x20;
	s29 =	simm.s32 $0x100;
	v0 =	vld [tilespmem:s28+$0xFFFFFFE0]  }
.LBB2_4:
0x55: {  	p1 =	sne.s32 s29, $0x3F80;
	v1 =	vld [tilespmem:s30+$0x11350];
	_ =	sdelay $0x4  }
0x56: {  	v0 =	vmul.f32 v0, v1  }
0x57: {  	s26 =	sadd.s32 $0x50, s26  }
0x58: {  	v2 =	vld [tilespmem:s30+$0x11360];
	[tilespmem:s26+$0xFFFFFFE0] =	vst v0  }
0x59: {  	v0 =	vld [tilespmem:s28+$0xFFFFFFF0];
	_ =	sdelay $0x3  }
0x5a: {  	v3 =	vsel vm0, $0x0, v2  }
0x5b: {  	v0 =	vmul.f32 v0, v1;
	v1 =	vsel vm1, v1, v3;
	_ =	sdelay $0x1  }
0x5c: {  	[tilespmem:s26+$0xFFFFFFF0] =	vst v0  }
0x5d: {  	v0 =	vld [tilespmem:s28+$0x0];
	_ =	sdelay $0x4  }
0x5e: {  	v0 =	vmul.f32 v0, v2;
	_ =	sdelay $0x1  }
0x5f: {  	[tilespmem:s26+$0x0] =	vst v0  }
0x60: {  	v0 =	vld [tilespmem:s28+$0x10];
	[tilespmem:s26+$0x20] =	vst v1;
	_ =	sdelay $0x3  }
.Ltmp5:
0x61: {  	(pc) =	sbr.rel @p1 .LBB2_4-.Ltmp5, $3  }
0x62: {  	v0 =	vmul.f32 v0, v2;
	_ =	sdelay $0x1  }
0x63: {  	s28 =	sadd.s32 $0x40, s28;
	[tilespmem:s26+$0x10] =	vst v0  }
0x64: {  	s30 =	sshra.s32 s29, $0x2;
	s29 =	sadd.s32 $0x80, s29;
	v0 =	vld [tilespmem:s28+$0xFFFFFFE0]  }
0x65: {  	v1 =	vld [tilespmem:s30+$0x11350];
	_ =	sdelay $0x4  }
0x66: {  	v0 =	vmul.f32 v0, v1  }
0x67: {  	s26 =	sadd.s32 $0x50, s26  }
0x68: {  	v2 =	vld [tilespmem:s30+$0x11360];
	[tilespmem:s26+$0xFFFFFFE0] =	vst v0  }
0x69: {  	v0 =	vld [tilespmem:s28+$0xFFFFFFF0];
	_ =	sdelay $0x4  }
0x6a: {  	v0 =	vmul.f32 v0, v1;
	_ =	sdelay $0x1  }
0x6b: {  	[tilespmem:s26+$0xFFFFFFF0] =	vst v0  }
0x6c: {  	v0 =	vld [tilespmem:s28+$0x0];
	_ =	sdelay $0x4  }
0x6d: {  	v0 =	vmul.f32 v0, v2;
	_ =	sdelay $0x1  }
0x6e: {  	[tilespmem:s26+$0x0] =	vst v0  }
0x6f: {  	v0 =	vld [tilespmem:s28+$0x10];
	_ =	sdelay $0x3  }
0x70: {  	v3 =	vsel vm0, $0x0, v2  }
0x71: {  	s30 =	sshll.u32 s24, $0x8;
	v1 =	vsel vm1, v1, v3;
	v0 =	vmul.f32 v0, v2  }
0x72: {  	[tilespmem:s26+$0x20] =	vst v1;
	s28 =	sand.u32 $0x3FFFFF00, s30  }
0x73: {  	s31 =	sadd.s32 $0xEB50, s28;
	[tilespmem:s26+$0x10] =	vst v0  }
0x74: {  	[spmem:s2] =	stream.indirect.scatter.add.f32 [tilespmem:s19], [sflag:$0x3], $0x50, s31, s18, $0xb8;
	[tilespmem:$0x1C350] =	vst v63  }
0x75: {  	_ =	swait.ge [sflag:s20], $0x2800  }
0x76: {  	[sflag:s20] =	ssyncset.done $0x0  }
0x77: {  	[sflag:s20] =	ssyncadd.s32 $0xFFFFD800  }
.LBB2_6:
.Ltmp6:
0x78: {  	(pc) =	sbr.rel @p0 .LBB2_10-.Ltmp6, $1  }
0x79: {  	_ =	sdelay $0x3  }
0x7a: {  	_ =	swait.ge [sflag:s21], $0x1000  }
0x7b: {  	[sflag:s21] =	ssyncset.done $0x0  }
0x7c: {  	[sflag:s21] =	ssyncadd.s32 $0xFFFFF000  }
0x7d: {  	_ =	swait.ge [sflag:s21], $0x2000  }
0x7e: {  	[sflag:s21] =	ssyncset.done $0x0  }
0x7f: {  	s28 =	simm.s32 $0x15380;
	[sflag:s21] =	ssyncadd.s32 $0xFFFFE000  }
0x80: {  	s29 =	simm.s32 $0x0;
	v0 =	vld [tilespmem:s28+$0xFFFFFFD0]  }
0x81: {  	v1 =	vld [tilespmem:s29+$0x12350];
	_ =	sdelay $0x4  }
0x82: {  	v0 =	vmul.f32 v0, v1  }
0x83: {  	s26 =	simm.s32 $0x19B90  }
0x84: {  	v2 =	vld [tilespmem:s29+$0x12360];
	[tilespmem:s26+$0xFFFFFFC0] =	vst v0  }
0x85: {  	v0 =	vld [tilespmem:s28+$0xFFFFFFE0];
	_ =	sdelay $0x4  }
0x86: {  	v0 =	vmul.f32 v0, v1;
	_ =	sdelay $0x1  }
0x87: {  	[tilespmem:s26+$0xFFFFFFD0] =	vst v0  }
0x88: {  	v0 =	vld [tilespmem:s28+$0xFFFFFFF0];
	_ =	sdelay $0x4  }
0x89: {  	v0 =	vmul.f32 v0, v2;
	_ =	sdelay $0x1  }
0x8a: {  	[tilespmem:s26+$0xFFFFFFE0] =	vst v0  }
0x8b: {  	v0 =	vld [tilespmem:s28+$0x0];
	_ =	sdelay $0x3  }
0x8c: {  	v3 =	vsel vm0, $0x0, v2  }
0x8d: {  	v1 =	vsel vm1, v1, v3;
	v0 =	vmul.f32 v0, v2  }
0x8e: {  	[tilespmem:s26+$0x0] =	vst v1  }
0x8f: {  	s28 =	simm.s32 $0x153C0;
	[tilespmem:s26+$0xFFFFFFF0] =	vst v0  }
0x90: {  	s30 =	simm.s32 $0x20;
	s29 =	simm.s32 $0x100;
	v0 =	vld [tilespmem:s28+$0xFFFFFFD0]  }
.LBB2_8:
0x91: {  	p0 =	sne.s32 s29, $0x3F80;
	v1 =	vld [tilespmem:s30+$0x12350];
	_ =	sdelay $0x4  }
0x92: {  	v0 =	vmul.f32 v0, v1  }
0x93: {  	s26 =	sadd.s32 $0x50, s26  }
0x94: {  	v2 =	vld [tilespmem:s30+$0x12360];
	[tilespmem:s26+$0xFFFFFFC0] =	vst v0  }
0x95: {  	v0 =	vld [tilespmem:s28+$0xFFFFFFE0];
	_ =	sdelay $0x3  }
0x96: {  	v3 =	vsel vm0, $0x0, v2  }
0x97: {  	v0 =	vmul.f32 v0, v1;
	v1 =	vsel vm1, v1, v3;
	_ =	sdelay $0x1  }
0x98: {  	[tilespmem:s26+$0xFFFFFFD0] =	vst v0  }
0x99: {  	v0 =	vld [tilespmem:s28+$0xFFFFFFF0];
	_ =	sdelay $0x4  }
0x9a: {  	v0 =	vmul.f32 v0, v2;
	_ =	sdelay $0x1  }
0x9b: {  	[tilespmem:s26+$0xFFFFFFE0] =	vst v0  }
0x9c: {  	v0 =	vld [tilespmem:s28+$0x0];
	[tilespmem:s26+$0x0] =	vst v1;
	_ =	sdelay $0x3  }
.Ltmp7:
0x9d: {  	(pc) =	sbr.rel @p0 .LBB2_8-.Ltmp7, $3  }
0x9e: {  	v0 =	vmul.f32 v0, v2;
	_ =	sdelay $0x1  }
0x9f: {  	s28 =	sadd.s32 $0x40, s28;
	[tilespmem:s26+$0xFFFFFFF0] =	vst v0  }
0xa0: {  	s30 =	sshra.s32 s29, $0x2;
	s29 =	sadd.s32 $0x80, s29;
	v0 =	vld [tilespmem:s28+$0xFFFFFFD0]  }
0xa1: {  	v1 =	vld [tilespmem:s30+$0x12350];
	_ =	sdelay $0x4  }
0xa2: {  	v0 =	vmul.f32 v0, v1  }
0xa3: {  	s26 =	sadd.s32 $0x50, s26  }
0xa4: {  	v2 =	vld [tilespmem:s30+$0x12360];
	[tilespmem:s26+$0xFFFFFFC0] =	vst v0  }
0xa5: {  	v0 =	vld [tilespmem:s28+$0xFFFFFFE0];
	_ =	sdelay $0x4  }
0xa6: {  	v0 =	vmul.f32 v0, v1;
	_ =	sdelay $0x1  }
0xa7: {  	[tilespmem:s26+$0xFFFFFFD0] =	vst v0  }
0xa8: {  	v0 =	vld [tilespmem:s28+$0xFFFFFFF0];
	_ =	sdelay $0x4  }
0xa9: {  	v0 =	vmul.f32 v0, v2;
	_ =	sdelay $0x1  }
0xaa: {  	[tilespmem:s26+$0xFFFFFFE0] =	vst v0  }
0xab: {  	v0 =	vld [tilespmem:s28+$0x0];
	_ =	sdelay $0x3  }
0xac: {  	v3 =	vsel vm0, $0x0, v2  }
0xad: {  	s25 =	sshll.u32 s25, $0x7;
	v1 =	vsel vm1, v1, v3;
	v0 =	vmul.f32 v0, v2  }
0xae: {  	s25 =	sand.u32 $0x3FFFFF80, s25;
	[tilespmem:s26+$0x0] =	vst v1  }
.Ltmp8:
0xaf: {  	s25 =	sadd.s32 $0xEB50, s25;
	[tilespmem:s26+$0xFFFFFFF0] =	vst v0;
	(pc) =	sbr.rel .LBB2_10-.Ltmp8, $4  }
0xb0: {  	[spmem:s2] =	stream.indirect.scatter.add.f32 [tilespmem:s22], [sflag:$0x3], $0x50, s25, s18, $0xb8;
	[tilespmem:$0x1C350] =	vst v63  }
0xb1: {  	_ =	swait.ge [sflag:s20], $0x2800  }
0xb2: {  	[sflag:s20] =	ssyncset.done $0x0  }
0xb3: {  	[sflag:s20] =	ssyncadd.s32 $0xFFFFD800  }
.LBB2_12:
0xb4: {  	_ =	sfence.sel $0x180000  }
0xb5: {  	[bflag:$0x0] =	sbarrier.arrive $0xFFFF  }
0xb6: {  	p0 =	sne.s32 s0, $0x0;
	_ =	strace $0x9000004A  }
0xb7: {  	s0 =	sadd.s32 @!p0 $0x100000, s1;
	[bflag:$0x2] =	sbarrier.arrive $0xFFFF  }
0xb8: {  	[sflag:s0] =	ssyncadd.tile.s32 @!p0 $0x1;
	_ =	shalt  }
.Lfunc_end2:
_tile_overlayer_lowered:
.L_overlay_start_2:
0xb9: {  	(tag) =	ssettag $0x2  }
0xba: {  	s0 =	rddreg [dreg:$0x0];
	s2 =	stileid.u32  }
0xbb: {  	s1 =	rddreg [dreg:$0x1];
	p0 =	sne.s32 s2, $0x0  }
0xbc: {  	s3 =	rddreg [dreg:$0x2];
	[bflag:$0x3] =	sbarrier.arrive $0xFFFF;
	s2 =	simm.s32 @!p0 $0x1C04  }
0xbd: {  	[timem:s3], [sflag:s2] =	dma.local @!p0 [hbm:s0], s1  }
0xbe: {  	s0 =	simm.s32 @!p0 $0x4  }
0xbf: {  	_ =	swait.ge @!p0 [sflag:s0], s1  }
0xc0: {  	s1 =	ssub.s32 @!p0 $0x0, s1;
	[sflag:s0] =	ssyncset.done @!p0 $0x0  }
0xc1: {  	[sflag:s0] =	ssyncadd.s32 @!p0 s1  }
0xc2: {  	[bflag:$0x3] =	sbarrier.arrive $0xFFFF  }
0xc3: {  	_ =	shalt  }

// kernel: kernel.15.cloned.1.call-start
scs
__scs_entry_jumppad:
0x0: {  	(pc) =	sbr.rel $0x88, $3  }
0x1: {  	(tag) =	ssettag $0x0;
	lr =	simm.s32 $0x1  }
0x2: {  	[smem:$0x3F95] =	sst lr;
	_ =	strace $0xD0000000  }
0x3: {  	_ = 	snop  }
0x4: {  	_ = 	snop  }
0x5: {  	_ = 	snop  }
0x6: {  	_ = 	snop  }
0x7: {  	_ = 	snop  }
__scs_overlays_trampoline_lowered:
0x8: {  	[smem:$0x3FA4] =	sst s0  }
0x9: {  	[smem:$0x3FA5] =	sst s1  }
0xa: {  	[smem:$0x3FA6] =	sst s2  }
0xb: {  	[smem:$0x3FA7] =	sst s3  }
0xc: {  	[smem:$0x3FA8] =	sst s4  }
0xd: {  	[smem:$0x3FA9] =	sst s5  }
0xe: {  	[smem:$0x3FAA] =	sst s6  }
0xf: {  	[smem:$0x3FAB] =	sst s7  }
0x10: {  	[smem:$0x3FAC] =	sst s8  }
0x11: {  	[smem:$0x3FAD] =	sst s9;
	s0 =	simm.s32 @!p0 $0x0  }
0x12: {  	s1 =	sld [smem:$0x3F93];
	s0 =	simm.s32 @p0 $0x1  }
0x13: {  	[smem:$0x3FAE] =	sst s0;
	s0 =	simm.s32 @!p1 $0x0  }
0x14: {  	s2 =	sld [smem:$0x3F92];
	s0 =	simm.s32 @p1 $0x1  }
0x15: {  	[smem:$0x3FAF] =	sst s0;
	s0 =	simm.s32 @!p2 $0x0  }
0x16: {  	s3 =	sld [smem:$0x3FDB];
	s0 =	simm.s32 @p2 $0x1  }
0x17: {  	s4 =	simm.s32 $0x1BF5;
	[smem:$0x3FB1] =	sst s0  }
0x18: {  	s0 =	sld [smem:$0x3F94];
	_ =	swait.ge [sflag:s4], $0x0  }
0x19: {  	s7 =	sld [smem:$0x3F95]  }
0x1a: {  	s8 =	sadd.s32 $0xFFFFE003, lr  }
0x1b: {  	s9 =	sadd.s32 $0xFFFFFEF7, lr;
	s5 =	simm.s32 $0xFFFFFFFF;
	p2 =	slt.u32 s8, $0xFFFFF086  }
0x1c: {  	p1 =	slt.u32 s9, $0xF7A;
	s5 =	simm.s32 @!p2 $0x0  }
0x1d: {  	s5 =	simm.s32 @p1 $0x1;
	p0 =	seq.s32 s7, s2  }
0x1e: {  	s7 =	smul.u32 @!p0 $0xF7A, s2;
	p2 =	seq.s32 @!p0 s5, $0x0  }
0x1f: {  	s9 =	smul.u32 $0xF7A, s1;
	s8 =	simm.s32 @!p0 $0x1BF5;
	p2 =	por !p2, p0  }
0x20: {  	[sflag:s8] =	ssyncset.s32 @!p0 $0xFFFFF086;
	s6 =	sadd.s32 @!p0 s3, s7;
	s7 =	simm.s32 @!p0 $0x108  }
0x21: {  	s3 =	sadd.s32 s3, s9;
	s6 =	sadd.s32 @!p0 $0x88, s6;
	s7 =	simm.s32 @p2 $0x1082  }
0x22: {  	[simem:s7], [sflag:s8] =	dma.local @!p0 [hbm:s6], $0xF7A  }
0x23: {  	s9 =	sor.u32 $0xD0000000, s2;
	s6 =	simm.s32 $0x108;
	_ =	swait.ge @!p0 [sflag:s8], $0x0  }
0x24: {  	s3 =	sadd.s32 $0x88, s3;
	s6 =	simm.s32 @!p1 $0x1082;
	[sflag:s4] =	ssyncset.s32 $0xFFFFF086  }
0x25: {  	[simem:s6], [sflag:s4] =	dma.local [hbm:s3], $0xF7A  }
0x26: {  	[smem:$0x3F95] =	sst s1;
	(tag) =	ssettag s2;
	_ =	strace s9  }
0x27: {  	s1 =	sld [smem:$0x3FA5]  }
0x28: {  	s2 =	sld [smem:$0x3FA6]  }
0x29: {  	s4 =	sld [smem:$0x3FA8]  }
0x2a: {  	p0 =	seq.s32 s5, $0x0;
	s5 =	sld [smem:$0x3FA9]  }
0x2b: {  	s6 =	sld [smem:$0x3FAA]  }
0x2c: {  	s7 =	sld [smem:$0x3FAB]  }
0x2d: {  	s3 =	simm.s32 $0x108;
	s8 =	sld [smem:$0x3FAC]  }
0x2e: {  	s3 =	simm.s32 @!p0 $0x1082;
	s9 =	sld [smem:$0x3FAD]  }
0x2f: {  	lr =	sadd.s32 s0, s3;
	s0 =	sld [smem:$0x3FA4]  }
0x30: {  	s3 =	sld [smem:$0x3FA7]  }
0x31: {  	[smem:$0x3FB0] =	sst s10  }
0x32: {  	s10 =	sld [smem:$0x3FAE];
	_ =	sdelay $0x3  }
0x33: {  	p0 =	seq.s32 s10, $0x1;
	s10 =	sld [smem:$0x3FB0];
	_ =	sdelay $0x3  }
0x34: {  	[smem:$0x3FB0] =	sst s10  }
0x35: {  	s10 =	sld [smem:$0x3FAF];
	_ =	sdelay $0x3  }
0x36: {  	p1 =	seq.s32 s10, $0x1;
	s10 =	sld [smem:$0x3FB0];
	_ =	sdelay $0x3  }
0x37: {  	[smem:$0x3FB0] =	sst s10  }
0x38: {  	s10 =	sld [smem:$0x3FB1]  }
0x39: {  	_ = 	snop;
	(pc) =	sbr.ind lr, $3  }
0x3a: {  	_ = 	snop  }
0x3b: {  	_ = 	snop  }
0x3c: {  	p2 =	seq.s32 s10, $0x1;
	s10 =	sld [smem:$0x3FB0]  }
0x3d: {  	_ =	shalt  }
0x3e: {  	_ =	shalt  }
0x3f: {  	_ =	shalt  }
0x40: {  	_ =	shalt  }
0x41: {  	_ =	shalt  }
0x42: {  	_ =	shalt  }
0x43: {  	_ =	shalt  }
0x44: {  	_ =	shalt  }
0x45: {  	_ =	shalt  }
0x46: {  	_ =	shalt  }
0x47: {  	_ =	shalt  }
0x48: {  	_ =	shalt  }
0x49: {  	_ =	shalt  }
0x4a: {  	_ =	shalt  }
0x4b: {  	_ =	shalt  }
0x4c: {  	_ =	shalt  }
0x4d: {  	_ =	shalt  }
0x4e: {  	_ =	shalt  }
0x4f: {  	_ =	shalt  }
0x50: {  	_ =	shalt  }
0x51: {  	_ =	shalt  }
0x52: {  	_ =	shalt  }
0x53: {  	_ =	shalt  }
0x54: {  	_ =	shalt  }
0x55: {  	_ =	shalt  }
0x56: {  	_ =	shalt  }
0x57: {  	_ =	shalt  }
0x58: {  	_ =	shalt  }
0x59: {  	_ =	shalt  }
0x5a: {  	_ =	shalt  }
0x5b: {  	_ =	shalt  }
0x5c: {  	_ =	shalt  }
0x5d: {  	_ =	shalt  }
0x5e: {  	_ =	shalt  }
0x5f: {  	_ =	shalt  }
0x60: {  	_ =	shalt  }
0x61: {  	_ =	shalt  }
0x62: {  	_ =	shalt  }
0x63: {  	_ =	shalt  }
0x64: {  	_ =	shalt  }
0x65: {  	_ =	shalt  }
0x66: {  	_ =	shalt  }
0x67: {  	_ =	shalt  }
0x68: {  	_ =	shalt  }
0x69: {  	_ =	shalt  }
0x6a: {  	_ =	shalt  }
0x6b: {  	_ =	shalt  }
0x6c: {  	_ =	shalt  }
0x6d: {  	_ =	shalt  }
0x6e: {  	_ =	shalt  }
0x6f: {  	_ =	shalt  }
0x70: {  	_ =	shalt  }
0x71: {  	_ =	shalt  }
0x72: {  	_ =	shalt  }
0x73: {  	_ =	shalt  }
0x74: {  	_ =	shalt  }
0x75: {  	_ =	shalt  }
0x76: {  	_ =	shalt  }
0x77: {  	_ =	shalt  }
0x78: {  	_ =	shalt  }
0x79: {  	_ =	shalt  }
0x7a: {  	_ =	shalt  }
0x7b: {  	_ =	shalt  }
0x7c: {  	_ =	shalt  }
0x7d: {  	_ =	shalt  }
0x7e: {  	_ =	shalt  }
0x7f: {  	_ =	shalt  }
0x80: {  	_ =	shalt  }
0x81: {  	_ =	shalt  }
0x82: {  	_ =	shalt  }
0x83: {  	_ =	shalt  }
0x84: {  	_ =	shalt  }
0x85: {  	_ =	shalt  }
0x86: {  	_ =	shalt  }
0x87: {  	_ =	shalt  }
.Lfunc_end0:
.L_simem_size_0:
called_computation.2_lowered:
.L_overlay_start_0:
0x88: {  	s2 =	sld [smem:$0x3FD9]  }
0x89: {  	s3 =	sld [smem:$0x3FFE];
	_ =	sdelay $0x1  }
0x8a: {  	s1 =	srdreg.scid  }
0x8b: {  	s0 =	sand.u32 $0x1, s1  }
0x8c: {  	s16 =	sshll.u32 s0, $0xA;
	s2 =	sadd.s32 s3, s2  }
0x8d: {  	s2 =	sadd.s32 s2, s16  }
0x8e: {  	[smem:$0x3FBC] =	sst s2  }
0x8f: {  	_ = 	snop  }
0x90: {  	(tm) =	ssettm $0x1  }
0x91: {  	s17 =	sld [smem:$0x3FFB];
	_ =	sdelay $0x3  }
0x92: {  	_ =	strace s17  }
0x93: {  	s2 =	sld [smem:$0x3FFC];
	_ =	sdelay $0x3  }
0x94: {  	_ =	strace s2  }
0x95: {  	s2 =	sld [smem:$0x3FFD];
	_ =	sdelay $0x3  }
0x96: {  	_ =	strace s2  }
0x97: {  	_ =	strace $0x8FFFFFFF  }
0x98: {  	s18 =	sld [smem:$0x3FDB];
	_ =	sdelay $0x1  }
0x99: {  	s19 =	simm.s32 $_scs_section_size  }
0x9a: {  	s4 =	simm.s32 $_size__tile_overlayer_lowered;
	s5 =	simm.s32 $_tile_overlayer_lowered  }
0x9b: {  	s22 =	simm.s32 $0x1BFF;
	s21 =	sshll.u32 s5, $0x1;
	s2 =	sadd.s32 s19, s18  }
0x9c: {  	s6 =	simm.s32 $0x0;
	s20 =	sshll.u32 s4, $0x1;
	s4 =	sadd.s32 s21, s2  }
0x9d: {  	[timem:s6], [sflag:s22] =	dma.local [hbm:s4], s20  }
0x9e: {  	_ =	swait.ge [sflag:s22], s20  }
0x9f: {  	s3 =	ssub.s32 $0x0, s20;
	[sflag:s22] =	ssyncset.done $0x0  }
0xa0: {  	[sflag:s22] =	ssyncadd.s32 s3;
	_ =	sdelay $0x1  }
0xa1: {  	s23 =	simm.s32 $0x1B8B  }
0xa2: {  	_ =	swait.ge [sflag:s23], $0x1  }
0xa3: {  	[sflag:s23] =	ssyncset.done $0x0  }
0xa4: {  	s25 =	simm.s32 $0x1B8E;
	s24 =	sld [smem:$0x3FFE];
	[sflag:s23] =	ssyncadd.s32 $0xFFFFFFFF  }
0xa5: {  	s26 =	simm.s32 $execute0_lowered;
	[smem:$0x3FD2] =	sst s25  }
0xa6: {  	s4 =	sshll.u32 s26, $0x1;
	_ =	strace $0x8000004C;
	[dreg:$0x1] =	wrdreg $0xFFFFFFFF  }
0xa7: {  	s28 =	simm.s32 $_size_execute0_lowered;
	s2 =	sadd.s32 s2, s4;
	[dreg:$0x0] =	wrdreg $0x0  }
0xa8: {  	s4 =	sshll.u32 s28, $0x1;
	[dreg:$0x2] =	wrdreg s2  }
0xa9: {  	[dreg:$0x3] =	wrdreg s4  }
0xaa: {  	[dreg:$0x4] =	wrdreg $0xC0  }
0xab: {  	_ =	task [dreg:s6], $0x5FFFF  }
0xac: {  	[dreg:$0x1] =	wrdreg $0xFFFFFFFF  }
0xad: {  	[dreg:$0x0] =	wrdreg $0x60  }
0xae: {  	[dreg:$0x2] =	wrdreg s24  }
0xaf: {  	[dreg:$0x3] =	wrdreg $0x9  }
0xb0: {  	_ =	task.clear_ibuf [dreg:s6], $0x4FFFF;
	_ =	strace $0x9000004C  }
0xb1: {  	s29 =	simm.s32 $0x9;
	_ =	strace $0x8000004E  }
0xb2: {  	_ =	swait.ge [sflag:s29], $0x1  }
0xb3: {  	[sflag:s29] =	ssyncadd.s32 $0xFFFFFFFF  }
0xb4: {  	_ =	strace $0x9000004E  }
0xb5: {  	_ =	sfence  }
0xb6: {  	s30 =	sld [smem:$0x0];
	_ =	sdelay $0x2  }
0xb7: {  	s31 =	sshll.u32 s1, $0xD;
	s1 =	sshrl.u32 s1, $0x2  }
0xb8: {  	s3 =	sand.u32 $0x4000, s31;
	s1 =	sadd.s32 s1, s30  }
0xb9: {  	s0 =	sor.u32 s3, s0;
	s1 =	sshll.u32 s1, $0x11  }
0xba: {  	s0 =	sor.u32 s1, s0  }
0xbb: {  	s0 =	sadd.s32 $0x8F2B, s0  }
0xbc: {  	[sflag:s0] =	ssyncadd.remote.s32 $0x1  }
0xbd: {  	_ =	sfence.sel $0xFFFF  }
0xbe: {  	[dreg:$0x0] =	wrdreg $0xFFFFFFFF;
	(pc) =	sbr.abs _section_cstart, $3  }
0xbf: {  	[dreg:$0x1] =	wrdreg $0xFFFFFFFF  }
0xc0: {  	_ =	task.clear_ibuf [dreg:s6], $0x2FFFF;
	_ =	strace $0x9FFFFFFF  }
0xc1: {  	(tm) =	ssettm $0x7FFFFFFF  }
tec
execute0_lowered:
.L_overlay_start_1:
0x0: {  	(tag) =	ssettag $0x1  }
0x1: {  	s11 =	rddreg [dreg:$0x0]  }
0x2: {  	s0 =	rddreg [dreg:$0x1]  }
0x3: {  	s3 =	srdreg.scid;
	s1 =	stileid.u32;
	s2 =	simm.s32 $0x0  }
0x4: {  	s13 =	simm.s32 $0x4;
	s14 =	simm.s32 $0x2800;
	s5 =	sand.u32 $0x1, s3  }
0x5: {  	s31 =	sshll.u32 s1, $0x1;
	[smem:$0x7FF] =	sst s2;
	s3 =	sadd.s32 $0x29C00, s11  }
0x6: {  	s4 =	sadd.s32 $0x16200, s11;
	s15 =	sor.u32 s5, s31;
	s7 =	ssub.s32 $0x2, s5  }
0x7: {  	_ =	strace $0x8000004D;
	s6 =	smul.u32 $0x500, s15;
	s9 =	sshrl.u32 s7, $0x1  }
0x8: {  	s5 =	smul.u32 $0x50, s15;
	p0 =	seq.s32 s15, $0x1F;
	s15 =	simm.s32 $0x0  }
0x9: {  	s12 =	ssub.s32 s7, s9;
	s8 =	sadd.s32 s6, s11;
	s6 =	sadd.s32 $0x3D600, s11  }
0xa: {  	s9 =	sadd.s32 $0xFFFFFFFC, s5;
	s10 =	sadd.s32 $0xFFFFFFFE, s5;
	s11 =	sadd.s32 $0x3DA00, s11  }
0xb: {  	s12 =	smax.u32 s12, $0x1;
	s7 =	sadd.s32 $0xC200, s8;
	s8 =	sadd.s32 $0x2200, s8  }
.LBB2_1:
0xc: {  	[tilespmem:s2], [sflag:$0x4] =	stream.linear.gather [hbm4b:s7+s2], $0x2800, $0x38;
	[tilespmem:$0x15000] =	vst v63  }
0xd: {  	_ =	swait.ge [sflag:s13], $0x2800  }
0xe: {  	[sflag:s13] =	ssyncset.done $0x0  }
0xf: {  	[sflag:s13] =	ssyncadd.s32 $0xFFFFD800  }
0x10: {  	[tilespmem:s14], [sflag:$0x4] =	stream.linear.gather [hbm4b:s8+s2], $0x2800, $0x38;
	[tilespmem:$0x15000] =	vst v63  }
0x11: {  	_ =	swait.ge [sflag:s13], $0x2800  }
0x12: {  	[sflag:s13] =	ssyncset.done $0x0  }
0x13: {  	s16 =	simm.s32 $0x0;
	[sflag:s13] =	ssyncadd.s32 $0xFFFFD800  }
.LBB2_2:
0x14: {  	s17 =	sshll.u32 s16, $0x2  }
0x15: {  	p3 =	seq.s32 s16, $0x0;
	s19 =	sadd.s32 s17, s9  }
0x16: {  	p1 =	sgt.s32 @!p3 s19, $0x9C3  }
0x17: {  	p1 =	por p1, p3  }
0x18: {  	s18 =	sadd.s32 s5, s17;
	s20 =	simm.s32 @!p1 $0x2  }
0x19: {  	p2 =	sgt.u32 s18, $0x9C3;
	_ =	swait.ge @!p1 [sflag:s20], $0x2000  }
0x1a: {  	s21 =	simm.s32 @!p2 $0x80;
	s22 =	simm.s32 @!p2 $0x5000;
	[sflag:s20] =	ssyncset.done @!p1 $0x0  }
0x1b: {  	[sflag:s20] =	ssyncadd.s32 @!p1 $0xFFFFE000;
	s20 =	sshll.u32 @!p2 s16, $0x9;
	p1 =	sgt.s32 @!p3 s19, $0x9C2  }
0x1c: {  	[tilespmem:s22], [sflag:$0x1] =	stream.indirect.gather @!p2 [hbm4b:s3+s21], $0x40, s20, s21, $0xb8;
	[tilespmem:$0x15000] =	vst v63  }
0x1d: {  	p1 =	por p1, p3  }
0x1e: {  	s23 =	simm.s32 @!p2 $0xD000;
	s22 =	sadd.s32 @!p2 $0x2800, s20;
	s19 =	simm.s32 @!p1 $0x2  }
0x1f: {  	[tilespmem:s23], [sflag:$0x1] =	stream.indirect.gather @!p2 [hbm4b:s4+s21], $0x40, s22, s21, $0xb8;
	[tilespmem:$0x15000] =	vst v63  }
0x20: {  	_ =	swait.ge @!p1 [sflag:s19], $0x2000  }
0x21: {  	[sflag:s19] =	ssyncset.done @!p1 $0x0  }
0x22: {  	s22 =	simm.s32 @!p2 $0x7000;
	[sflag:s19] =	ssyncadd.s32 @!p1 $0xFFFFE000;
	s19 =	sor.u32 @!p2 $0x80, s20  }
0x23: {  	[tilespmem:s22], [sflag:$0x1] =	stream.indirect.gather @!p2 [hbm4b:s3+s21], $0x40, s19, s21, $0xb8;
	[tilespmem:$0x15000] =	vst v63  }
0x24: {  	s19 =	sadd.s32 @!p2 $0x2880, s20;
	s20 =	simm.s32 @!p2 $0xF000  }
0x25: {  	[tilespmem:s20], [sflag:$0x1] =	stream.indirect.gather @!p2 [hbm4b:s4+s21], $0x40, s19, s21, $0xb8;
	[tilespmem:$0x15000] =	vst v63  }
0x26: {  	s19 =	sadd.s32 s17, s10  }
0x27: {  	p1 =	sgt.s32 @!p3 s19, $0x9C3  }
0x28: {  	p1 =	por p1, p3  }
0x29: {  	s20 =	simm.s32 @!p1 $0x3  }
0x2a: {  	s21 =	sor.u32 $0x2, s17;
	_ =	swait.ge @!p1 [sflag:s20], $0x2000  }
0x2b: {  	s17 =	sadd.s32 s5, s21;
	p4 =	sgt.s32 @!p3 s19, $0x9C2;
	[sflag:s20] =	ssyncset.done @!p1 $0x0  }
0x2c: {  	p3 =	por p4, p3;
	[sflag:s20] =	ssyncadd.s32 @!p1 $0xFFFFE000;
	p1 =	sgt.u32 s17, $0x9C3  }
0x2d: {  	s20 =	sshll.u32 @!p1 s21, $0x7;
	s21 =	simm.s32 @!p1 $0x80;
	s22 =	simm.s32 @!p1 $0x9000  }
0x2e: {  	[tilespmem:s22], [sflag:$0x1] =	stream.indirect.gather @!p1 [hbm4b:s3+s21], $0x40, s20, s21, $0xb8;
	[tilespmem:$0x15000] =	vst v63  }
0x2f: {  	s19 =	simm.s32 @!p3 $0x3;
	s20 =	sadd.s32 @!p1 $0x2800, s20;
	s22 =	simm.s32 @!p1 $0x11000  }
0x30: {  	[tilespmem:s22], [sflag:$0x1] =	stream.indirect.gather @!p1 [hbm4b:s4+s21], $0x40, s20, s21, $0xb8;
	[tilespmem:$0x15000] =	vst v63  }
0x31: {  	_ =	swait.ge @!p3 [sflag:s19], $0x2000  }
0x32: {  	s20 =	sshll.u32 @!p1 s16, $0x9;
	[sflag:s19] =	ssyncset.done @!p3 $0x0  }
0x33: {  	s22 =	simm.s32 @!p1 $0xB000;
	[sflag:s19] =	ssyncadd.s32 @!p3 $0xFFFFE000;
	s19 =	sor.u32 @!p1 $0x180, s20  }
0x34: {  	[tilespmem:s22], [sflag:$0x1] =	stream.indirect.gather @!p1 [hbm4b:s3+s21], $0x40, s19, s21, $0xb8;
	[tilespmem:$0x15000] =	vst v63  }
0x35: {  	s19 =	sadd.s32 @!p1 $0x2980, s20;
	s20 =	simm.s32 @!p1 $0x13000  }
0x36: {  	[tilespmem:s20], [sflag:$0x1] =	stream.indirect.gather @!p1 [hbm4b:s4+s21], $0x40, s19, s21, $0xb8;
	[tilespmem:$0x15000] =	vst v63  }
0x37: {  	s19 =	simm.s32 @!p2 $0x1  }
0x38: {  	_ =	swait.ge @!p2 [sflag:s19], $0x2000  }
0x39: {  	[sflag:s19] =	ssyncset.done @!p2 $0x0  }
0x3a: {  	[sflag:s19] =	ssyncadd.s32 @!p2 $0xFFFFE000  }
0x3b: {  	_ =	swait.ge @!p2 [sflag:s19], $0x2000  }
0x3c: {  	[sflag:s19] =	ssyncset.done @!p2 $0x0  }
0x3d: {  	[sflag:s19] =	ssyncadd.s32 @!p2 $0xFFFFE000  }
0x3e: {  	_ =	swait.ge @!p2 [sflag:s19], $0x2000  }
0x3f: {  	[sflag:s19] =	ssyncset.done @!p2 $0x0  }
0x40: {  	[sflag:s19] =	ssyncadd.s32 @!p2 $0xFFFFE000  }
0x41: {  	_ =	swait.ge @!p2 [sflag:s19], $0x2000  }
0x42: {  	[sflag:s19] =	ssyncset.done @!p2 $0x0  }
0x43: {  	[sflag:s19] =	ssyncadd.s32 @!p2 $0xFFFFE000;
	s19 =	simm.s32 $0x0  }
0x44: {  	v5 =	vld [tilespmem:s19+$0xD000]  }
0x45: {  	v6 =	vld [tilespmem:s19+$0xD010]  }
0x46: {  	v1 =	vld [tilespmem:s19+$0xD020]  }
0x47: {  	v0 =	vld [tilespmem:s19+$0xD030]  }
0x48: {  	v2 =	vld [tilespmem:s19+$0x5000]  }
0x49: {  	v4 =	vld [tilespmem:s19+$0x5010]  }
0x4a: {  	s20 =	simm.s32 $0x100;
	v3 =	vld [tilespmem:s19+$0x5020]  }
.LBB2_3:
0x4b: {  	s21 =	sshra.s32 s20, $0x2;
	p3 =	sne.s32 s20, $0xFF00;
	v7 =	vld [tilespmem:s19+$0x5030];
	v8 =	vmov v1  }
0x4c: {  	v9 =	vld [tilespmem:s21+$0xD000];
	v10 =	vmov v0  }
0x4d: {  	v11 =	vld [tilespmem:s21+$0xD010];
	v2 =	vadd.f32 v5, v2  }
.Ltmp0:
0x4e: {  	v1 =	vld [tilespmem:s21+$0xD020];
	v4 =	vadd.f32 v6, v4;
	(pc) =	sbr.rel @p3 .LBB2_3-.Ltmp0, $4  }
0x4f: {  	v0 =	vld [tilespmem:s21+$0xD030];
	[tilespmem:s19+$0x5000] =	vst v2;
	v3 =	vadd.f32 v8, v3  }
0x50: {  	v2 =	vld [tilespmem:s21+$0x5000];
	[tilespmem:s19+$0x5010] =	vst v4;
	v7 =	vadd.f32 v10, v7  }
0x51: {  	v4 =	vld [tilespmem:s21+$0x5010];
	[tilespmem:s19+$0x5020] =	vst v3;
	v5 =	vmov v9  }
0x52: {  	s20 =	sadd.s32 $0x100, s20;
	v3 =	vld [tilespmem:s21+$0x5020];
	[tilespmem:s19+$0x5030] =	vst v7;
	v6 =	vmov v11;
	s19 =	smov.u32 s21  }
0x53: {  	v7 =	vld [tilespmem:s19+$0x5030];
	_ =	sdelay $0x1  }
0x54: {  	v2 =	vadd.f32 v5, v2  }
0x55: {  	v4 =	vadd.f32 v6, v4  }
0x56: {  	[tilespmem:s19+$0x5000] =	vst v2;
	v1 =	vadd.f32 v1, v3  }
0x57: {  	[tilespmem:s19+$0x5010] =	vst v4;
	v0 =	vadd.f32 v0, v7  }
0x58: {  	s18 =	sshll.u32 @!p2 s18, $0xA;
	[tilespmem:s19+$0x5020] =	vst v1  }
0x59: {  	s20 =	simm.s32 @!p2 $0x0;
	s21 =	simm.s32 @!p2 $0x5000;
	[tilespmem:s19+$0x5030] =	vst v0;
	s19 =	sadd.s32 @!p2 s6, s18  }
0x5a: {  	[hbm4b:s19+s20] =	stream.linear.scatter @!p2 [tilespmem:s21], [sflag:$0x2], $0x2000, $0x38;
	[tilespmem:$0x15000] =	vst v63  }
0x5b: {  	s18 =	sadd.s32 @!p2 s18, s11;
	s19 =	simm.s32 @!p2 $0x7000  }
0x5c: {  	[hbm4b:s18+s20] =	stream.linear.scatter @!p2 [tilespmem:s19], [sflag:$0x2], $0x2000, $0x38;
	[tilespmem:$0x15000] =	vst v63  }
0x5d: {  	s18 =	simm.s32 @!p1 $0x1  }
0x5e: {  	_ =	swait.ge @!p1 [sflag:s18], $0x2000  }
0x5f: {  	[sflag:s18] =	ssyncset.done @!p1 $0x0  }
0x60: {  	[sflag:s18] =	ssyncadd.s32 @!p1 $0xFFFFE000  }
0x61: {  	_ =	swait.ge @!p1 [sflag:s18], $0x2000  }
0x62: {  	[sflag:s18] =	ssyncset.done @!p1 $0x0  }
0x63: {  	[sflag:s18] =	ssyncadd.s32 @!p1 $0xFFFFE000  }
0x64: {  	_ =	swait.ge @!p1 [sflag:s18], $0x2000  }
0x65: {  	[sflag:s18] =	ssyncset.done @!p1 $0x0  }
0x66: {  	[sflag:s18] =	ssyncadd.s32 @!p1 $0xFFFFE000  }
0x67: {  	_ =	swait.ge @!p1 [sflag:s18], $0x2000  }
0x68: {  	[sflag:s18] =	ssyncset.done @!p1 $0x0  }
0x69: {  	[sflag:s18] =	ssyncadd.s32 @!p1 $0xFFFFE000;
	s18 =	simm.s32 $0x0  }
0x6a: {  	v5 =	vld [tilespmem:s18+$0x11000]  }
0x6b: {  	v6 =	vld [tilespmem:s18+$0x11010]  }
0x6c: {  	v1 =	vld [tilespmem:s18+$0x11020]  }
0x6d: {  	v0 =	vld [tilespmem:s18+$0x11030]  }
0x6e: {  	v2 =	vld [tilespmem:s18+$0x9000]  }
0x6f: {  	v4 =	vld [tilespmem:s18+$0x9010]  }
0x70: {  	s19 =	simm.s32 $0x100;
	v3 =	vld [tilespmem:s18+$0x9020]  }
.LBB2_5:
0x71: {  	s20 =	sshra.s32 s19, $0x2;
	p2 =	sne.s32 s19, $0xFF00;
	v7 =	vld [tilespmem:s18+$0x9030];
	v8 =	vmov v1  }
0x72: {  	v9 =	vld [tilespmem:s20+$0x11000];
	v10 =	vmov v0  }
0x73: {  	v11 =	vld [tilespmem:s20+$0x11010];
	v2 =	vadd.f32 v5, v2  }
.Ltmp1:
0x74: {  	v1 =	vld [tilespmem:s20+$0x11020];
	v4 =	vadd.f32 v6, v4;
	(pc) =	sbr.rel @p2 .LBB2_5-.Ltmp1, $4  }
0x75: {  	v0 =	vld [tilespmem:s20+$0x11030];
	[tilespmem:s18+$0x9000] =	vst v2;
	v3 =	vadd.f32 v8, v3  }
0x76: {  	v2 =	vld [tilespmem:s20+$0x9000];
	[tilespmem:s18+$0x9010] =	vst v4;
	v7 =	vadd.f32 v10, v7  }
0x77: {  	v4 =	vld [tilespmem:s20+$0x9010];
	[tilespmem:s18+$0x9020] =	vst v3;
	v5 =	vmov v9  }
0x78: {  	s19 =	sadd.s32 $0x100, s19;
	v3 =	vld [tilespmem:s20+$0x9020];
	[tilespmem:s18+$0x9030] =	vst v7;
	v6 =	vmov v11;
	s18 =	smov.u32 s20  }
0x79: {  	v7 =	vld [tilespmem:s18+$0x9030];
	_ =	sdelay $0x1  }
0x7a: {  	v2 =	vadd.f32 v5, v2  }
0x7b: {  	v4 =	vadd.f32 v6, v4  }
0x7c: {  	[tilespmem:s18+$0x9000] =	vst v2;
	v1 =	vadd.f32 v1, v3  }
0x7d: {  	[tilespmem:s18+$0x9010] =	vst v4;
	v0 =	vadd.f32 v0, v7  }
0x7e: {  	s17 =	sshll.u32 @!p1 s17, $0xA;
	[tilespmem:s18+$0x9020] =	vst v1  }
0x7f: {  	s19 =	simm.s32 @!p1 $0x0;
	s20 =	simm.s32 @!p1 $0x9000;
	[tilespmem:s18+$0x9030] =	vst v0;
	s18 =	sadd.s32 @!p1 s6, s17  }
0x80: {  	[hbm4b:s18+s19] =	stream.linear.scatter @!p1 [tilespmem:s20], [sflag:$0x3], $0x2000, $0x38;
	[tilespmem:$0x15000] =	vst v63  }
0x81: {  	s16 =	sadd.s32 $0x1, s16;
	s17 =	sadd.s32 @!p1 s17, s11;
	s18 =	simm.s32 @!p1 $0xB000  }
0x82: {  	[hbm4b:s17+s19] =	stream.linear.scatter @!p1 [tilespmem:s18], [sflag:$0x3], $0x2000, $0x38;
	[tilespmem:$0x15000] =	vst v63  }
0x83: {  	p1 =	sne.s32 s16, $0x14  }
.Ltmp2:
0x84: {  	_ = 	snop;
	(pc) =	sbr.rel @p1 .LBB2_2-.Ltmp2, $1  }
0x85: {  	_ =	sdelay $0x3  }
0x86: {  	s16 =	simm.s32 @!p0 $0x2  }
0x87: {  	_ =	swait.ge @!p0 [sflag:s16], $0x2000  }
0x88: {  	[sflag:s16] =	ssyncset.done @!p0 $0x0  }
0x89: {  	[sflag:s16] =	ssyncadd.s32 @!p0 $0xFFFFE000  }
0x8a: {  	_ =	swait.ge @!p0 [sflag:s16], $0x2000  }
0x8b: {  	[sflag:s16] =	ssyncset.done @!p0 $0x0  }
0x8c: {  	s15 =	sadd.s32 $0x1, s15;
	[sflag:s16] =	ssyncadd.s32 @!p0 $0xFFFFE000;
	s16 =	simm.s32 @!p0 $0x3  }
0x8d: {  	p1 =	sne.s32 s15, s12;
	_ =	swait.ge @!p0 [sflag:s16], $0x2000  }
.Ltmp3:
0x8e: {  	[sflag:s16] =	ssyncset.done @!p0 $0x0;
	(pc) =	sbr.rel @p1 .LBB2_1-.Ltmp3, $4  }
0x8f: {  	[sflag:s16] =	ssyncadd.s32 @!p0 $0xFFFFE000  }
0x90: {  	_ =	swait.ge @!p0 [sflag:s16], $0x2000  }
0x91: {  	[sflag:s16] =	ssyncset.done @!p0 $0x0  }
0x92: {  	[sflag:s16] =	ssyncadd.s32 @!p0 $0xFFFFE000  }
0x93: {  	_ =	sfence.sel $0x180000  }
0x94: {  	[bflag:$0x0] =	sbarrier.arrive $0xFFFF  }
0x95: {  	p0 =	sne.s32 s1, $0x0;
	_ =	strace $0x9000004D  }
0x96: {  	s0 =	sadd.s32 @!p0 $0x100000, s0;
	[bflag:$0x2] =	sbarrier.arrive $0xFFFF  }
0x97: {  	[sflag:s0] =	ssyncadd.tile.s32 @!p0 $0x1;
	_ =	shalt  }
.Lfunc_end2:
_tile_overlayer_lowered:
.L_overlay_start_2:
0x98: {  	(tag) =	ssettag $0x2  }
0x99: {  	s0 =	rddreg [dreg:$0x0];
	s2 =	stileid.u32  }
0x9a: {  	s1 =	rddreg [dreg:$0x1];
	p0 =	sne.s32 s2, $0x0  }
0x9b: {  	s3 =	rddreg [dreg:$0x2];
	[bflag:$0x3] =	sbarrier.arrive $0xFFFF;
	s2 =	simm.s32 @!p0 $0x1C04  }
0x9c: {  	[timem:s3], [sflag:s2] =	dma.local @!p0 [hbm:s0], s1  }
0x9d: {  	s0 =	simm.s32 @!p0 $0x4  }
0x9e: {  	_ =	swait.ge @!p0 [sflag:s0], s1  }
0x9f: {  	s1 =	ssub.s32 @!p0 $0x0, s1;
	[sflag:s0] =	ssyncset.done @!p0 $0x0  }
0xa0: {  	[sflag:s0] =	ssyncadd.s32 @!p0 s1  }
0xa1: {  	[bflag:$0x3] =	sbarrier.arrive $0xFFFF  }
0xa2: {  	_ =	shalt  }

// kernel: kernel.9.cloned.1.call-start
scs
__scs_entry_jumppad:
0x0: {  	(pc) =	sbr.rel $0x88, $3  }
0x1: {  	(tag) =	ssettag $0x0;
	lr =	simm.s32 $0x1  }
0x2: {  	[smem:$0x3F95] =	sst lr;
	_ =	strace $0xD0000000  }
0x3: {  	_ = 	snop  }
0x4: {  	_ = 	snop  }
0x5: {  	_ = 	snop  }
0x6: {  	_ = 	snop  }
0x7: {  	_ = 	snop  }
__scs_overlays_trampoline_lowered:
0x8: {  	[smem:$0x3FA4] =	sst s0  }
0x9: {  	[smem:$0x3FA5] =	sst s1  }
0xa: {  	[smem:$0x3FA6] =	sst s2  }
0xb: {  	[smem:$0x3FA7] =	sst s3  }
0xc: {  	[smem:$0x3FA8] =	sst s4  }
0xd: {  	[smem:$0x3FA9] =	sst s5  }
0xe: {  	[smem:$0x3FAA] =	sst s6  }
0xf: {  	[smem:$0x3FAB] =	sst s7  }
0x10: {  	[smem:$0x3FAC] =	sst s8  }
0x11: {  	[smem:$0x3FAD] =	sst s9;
	s0 =	simm.s32 @!p0 $0x0  }
0x12: {  	s1 =	sld [smem:$0x3F93];
	s0 =	simm.s32 @p0 $0x1  }
0x13: {  	[smem:$0x3FAE] =	sst s0;
	s0 =	simm.s32 @!p1 $0x0  }
0x14: {  	s2 =	sld [smem:$0x3F92];
	s0 =	simm.s32 @p1 $0x1  }
0x15: {  	[smem:$0x3FAF] =	sst s0;
	s0 =	simm.s32 @!p2 $0x0  }
0x16: {  	s3 =	sld [smem:$0x3FDB];
	s0 =	simm.s32 @p2 $0x1  }
0x17: {  	s4 =	simm.s32 $0x1BF5;
	[smem:$0x3FB1] =	sst s0  }
0x18: {  	s0 =	sld [smem:$0x3F94];
	_ =	swait.ge [sflag:s4], $0x0  }
0x19: {  	s7 =	sld [smem:$0x3F95]  }
0x1a: {  	s8 =	sadd.s32 $0xFFFFE003, lr  }
0x1b: {  	s9 =	sadd.s32 $0xFFFFFEF7, lr;
	s5 =	simm.s32 $0xFFFFFFFF;
	p2 =	slt.u32 s8, $0xFFFFF086  }
0x1c: {  	p1 =	slt.u32 s9, $0xF7A;
	s5 =	simm.s32 @!p2 $0x0  }
0x1d: {  	s5 =	simm.s32 @p1 $0x1;
	p0 =	seq.s32 s7, s2  }
0x1e: {  	s7 =	smul.u32 @!p0 $0xF7A, s2;
	p2 =	seq.s32 @!p0 s5, $0x0  }
0x1f: {  	s9 =	smul.u32 $0xF7A, s1;
	s8 =	simm.s32 @!p0 $0x1BF5;
	p2 =	por !p2, p0  }
0x20: {  	[sflag:s8] =	ssyncset.s32 @!p0 $0xFFFFF086;
	s6 =	sadd.s32 @!p0 s3, s7;
	s7 =	simm.s32 @!p0 $0x108  }
0x21: {  	s3 =	sadd.s32 s3, s9;
	s6 =	sadd.s32 @!p0 $0x88, s6;
	s7 =	simm.s32 @p2 $0x1082  }
0x22: {  	[simem:s7], [sflag:s8] =	dma.local @!p0 [hbm:s6], $0xF7A  }
0x23: {  	s9 =	sor.u32 $0xD0000000, s2;
	s6 =	simm.s32 $0x108;
	_ =	swait.ge @!p0 [sflag:s8], $0x0  }
0x24: {  	s3 =	sadd.s32 $0x88, s3;
	s6 =	simm.s32 @!p1 $0x1082;
	[sflag:s4] =	ssyncset.s32 $0xFFFFF086  }
0x25: {  	[simem:s6], [sflag:s4] =	dma.local [hbm:s3], $0xF7A  }
0x26: {  	[smem:$0x3F95] =	sst s1;
	(tag) =	ssettag s2;
	_ =	strace s9  }
0x27: {  	s1 =	sld [smem:$0x3FA5]  }
0x28: {  	s2 =	sld [smem:$0x3FA6]  }
0x29: {  	s4 =	sld [smem:$0x3FA8]  }
0x2a: {  	p0 =	seq.s32 s5, $0x0;
	s5 =	sld [smem:$0x3FA9]  }
0x2b: {  	s6 =	sld [smem:$0x3FAA]  }
0x2c: {  	s7 =	sld [smem:$0x3FAB]  }
0x2d: {  	s3 =	simm.s32 $0x108;
	s8 =	sld [smem:$0x3FAC]  }
0x2e: {  	s3 =	simm.s32 @!p0 $0x1082;
	s9 =	sld [smem:$0x3FAD]  }
0x2f: {  	lr =	sadd.s32 s0, s3;
	s0 =	sld [smem:$0x3FA4]  }
0x30: {  	s3 =	sld [smem:$0x3FA7]  }
0x31: {  	[smem:$0x3FB0] =	sst s10  }
0x32: {  	s10 =	sld [smem:$0x3FAE];
	_ =	sdelay $0x3  }
0x33: {  	p0 =	seq.s32 s10, $0x1;
	s10 =	sld [smem:$0x3FB0];
	_ =	sdelay $0x3  }
0x34: {  	[smem:$0x3FB0] =	sst s10  }
0x35: {  	s10 =	sld [smem:$0x3FAF];
	_ =	sdelay $0x3  }
0x36: {  	p1 =	seq.s32 s10, $0x1;
	s10 =	sld [smem:$0x3FB0];
	_ =	sdelay $0x3  }
0x37: {  	[smem:$0x3FB0] =	sst s10  }
0x38: {  	s10 =	sld [smem:$0x3FB1]  }
0x39: {  	_ = 	snop;
	(pc) =	sbr.ind lr, $3  }
0x3a: {  	_ = 	snop  }
0x3b: {  	_ = 	snop  }
0x3c: {  	p2 =	seq.s32 s10, $0x1;
	s10 =	sld [smem:$0x3FB0]  }
0x3d: {  	_ =	shalt  }
0x3e: {  	_ =	shalt  }
0x3f: {  	_ =	shalt  }
0x40: {  	_ =	shalt  }
0x41: {  	_ =	shalt  }
0x42: {  	_ =	shalt  }
0x43: {  	_ =	shalt  }
0x44: {  	_ =	shalt  }
0x45: {  	_ =	shalt  }
0x46: {  	_ =	shalt  }
0x47: {  	_ =	shalt  }
0x48: {  	_ =	shalt  }
0x49: {  	_ =	shalt  }
0x4a: {  	_ =	shalt  }
0x4b: {  	_ =	shalt  }
0x4c: {  	_ =	shalt  }
0x4d: {  	_ =	shalt  }
0x4e: {  	_ =	shalt  }
0x4f: {  	_ =	shalt  }
0x50: {  	_ =	shalt  }
0x51: {  	_ =	shalt  }
0x52: {  	_ =	shalt  }
0x53: {  	_ =	shalt  }
0x54: {  	_ =	shalt  }
0x55: {  	_ =	shalt  }
0x56: {  	_ =	shalt  }
0x57: {  	_ =	shalt  }
0x58: {  	_ =	shalt  }
0x59: {  	_ =	shalt  }
0x5a: {  	_ =	shalt  }
0x5b: {  	_ =	shalt  }
0x5c: {  	_ =	shalt  }
0x5d: {  	_ =	shalt  }
0x5e: {  	_ =	shalt  }
0x5f: {  	_ =	shalt  }
0x60: {  	_ =	shalt  }
0x61: {  	_ =	shalt  }
0x62: {  	_ =	shalt  }
0x63: {  	_ =	shalt  }
0x64: {  	_ =	shalt  }
0x65: {  	_ =	shalt  }
0x66: {  	_ =	shalt  }
0x67: {  	_ =	shalt  }
0x68: {  	_ =	shalt  }
0x69: {  	_ =	shalt  }
0x6a: {  	_ =	shalt  }
0x6b: {  	_ =	shalt  }
0x6c: {  	_ =	shalt  }
0x6d: {  	_ =	shalt  }
0x6e: {  	_ =	shalt  }
0x6f: {  	_ =	shalt  }
0x70: {  	_ =	shalt  }
0x71: {  	_ =	shalt  }
0x72: {  	_ =	shalt  }
0x73: {  	_ =	shalt  }
0x74: {  	_ =	shalt  }
0x75: {  	_ =	shalt  }
0x76: {  	_ =	shalt  }
0x77: {  	_ =	shalt  }
0x78: {  	_ =	shalt  }
0x79: {  	_ =	shalt  }
0x7a: {  	_ =	shalt  }
0x7b: {  	_ =	shalt  }
0x7c: {  	_ =	shalt  }
0x7d: {  	_ =	shalt  }
0x7e: {  	_ =	shalt  }
0x7f: {  	_ =	shalt  }
0x80: {  	_ =	shalt  }
0x81: {  	_ =	shalt  }
0x82: {  	_ =	shalt  }
0x83: {  	_ =	shalt  }
0x84: {  	_ =	shalt  }
0x85: {  	_ =	shalt  }
0x86: {  	_ =	shalt  }
0x87: {  	_ =	shalt  }
.Lfunc_end0:
.L_simem_size_0:
called_computation_lowered:
.L_overlay_start_0:
0x88: {  	s2 =	sld [smem:$0x3FD9]  }
0x89: {  	s3 =	sld [smem:$0x3FFE];
	_ =	sdelay $0x1  }
0x8a: {  	s1 =	srdreg.scid  }
0x8b: {  	s0 =	sand.u32 $0x1, s1  }
0x8c: {  	s16 =	sshll.u32 s0, $0xA;
	s2 =	sadd.s32 s3, s2  }
0x8d: {  	s2 =	sadd.s32 s2, s16  }
0x8e: {  	[smem:$0x3FBC] =	sst s2  }
0x8f: {  	_ = 	snop  }
0x90: {  	(tm) =	ssettm $0x1  }
0x91: {  	s17 =	sld [smem:$0x3FFB];
	_ =	sdelay $0x3  }
0x92: {  	_ =	strace s17  }
0x93: {  	s2 =	sld [smem:$0x3FFC];
	_ =	sdelay $0x3  }
0x94: {  	_ =	strace s2  }
0x95: {  	s2 =	sld [smem:$0x3FFD];
	_ =	sdelay $0x3  }
0x96: {  	_ =	strace s2  }
0x97: {  	_ =	strace $0x8FFFFFFF  }
0x98: {  	s18 =	sld [smem:$0x3FDB];
	_ =	sdelay $0x1  }
0x99: {  	s19 =	simm.s32 $_scs_section_size  }
0x9a: {  	s4 =	simm.s32 $_size__tile_overlayer_lowered;
	s5 =	simm.s32 $_tile_overlayer_lowered  }
0x9b: {  	s22 =	simm.s32 $0x1BFF;
	s21 =	sshll.u32 s5, $0x1;
	s2 =	sadd.s32 s19, s18  }
0x9c: {  	s6 =	simm.s32 $0x0;
	s20 =	sshll.u32 s4, $0x1;
	s4 =	sadd.s32 s21, s2  }
0x9d: {  	[timem:s6], [sflag:s22] =	dma.local [hbm:s4], s20  }
0x9e: {  	_ =	swait.ge [sflag:s22], s20  }
0x9f: {  	s3 =	ssub.s32 $0x0, s20;
	[sflag:s22] =	ssyncset.done $0x0  }
0xa0: {  	[sflag:s22] =	ssyncadd.s32 s3;
	_ =	sdelay $0x1  }
0xa1: {  	s23 =	simm.s32 $0x1B8B  }
0xa2: {  	_ =	swait.ge [sflag:s23], $0x1  }
0xa3: {  	[sflag:s23] =	ssyncset.done $0x0  }
0xa4: {  	s25 =	simm.s32 $0x1B8E;
	s24 =	sld [smem:$0x3FFE];
	[sflag:s23] =	ssyncadd.s32 $0xFFFFFFFF  }
0xa5: {  	s26 =	simm.s32 $execute0_lowered;
	[smem:$0x3FD2] =	sst s25  }
0xa6: {  	s4 =	sshll.u32 s26, $0x1;
	_ =	strace $0x80000046;
	[dreg:$0x1] =	wrdreg $0xFFFFFFFF  }
0xa7: {  	s28 =	simm.s32 $_size_execute0_lowered;
	s2 =	sadd.s32 s2, s4;
	[dreg:$0x0] =	wrdreg $0x0  }
0xa8: {  	s4 =	sshll.u32 s28, $0x1;
	[dreg:$0x2] =	wrdreg s2  }
0xa9: {  	[dreg:$0x3] =	wrdreg s4  }
0xaa: {  	[dreg:$0x4] =	wrdreg $0xC0  }
0xab: {  	_ =	task [dreg:s6], $0x5FFFF  }
0xac: {  	[dreg:$0x1] =	wrdreg $0xFFFFFFFF  }
0xad: {  	[dreg:$0x0] =	wrdreg $0x60  }
0xae: {  	[dreg:$0x2] =	wrdreg s24  }
0xaf: {  	[dreg:$0x3] =	wrdreg $0x9  }
0xb0: {  	_ =	task.clear_ibuf [dreg:s6], $0x4FFFF;
	_ =	strace $0x90000046  }
0xb1: {  	s29 =	simm.s32 $0x9;
	_ =	strace $0x80000048  }
0xb2: {  	_ =	swait.ge [sflag:s29], $0x1  }
0xb3: {  	[sflag:s29] =	ssyncadd.s32 $0xFFFFFFFF  }
0xb4: {  	_ =	strace $0x90000048  }
0xb5: {  	_ =	sfence  }
0xb6: {  	s30 =	sld [smem:$0x0];
	_ =	sdelay $0x2  }
0xb7: {  	s31 =	sshll.u32 s1, $0xD;
	s1 =	sshrl.u32 s1, $0x2  }
0xb8: {  	s3 =	sand.u32 $0x4000, s31;
	s1 =	sadd.s32 s1, s30  }
0xb9: {  	s0 =	sor.u32 s3, s0;
	s1 =	sshll.u32 s1, $0x11  }
0xba: {  	s0 =	sor.u32 s1, s0  }
0xbb: {  	s0 =	sadd.s32 $0x8F2B, s0  }
0xbc: {  	[sflag:s0] =	ssyncadd.remote.s32 $0x1  }
0xbd: {  	_ =	sfence.sel $0xFFFF  }
0xbe: {  	[dreg:$0x0] =	wrdreg $0xFFFFFFFF;
	(pc) =	sbr.abs _section_cstart, $3  }
0xbf: {  	[dreg:$0x1] =	wrdreg $0xFFFFFFFF  }
0xc0: {  	_ =	task.clear_ibuf [dreg:s6], $0x2FFFF;
	_ =	strace $0x9FFFFFFF  }
0xc1: {  	(tm) =	ssettm $0x7FFFFFFF  }
tec
execute0_lowered:
.L_overlay_start_1:
0x0: {  	(tag) =	ssettag $0x1  }
0x1: {  	s11 =	rddreg [dreg:$0x0]  }
0x2: {  	s0 =	rddreg [dreg:$0x1]  }
0x3: {  	s3 =	srdreg.scid;
	s1 =	stileid.u32;
	s2 =	simm.s32 $0x0  }
0x4: {  	s13 =	simm.s32 $0x4;
	s14 =	simm.s32 $0x2800;
	s5 =	sand.u32 $0x1, s3  }
0x5: {  	s31 =	sshll.u32 s1, $0x1;
	[smem:$0x7FF] =	sst s2;
	s3 =	sadd.s32 $0x16200, s11  }
0x6: {  	s4 =	sadd.s32 $0x29C00, s11;
	s15 =	sor.u32 s5, s31;
	s7 =	ssub.s32 $0x2, s5  }
0x7: {  	_ =	strace $0x80000047;
	s6 =	smul.u32 $0x500, s15;
	s9 =	sshrl.u32 s7, $0x1  }
0x8: {  	s5 =	smul.u32 $0x50, s15;
	p0 =	seq.s32 s15, $0x1F;
	s15 =	simm.s32 $0x0  }
0x9: {  	s12 =	ssub.s32 s7, s9;
	s8 =	sadd.s32 s6, s11;
	s6 =	sadd.s32 $0x3D600, s11  }
0xa: {  	s9 =	sadd.s32 $0xFFFFFFFC, s5;
	s10 =	sadd.s32 $0xFFFFFFFE, s5;
	s11 =	sadd.s32 $0x3DA00, s11  }
0xb: {  	s12 =	smax.u32 s12, $0x1;
	s7 =	sadd.s32 $0xC200, s8;
	s8 =	sadd.s32 $0x2200, s8  }
.LBB2_1:
0xc: {  	[tilespmem:s2], [sflag:$0x4] =	stream.linear.gather [hbm4b:s7+s2], $0x2800, $0x38;
	[tilespmem:$0x15000] =	vst v63  }
0xd: {  	_ =	swait.ge [sflag:s13], $0x2800  }
0xe: {  	[sflag:s13] =	ssyncset.done $0x0  }
0xf: {  	[sflag:s13] =	ssyncadd.s32 $0xFFFFD800  }
0x10: {  	[tilespmem:s14], [sflag:$0x4] =	stream.linear.gather [hbm4b:s8+s2], $0x2800, $0x38;
	[tilespmem:$0x15000] =	vst v63  }
0x11: {  	_ =	swait.ge [sflag:s13], $0x2800  }
0x12: {  	[sflag:s13] =	ssyncset.done $0x0  }
0x13: {  	s16 =	simm.s32 $0x0;
	[sflag:s13] =	ssyncadd.s32 $0xFFFFD800  }
.LBB2_2:
0x14: {  	s17 =	sshll.u32 s16, $0x2  }
0x15: {  	p3 =	seq.s32 s16, $0x0;
	s19 =	sadd.s32 s17, s9  }
0x16: {  	p1 =	sgt.s32 @!p3 s19, $0x9C3  }
0x17: {  	p1 =	por p1, p3  }
0x18: {  	s18 =	sadd.s32 s5, s17;
	s20 =	simm.s32 @!p1 $0x2  }
0x19: {  	p2 =	sgt.u32 s18, $0x9C3;
	_ =	swait.ge @!p1 [sflag:s20], $0x2000  }
0x1a: {  	s21 =	simm.s32 @!p2 $0x80;
	s22 =	simm.s32 @!p2 $0x5000;
	[sflag:s20] =	ssyncset.done @!p1 $0x0  }
0x1b: {  	[sflag:s20] =	ssyncadd.s32 @!p1 $0xFFFFE000;
	s20 =	sshll.u32 @!p2 s16, $0x9;
	p1 =	sgt.s32 @!p3 s19, $0x9C2  }
0x1c: {  	[tilespmem:s22], [sflag:$0x1] =	stream.indirect.gather @!p2 [hbm4b:s3+s21], $0x40, s20, s21, $0xb8;
	[tilespmem:$0x15000] =	vst v63  }
0x1d: {  	p1 =	por p1, p3  }
0x1e: {  	s23 =	simm.s32 @!p2 $0xD000;
	s22 =	sadd.s32 @!p2 $0x2800, s20;
	s19 =	simm.s32 @!p1 $0x2  }
0x1f: {  	[tilespmem:s23], [sflag:$0x1] =	stream.indirect.gather @!p2 [hbm4b:s4+s21], $0x40, s22, s21, $0xb8;
	[tilespmem:$0x15000] =	vst v63  }
0x20: {  	_ =	swait.ge @!p1 [sflag:s19], $0x2000  }
0x21: {  	[sflag:s19] =	ssyncset.done @!p1 $0x0  }
0x22: {  	s22 =	simm.s32 @!p2 $0x7000;
	[sflag:s19] =	ssyncadd.s32 @!p1 $0xFFFFE000;
	s19 =	sor.u32 @!p2 $0x80, s20  }
0x23: {  	[tilespmem:s22], [sflag:$0x1] =	stream.indirect.gather @!p2 [hbm4b:s3+s21], $0x40, s19, s21, $0xb8;
	[tilespmem:$0x15000] =	vst v63  }
0x24: {  	s19 =	sadd.s32 @!p2 $0x2880, s20;
	s20 =	simm.s32 @!p2 $0xF000  }
0x25: {  	[tilespmem:s20], [sflag:$0x1] =	stream.indirect.gather @!p2 [hbm4b:s4+s21], $0x40, s19, s21, $0xb8;
	[tilespmem:$0x15000] =	vst v63  }
0x26: {  	s19 =	sadd.s32 s17, s10  }
0x27: {  	p1 =	sgt.s32 @!p3 s19, $0x9C3  }
0x28: {  	p1 =	por p1, p3  }
0x29: {  	s20 =	simm.s32 @!p1 $0x3  }
0x2a: {  	s21 =	sor.u32 $0x2, s17;
	_ =	swait.ge @!p1 [sflag:s20], $0x2000  }
0x2b: {  	s17 =	sadd.s32 s5, s21;
	p4 =	sgt.s32 @!p3 s19, $0x9C2;
	[sflag:s20] =	ssyncset.done @!p1 $0x0  }
0x2c: {  	p3 =	por p4, p3;
	[sflag:s20] =	ssyncadd.s32 @!p1 $0xFFFFE000;
	p1 =	sgt.u32 s17, $0x9C3  }
0x2d: {  	s20 =	sshll.u32 @!p1 s21, $0x7;
	s21 =	simm.s32 @!p1 $0x80;
	s22 =	simm.s32 @!p1 $0x9000  }
0x2e: {  	[tilespmem:s22], [sflag:$0x1] =	stream.indirect.gather @!p1 [hbm4b:s3+s21], $0x40, s20, s21, $0xb8;
	[tilespmem:$0x15000] =	vst v63  }
0x2f: {  	s19 =	simm.s32 @!p3 $0x3;
	s20 =	sadd.s32 @!p1 $0x2800, s20;
	s22 =	simm.s32 @!p1 $0x11000  }
0x30: {  	[tilespmem:s22], [sflag:$0x1] =	stream.indirect.gather @!p1 [hbm4b:s4+s21], $0x40, s20, s21, $0xb8;
	[tilespmem:$0x15000] =	vst v63  }
0x31: {  	_ =	swait.ge @!p3 [sflag:s19], $0x2000  }
0x32: {  	s20 =	sshll.u32 @!p1 s16, $0x9;
	[sflag:s19] =	ssyncset.done @!p3 $0x0  }
0x33: {  	s22 =	simm.s32 @!p1 $0xB000;
	[sflag:s19] =	ssyncadd.s32 @!p3 $0xFFFFE000;
	s19 =	sor.u32 @!p1 $0x180, s20  }
0x34: {  	[tilespmem:s22], [sflag:$0x1] =	stream.indirect.gather @!p1 [hbm4b:s3+s21], $0x40, s19, s21, $0xb8;
	[tilespmem:$0x15000] =	vst v63  }
0x35: {  	s19 =	sadd.s32 @!p1 $0x2980, s20;
	s20 =	simm.s32 @!p1 $0x13000  }
0x36: {  	[tilespmem:s20], [sflag:$0x1] =	stream.indirect.gather @!p1 [hbm4b:s4+s21], $0x40, s19, s21, $0xb8;
	[tilespmem:$0x15000] =	vst v63  }
0x37: {  	s19 =	simm.s32 @!p2 $0x1  }
0x38: {  	_ =	swait.ge @!p2 [sflag:s19], $0x2000  }
0x39: {  	[sflag:s19] =	ssyncset.done @!p2 $0x0  }
0x3a: {  	[sflag:s19] =	ssyncadd.s32 @!p2 $0xFFFFE000  }
0x3b: {  	_ =	swait.ge @!p2 [sflag:s19], $0x2000  }
0x3c: {  	[sflag:s19] =	ssyncset.done @!p2 $0x0  }
0x3d: {  	[sflag:s19] =	ssyncadd.s32 @!p2 $0xFFFFE000  }
0x3e: {  	_ =	swait.ge @!p2 [sflag:s19], $0x2000  }
0x3f: {  	[sflag:s19] =	ssyncset.done @!p2 $0x0  }
0x40: {  	[sflag:s19] =	ssyncadd.s32 @!p2 $0xFFFFE000  }
0x41: {  	_ =	swait.ge @!p2 [sflag:s19], $0x2000  }
0x42: {  	[sflag:s19] =	ssyncset.done @!p2 $0x0  }
0x43: {  	[sflag:s19] =	ssyncadd.s32 @!p2 $0xFFFFE000;
	s19 =	simm.s32 $0x0  }
0x44: {  	v5 =	vld [tilespmem:s19+$0xD000]  }
0x45: {  	v6 =	vld [tilespmem:s19+$0xD010]  }
0x46: {  	v1 =	vld [tilespmem:s19+$0xD020]  }
0x47: {  	v0 =	vld [tilespmem:s19+$0xD030]  }
0x48: {  	v2 =	vld [tilespmem:s19+$0x5000]  }
0x49: {  	v4 =	vld [tilespmem:s19+$0x5010]  }
0x4a: {  	s20 =	simm.s32 $0x100;
	v3 =	vld [tilespmem:s19+$0x5020]  }
.LBB2_3:
0x4b: {  	s21 =	sshra.s32 s20, $0x2;
	p3 =	sne.s32 s20, $0xFF00;
	v7 =	vld [tilespmem:s19+$0x5030];
	v8 =	vmov v1  }
0x4c: {  	v9 =	vld [tilespmem:s21+$0xD000];
	v10 =	vmov v0  }
0x4d: {  	v11 =	vld [tilespmem:s21+$0xD010];
	v2 =	vadd.f32 v5, v2  }
.Ltmp0:
0x4e: {  	v1 =	vld [tilespmem:s21+$0xD020];
	v4 =	vadd.f32 v6, v4;
	(pc) =	sbr.rel @p3 .LBB2_3-.Ltmp0, $4  }
0x4f: {  	v0 =	vld [tilespmem:s21+$0xD030];
	[tilespmem:s19+$0x5000] =	vst v2;
	v3 =	vadd.f32 v8, v3  }
0x50: {  	v2 =	vld [tilespmem:s21+$0x5000];
	[tilespmem:s19+$0x5010] =	vst v4;
	v7 =	vadd.f32 v10, v7  }
0x51: {  	v4 =	vld [tilespmem:s21+$0x5010];
	[tilespmem:s19+$0x5020] =	vst v3;
	v5 =	vmov v9  }
0x52: {  	s20 =	sadd.s32 $0x100, s20;
	v3 =	vld [tilespmem:s21+$0x5020];
	[tilespmem:s19+$0x5030] =	vst v7;
	v6 =	vmov v11;
	s19 =	smov.u32 s21  }
0x53: {  	v7 =	vld [tilespmem:s19+$0x5030];
	_ =	sdelay $0x1  }
0x54: {  	v2 =	vadd.f32 v5, v2  }
0x55: {  	v4 =	vadd.f32 v6, v4  }
0x56: {  	[tilespmem:s19+$0x5000] =	vst v2;
	v1 =	vadd.f32 v1, v3  }
0x57: {  	[tilespmem:s19+$0x5010] =	vst v4;
	v0 =	vadd.f32 v0, v7  }
0x58: {  	s18 =	sshll.u32 @!p2 s18, $0xA;
	[tilespmem:s19+$0x5020] =	vst v1  }
0x59: {  	s20 =	simm.s32 @!p2 $0x0;
	s21 =	simm.s32 @!p2 $0x5000;
	[tilespmem:s19+$0x5030] =	vst v0;
	s19 =	sadd.s32 @!p2 s6, s18  }
0x5a: {  	[hbm4b:s19+s20] =	stream.linear.scatter @!p2 [tilespmem:s21], [sflag:$0x2], $0x2000, $0x38;
	[tilespmem:$0x15000] =	vst v63  }
0x5b: {  	s18 =	sadd.s32 @!p2 s18, s11;
	s19 =	simm.s32 @!p2 $0x7000  }
0x5c: {  	[hbm4b:s18+s20] =	stream.linear.scatter @!p2 [tilespmem:s19], [sflag:$0x2], $0x2000, $0x38;
	[tilespmem:$0x15000] =	vst v63  }
0x5d: {  	s18 =	simm.s32 @!p1 $0x1  }
0x5e: {  	_ =	swait.ge @!p1 [sflag:s18], $0x2000  }
0x5f: {  	[sflag:s18] =	ssyncset.done @!p1 $0x0  }
0x60: {  	[sflag:s18] =	ssyncadd.s32 @!p1 $0xFFFFE000  }
0x61: {  	_ =	swait.ge @!p1 [sflag:s18], $0x2000  }
0x62: {  	[sflag:s18] =	ssyncset.done @!p1 $0x0  }
0x63: {  	[sflag:s18] =	ssyncadd.s32 @!p1 $0xFFFFE000  }
0x64: {  	_ =	swait.ge @!p1 [sflag:s18], $0x2000  }
0x65: {  	[sflag:s18] =	ssyncset.done @!p1 $0x0  }
0x66: {  	[sflag:s18] =	ssyncadd.s32 @!p1 $0xFFFFE000  }
0x67: {  	_ =	swait.ge @!p1 [sflag:s18], $0x2000  }
0x68: {  	[sflag:s18] =	ssyncset.done @!p1 $0x0  }
0x69: {  	[sflag:s18] =	ssyncadd.s32 @!p1 $0xFFFFE000;
	s18 =	simm.s32 $0x0  }
0x6a: {  	v5 =	vld [tilespmem:s18+$0x11000]  }
0x6b: {  	v6 =	vld [tilespmem:s18+$0x11010]  }
0x6c: {  	v1 =	vld [tilespmem:s18+$0x11020]  }
0x6d: {  	v0 =	vld [tilespmem:s18+$0x11030]  }
0x6e: {  	v2 =	vld [tilespmem:s18+$0x9000]  }
0x6f: {  	v4 =	vld [tilespmem:s18+$0x9010]  }
0x70: {  	s19 =	simm.s32 $0x100;
	v3 =	vld [tilespmem:s18+$0x9020]  }
.LBB2_5:
0x71: {  	s20 =	sshra.s32 s19, $0x2;
	p2 =	sne.s32 s19, $0xFF00;
	v7 =	vld [tilespmem:s18+$0x9030];
	v8 =	vmov v1  }
0x72: {  	v9 =	vld [tilespmem:s20+$0x11000];
	v10 =	vmov v0  }
0x73: {  	v11 =	vld [tilespmem:s20+$0x11010];
	v2 =	vadd.f32 v5, v2  }
.Ltmp1:
0x74: {  	v1 =	vld [tilespmem:s20+$0x11020];
	v4 =	vadd.f32 v6, v4;
	(pc) =	sbr.rel @p2 .LBB2_5-.Ltmp1, $4  }
0x75: {  	v0 =	vld [tilespmem:s20+$0x11030];
	[tilespmem:s18+$0x9000] =	vst v2;
	v3 =	vadd.f32 v8, v3  }
0x76: {  	v2 =	vld [tilespmem:s20+$0x9000];
	[tilespmem:s18+$0x9010] =	vst v4;
	v7 =	vadd.f32 v10, v7  }
0x77: {  	v4 =	vld [tilespmem:s20+$0x9010];
	[tilespmem:s18+$0x9020] =	vst v3;
	v5 =	vmov v9  }
0x78: {  	s19 =	sadd.s32 $0x100, s19;
	v3 =	vld [tilespmem:s20+$0x9020];
	[tilespmem:s18+$0x9030] =	vst v7;
	v6 =	vmov v11;
	s18 =	smov.u32 s20  }
0x79: {  	v7 =	vld [tilespmem:s18+$0x9030];
	_ =	sdelay $0x1  }
0x7a: {  	v2 =	vadd.f32 v5, v2  }
0x7b: {  	v4 =	vadd.f32 v6, v4  }
0x7c: {  	[tilespmem:s18+$0x9000] =	vst v2;
	v1 =	vadd.f32 v1, v3  }
0x7d: {  	[tilespmem:s18+$0x9010] =	vst v4;
	v0 =	vadd.f32 v0, v7  }
0x7e: {  	s17 =	sshll.u32 @!p1 s17, $0xA;
	[tilespmem:s18+$0x9020] =	vst v1  }
0x7f: {  	s19 =	simm.s32 @!p1 $0x0;
	s20 =	simm.s32 @!p1 $0x9000;
	[tilespmem:s18+$0x9030] =	vst v0;
	s18 =	sadd.s32 @!p1 s6, s17  }
0x80: {  	[hbm4b:s18+s19] =	stream.linear.scatter @!p1 [tilespmem:s20], [sflag:$0x3], $0x2000, $0x38;
	[tilespmem:$0x15000] =	vst v63  }
0x81: {  	s16 =	sadd.s32 $0x1, s16;
	s17 =	sadd.s32 @!p1 s17, s11;
	s18 =	simm.s32 @!p1 $0xB000  }
0x82: {  	[hbm4b:s17+s19] =	stream.linear.scatter @!p1 [tilespmem:s18], [sflag:$0x3], $0x2000, $0x38;
	[tilespmem:$0x15000] =	vst v63  }
0x83: {  	p1 =	sne.s32 s16, $0x14  }
.Ltmp2:
0x84: {  	_ = 	snop;
	(pc) =	sbr.rel @p1 .LBB2_2-.Ltmp2, $1  }
0x85: {  	_ =	sdelay $0x3  }
0x86: {  	s16 =	simm.s32 @!p0 $0x2  }
0x87: {  	_ =	swait.ge @!p0 [sflag:s16], $0x2000  }
0x88: {  	[sflag:s16] =	ssyncset.done @!p0 $0x0  }
0x89: {  	[sflag:s16] =	ssyncadd.s32 @!p0 $0xFFFFE000  }
0x8a: {  	_ =	swait.ge @!p0 [sflag:s16], $0x2000  }
0x8b: {  	[sflag:s16] =	ssyncset.done @!p0 $0x0  }
0x8c: {  	s15 =	sadd.s32 $0x1, s15;
	[sflag:s16] =	ssyncadd.s32 @!p0 $0xFFFFE000;
	s16 =	simm.s32 @!p0 $0x3  }
0x8d: {  	p1 =	sne.s32 s15, s12;
	_ =	swait.ge @!p0 [sflag:s16], $0x2000  }
.Ltmp3:
0x8e: {  	[sflag:s16] =	ssyncset.done @!p0 $0x0;
	(pc) =	sbr.rel @p1 .LBB2_1-.Ltmp3, $4  }
0x8f: {  	[sflag:s16] =	ssyncadd.s32 @!p0 $0xFFFFE000  }
0x90: {  	_ =	swait.ge @!p0 [sflag:s16], $0x2000  }
0x91: {  	[sflag:s16] =	ssyncset.done @!p0 $0x0  }
0x92: {  	[sflag:s16] =	ssyncadd.s32 @!p0 $0xFFFFE000  }
0x93: {  	_ =	sfence.sel $0x180000  }
0x94: {  	[bflag:$0x0] =	sbarrier.arrive $0xFFFF  }
0x95: {  	p0 =	sne.s32 s1, $0x0;
	_ =	strace $0x90000047  }
0x96: {  	s0 =	sadd.s32 @!p0 $0x100000, s0;
	[bflag:$0x2] =	sbarrier.arrive $0xFFFF  }
0x97: {  	[sflag:s0] =	ssyncadd.tile.s32 @!p0 $0x1;
	_ =	shalt  }
.Lfunc_end2:
_tile_overlayer_lowered:
.L_overlay_start_2:
0x98: {  	(tag) =	ssettag $0x2  }
0x99: {  	s0 =	rddreg [dreg:$0x0];
	s2 =	stileid.u32  }
0x9a: {  	s1 =	rddreg [dreg:$0x1];
	p0 =	sne.s32 s2, $0x0  }
0x9b: {  	s3 =	rddreg [dreg:$0x2];
	[bflag:$0x3] =	sbarrier.arrive $0xFFFF;
	s2 =	simm.s32 @!p0 $0x1C04  }
0x9c: {  	[timem:s3], [sflag:s2] =	dma.local @!p0 [hbm:s0], s1  }
0x9d: {  	s0 =	simm.s32 @!p0 $0x4  }
0x9e: {  	_ =	swait.ge @!p0 [sflag:s0], s1  }
0x9f: {  	s1 =	ssub.s32 @!p0 $0x0, s1;
	[sflag:s0] =	ssyncset.done @!p0 $0x0  }
0xa0: {  	[sflag:s0] =	ssyncadd.s32 @!p0 s1  }
0xa1: {  	[bflag:$0x3] =	sbarrier.arrive $0xFFFF  }
0xa2: {  	_ =	shalt  }

</sc_bundles>
